<compile_context>
chip_gen: v7x
topology: tpu7x:2x2x1
jax: 0.10.2.dev20260603
libtpu: 0.0.44.dev20260713+nightly
codegen_flags: <defaults>
</compile_context>

<pallas_src>
import functools

import jax
import jax.numpy as jnp
from jax import lax
from jax.experimental import pallas as pl
from jax.experimental.pallas import tpu as pltpu
from jax.experimental.pallas import tpu_sc as plsc

N_NODES = 50000
N_EDGES = 800000
N_FRAGS = 5000
N_MOLS = 512
MAX_FRAGS = 32
D_EDGE = 6
N_DEG = 6
H = 64
HH = 32
FP = 128
FPH = 64
NW = 32
EC = 128
N_ECHUNK = N_EDGES // EC
F_PAD = N_FRAGS + 8
NXROW = N_MOLS * MAX_FRAGS

_mesh = plsc.VectorSubcoreMesh(core_axis_name="c", subcore_axis_name="s")


def _wid():
    return lax.axis_index("s") * 2 + lax.axis_index("c")


def _tile_node_slice(s):
    return s * 3128


def _zero_and_writeout_nodes(z_hbm, acc, out_hbm, s, out_base, do_zero):
    @pl.when(s < 15)
    def _():
        if do_zero:
            pltpu.sync_copy(z_hbm, acc.at[pl.ds(s * 3128, 3128)])
        else:
            pltpu.sync_copy(acc.at[pl.ds(s * 3128, 3128)],
                            out_hbm.at[pl.ds(out_base + s * 3128, 3128)])
    @pl.when(s == 15)
    def _():
        if do_zero:
            pltpu.sync_copy(z_hbm.at[pl.ds(0, 3080)], acc.at[pl.ds(46920, 3080)])
        else:
            pltpu.sync_copy(acc.at[pl.ds(46920, 3080)],
                            out_hbm.at[pl.ds(out_base + 46920, 3080)])


def _sc_edge_attr(ea8_hbm, dst_hbm, z_hbm, out_hbm,
                  rb0, rb1, db0, db1, sem0, sem1, acc):
    c = lax.axis_index("c")
    s = lax.axis_index("s")
    _zero_and_writeout_nodes(z_hbm, acc, out_hbm, s, 0, True)
    plsc.subcore_barrier()
    base = (c * 16 + s) * 25000
    RB, DB, SM = (rb0, rb1), (db0, db1), (sem0, sem1)

    def issue(j, t):
        off = base + j * EC
        pltpu.sync_copy(dst_hbm.at[pl.ds(off, EC)], DB[t])
        pltpu.async_copy(ea8_hbm.at[pl.ds(off, EC)], RB[t], SM[t])

    def finish(t):
        pltpu.make_async_copy(ea8_hbm.at[pl.ds(0, EC)], RB[t], SM[t]).wait()
        pltpu.sync_copy(RB[t], acc.at[DB[t]], add=True)

    issue(0, 0)
    def body(jj, _):
        issue(2 * jj + 1, 1)
        finish(0)
        issue(2 * jj + 2, 0)
        finish(1)
        return 0
    lax.fori_loop(0, 97, body, 0)
    finish(0)
    off = base + 195 * EC
    pltpu.sync_copy(dst_hbm.at[pl.ds(off, 40)], db0.at[pl.ds(0, 40)])
    pltpu.sync_copy(ea8_hbm.at[pl.ds(off, 40)], rb0.at[pl.ds(0, 40)])
    pltpu.sync_copy(rb0.at[pl.ds(0, 40)], acc.at[db0.at[pl.ds(0, 40)]], add=True)
    plsc.subcore_barrier()
    _zero_and_writeout_nodes(z_hbm, acc, out_hbm, s, c * N_NODES, False)


def _edge_attr_call(ea8, dst):
    return pl.kernel(
        _sc_edge_attr,
        out_type=jax.ShapeDtypeStruct((2 * N_NODES, 8), jnp.float32),
        mesh=_mesh,
        compiler_params=pltpu.CompilerParams(use_tc_tiling_on_sc=False),
        scratch_types=[
            pltpu.VMEM((EC, 8), jnp.float32),
            pltpu.VMEM((EC, 8), jnp.float32),
            pltpu.VMEM((EC,), jnp.int32),
            pltpu.VMEM((EC,), jnp.int32),
            pltpu.SemaphoreType.DMA,
            pltpu.SemaphoreType.DMA,
            pltpu.VMEM_SHARED((N_NODES, 8), jnp.float32),
        ],
    )(ea8, dst, jnp.zeros((3128, 8), jnp.float32))


NCH_T = 391
NFULL = 390


def _sc_msg(hi_hbm, pk_hbm, z_hbm, out_hbm,
            rb0, rb1, rb2, rb3, pb0, pb1, pb2, pb3,
            sg0, sg1, sg2, sg3, ss0, ss1, ss2, ss3, acc):
    c = lax.axis_index("c")
    s = lax.axis_index("s")
    _zero_and_writeout_nodes(z_hbm, acc, out_hbm, s, 0, True)
    plsc.subcore_barrier()
    crow = (c * 16 + s) * NCH_T
    RB = (rb0, rb1, rb2, rb3)
    PB = (pb0, pb1, pb2, pb3)
    SG = (sg0, sg1, sg2, sg3)
    SS = (ss0, ss1, ss2, ss3)

    def issue(j, t):
        pltpu.sync_copy(pk_hbm.at[crow + j], PB[t])
        pltpu.async_copy(hi_hbm.at[PB[t].at[0]], RB[t], SG[t])

    def finish(t):
        pltpu.make_async_copy(hi_hbm.at[PB[t].at[0]], RB[t], SG[t]).wait()
        pltpu.async_copy(RB[t], acc.at[PB[t].at[1]], SS[t], add=True)

    def drain(t):
        pltpu.make_async_copy(RB[t], acc.at[PB[t].at[1]], SS[t]).wait()

    issue(0, 0)
    issue(1, 1)
    issue(2, 2)
    def body(jj, _):
        for t in range(4):
            j = 4 * jj + t
            finish(t)
            jn = j + 3
            tn = (t + 3) % 4
            @pl.when(jn < NCH_T)
            def _():
                @pl.when(jn >= 4)
                def _():
                    drain(tn)
                issue(jn, tn)
        return 0
    lax.fori_loop(0, 97, body, 0)
    finish(0)
    finish(1)
    finish(2)
    drain(0)
    drain(1)
    drain(2)
    drain(3)
    plsc.subcore_barrier()
    _zero_and_writeout_nodes(z_hbm, acc, out_hbm, s, c * N_NODES, False)


def _msg_call(hi, pk):
    return pl.kernel(
        _sc_msg,
        out_type=jax.ShapeDtypeStruct((2 * N_NODES, HH), jnp.float32),
        mesh=_mesh,
        compiler_params=pltpu.CompilerParams(use_tc_tiling_on_sc=False),
        scratch_types=[
            pltpu.VMEM((EC, HH), jnp.float32),
            pltpu.VMEM((EC, HH), jnp.float32),
            pltpu.VMEM((EC, HH), jnp.float32),
            pltpu.VMEM((EC, HH), jnp.float32),
            pltpu.VMEM((2, EC), jnp.int32),
            pltpu.VMEM((2, EC), jnp.int32),
            pltpu.VMEM((2, EC), jnp.int32),
            pltpu.VMEM((2, EC), jnp.int32),
            pltpu.SemaphoreType.DMA,
            pltpu.SemaphoreType.DMA,
            pltpu.SemaphoreType.DMA,
            pltpu.SemaphoreType.DMA,
            pltpu.SemaphoreType.DMA,
            pltpu.SemaphoreType.DMA,
            pltpu.SemaphoreType.DMA,
            pltpu.SemaphoreType.DMA,
            pltpu.VMEM_SHARED((N_NODES + 8, HH), jnp.float32),
        ],
    )(hi, pk, jnp.zeros((3128, HH), jnp.float32))


def _sc_fp(s0_hbm, s1_hbm, ba_hbm, z_hbm, out_hbm,
           rows_v, rows_v1, idx_v, idx_v1, sem0, sem1, acc):
    c = lax.axis_index("c")
    s = lax.axis_index("s")
    w = _wid()
    @pl.when(s < 15)
    def _():
        pltpu.sync_copy(z_hbm, acc.at[pl.ds(s * 320, 320)])
    @pl.when(s == 15)
    def _():
        pltpu.sync_copy(z_hbm.at[pl.ds(0, 208)], acc.at[pl.ds(4800, 208)])
    plsc.subcore_barrier()
    n_chunk = N_NODES // EC
    RB, IB, SM = (rows_v, rows_v1), (idx_v, idx_v1), (sem0, sem1)

    def issue(k, t):
        g = k * 16 + s
        @pl.when(g < n_chunk)
        def _():
            r0 = g * EC
            pltpu.sync_copy(ba_hbm.at[pl.ds(r0, EC)], IB[t])
            @pl.when(c == 0)
            def _():
                pltpu.async_copy(s0_hbm.at[pl.ds(r0, EC)], RB[t], SM[t])
            @pl.when(c == 1)
            def _():
                pltpu.async_copy(s1_hbm.at[pl.ds(r0, EC)], RB[t], SM[t])

    def finish(k, t):
        g = k * 16 + s
        @pl.when(g < n_chunk)
        def _():
            pltpu.make_async_copy(s0_hbm.at[pl.ds(0, EC)], RB[t], SM[t]).wait()
            pltpu.sync_copy(RB[t], acc.at[IB[t]], add=True)

    issue(0, 0)
    def body(kk, _):
        issue(2 * kk + 1, 1)
        finish(2 * kk, 0)
        issue(2 * kk + 2, 0)
        finish(2 * kk + 1, 1)
        return 0
    lax.fori_loop(0, 13, body, 0)
    @pl.when(w == 0)
    def _():
        r0 = n_chunk * EC
        rem = N_NODES - r0
        @pl.when(c == 0)
        def _():
            pltpu.sync_copy(s0_hbm.at[pl.ds(r0, rem)], rows_v.at[pl.ds(0, rem)])
        pltpu.sync_copy(ba_hbm.at[pl.ds(r0, rem)], idx_v.at[pl.ds(0, rem)])
        pltpu.sync_copy(rows_v.at[pl.ds(0, rem)], acc.at[idx_v.at[pl.ds(0, rem)]], add=True)
    @pl.when(w == 1)
    def _():
        r0 = n_chunk * EC
        rem = N_NODES - r0
        pltpu.sync_copy(s1_hbm.at[pl.ds(r0, rem)], rows_v.at[pl.ds(0, rem)])
        pltpu.sync_copy(ba_hbm.at[pl.ds(r0, rem)], idx_v.at[pl.ds(0, rem)])
        pltpu.sync_copy(rows_v.at[pl.ds(0, rem)], acc.at[idx_v.at[pl.ds(0, rem)]], add=True)
    plsc.subcore_barrier()
    @pl.when(s < 15)
    def _():
        pltpu.sync_copy(acc.at[pl.ds(s * 320, 320)],
                        out_hbm.at[pl.ds(c * F_PAD + s * 320, 320)])
    @pl.when(s == 15)
    def _():
        pltpu.sync_copy(acc.at[pl.ds(4800, 208)],
                        out_hbm.at[pl.ds(c * F_PAD + 4800, 208)])


def _fp_call(s0, s1, ba):
    return pl.kernel(
        _sc_fp,
        out_type=jax.ShapeDtypeStruct((2 * F_PAD, FPH), jnp.float32),
        mesh=_mesh,
        compiler_params=pltpu.CompilerParams(use_tc_tiling_on_sc=False),
        scratch_types=[
            pltpu.VMEM((EC, FPH), jnp.float32),
            pltpu.VMEM((EC, FPH), jnp.float32),
            pltpu.VMEM((EC,), jnp.int32),
            pltpu.VMEM((EC,), jnp.int32),
            pltpu.SemaphoreType.DMA,
            pltpu.SemaphoreType.DMA,
            pltpu.VMEM_SHARED((F_PAD, FPH), jnp.float32),
        ],
    )(s0, s1, ba, jnp.zeros((320, FPH), jnp.float32))


def _sc_dense(fp1_hbm, fp2_hbm, si_hbm, msk_hbm, x_hbm, m_hbm,
              rv0, rv1, iv0, iv1, mrow_v, sem0, sem1):
    c = lax.axis_index("c")
    s = lax.axis_index("s")
    per_t = NXROW // 16
    nk = per_t // EC
    RB, IB, SM = (rv0, rv1), (iv0, iv1), (sem0, sem1)

    def issue(k):
        t = k % 2
        r0 = s * per_t + k * EC
        iv = IB[t]
        pltpu.sync_copy(si_hbm.at[pl.ds(r0, EC)], iv)
        def addc(j, _):
            iv[pl.ds(j * 16, 16)] = iv[pl.ds(j * 16, 16)] + c * F_PAD
            return 0
        lax.fori_loop(0, EC // 16, addc, 0)
        pltpu.async_copy(fp1_hbm.at[iv], RB[t], SM[t])

    def finish(k):
        t = k % 2
        r0 = s * per_t + k * EC
        pltpu.make_async_copy(fp1_hbm.at[IB[t]], RB[t], SM[t]).wait()
        pltpu.async_copy(fp2_hbm.at[IB[t]], RB[t], SM[t], add=True).wait()
        pltpu.sync_copy(RB[t], x_hbm.at[pl.ds(c * NXROW + r0, EC)])

    issue(0)
    for k in range(nk):
        if k + 1 < nk:
            issue(k + 1)
        finish(k)
    @pl.when(c == 0)
    def _():
        pltpu.sync_copy(msk_hbm.at[pl.ds(s * per_t, per_t)], mrow_v)
        pltpu.sync_copy(mrow_v, m_hbm.at[pl.ds(s * per_t, per_t)])


def _dense_call(fp1, fp2, si, msk):
    return pl.kernel(
        _sc_dense,
        out_type=(jax.ShapeDtypeStruct((2 * NXROW, FPH), jnp.float32),
                  jax.ShapeDtypeStruct((NXROW,), jnp.float32)),
        mesh=_mesh,
        compiler_params=pltpu.CompilerParams(use_tc_tiling_on_sc=False),
        scratch_types=[
            pltpu.VMEM((EC, FPH), jnp.float32),
            pltpu.VMEM((EC, FPH), jnp.float32),
            pltpu.VMEM((EC,), jnp.int32),
            pltpu.VMEM((EC,), jnp.int32),
            pltpu.VMEM((NXROW // 16,), jnp.float32),
            pltpu.SemaphoreType.DMA,
            pltpu.SemaphoreType.DMA,
        ],
    )(fp1, fp2, si, msk)


BR = 2000


def _tc_dense(h_ref, m_ref0, m_ref1, e_ref0, e_ref1, wbig_ref, b_ref, wout_ref,
              hout_ref, s0_ref, s1_ref):
    hin = h_ref[...]
    e = e_ref0[...] + e_ref1[...]
    degc = jnp.minimum(e[:, 6:7], float(N_DEG - 1))
    inp = jnp.concatenate([hin, m_ref0[...], m_ref1[...], e], axis=1)
    P = jax.lax.dot_general(inp, wbig_ref[...], (((1,), (0,)), ((), ())),
                            preferred_element_type=jnp.float32)
    acc = jnp.zeros((BR, H), jnp.float32)
    for d in range(N_DEG):
        acc = acc + jnp.where(degc == float(d), P[:, d * H:(d + 1) * H], 0.0)
    h = jnp.maximum(acc + b_ref[...], 0.0)
    hout_ref[...] = h
    t = jax.lax.dot_general(h, wout_ref[...], (((1,), (0,)), ((), ())),
                            preferred_element_type=jnp.float32)
    t = t - jnp.max(t, axis=1, keepdims=True)
    et = jnp.exp(t)
    sm = et / jnp.sum(et, axis=1, keepdims=True)
    s0_ref[...] = sm[:, :FPH]
    s1_ref[...] = sm[:, FPH:]


def _tc_dense_call(h64, msgh, msge, wbig, b, wout64):
    nb = N_NODES // BR
    return pl.pallas_call(
        _tc_dense,
        grid=(nb,),
        in_specs=[
            pl.BlockSpec((BR, H), lambda i: (i, 0)),
            pl.BlockSpec((BR, HH), lambda i: (i, 0)),
            pl.BlockSpec((BR, HH), lambda i: (i + nb, 0)),
            pl.BlockSpec((BR, 8), lambda i: (i, 0)),
            pl.BlockSpec((BR, 8), lambda i: (i + nb, 0)),
            pl.BlockSpec((136, N_DEG * H), lambda i: (0, 0)),
            pl.BlockSpec((1, H), lambda i: (0, 0)),
            pl.BlockSpec((H, FP), lambda i: (0, 0)),
        ],
        out_specs=[
            pl.BlockSpec((BR, H), lambda i: (i, 0)),
            pl.BlockSpec((BR, FPH), lambda i: (i, 0)),
            pl.BlockSpec((BR, FPH), lambda i: (i, 0)),
        ],
        out_shape=[
            jax.ShapeDtypeStruct((N_NODES, H), jnp.float32),
            jax.ShapeDtypeStruct((N_NODES, FPH), jnp.float32),
            jax.ShapeDtypeStruct((N_NODES, FPH), jnp.float32),
        ],
    )(h64, msgh, msgh, msge, msge, wbig, b, wout64)


def _pack_weights(W, d_h, Wout):
    Wh = jnp.pad(W[:, :d_h, :], ((0, 0), (0, H - d_h), (0, 0)))
    Wm = jnp.pad(W[:, d_h:2 * d_h, :], ((0, 0), (0, H - d_h), (0, 0)))
    We = jnp.pad(W[:, 2 * d_h:, :], ((0, 0), (0, 2), (0, 0)))
    Wcat = jnp.concatenate([Wh, Wm, We], axis=1)
    Wbig = jnp.transpose(Wcat, (1, 0, 2)).reshape(136, N_DEG * H)
    Wout64 = jnp.pad(Wout, ((0, H - Wout.shape[0]), (0, 0)))
    return Wbig, Wout64


def kernel(x, edge_attr, W1, b1, W2, b2, Wout1, Wout2, edge_index,
           batch_atom, batch_index_global):
    src = edge_index[0]
    dst = edge_index[1]

    ea8 = jnp.concatenate(
        [edge_attr, jnp.ones((N_EDGES, 1), jnp.float32),
         jnp.zeros((N_EDGES, 1), jnp.float32)], axis=1)
    idx_t = jnp.pad((src * 2).reshape(16, 50000), ((0, 0), (0, 48)))
    dpad = jnp.broadcast_to(N_NODES + (jnp.arange(48) % 8), (16, 48)).astype(jnp.int32)
    dst_t = jnp.concatenate([dst.reshape(16, 50000), dpad], axis=1)
    idx_t = idx_t.reshape(16, NCH_T, 1, EC)
    dst_t = dst_t.reshape(16, NCH_T, 1, EC)
    pk = jnp.stack([jnp.concatenate([idx_t, dst_t], axis=2),
                    jnp.concatenate([idx_t + 1, dst_t], axis=2)], axis=0)
    pk = pk.reshape(2 * 16 * NCH_T, 2, EC)
    x64 = jnp.pad(x, ((0, 0), (0, 2)))
    xi = x64.reshape(2 * N_NODES, HH)
    Wbig1, Wout64_1 = _pack_weights(W1, 62, Wout1)
    Wbig2, Wout64_2 = _pack_weights(W2, 64, Wout2)

    mol_ids = jnp.arange(N_MOLS, dtype=jnp.int32)
    eq = (batch_index_global[None, :] == mol_ids[:, None]).astype(jnp.int32)
    counts = jnp.sum(eq, axis=1)
    starts = jnp.cumsum(counts) - counts
    pp = jnp.arange(MAX_FRAGS, dtype=jnp.int32)[None, :]
    si = starts[:, None].astype(jnp.int32) + pp
    valid = pp < jnp.minimum(counts[:, None], MAX_FRAGS)
    flat = (mol_ids[:, None] * MAX_FRAGS + pp).reshape(-1)
    si = jnp.where(valid.reshape(-1), si.reshape(-1), N_FRAGS + (flat % 8)).astype(jnp.int32)
    msk = valid.reshape(-1).astype(jnp.float32)

    msge = _edge_attr_call(ea8, dst)
    msgh1 = _msg_call(xi, pk)
    h1, s0_1, s1_1 = _tc_dense_call(x64, msgh1, msge, Wbig1, b1.reshape(1, H), Wout64_1)
    fp1 = _fp_call(s0_1, s1_1, batch_atom)

    hi2 = h1.reshape(2 * N_NODES, HH)
    msgh2 = _msg_call(hi2, pk)
    h2, s0_2, s1_2 = _tc_dense_call(h1, msgh2, msge, Wbig2, b2.reshape(1, H), Wout64_2)
    fp2 = _fp_call(s0_2, s1_2, batch_atom)

    xs, mflat = _dense_call(fp1, fp2, si, msk)

    X = jnp.concatenate(
        [xs[:NXROW].reshape(N_MOLS, MAX_FRAGS, FPH),
         xs[NXROW:].reshape(N_MOLS, MAX_FRAGS, FPH)], axis=-1)
    m = mflat.reshape(N_MOLS, MAX_FRAGS)
    return X, m

# --- scband reference (transcript-rebuilt; emitter-appended) ---
"""Pipeline reference for scband-fragment-neural-encoder-52982716564086 (READ-ONLY COPY).

The authoritative reference and input builder live on the scoring server;
editing this copy changes nothing except your own understanding.
"""

import jax, jax.numpy as jnp
import numpy as np

N_NODES = 50000
N_EDGES = 800000
N_FRAGS = 5000
N_MOLS = 512
MAX_FRAGS = 32
D_IN = 62
D_EDGE = 6
H1 = 64
H2 = 64
FP = 128
N_DEG = 6


def setup_inputs(seed: int = 0) -> dict:
    key = jax.random.key(seed)
    ks = jax.random.split(key, 12)
    x = jax.random.normal(ks[0], (N_NODES, D_IN), dtype=jnp.float32)
    edge_index = jax.random.randint(ks[1], (2, N_EDGES), 0, N_NODES, dtype=jnp.int32)
    edge_attr = jax.random.uniform(ks[2], (N_EDGES, D_EDGE), dtype=jnp.float32)
    batch_atom = jnp.sort(jax.random.randint(ks[3], (N_NODES,), 0, N_FRAGS, dtype=jnp.int32))
    batch_index_global = jnp.sort(jax.random.randint(ks[4], (N_FRAGS,), 0, N_MOLS, dtype=jnp.int32))
    # Duvenaud neural-fingerprint parameters: degree-specific conv weights per layer
    W1 = jax.random.normal(ks[5], (N_DEG, D_IN + D_IN + D_EDGE, H1), dtype=jnp.float32) * 0.05
    b1 = jnp.zeros((H1,), dtype=jnp.float32)
    W2 = jax.random.normal(ks[6], (N_DEG, H1 + H1 + D_EDGE, H2), dtype=jnp.float32) * 0.05
    b2 = jnp.zeros((H2,), dtype=jnp.float32)
    Wout1 = jax.random.normal(ks[7], (H1, FP), dtype=jnp.float32) * 0.05
    Wout2 = jax.random.normal(ks[8], (H2, FP), dtype=jnp.float32) * 0.05
    return {
        'x': x,
        'edge_attr': edge_attr,
        'W1': W1, 'b1': b1, 'W2': W2, 'b2': b2,
        'Wout1': Wout1, 'Wout2': Wout2,
        'edge_index': edge_index,
        'batch_atom': batch_atom,
        'batch_index_global': batch_index_global,
    }


def reference(x, edge_attr, W1, b1, W2, b2, Wout1, Wout2, edge_index, batch_atom, batch_index_global):
    src = edge_index[0]
    dst = edge_index[1]
    deg = jnp.clip(jnp.bincount(dst, length=N_NODES), 0, N_DEG - 1)

    def conv(h, W, b):
        # gather neighbor features + edge features, scatter-add to dst nodes
        msg = jax.ops.segment_sum(
            jnp.concatenate([h[src], edge_attr], axis=1), dst, num_segments=N_NODES)
        inp = jnp.concatenate([h, msg], axis=1)
        Wn = W[deg]  # degree-specific weight gather [N, din, dout]
        return jax.nn.relu(jnp.einsum('ni,nio->no', inp, Wn) + b)

    h1 = conv(x, W1, b1)
    fp = jax.ops.segment_sum(jax.nn.softmax(h1 @ Wout1, axis=-1), batch_atom, num_segments=N_FRAGS)
    h2 = conv(h1, W2, b2)
    fp = fp + jax.ops.segment_sum(jax.nn.softmax(h2 @ Wout2, axis=-1), batch_atom, num_segments=N_FRAGS)

    # to_dense_batch over fragments -> molecules
    counts = jnp.bincount(batch_index_global, length=N_MOLS)
    starts = jnp.cumsum(counts) - counts
    pos = jnp.arange(N_FRAGS) - starts[batch_index_global]
    pos = jnp.where(pos < MAX_FRAGS, pos, MAX_FRAGS)  # OOB scatter indices dropped
    X = jnp.zeros((N_MOLS, MAX_FRAGS, FP), dtype=fp.dtype).at[batch_index_global, pos].set(fp)
    m = jnp.zeros((N_MOLS, MAX_FRAGS), dtype=fp.dtype).at[batch_index_global, pos].set(1.0)
    return X, m

if __name__ == "__main__":
    import jax
    _d = setup_inputs()
    print(jax.jit(kernel)(*tuple(_d.values())))

</pallas_src>

<mosaic_0001>
#map = affine_map<(d0, d1) -> (0, 0)>
#map1 = affine_map<(d0, d1) -> (0)>
module attributes {stable_mosaic.version = 14 : i64} {
  func.func @_sc_edge_attr(%arg0: i32, %arg1: i32, %arg2: memref<800000x8xf32, #tpu.memory_space<hbm>>, %arg3: memref<800000xi32, #tpu.memory_space<hbm>>, %arg4: memref<3128x8xf32, #tpu.memory_space<hbm>>, %arg5: memref<100000x8xf32, #tpu.memory_space<hbm>>, %arg6: memref<128x8xf32, #tpu.memory_space<vmem>>, %arg7: memref<128x8xf32, #tpu.memory_space<vmem>>, %arg8: memref<128xi32, #tpu.memory_space<vmem>>, %arg9: memref<128xi32, #tpu.memory_space<vmem>>, %arg10: memref<!tpu.dma_semaphore, #tpu.memory_space<semaphore_mem>>, %arg11: memref<!tpu.dma_semaphore, #tpu.memory_space<semaphore_mem>>, %arg12: memref<50000x8xf32, #tpu.memory_space<vmem_shared>>) attributes {dimension_semantics = [#tpu.dimension_semantics<core_parallel>, #tpu.dimension_semantics<subcore_parallel>], iteration_bounds = array<i64: 2, 16>, scalar_prefetch = 0 : i64, scratch_operands = 7 : i64, tpu.core_type = #tpu.core_type<sc_vector_subcore>, window_params = [{transform_indices = #map}, {transform_indices = #map1}, {transform_indices = #map}, {transform_indices = #map}]} {
    %lt3A = arith.constant 15 : i32
    %lt3A_0 = arith.cmpi slt, %arg1, %lt3A : i32
    %convert_element_type3A = arith.extui %lt3A_0 : i1 to i32
    %cond3A = arith.constant 0 : i32
    %cond3A_1 = arith.cmpi ne, %convert_element_type3A, %cond3A : i32
    scf.if %cond3A_1 {
      %mul3A_40 = arith.constant 3128 : i32
      %mul3A_41 = arith.muli %arg1, %mul3A_40 : i32
      "tpu.region"() ({
        %run_scoped3A = tpu.sem_alloc : memref<!tpu.dma_semaphore, #tpu.memory_space<semaphore_mem>>
        %dma_start3A_42 = arith.constant 0 : i32
        %dma_start3A_43 = tpu.memref_slice %arg12[%mul3A_41, %dma_start3A_42] : memref<50000x8xf32, #tpu.memory_space<vmem_shared>> -> memref<3128x8xf32, #tpu.memory_space<vmem_shared>>
        tpu.enqueue_dma source(%arg4 : memref<3128x8xf32, #tpu.memory_space<hbm>>) target(%dma_start3A_43 : memref<3128x8xf32, #tpu.memory_space<vmem_shared>>) target_semaphore(%run_scoped3A : memref<!tpu.dma_semaphore, #tpu.memory_space<semaphore_mem>>)
        %dma_wait3A_44 = arith.constant 0 : i32
        %dma_wait3A_45 = tpu.memref_slice %arg12[%mul3A_41, %dma_wait3A_44] : memref<50000x8xf32, #tpu.memory_space<vmem_shared>> -> memref<3128x8xf32, #tpu.memory_space<vmem_shared>>
        tpu.wait_dma2 semaphore(%run_scoped3A : memref<!tpu.dma_semaphore, #tpu.memory_space<semaphore_mem>>) src(%arg4 : memref<3128x8xf32, #tpu.memory_space<hbm>>) dst(%dma_wait3A_45 : memref<3128x8xf32, #tpu.memory_space<vmem_shared>>)
        tpu.yield
      }) : () -> ()
    } else {
    }
    %eq3A = arith.constant 15 : i32
    %eq3A_2 = arith.cmpi eq, %arg1, %eq3A : i32
    %convert_element_type3A_3 = arith.extui %eq3A_2 : i1 to i32
    %cond3A_4 = arith.constant 0 : i32
    %cond3A_5 = arith.cmpi ne, %convert_element_type3A_3, %cond3A_4 : i32
    scf.if %cond3A_5 {
      "tpu.region"() ({
        %run_scoped3A = tpu.sem_alloc : memref<!tpu.dma_semaphore, #tpu.memory_space<semaphore_mem>>
        %dma_start3A_40 = arith.constant 46920 : i32
        %dma_start3A_41 = arith.constant 0 : i32
        %dma_start3A_42 = tpu.memref_slice %arg12[%dma_start3A_40, %dma_start3A_41] : memref<50000x8xf32, #tpu.memory_space<vmem_shared>> -> memref<3080x8xf32, #tpu.memory_space<vmem_shared>>
        %dma_start3A_43 = arith.constant 0 : i32
        %dma_start3A_44 = arith.constant 0 : i32
        %dma_start3A_45 = tpu.memref_slice %arg4[%dma_start3A_43, %dma_start3A_44] : memref<3128x8xf32, #tpu.memory_space<hbm>> -> memref<3080x8xf32, #tpu.memory_space<hbm>>
        tpu.enqueue_dma source(%dma_start3A_45 : memref<3080x8xf32, #tpu.memory_space<hbm>>) target(%dma_start3A_42 : memref<3080x8xf32, #tpu.memory_space<vmem_shared>>) target_semaphore(%run_scoped3A : memref<!tpu.dma_semaphore, #tpu.memory_space<semaphore_mem>>)
        %dma_wait3A_46 = arith.constant 46920 : i32
        %dma_wait3A_47 = arith.constant 0 : i32
        %dma_wait3A_48 = tpu.memref_slice %arg12[%dma_wait3A_46, %dma_wait3A_47] : memref<50000x8xf32, #tpu.memory_space<vmem_shared>> -> memref<3080x8xf32, #tpu.memory_space<vmem_shared>>
        %dma_wait3A_49 = arith.constant 0 : i32
        %dma_wait3A_50 = arith.constant 0 : i32
        %dma_wait3A_51 = tpu.memref_slice %arg4[%dma_wait3A_49, %dma_wait3A_50] : memref<3128x8xf32, #tpu.memory_space<hbm>> -> memref<3080x8xf32, #tpu.memory_space<hbm>>
        tpu.wait_dma2 semaphore(%run_scoped3A : memref<!tpu.dma_semaphore, #tpu.memory_space<semaphore_mem>>) src(%dma_wait3A_51 : memref<3080x8xf32, #tpu.memory_space<hbm>>) dst(%dma_wait3A_48 : memref<3080x8xf32, #tpu.memory_space<vmem_shared>>)
        tpu.yield
      }) : () -> ()
    } else {
    }
    %barrier3A = arith.constant 0 : index
    tpu.barrier barrier_id(%barrier3A)
    %mul3A = arith.constant 16 : i32
    %mul3A_6 = arith.muli %arg0, %mul3A : i32
    %add3A = arith.addi %mul3A_6, %arg1 : i32
    %mul3A_7 = arith.constant 25000 : i32
    %mul3A_8 = arith.muli %add3A, %mul3A_7 : i32
    %add3A_9 = arith.constant 0 : i32
    %add3A_10 = arith.addi %mul3A_8, %add3A_9 : i32
    "tpu.region"() ({
      %run_scoped3A = tpu.sem_alloc : memref<!tpu.dma_semaphore, #tpu.memory_space<semaphore_mem>>
      %dma_start3A_40 = tpu.memref_slice %arg3[%add3A_10] : memref<800000xi32, #tpu.memory_space<hbm>> -> memref<128xi32, #tpu.memory_space<hbm>>
      %dma_start3A_41 = tpu.memref_slice %arg3[%add3A_10] : memref<800000xi32, #tpu.memory_space<hbm>> -> memref<128xi32, #tpu.memory_space<hbm>>
      tpu.enqueue_dma source(%dma_start3A_41 : memref<128xi32, #tpu.memory_space<hbm>>) target(%arg8 : memref<128xi32, #tpu.memory_space<vmem>>) target_semaphore(%run_scoped3A : memref<!tpu.dma_semaphore, #tpu.memory_space<semaphore_mem>>)
      %dma_wait3A_42 = tpu.memref_slice %arg3[%add3A_10] : memref<800000xi32, #tpu.memory_space<hbm>> -> memref<128xi32, #tpu.memory_space<hbm>>
      %dma_wait3A_43 = tpu.memref_slice %arg3[%add3A_10] : memref<800000xi32, #tpu.memory_space<hbm>> -> memref<128xi32, #tpu.memory_space<hbm>>
      tpu.wait_dma2 semaphore(%run_scoped3A : memref<!tpu.dma_semaphore, #tpu.memory_space<semaphore_mem>>) src(%dma_wait3A_43 : memref<128xi32, #tpu.memory_space<hbm>>) dst(%arg8 : memref<128xi32, #tpu.memory_space<vmem>>)
      tpu.yield
    }) : () -> ()
    %dma_start3A = arith.constant 0 : i32
    %dma_start3A_11 = tpu.memref_slice %arg2[%add3A_10, %dma_start3A] : memref<800000x8xf32, #tpu.memory_space<hbm>> -> memref<128x8xf32, #tpu.memory_space<hbm>>
    %dma_start3A_12 = arith.constant 0 : i32
    %dma_start3A_13 = tpu.memref_slice %arg2[%add3A_10, %dma_start3A_12] : memref<800000x8xf32, #tpu.memory_space<hbm>> -> memref<128x8xf32, #tpu.memory_space<hbm>>
    tpu.enqueue_dma source(%dma_start3A_13 : memref<128x8xf32, #tpu.memory_space<hbm>>) target(%arg6 : memref<128x8xf32, #tpu.memory_space<vmem>>) target_semaphore(%arg10 : memref<!tpu.dma_semaphore, #tpu.memory_space<semaphore_mem>>)
    %scan3A = arith.constant 0 : i32
    %scan3A_14 = arith.constant 0 : i32
    %scan3A_15 = arith.constant 97 : i32
    %scan3A_16 = arith.addi %scan3A_14, %scan3A_15 : i32
    %scan3A_17 = arith.constant 1 : i32
    %scan3A_18 = scf.for %scan3A_40 = %scan3A_14 to %scan3A_16 step %scan3A_17 iter_args(%scan3A_41 = %scan3A) -> (i32)  : i32 {
      %mul3A_42 = arith.constant 2 : i32
      %mul3A_43 = arith.muli %mul3A_42, %scan3A_40 : i32
      %add3A_44 = arith.constant 1 : i32
      %add3A_45 = arith.addi %mul3A_43, %add3A_44 : i32
      %mul3A_46 = arith.constant 128 : i32
      %mul3A_47 = arith.muli %add3A_45, %mul3A_46 : i32
      %add3A_48 = arith.addi %mul3A_8, %mul3A_47 : i32
      "tpu.region"() ({
        %run_scoped3A = tpu.sem_alloc : memref<!tpu.dma_semaphore, #tpu.memory_space<semaphore_mem>>
        %dma_start3A_77 = tpu.memref_slice %arg3[%add3A_48] : memref<800000xi32, #tpu.memory_space<hbm>> -> memref<128xi32, #tpu.memory_space<hbm>>
        %dma_start3A_78 = tpu.memref_slice %arg3[%add3A_48] : memref<800000xi32, #tpu.memory_space<hbm>> -> memref<128xi32, #tpu.memory_space<hbm>>
        tpu.enqueue_dma source(%dma_start3A_78 : memref<128xi32, #tpu.memory_space<hbm>>) target(%arg9 : memref<128xi32, #tpu.memory_space<vmem>>) target_semaphore(%run_scoped3A : memref<!tpu.dma_semaphore, #tpu.memory_space<semaphore_mem>>)
        %dma_wait3A_79 = tpu.memref_slice %arg3[%add3A_48] : memref<800000xi32, #tpu.memory_space<hbm>> -> memref<128xi32, #tpu.memory_space<hbm>>
        %dma_wait3A_80 = tpu.memref_slice %arg3[%add3A_48] : memref<800000xi32, #tpu.memory_space<hbm>> -> memref<128xi32, #tpu.memory_space<hbm>>
        tpu.wait_dma2 semaphore(%run_scoped3A : memref<!tpu.dma_semaphore, #tpu.memory_space<semaphore_mem>>) src(%dma_wait3A_80 : memref<128xi32, #tpu.memory_space<hbm>>) dst(%arg9 : memref<128xi32, #tpu.memory_space<vmem>>)
        tpu.yield
      }) : () -> ()
      %dma_start3A_49 = arith.constant 0 : i32
      %dma_start3A_50 = tpu.memref_slice %arg2[%add3A_48, %dma_start3A_49] : memref<800000x8xf32, #tpu.memory_space<hbm>> -> memref<128x8xf32, #tpu.memory_space<hbm>>
      %dma_start3A_51 = arith.constant 0 : i32
      %dma_start3A_52 = tpu.memref_slice %arg2[%add3A_48, %dma_start3A_51] : memref<800000x8xf32, #tpu.memory_space<hbm>> -> memref<128x8xf32, #tpu.memory_space<hbm>>
      tpu.enqueue_dma source(%dma_start3A_52 : memref<128x8xf32, #tpu.memory_space<hbm>>) target(%arg7 : memref<128x8xf32, #tpu.memory_space<vmem>>) target_semaphore(%arg11 : memref<!tpu.dma_semaphore, #tpu.memory_space<semaphore_mem>>)
      %dma_wait3A_53 = arith.constant 0 : i32
      %dma_wait3A_54 = arith.constant 0 : i32
      %dma_wait3A_55 = tpu.memref_slice %arg2[%dma_wait3A_53, %dma_wait3A_54] : memref<800000x8xf32, #tpu.memory_space<hbm>> -> memref<128x8xf32, #tpu.memory_space<hbm>>
      %dma_wait3A_56 = arith.constant 0 : i32
      %dma_wait3A_57 = arith.constant 0 : i32
      %dma_wait3A_58 = tpu.memref_slice %arg2[%dma_wait3A_56, %dma_wait3A_57] : memref<800000x8xf32, #tpu.memory_space<hbm>> -> memref<128x8xf32, #tpu.memory_space<hbm>>
      tpu.wait_dma2 semaphore(%arg10 : memref<!tpu.dma_semaphore, #tpu.memory_space<semaphore_mem>>) src(%dma_wait3A_58 : memref<128x8xf32, #tpu.memory_space<hbm>>) dst(%arg6 : memref<128x8xf32, #tpu.memory_space<vmem>>)
      "tpu.region"() ({
        %run_scoped3A = tpu.sem_alloc : memref<!tpu.dma_semaphore, #tpu.memory_space<semaphore_mem>>
        %dma_start3A_77 = arith.constant 0 : i32
        %dma_start3A_78 = arith.constant 0 : i32
        %dma_start3A_79 = tpu.memref_slice %arg12[%dma_start3A_77, %dma_start3A_78] : memref<50000x8xf32, #tpu.memory_space<vmem_shared>> -> memref<50000x8xf32, #tpu.memory_space<vmem_shared>>
        tpu.enqueue_indirect_dma source(%arg6 : memref<128x8xf32, #tpu.memory_space<vmem>>) target(%dma_start3A_79 : memref<50000x8xf32, #tpu.memory_space<vmem_shared>>) offsets(%arg8 : memref<128xi32, #tpu.memory_space<vmem>>) semaphore(%run_scoped3A : memref<!tpu.dma_semaphore, #tpu.memory_space<semaphore_mem>>) {add = true}
        %dma_wait3A_80 = arith.constant 0 : i32
        %dma_wait3A_81 = arith.constant 0 : i32
        %dma_wait3A_82 = tpu.memref_slice %arg12[%dma_wait3A_80, %dma_wait3A_81] : memref<50000x8xf32, #tpu.memory_space<vmem_shared>> -> memref<50000x8xf32, #tpu.memory_space<vmem_shared>>
        tpu.wait_indirect_dma semaphore(%run_scoped3A : memref<!tpu.dma_semaphore, #tpu.memory_space<semaphore_mem>>) src(%arg6 : memref<128x8xf32, #tpu.memory_space<vmem>>) dst(%dma_wait3A_82 : memref<50000x8xf32, #tpu.memory_space<vmem_shared>>)
        tpu.yield
      }) : () -> ()
      %mul3A_59 = arith.constant 2 : i32
      %mul3A_60 = arith.muli %mul3A_59, %scan3A_40 : i32
      %add3A_61 = arith.constant 2 : i32
      %add3A_62 = arith.addi %mul3A_60, %add3A_61 : i32
      %mul3A_63 = arith.constant 128 : i32
      %mul3A_64 = arith.muli %add3A_62, %mul3A_63 : i32
      %add3A_65 = arith.addi %mul3A_8, %mul3A_64 : i32
      "tpu.region"() ({
        %run_scoped3A = tpu.sem_alloc : memref<!tpu.dma_semaphore, #tpu.memory_space<semaphore_mem>>
        %dma_start3A_77 = tpu.memref_slice %arg3[%add3A_65] : memref<800000xi32, #tpu.memory_space<hbm>> -> memref<128xi32, #tpu.memory_space<hbm>>
        %dma_start3A_78 = tpu.memref_slice %arg3[%add3A_65] : memref<800000xi32, #tpu.memory_space<hbm>> -> memref<128xi32, #tpu.memory_space<hbm>>
        tpu.enqueue_dma source(%dma_start3A_78 : memref<128xi32, #tpu.memory_space<hbm>>) target(%arg8 : memref<128xi32, #tpu.memory_space<vmem>>) target_semaphore(%run_scoped3A : memref<!tpu.dma_semaphore, #tpu.memory_space<semaphore_mem>>)
        %dma_wait3A_79 = tpu.memref_slice %arg3[%add3A_65] : memref<800000xi32, #tpu.memory_space<hbm>> -> memref<128xi32, #tpu.memory_space<hbm>>
        %dma_wait3A_80 = tpu.memref_slice %arg3[%add3A_65] : memref<800000xi32, #tpu.memory_space<hbm>> -> memref<128xi32, #tpu.memory_space<hbm>>
        tpu.wait_dma2 semaphore(%run_scoped3A : memref<!tpu.dma_semaphore, #tpu.memory_space<semaphore_mem>>) src(%dma_wait3A_80 : memref<128xi32, #tpu.memory_space<hbm>>) dst(%arg8 : memref<128xi32, #tpu.memory_space<vmem>>)
        tpu.yield
      }) : () -> ()
      %dma_start3A_66 = arith.constant 0 : i32
      %dma_start3A_67 = tpu.memref_slice %arg2[%add3A_65, %dma_start3A_66] : memref<800000x8xf32, #tpu.memory_space<hbm>> -> memref<128x8xf32, #tpu.memory_space<hbm>>
      %dma_start3A_68 = arith.constant 0 : i32
      %dma_start3A_69 = tpu.memref_slice %arg2[%add3A_65, %dma_start3A_68] : memref<800000x8xf32, #tpu.memory_space<hbm>> -> memref<128x8xf32, #tpu.memory_space<hbm>>
      tpu.enqueue_dma source(%dma_start3A_69 : memref<128x8xf32, #tpu.memory_space<hbm>>) target(%arg6 : memref<128x8xf32, #tpu.memory_space<vmem>>) target_semaphore(%arg10 : memref<!tpu.dma_semaphore, #tpu.memory_space<semaphore_mem>>)
      %dma_wait3A_70 = arith.constant 0 : i32
      %dma_wait3A_71 = arith.constant 0 : i32
      %dma_wait3A_72 = tpu.memref_slice %arg2[%dma_wait3A_70, %dma_wait3A_71] : memref<800000x8xf32, #tpu.memory_space<hbm>> -> memref<128x8xf32, #tpu.memory_space<hbm>>
      %dma_wait3A_73 = arith.constant 0 : i32
      %dma_wait3A_74 = arith.constant 0 : i32
      %dma_wait3A_75 = tpu.memref_slice %arg2[%dma_wait3A_73, %dma_wait3A_74] : memref<800000x8xf32, #tpu.memory_space<hbm>> -> memref<128x8xf32, #tpu.memory_space<hbm>>
      tpu.wait_dma2 semaphore(%arg11 : memref<!tpu.dma_semaphore, #tpu.memory_space<semaphore_mem>>) src(%dma_wait3A_75 : memref<128x8xf32, #tpu.memory_space<hbm>>) dst(%arg7 : memref<128x8xf32, #tpu.memory_space<vmem>>)
      "tpu.region"() ({
        %run_scoped3A = tpu.sem_alloc : memref<!tpu.dma_semaphore, #tpu.memory_space<semaphore_mem>>
        %dma_start3A_77 = arith.constant 0 : i32
        %dma_start3A_78 = arith.constant 0 : i32
        %dma_start3A_79 = tpu.memref_slice %arg12[%dma_start3A_77, %dma_start3A_78] : memref<50000x8xf32, #tpu.memory_space<vmem_shared>> -> memref<50000x8xf32, #tpu.memory_space<vmem_shared>>
        tpu.enqueue_indirect_dma source(%arg7 : memref<128x8xf32, #tpu.memory_space<vmem>>) target(%dma_start3A_79 : memref<50000x8xf32, #tpu.memory_space<vmem_shared>>) offsets(%arg9 : memref<128xi32, #tpu.memory_space<vmem>>) semaphore(%run_scoped3A : memref<!tpu.dma_semaphore, #tpu.memory_space<semaphore_mem>>) {add = true}
        %dma_wait3A_80 = arith.constant 0 : i32
        %dma_wait3A_81 = arith.constant 0 : i32
        %dma_wait3A_82 = tpu.memref_slice %arg12[%dma_wait3A_80, %dma_wait3A_81] : memref<50000x8xf32, #tpu.memory_space<vmem_shared>> -> memref<50000x8xf32, #tpu.memory_space<vmem_shared>>
        tpu.wait_indirect_dma semaphore(%run_scoped3A : memref<!tpu.dma_semaphore, #tpu.memory_space<semaphore_mem>>) src(%arg7 : memref<128x8xf32, #tpu.memory_space<vmem>>) dst(%dma_wait3A_82 : memref<50000x8xf32, #tpu.memory_space<vmem_shared>>)
        tpu.yield
      }) : () -> ()
      %scan3A_76 = arith.constant 0 : i32
      scf.yield %scan3A_76 : i32
    }
    %scan3A_19 = arith.constant 97 : i32
    %dma_wait3A = arith.constant 0 : i32
    %dma_wait3A_20 = arith.constant 0 : i32
    %dma_wait3A_21 = tpu.memref_slice %arg2[%dma_wait3A, %dma_wait3A_20] : memref<800000x8xf32, #tpu.memory_space<hbm>> -> memref<128x8xf32, #tpu.memory_space<hbm>>
    %dma_wait3A_22 = arith.constant 0 : i32
    %dma_wait3A_23 = arith.constant 0 : i32
    %dma_wait3A_24 = tpu.memref_slice %arg2[%dma_wait3A_22, %dma_wait3A_23] : memref<800000x8xf32, #tpu.memory_space<hbm>> -> memref<128x8xf32, #tpu.memory_space<hbm>>
    tpu.wait_dma2 semaphore(%arg10 : memref<!tpu.dma_semaphore, #tpu.memory_space<semaphore_mem>>) src(%dma_wait3A_24 : memref<128x8xf32, #tpu.memory_space<hbm>>) dst(%arg6 : memref<128x8xf32, #tpu.memory_space<vmem>>)
    "tpu.region"() ({
      %run_scoped3A = tpu.sem_alloc : memref<!tpu.dma_semaphore, #tpu.memory_space<semaphore_mem>>
      %dma_start3A_40 = arith.constant 0 : i32
      %dma_start3A_41 = arith.constant 0 : i32
      %dma_start3A_42 = tpu.memref_slice %arg12[%dma_start3A_40, %dma_start3A_41] : memref<50000x8xf32, #tpu.memory_space<vmem_shared>> -> memref<50000x8xf32, #tpu.memory_space<vmem_shared>>
      tpu.enqueue_indirect_dma source(%arg6 : memref<128x8xf32, #tpu.memory_space<vmem>>) target(%dma_start3A_42 : memref<50000x8xf32, #tpu.memory_space<vmem_shared>>) offsets(%arg8 : memref<128xi32, #tpu.memory_space<vmem>>) semaphore(%run_scoped3A : memref<!tpu.dma_semaphore, #tpu.memory_space<semaphore_mem>>) {add = true}
      %dma_wait3A_43 = arith.constant 0 : i32
      %dma_wait3A_44 = arith.constant 0 : i32
      %dma_wait3A_45 = tpu.memref_slice %arg12[%dma_wait3A_43, %dma_wait3A_44] : memref<50000x8xf32, #tpu.memory_space<vmem_shared>> -> memref<50000x8xf32, #tpu.memory_space<vmem_shared>>
      tpu.wait_indirect_dma semaphore(%run_scoped3A : memref<!tpu.dma_semaphore, #tpu.memory_space<semaphore_mem>>) src(%arg6 : memref<128x8xf32, #tpu.memory_space<vmem>>) dst(%dma_wait3A_45 : memref<50000x8xf32, #tpu.memory_space<vmem_shared>>)
      tpu.yield
    }) : () -> ()
    %add3A_25 = arith.constant 24960 : i32
    %add3A_26 = arith.addi %mul3A_8, %add3A_25 : i32
    "tpu.region"() ({
      %run_scoped3A = tpu.sem_alloc : memref<!tpu.dma_semaphore, #tpu.memory_space<semaphore_mem>>
      %dma_start3A_40 = arith.constant 0 : i32
      %dma_start3A_41 = tpu.memref_slice %arg8[%dma_start3A_40] : memref<128xi32, #tpu.memory_space<vmem>> -> memref<40xi32, #tpu.memory_space<vmem>>
      %dma_start3A_42 = tpu.memref_slice %arg3[%add3A_26] : memref<800000xi32, #tpu.memory_space<hbm>> -> memref<40xi32, #tpu.memory_space<hbm>>
      %dma_start3A_43 = arith.constant 0 : i32
      %dma_start3A_44 = tpu.memref_slice %arg8[%dma_start3A_43] : memref<128xi32, #tpu.memory_space<vmem>> -> memref<40xi32, #tpu.memory_space<vmem>>
      %dma_start3A_45 = tpu.memref_slice %arg3[%add3A_26] : memref<800000xi32, #tpu.memory_space<hbm>> -> memref<40xi32, #tpu.memory_space<hbm>>
      tpu.enqueue_dma source(%dma_start3A_45 : memref<40xi32, #tpu.memory_space<hbm>>) target(%dma_start3A_44 : memref<40xi32, #tpu.memory_space<vmem>>) target_semaphore(%run_scoped3A : memref<!tpu.dma_semaphore, #tpu.memory_space<semaphore_mem>>)
      %dma_wait3A_46 = arith.constant 0 : i32
      %dma_wait3A_47 = tpu.memref_slice %arg8[%dma_wait3A_46] : memref<128xi32, #tpu.memory_space<vmem>> -> memref<40xi32, #tpu.memory_space<vmem>>
      %dma_wait3A_48 = tpu.memref_slice %arg3[%add3A_26] : memref<800000xi32, #tpu.memory_space<hbm>> -> memref<40xi32, #tpu.memory_space<hbm>>
      %dma_wait3A_49 = arith.constant 0 : i32
      %dma_wait3A_50 = tpu.memref_slice %arg8[%dma_wait3A_49] : memref<128xi32, #tpu.memory_space<vmem>> -> memref<40xi32, #tpu.memory_space<vmem>>
      %dma_wait3A_51 = tpu.memref_slice %arg3[%add3A_26] : memref<800000xi32, #tpu.memory_space<hbm>> -> memref<40xi32, #tpu.memory_space<hbm>>
      tpu.wait_dma2 semaphore(%run_scoped3A : memref<!tpu.dma_semaphore, #tpu.memory_space<semaphore_mem>>) src(%dma_wait3A_51 : memref<40xi32, #tpu.memory_space<hbm>>) dst(%dma_wait3A_50 : memref<40xi32, #tpu.memory_space<vmem>>)
      tpu.yield
    }) : () -> ()
    "tpu.region"() ({
      %run_scoped3A = tpu.sem_alloc : memref<!tpu.dma_semaphore, #tpu.memory_space<semaphore_mem>>
      %dma_start3A_40 = arith.constant 0 : i32
      %dma_start3A_41 = arith.constant 0 : i32
      %dma_start3A_42 = tpu.memref_slice %arg6[%dma_start3A_40, %dma_start3A_41] : memref<128x8xf32, #tpu.memory_space<vmem>> -> memref<40x8xf32, #tpu.memory_space<vmem>>
      %dma_start3A_43 = arith.constant 0 : i32
      %dma_start3A_44 = tpu.memref_slice %arg2[%add3A_26, %dma_start3A_43] : memref<800000x8xf32, #tpu.memory_space<hbm>> -> memref<40x8xf32, #tpu.memory_space<hbm>>
      %dma_start3A_45 = arith.constant 0 : i32
      %dma_start3A_46 = arith.constant 0 : i32
      %dma_start3A_47 = tpu.memref_slice %arg6[%dma_start3A_45, %dma_start3A_46] : memref<128x8xf32, #tpu.memory_space<vmem>> -> memref<40x8xf32, #tpu.memory_space<vmem>>
      %dma_start3A_48 = arith.constant 0 : i32
      %dma_start3A_49 = tpu.memref_slice %arg2[%add3A_26, %dma_start3A_48] : memref<800000x8xf32, #tpu.memory_space<hbm>> -> memref<40x8xf32, #tpu.memory_space<hbm>>
      tpu.enqueue_dma source(%dma_start3A_49 : memref<40x8xf32, #tpu.memory_space<hbm>>) target(%dma_start3A_47 : memref<40x8xf32, #tpu.memory_space<vmem>>) target_semaphore(%run_scoped3A : memref<!tpu.dma_semaphore, #tpu.memory_space<semaphore_mem>>)
      %dma_wait3A_50 = arith.constant 0 : i32
      %dma_wait3A_51 = arith.constant 0 : i32
      %dma_wait3A_52 = tpu.memref_slice %arg6[%dma_wait3A_50, %dma_wait3A_51] : memref<128x8xf32, #tpu.memory_space<vmem>> -> memref<40x8xf32, #tpu.memory_space<vmem>>
      %dma_wait3A_53 = arith.constant 0 : i32
      %dma_wait3A_54 = tpu.memref_slice %arg2[%add3A_26, %dma_wait3A_53] : memref<800000x8xf32, #tpu.memory_space<hbm>> -> memref<40x8xf32, #tpu.memory_space<hbm>>
      %dma_wait3A_55 = arith.constant 0 : i32
      %dma_wait3A_56 = arith.constant 0 : i32
      %dma_wait3A_57 = tpu.memref_slice %arg6[%dma_wait3A_55, %dma_wait3A_56] : memref<128x8xf32, #tpu.memory_space<vmem>> -> memref<40x8xf32, #tpu.memory_space<vmem>>
      %dma_wait3A_58 = arith.constant 0 : i32
      %dma_wait3A_59 = tpu.memref_slice %arg2[%add3A_26, %dma_wait3A_58] : memref<800000x8xf32, #tpu.memory_space<hbm>> -> memref<40x8xf32, #tpu.memory_space<hbm>>
      tpu.wait_dma2 semaphore(%run_scoped3A : memref<!tpu.dma_semaphore, #tpu.memory_space<semaphore_mem>>) src(%dma_wait3A_59 : memref<40x8xf32, #tpu.memory_space<hbm>>) dst(%dma_wait3A_57 : memref<40x8xf32, #tpu.memory_space<vmem>>)
      tpu.yield
    }) : () -> ()
    "tpu.region"() ({
      %run_scoped3A = tpu.sem_alloc : memref<!tpu.dma_semaphore, #tpu.memory_space<semaphore_mem>>
      %dma_start3A_40 = arith.constant 0 : i32
      %dma_start3A_41 = arith.constant 0 : i32
      %dma_start3A_42 = tpu.memref_slice %arg6[%dma_start3A_40, %dma_start3A_41] : memref<128x8xf32, #tpu.memory_space<vmem>> -> memref<40x8xf32, #tpu.memory_space<vmem>>
      %dma_start3A_43 = arith.constant 0 : i32
      %dma_start3A_44 = tpu.memref_slice %arg8[%dma_start3A_43] : memref<128xi32, #tpu.memory_space<vmem>> -> memref<40xi32, #tpu.memory_space<vmem>>
      %dma_start3A_45 = arith.constant 0 : i32
      %dma_start3A_46 = arith.constant 0 : i32
      %dma_start3A_47 = tpu.memref_slice %arg12[%dma_start3A_45, %dma_start3A_46] : memref<50000x8xf32, #tpu.memory_space<vmem_shared>> -> memref<50000x8xf32, #tpu.memory_space<vmem_shared>>
      tpu.enqueue_indirect_dma source(%dma_start3A_42 : memref<40x8xf32, #tpu.memory_space<vmem>>) target(%dma_start3A_47 : memref<50000x8xf32, #tpu.memory_space<vmem_shared>>) offsets(%dma_start3A_44 : memref<40xi32, #tpu.memory_space<vmem>>) semaphore(%run_scoped3A : memref<!tpu.dma_semaphore, #tpu.memory_space<semaphore_mem>>) {add = true}
      %dma_wait3A_48 = arith.constant 0 : i32
      %dma_wait3A_49 = arith.constant 0 : i32
      %dma_wait3A_50 = tpu.memref_slice %arg6[%dma_wait3A_48, %dma_wait3A_49] : memref<128x8xf32, #tpu.memory_space<vmem>> -> memref<40x8xf32, #tpu.memory_space<vmem>>
      %dma_wait3A_51 = arith.constant 0 : i32
      %dma_wait3A_52 = tpu.memref_slice %arg8[%dma_wait3A_51] : memref<128xi32, #tpu.memory_space<vmem>> -> memref<40xi32, #tpu.memory_space<vmem>>
      %dma_wait3A_53 = arith.constant 0 : i32
      %dma_wait3A_54 = arith.constant 0 : i32
      %dma_wait3A_55 = tpu.memref_slice %arg12[%dma_wait3A_53, %dma_wait3A_54] : memref<50000x8xf32, #tpu.memory_space<vmem_shared>> -> memref<50000x8xf32, #tpu.memory_space<vmem_shared>>
      tpu.wait_indirect_dma semaphore(%run_scoped3A : memref<!tpu.dma_semaphore, #tpu.memory_space<semaphore_mem>>) src(%dma_wait3A_50 : memref<40x8xf32, #tpu.memory_space<vmem>>) dst(%dma_wait3A_55 : memref<50000x8xf32, #tpu.memory_space<vmem_shared>>)
      tpu.yield
    }) : () -> ()
    %barrier3A_27 = arith.constant 0 : index
    tpu.barrier barrier_id(%barrier3A_27)
    %mul3A_28 = arith.constant 50000 : i32
    %mul3A_29 = arith.muli %arg0, %mul3A_28 : i32
    %lt3A_30 = arith.constant 15 : i32
    %lt3A_31 = arith.cmpi slt, %arg1, %lt3A_30 : i32
    %convert_element_type3A_32 = arith.extui %lt3A_31 : i1 to i32
    %cond3A_33 = arith.constant 0 : i32
    %cond3A_34 = arith.cmpi ne, %convert_element_type3A_32, %cond3A_33 : i32
    scf.if %cond3A_34 {
      %mul3A_40 = arith.constant 3128 : i32
      %mul3A_41 = arith.muli %arg1, %mul3A_40 : i32
      %mul3A_42 = arith.constant 3128 : i32
      %mul3A_43 = arith.muli %arg1, %mul3A_42 : i32
      %add3A_44 = arith.addi %mul3A_29, %mul3A_43 : i32
      "tpu.region"() ({
        %run_scoped3A = tpu.sem_alloc : memref<!tpu.dma_semaphore, #tpu.memory_space<semaphore_mem>>
        %dma_start3A_45 = arith.constant 0 : i32
        %dma_start3A_46 = tpu.memref_slice %arg5[%add3A_44, %dma_start3A_45] : memref<100000x8xf32, #tpu.memory_space<hbm>> -> memref<3128x8xf32, #tpu.memory_space<hbm>>
        %dma_start3A_47 = arith.constant 0 : i32
        %dma_start3A_48 = tpu.memref_slice %arg12[%mul3A_41, %dma_start3A_47] : memref<50000x8xf32, #tpu.memory_space<vmem_shared>> -> memref<3128x8xf32, #tpu.memory_space<vmem_shared>>
        tpu.enqueue_dma source(%dma_start3A_48 : memref<3128x8xf32, #tpu.memory_space<vmem_shared>>) target(%dma_start3A_46 : memref<3128x8xf32, #tpu.memory_space<hbm>>) target_semaphore(%run_scoped3A : memref<!tpu.dma_semaphore, #tpu.memory_space<semaphore_mem>>)
        %dma_wait3A_49 = arith.constant 0 : i32
        %dma_wait3A_50 = tpu.memref_slice %arg5[%add3A_44, %dma_wait3A_49] : memref<100000x8xf32, #tpu.memory_space<hbm>> -> memref<3128x8xf32, #tpu.memory_space<hbm>>
        %dma_wait3A_51 = arith.constant 0 : i32
        %dma_wait3A_52 = tpu.memref_slice %arg12[%mul3A_41, %dma_wait3A_51] : memref<50000x8xf32, #tpu.memory_space<vmem_shared>> -> memref<3128x8xf32, #tpu.memory_space<vmem_shared>>
        tpu.wait_dma2 semaphore(%run_scoped3A : memref<!tpu.dma_semaphore, #tpu.memory_space<semaphore_mem>>) src(%dma_wait3A_52 : memref<3128x8xf32, #tpu.memory_space<vmem_shared>>) dst(%dma_wait3A_50 : memref<3128x8xf32, #tpu.memory_space<hbm>>)
        tpu.yield
      }) : () -> ()
    } else {
    }
    %eq3A_35 = arith.constant 15 : i32
    %eq3A_36 = arith.cmpi eq, %arg1, %eq3A_35 : i32
    %convert_element_type3A_37 = arith.extui %eq3A_36 : i1 to i32
    %cond3A_38 = arith.constant 0 : i32
    %cond3A_39 = arith.cmpi ne, %convert_element_type3A_37, %cond3A_38 : i32
    scf.if %cond3A_39 {
      %add3A_40 = arith.constant 46920 : i32
      %add3A_41 = arith.addi %mul3A_29, %add3A_40 : i32
      "tpu.region"() ({
        %run_scoped3A = tpu.sem_alloc : memref<!tpu.dma_semaphore, #tpu.memory_space<semaphore_mem>>
        %dma_start3A_42 = arith.constant 0 : i32
        %dma_start3A_43 = tpu.memref_slice %arg5[%add3A_41, %dma_start3A_42] : memref<100000x8xf32, #tpu.memory_space<hbm>> -> memref<3080x8xf32, #tpu.memory_space<hbm>>
        %dma_start3A_44 = arith.constant 46920 : i32
        %dma_start3A_45 = arith.constant 0 : i32
        %dma_start3A_46 = tpu.memref_slice %arg12[%dma_start3A_44, %dma_start3A_45] : memref<50000x8xf32, #tpu.memory_space<vmem_shared>> -> memref<3080x8xf32, #tpu.memory_space<vmem_shared>>
        tpu.enqueue_dma source(%dma_start3A_46 : memref<3080x8xf32, #tpu.memory_space<vmem_shared>>) target(%dma_start3A_43 : memref<3080x8xf32, #tpu.memory_space<hbm>>) target_semaphore(%run_scoped3A : memref<!tpu.dma_semaphore, #tpu.memory_space<semaphore_mem>>)
        %dma_wait3A_47 = arith.constant 0 : i32
        %dma_wait3A_48 = tpu.memref_slice %arg5[%add3A_41, %dma_wait3A_47] : memref<100000x8xf32, #tpu.memory_space<hbm>> -> memref<3080x8xf32, #tpu.memory_space<hbm>>
        %dma_wait3A_49 = arith.constant 46920 : i32
        %dma_wait3A_50 = arith.constant 0 : i32
        %dma_wait3A_51 = tpu.memref_slice %arg12[%dma_wait3A_49, %dma_wait3A_50] : memref<50000x8xf32, #tpu.memory_space<vmem_shared>> -> memref<3080x8xf32, #tpu.memory_space<vmem_shared>>
        tpu.wait_dma2 semaphore(%run_scoped3A : memref<!tpu.dma_semaphore, #tpu.memory_space<semaphore_mem>>) src(%dma_wait3A_51 : memref<3080x8xf32, #tpu.memory_space<vmem_shared>>) dst(%dma_wait3A_48 : memref<3080x8xf32, #tpu.memory_space<hbm>>)
        tpu.yield
      }) : () -> ()
    } else {
    }
    return
  }
}

#map = affine_map<(d0, d1) -> (0, 0)>
#map1 = affine_map<(d0, d1) -> (0, 0, 0)>
module attributes {stable_mosaic.version = 14 : i64} {
  func.func @_sc_msg(%arg0: i32, %arg1: i32, %arg2: memref<100000x32xf32, #tpu.memory_space<hbm>>, %arg3: memref<12512x2x128xi32, #tpu.memory_space<hbm>>, %arg4: memref<3128x32xf32, #tpu.memory_space<hbm>>, %arg5: memref<100000x32xf32, #tpu.memory_space<hbm>>, %arg6: memref<128x32xf32, #tpu.memory_space<vmem>>, %arg7: memref<128x32xf32, #tpu.memory_space<vmem>>, %arg8: memref<128x32xf32, #tpu.memory_space<vmem>>, %arg9: memref<128x32xf32, #tpu.memory_space<vmem>>, %arg10: memref<2x128xi32, #tpu.memory_space<vmem>>, %arg11: memref<2x128xi32, #tpu.memory_space<vmem>>, %arg12: memref<2x128xi32, #tpu.memory_space<vmem>>, %arg13: memref<2x128xi32, #tpu.memory_space<vmem>>, %arg14: memref<!tpu.dma_semaphore, #tpu.memory_space<semaphore_mem>>, %arg15: memref<!tpu.dma_semaphore, #tpu.memory_space<semaphore_mem>>, %arg16: memref<!tpu.dma_semaphore, #tpu.memory_space<semaphore_mem>>, %arg17: memref<!tpu.dma_semaphore, #tpu.memory_space<semaphore_mem>>, %arg18: memref<!tpu.dma_semaphore, #tpu.memory_space<semaphore_mem>>, %arg19: memref<!tpu.dma_semaphore, #tpu.memory_space<semaphore_mem>>, %arg20: memref<!tpu.dma_semaphore, #tpu.memory_space<semaphore_mem>>, %arg21: memref<!tpu.dma_semaphore, #tpu.memory_space<semaphore_mem>>, %arg22: memref<50008x32xf32, #tpu.memory_space<vmem_shared>>) attributes {dimension_semantics = [#tpu.dimension_semantics<core_parallel>, #tpu.dimension_semantics<subcore_parallel>], iteration_bounds = array<i64: 2, 16>, scalar_prefetch = 0 : i64, scratch_operands = 17 : i64, tpu.core_type = #tpu.core_type<sc_vector_subcore>, window_params = [{transform_indices = #map}, {transform_indices = #map1}, {transform_indices = #map}, {transform_indices = #map}]} {
    %lt3A = arith.constant 15 : i32
    %lt3A_0 = arith.cmpi slt, %arg1, %lt3A : i32
    %convert_element_type3A = arith.extui %lt3A_0 : i1 to i32
    %cond3A = arith.constant 0 : i32
    %cond3A_1 = arith.cmpi ne, %convert_element_type3A, %cond3A : i32
    scf.if %cond3A_1 {
      %mul3A_123 = arith.constant 3128 : i32
      %mul3A_124 = arith.muli %arg1, %mul3A_123 : i32
      "tpu.region"() ({
        %run_scoped3A = tpu.sem_alloc : memref<!tpu.dma_semaphore, #tpu.memory_space<semaphore_mem>>
        %dma_start3A_125 = arith.constant 0 : i32
        %dma_start3A_126 = tpu.memref_slice %arg22[%mul3A_124, %dma_start3A_125] : memref<50008x32xf32, #tpu.memory_space<vmem_shared>> -> memref<3128x32xf32, #tpu.memory_space<vmem_shared>>
        tpu.enqueue_dma source(%arg4 : memref<3128x32xf32, #tpu.memory_space<hbm>>) target(%dma_start3A_126 : memref<3128x32xf32, #tpu.memory_space<vmem_shared>>) target_semaphore(%run_scoped3A : memref<!tpu.dma_semaphore, #tpu.memory_space<semaphore_mem>>)
        %dma_wait3A_127 = arith.constant 0 : i32
        %dma_wait3A_128 = tpu.memref_slice %arg22[%mul3A_124, %dma_wait3A_127] : memref<50008x32xf32, #tpu.memory_space<vmem_shared>> -> memref<3128x32xf32, #tpu.memory_space<vmem_shared>>
        tpu.wait_dma2 semaphore(%run_scoped3A : memref<!tpu.dma_semaphore, #tpu.memory_space<semaphore_mem>>) src(%arg4 : memref<3128x32xf32, #tpu.memory_space<hbm>>) dst(%dma_wait3A_128 : memref<3128x32xf32, #tpu.memory_space<vmem_shared>>)
        tpu.yield
      }) : () -> ()
    } else {
    }
    %eq3A = arith.constant 15 : i32
    %eq3A_2 = arith.cmpi eq, %arg1, %eq3A : i32
    %convert_element_type3A_3 = arith.extui %eq3A_2 : i1 to i32
    %cond3A_4 = arith.constant 0 : i32
    %cond3A_5 = arith.cmpi ne, %convert_element_type3A_3, %cond3A_4 : i32
    scf.if %cond3A_5 {
      "tpu.region"() ({
        %run_scoped3A = tpu.sem_alloc : memref<!tpu.dma_semaphore, #tpu.memory_space<semaphore_mem>>
        %dma_start3A_123 = arith.constant 46920 : i32
        %dma_start3A_124 = arith.constant 0 : i32
        %dma_start3A_125 = tpu.memref_slice %arg22[%dma_start3A_123, %dma_start3A_124] : memref<50008x32xf32, #tpu.memory_space<vmem_shared>> -> memref<3080x32xf32, #tpu.memory_space<vmem_shared>>
        %dma_start3A_126 = arith.constant 0 : i32
        %dma_start3A_127 = arith.constant 0 : i32
        %dma_start3A_128 = tpu.memref_slice %arg4[%dma_start3A_126, %dma_start3A_127] : memref<3128x32xf32, #tpu.memory_space<hbm>> -> memref<3080x32xf32, #tpu.memory_space<hbm>>
        tpu.enqueue_dma source(%dma_start3A_128 : memref<3080x32xf32, #tpu.memory_space<hbm>>) target(%dma_start3A_125 : memref<3080x32xf32, #tpu.memory_space<vmem_shared>>) target_semaphore(%run_scoped3A : memref<!tpu.dma_semaphore, #tpu.memory_space<semaphore_mem>>)
        %dma_wait3A_129 = arith.constant 46920 : i32
        %dma_wait3A_130 = arith.constant 0 : i32
        %dma_wait3A_131 = tpu.memref_slice %arg22[%dma_wait3A_129, %dma_wait3A_130] : memref<50008x32xf32, #tpu.memory_space<vmem_shared>> -> memref<3080x32xf32, #tpu.memory_space<vmem_shared>>
        %dma_wait3A_132 = arith.constant 0 : i32
        %dma_wait3A_133 = arith.constant 0 : i32
        %dma_wait3A_134 = tpu.memref_slice %arg4[%dma_wait3A_132, %dma_wait3A_133] : memref<3128x32xf32, #tpu.memory_space<hbm>> -> memref<3080x32xf32, #tpu.memory_space<hbm>>
        tpu.wait_dma2 semaphore(%run_scoped3A : memref<!tpu.dma_semaphore, #tpu.memory_space<semaphore_mem>>) src(%dma_wait3A_134 : memref<3080x32xf32, #tpu.memory_space<hbm>>) dst(%dma_wait3A_131 : memref<3080x32xf32, #tpu.memory_space<vmem_shared>>)
        tpu.yield
      }) : () -> ()
    } else {
    }
    %barrier3A = arith.constant 0 : index
    tpu.barrier barrier_id(%barrier3A)
    %mul3A = arith.constant 16 : i32
    %mul3A_6 = arith.muli %arg0, %mul3A : i32
    %add3A = arith.addi %mul3A_6, %arg1 : i32
    %mul3A_7 = arith.constant 391 : i32
    %mul3A_8 = arith.muli %add3A, %mul3A_7 : i32
    %add3A_9 = arith.constant 0 : i32
    %add3A_10 = arith.addi %mul3A_8, %add3A_9 : i32
    "tpu.region"() ({
      %run_scoped3A = tpu.sem_alloc : memref<!tpu.dma_semaphore, #tpu.memory_space<semaphore_mem>>
      %dma_start3A_123 = arith.constant 0 : i32
      %dma_start3A_124 = arith.constant 0 : i32
      %dma_start3A_125 = tpu.memref_slice %arg3[%add3A_10, %dma_start3A_123, %dma_start3A_124] : memref<12512x2x128xi32, #tpu.memory_space<hbm>> -> memref<1x2x128xi32, #tpu.memory_space<hbm>>
      %dma_start3A_126 = tpu.memref_squeeze %dma_start3A_125 : memref<1x2x128xi32, #tpu.memory_space<hbm>> -> memref<2x128xi32, #tpu.memory_space<hbm>>
      %dma_start3A_127 = arith.constant 0 : i32
      %dma_start3A_128 = arith.constant 0 : i32
      %dma_start3A_129 = tpu.memref_slice %arg3[%add3A_10, %dma_start3A_127, %dma_start3A_128] : memref<12512x2x128xi32, #tpu.memory_space<hbm>> -> memref<1x2x128xi32, #tpu.memory_space<hbm>>
      %dma_start3A_130 = tpu.memref_squeeze %dma_start3A_129 : memref<1x2x128xi32, #tpu.memory_space<hbm>> -> memref<2x128xi32, #tpu.memory_space<hbm>>
      tpu.enqueue_dma source(%dma_start3A_130 : memref<2x128xi32, #tpu.memory_space<hbm>>) target(%arg10 : memref<2x128xi32, #tpu.memory_space<vmem>>) target_semaphore(%run_scoped3A : memref<!tpu.dma_semaphore, #tpu.memory_space<semaphore_mem>>)
      %dma_wait3A_131 = arith.constant 0 : i32
      %dma_wait3A_132 = arith.constant 0 : i32
      %dma_wait3A_133 = tpu.memref_slice %arg3[%add3A_10, %dma_wait3A_131, %dma_wait3A_132] : memref<12512x2x128xi32, #tpu.memory_space<hbm>> -> memref<1x2x128xi32, #tpu.memory_space<hbm>>
      %dma_wait3A_134 = tpu.memref_squeeze %dma_wait3A_133 : memref<1x2x128xi32, #tpu.memory_space<hbm>> -> memref<2x128xi32, #tpu.memory_space<hbm>>
      %dma_wait3A_135 = arith.constant 0 : i32
      %dma_wait3A_136 = arith.constant 0 : i32
      %dma_wait3A_137 = tpu.memref_slice %arg3[%add3A_10, %dma_wait3A_135, %dma_wait3A_136] : memref<12512x2x128xi32, #tpu.memory_space<hbm>> -> memref<1x2x128xi32, #tpu.memory_space<hbm>>
      %dma_wait3A_138 = tpu.memref_squeeze %dma_wait3A_137 : memref<1x2x128xi32, #tpu.memory_space<hbm>> -> memref<2x128xi32, #tpu.memory_space<hbm>>
      tpu.wait_dma2 semaphore(%run_scoped3A : memref<!tpu.dma_semaphore, #tpu.memory_space<semaphore_mem>>) src(%dma_wait3A_138 : memref<2x128xi32, #tpu.memory_space<hbm>>) dst(%arg10 : memref<2x128xi32, #tpu.memory_space<vmem>>)
      tpu.yield
    }) : () -> ()
    %dma_start3A = arith.constant 0 : i32
    %dma_start3A_11 = arith.constant 0 : i32
    %dma_start3A_12 = tpu.memref_slice %arg10[%dma_start3A, %dma_start3A_11] : memref<2x128xi32, #tpu.memory_space<vmem>> -> memref<1x128xi32, #tpu.memory_space<vmem>>
    %dma_start3A_13 = tpu.memref_squeeze %dma_start3A_12 : memref<1x128xi32, #tpu.memory_space<vmem>> -> memref<128xi32, #tpu.memory_space<vmem>>
    %dma_start3A_14 = arith.constant 0 : i32
    %dma_start3A_15 = arith.constant 0 : i32
    %dma_start3A_16 = tpu.memref_slice %arg2[%dma_start3A_14, %dma_start3A_15] : memref<100000x32xf32, #tpu.memory_space<hbm>> -> memref<100000x32xf32, #tpu.memory_space<hbm>>
    tpu.enqueue_indirect_dma source(%dma_start3A_16 : memref<100000x32xf32, #tpu.memory_space<hbm>>) target(%arg6 : memref<128x32xf32, #tpu.memory_space<vmem>>) offsets(%dma_start3A_13 : memref<128xi32, #tpu.memory_space<vmem>>) semaphore(%arg14 : memref<!tpu.dma_semaphore, #tpu.memory_space<semaphore_mem>>)
    %add3A_17 = arith.constant 1 : i32
    %add3A_18 = arith.addi %mul3A_8, %add3A_17 : i32
    "tpu.region"() ({
      %run_scoped3A = tpu.sem_alloc : memref<!tpu.dma_semaphore, #tpu.memory_space<semaphore_mem>>
      %dma_start3A_123 = arith.constant 0 : i32
      %dma_start3A_124 = arith.constant 0 : i32
      %dma_start3A_125 = tpu.memref_slice %arg3[%add3A_18, %dma_start3A_123, %dma_start3A_124] : memref<12512x2x128xi32, #tpu.memory_space<hbm>> -> memref<1x2x128xi32, #tpu.memory_space<hbm>>
      %dma_start3A_126 = tpu.memref_squeeze %dma_start3A_125 : memref<1x2x128xi32, #tpu.memory_space<hbm>> -> memref<2x128xi32, #tpu.memory_space<hbm>>
      %dma_start3A_127 = arith.constant 0 : i32
      %dma_start3A_128 = arith.constant 0 : i32
      %dma_start3A_129 = tpu.memref_slice %arg3[%add3A_18, %dma_start3A_127, %dma_start3A_128] : memref<12512x2x128xi32, #tpu.memory_space<hbm>> -> memref<1x2x128xi32, #tpu.memory_space<hbm>>
      %dma_start3A_130 = tpu.memref_squeeze %dma_start3A_129 : memref<1x2x128xi32, #tpu.memory_space<hbm>> -> memref<2x128xi32, #tpu.memory_space<hbm>>
      tpu.enqueue_dma source(%dma_start3A_130 : memref<2x128xi32, #tpu.memory_space<hbm>>) target(%arg11 : memref<2x128xi32, #tpu.memory_space<vmem>>) target_semaphore(%run_scoped3A : memref<!tpu.dma_semaphore, #tpu.memory_space<semaphore_mem>>)
      %dma_wait3A_131 = arith.constant 0 : i32
      %dma_wait3A_132 = arith.constant 0 : i32
      %dma_wait3A_133 = tpu.memref_slice %arg3[%add3A_18, %dma_wait3A_131, %dma_wait3A_132] : memref<12512x2x128xi32, #tpu.memory_space<hbm>> -> memref<1x2x128xi32, #tpu.memory_space<hbm>>
      %dma_wait3A_134 = tpu.memref_squeeze %dma_wait3A_133 : memref<1x2x128xi32, #tpu.memory_space<hbm>> -> memref<2x128xi32, #tpu.memory_space<hbm>>
      %dma_wait3A_135 = arith.constant 0 : i32
      %dma_wait3A_136 = arith.constant 0 : i32
      %dma_wait3A_137 = tpu.memref_slice %arg3[%add3A_18, %dma_wait3A_135, %dma_wait3A_136] : memref<12512x2x128xi32, #tpu.memory_space<hbm>> -> memref<1x2x128xi32, #tpu.memory_space<hbm>>
      %dma_wait3A_138 = tpu.memref_squeeze %dma_wait3A_137 : memref<1x2x128xi32, #tpu.memory_space<hbm>> -> memref<2x128xi32, #tpu.memory_space<hbm>>
      tpu.wait_dma2 semaphore(%run_scoped3A : memref<!tpu.dma_semaphore, #tpu.memory_space<semaphore_mem>>) src(%dma_wait3A_138 : memref<2x128xi32, #tpu.memory_space<hbm>>) dst(%arg11 : memref<2x128xi32, #tpu.memory_space<vmem>>)
      tpu.yield
    }) : () -> ()
    %dma_start3A_19 = arith.constant 0 : i32
    %dma_start3A_20 = arith.constant 0 : i32
    %dma_start3A_21 = tpu.memref_slice %arg11[%dma_start3A_19, %dma_start3A_20] : memref<2x128xi32, #tpu.memory_space<vmem>> -> memref<1x128xi32, #tpu.memory_space<vmem>>
    %dma_start3A_22 = tpu.memref_squeeze %dma_start3A_21 : memref<1x128xi32, #tpu.memory_space<vmem>> -> memref<128xi32, #tpu.memory_space<vmem>>
    %dma_start3A_23 = arith.constant 0 : i32
    %dma_start3A_24 = arith.constant 0 : i32
    %dma_start3A_25 = tpu.memref_slice %arg2[%dma_start3A_23, %dma_start3A_24] : memref<100000x32xf32, #tpu.memory_space<hbm>> -> memref<100000x32xf32, #tpu.memory_space<hbm>>
    tpu.enqueue_indirect_dma source(%dma_start3A_25 : memref<100000x32xf32, #tpu.memory_space<hbm>>) target(%arg7 : memref<128x32xf32, #tpu.memory_space<vmem>>) offsets(%dma_start3A_22 : memref<128xi32, #tpu.memory_space<vmem>>) semaphore(%arg15 : memref<!tpu.dma_semaphore, #tpu.memory_space<semaphore_mem>>)
    %add3A_26 = arith.constant 2 : i32
    %add3A_27 = arith.addi %mul3A_8, %add3A_26 : i32
    "tpu.region"() ({
      %run_scoped3A = tpu.sem_alloc : memref<!tpu.dma_semaphore, #tpu.memory_space<semaphore_mem>>
      %dma_start3A_123 = arith.constant 0 : i32
      %dma_start3A_124 = arith.constant 0 : i32
      %dma_start3A_125 = tpu.memref_slice %arg3[%add3A_27, %dma_start3A_123, %dma_start3A_124] : memref<12512x2x128xi32, #tpu.memory_space<hbm>> -> memref<1x2x128xi32, #tpu.memory_space<hbm>>
      %dma_start3A_126 = tpu.memref_squeeze %dma_start3A_125 : memref<1x2x128xi32, #tpu.memory_space<hbm>> -> memref<2x128xi32, #tpu.memory_space<hbm>>
      %dma_start3A_127 = arith.constant 0 : i32
      %dma_start3A_128 = arith.constant 0 : i32
      %dma_start3A_129 = tpu.memref_slice %arg3[%add3A_27, %dma_start3A_127, %dma_start3A_128] : memref<12512x2x128xi32, #tpu.memory_space<hbm>> -> memref<1x2x128xi32, #tpu.memory_space<hbm>>
      %dma_start3A_130 = tpu.memref_squeeze %dma_start3A_129 : memref<1x2x128xi32, #tpu.memory_space<hbm>> -> memref<2x128xi32, #tpu.memory_space<hbm>>
      tpu.enqueue_dma source(%dma_start3A_130 : memref<2x128xi32, #tpu.memory_space<hbm>>) target(%arg12 : memref<2x128xi32, #tpu.memory_space<vmem>>) target_semaphore(%run_scoped3A : memref<!tpu.dma_semaphore, #tpu.memory_space<semaphore_mem>>)
      %dma_wait3A_131 = arith.constant 0 : i32
      %dma_wait3A_132 = arith.constant 0 : i32
      %dma_wait3A_133 = tpu.memref_slice %arg3[%add3A_27, %dma_wait3A_131, %dma_wait3A_132] : memref<12512x2x128xi32, #tpu.memory_space<hbm>> -> memref<1x2x128xi32, #tpu.memory_space<hbm>>
      %dma_wait3A_134 = tpu.memref_squeeze %dma_wait3A_133 : memref<1x2x128xi32, #tpu.memory_space<hbm>> -> memref<2x128xi32, #tpu.memory_space<hbm>>
      %dma_wait3A_135 = arith.constant 0 : i32
      %dma_wait3A_136 = arith.constant 0 : i32
      %dma_wait3A_137 = tpu.memref_slice %arg3[%add3A_27, %dma_wait3A_135, %dma_wait3A_136] : memref<12512x2x128xi32, #tpu.memory_space<hbm>> -> memref<1x2x128xi32, #tpu.memory_space<hbm>>
      %dma_wait3A_138 = tpu.memref_squeeze %dma_wait3A_137 : memref<1x2x128xi32, #tpu.memory_space<hbm>> -> memref<2x128xi32, #tpu.memory_space<hbm>>
      tpu.wait_dma2 semaphore(%run_scoped3A : memref<!tpu.dma_semaphore, #tpu.memory_space<semaphore_mem>>) src(%dma_wait3A_138 : memref<2x128xi32, #tpu.memory_space<hbm>>) dst(%arg12 : memref<2x128xi32, #tpu.memory_space<vmem>>)
      tpu.yield
    }) : () -> ()
    %dma_start3A_28 = arith.constant 0 : i32
    %dma_start3A_29 = arith.constant 0 : i32
    %dma_start3A_30 = tpu.memref_slice %arg12[%dma_start3A_28, %dma_start3A_29] : memref<2x128xi32, #tpu.memory_space<vmem>> -> memref<1x128xi32, #tpu.memory_space<vmem>>
    %dma_start3A_31 = tpu.memref_squeeze %dma_start3A_30 : memref<1x128xi32, #tpu.memory_space<vmem>> -> memref<128xi32, #tpu.memory_space<vmem>>
    %dma_start3A_32 = arith.constant 0 : i32
    %dma_start3A_33 = arith.constant 0 : i32
    %dma_start3A_34 = tpu.memref_slice %arg2[%dma_start3A_32, %dma_start3A_33] : memref<100000x32xf32, #tpu.memory_space<hbm>> -> memref<100000x32xf32, #tpu.memory_space<hbm>>
    tpu.enqueue_indirect_dma source(%dma_start3A_34 : memref<100000x32xf32, #tpu.memory_space<hbm>>) target(%arg8 : memref<128x32xf32, #tpu.memory_space<vmem>>) offsets(%dma_start3A_31 : memref<128xi32, #tpu.memory_space<vmem>>) semaphore(%arg16 : memref<!tpu.dma_semaphore, #tpu.memory_space<semaphore_mem>>)
    %scan3A = arith.constant 0 : i32
    %scan3A_35 = arith.constant 0 : i32
    %scan3A_36 = arith.constant 97 : i32
    %scan3A_37 = arith.addi %scan3A_35, %scan3A_36 : i32
    %scan3A_38 = arith.constant 1 : i32
    %scan3A_39 = scf.for %scan3A_123 = %scan3A_35 to %scan3A_37 step %scan3A_38 iter_args(%scan3A_124 = %scan3A) -> (i32)  : i32 {
      %mul3A_125 = arith.constant 4 : i32
      %mul3A_126 = arith.muli %mul3A_125, %scan3A_123 : i32
      %add3A_127 = arith.constant 0 : i32
      %add3A_128 = arith.addi %mul3A_126, %add3A_127 : i32
      %dma_wait3A_129 = arith.constant 0 : i32
      %dma_wait3A_130 = arith.constant 0 : i32
      %dma_wait3A_131 = tpu.memref_slice %arg10[%dma_wait3A_129, %dma_wait3A_130] : memref<2x128xi32, #tpu.memory_space<vmem>> -> memref<1x128xi32, #tpu.memory_space<vmem>>
      %dma_wait3A_132 = tpu.memref_squeeze %dma_wait3A_131 : memref<1x128xi32, #tpu.memory_space<vmem>> -> memref<128xi32, #tpu.memory_space<vmem>>
      %dma_wait3A_133 = arith.constant 0 : i32
      %dma_wait3A_134 = arith.constant 0 : i32
      %dma_wait3A_135 = tpu.memref_slice %arg2[%dma_wait3A_133, %dma_wait3A_134] : memref<100000x32xf32, #tpu.memory_space<hbm>> -> memref<100000x32xf32, #tpu.memory_space<hbm>>
      tpu.wait_indirect_dma semaphore(%arg14 : memref<!tpu.dma_semaphore, #tpu.memory_space<semaphore_mem>>) src(%dma_wait3A_135 : memref<100000x32xf32, #tpu.memory_space<hbm>>) dst(%arg6 : memref<128x32xf32, #tpu.memory_space<vmem>>)
      %dma_start3A_136 = arith.constant 1 : i32
      %dma_start3A_137 = arith.constant 0 : i32
      %dma_start3A_138 = tpu.memref_slice %arg10[%dma_start3A_136, %dma_start3A_137] : memref<2x128xi32, #tpu.memory_space<vmem>> -> memref<1x128xi32, #tpu.memory_space<vmem>>
      %dma_start3A_139 = tpu.memref_squeeze %dma_start3A_138 : memref<1x128xi32, #tpu.memory_space<vmem>> -> memref<128xi32, #tpu.memory_space<vmem>>
      %dma_start3A_140 = arith.constant 0 : i32
      %dma_start3A_141 = arith.constant 0 : i32
      %dma_start3A_142 = tpu.memref_slice %arg22[%dma_start3A_140, %dma_start3A_141] : memref<50008x32xf32, #tpu.memory_space<vmem_shared>> -> memref<50008x32xf32, #tpu.memory_space<vmem_shared>>
      tpu.enqueue_indirect_dma source(%arg6 : memref<128x32xf32, #tpu.memory_space<vmem>>) target(%dma_start3A_142 : memref<50008x32xf32, #tpu.memory_space<vmem_shared>>) offsets(%dma_start3A_139 : memref<128xi32, #tpu.memory_space<vmem>>) semaphore(%arg18 : memref<!tpu.dma_semaphore, #tpu.memory_space<semaphore_mem>>) {add = true}
      %add3A_143 = arith.constant 3 : i32
      %add3A_144 = arith.addi %add3A_128, %add3A_143 : i32
      %lt3A_145 = arith.constant 391 : i32
      %lt3A_146 = arith.cmpi slt, %add3A_144, %lt3A_145 : i32
      %convert_element_type3A_147 = arith.extui %lt3A_146 : i1 to i32
      %cond3A_148 = arith.constant 0 : i32
      %cond3A_149 = arith.cmpi ne, %convert_element_type3A_147, %cond3A_148 : i32
      scf.if %cond3A_149 {
        %ge3A = arith.constant 4 : i32
        %ge3A_226 = arith.cmpi sge, %add3A_144, %ge3A : i32
        %convert_element_type3A_227 = arith.extui %ge3A_226 : i1 to i32
        %cond3A_228 = arith.constant 0 : i32
        %cond3A_229 = arith.cmpi ne, %convert_element_type3A_227, %cond3A_228 : i32
        scf.if %cond3A_229 {
          %dma_wait3A_238 = arith.constant 1 : i32
          %dma_wait3A_239 = arith.constant 0 : i32
          %dma_wait3A_240 = tpu.memref_slice %arg13[%dma_wait3A_238, %dma_wait3A_239] : memref<2x128xi32, #tpu.memory_space<vmem>> -> memref<1x128xi32, #tpu.memory_space<vmem>>
          %dma_wait3A_241 = tpu.memref_squeeze %dma_wait3A_240 : memref<1x128xi32, #tpu.memory_space<vmem>> -> memref<128xi32, #tpu.memory_space<vmem>>
          %dma_wait3A_242 = arith.constant 0 : i32
          %dma_wait3A_243 = arith.constant 0 : i32
          %dma_wait3A_244 = tpu.memref_slice %arg22[%dma_wait3A_242, %dma_wait3A_243] : memref<50008x32xf32, #tpu.memory_space<vmem_shared>> -> memref<50008x32xf32, #tpu.memory_space<vmem_shared>>
          tpu.wait_indirect_dma semaphore(%arg21 : memref<!tpu.dma_semaphore, #tpu.memory_space<semaphore_mem>>) src(%arg9 : memref<128x32xf32, #tpu.memory_space<vmem>>) dst(%dma_wait3A_244 : memref<50008x32xf32, #tpu.memory_space<vmem_shared>>)
        } else {
        }
        %add3A_230 = arith.addi %mul3A_8, %add3A_144 : i32
        "tpu.region"() ({
          %run_scoped3A = tpu.sem_alloc : memref<!tpu.dma_semaphore, #tpu.memory_space<semaphore_mem>>
          %dma_start3A_238 = arith.constant 0 : i32
          %dma_start3A_239 = arith.constant 0 : i32
          %dma_start3A_240 = tpu.memref_slice %arg3[%add3A_230, %dma_start3A_238, %dma_start3A_239] : memref<12512x2x128xi32, #tpu.memory_space<hbm>> -> memref<1x2x128xi32, #tpu.memory_space<hbm>>
          %dma_start3A_241 = tpu.memref_squeeze %dma_start3A_240 : memref<1x2x128xi32, #tpu.memory_space<hbm>> -> memref<2x128xi32, #tpu.memory_space<hbm>>
          %dma_start3A_242 = arith.constant 0 : i32
          %dma_start3A_243 = arith.constant 0 : i32
          %dma_start3A_244 = tpu.memref_slice %arg3[%add3A_230, %dma_start3A_242, %dma_start3A_243] : memref<12512x2x128xi32, #tpu.memory_space<hbm>> -> memref<1x2x128xi32, #tpu.memory_space<hbm>>
          %dma_start3A_245 = tpu.memref_squeeze %dma_start3A_244 : memref<1x2x128xi32, #tpu.memory_space<hbm>> -> memref<2x128xi32, #tpu.memory_space<hbm>>
          tpu.enqueue_dma source(%dma_start3A_245 : memref<2x128xi32, #tpu.memory_space<hbm>>) target(%arg13 : memref<2x128xi32, #tpu.memory_space<vmem>>) target_semaphore(%run_scoped3A : memref<!tpu.dma_semaphore, #tpu.memory_space<semaphore_mem>>)
          %dma_wait3A_246 = arith.constant 0 : i32
          %dma_wait3A_247 = arith.constant 0 : i32
          %dma_wait3A_248 = tpu.memref_slice %arg3[%add3A_230, %dma_wait3A_246, %dma_wait3A_247] : memref<12512x2x128xi32, #tpu.memory_space<hbm>> -> memref<1x2x128xi32, #tpu.memory_space<hbm>>
          %dma_wait3A_249 = tpu.memref_squeeze %dma_wait3A_248 : memref<1x2x128xi32, #tpu.memory_space<hbm>> -> memref<2x128xi32, #tpu.memory_space<hbm>>
          %dma_wait3A_250 = arith.constant 0 : i32
          %dma_wait3A_251 = arith.constant 0 : i32
          %dma_wait3A_252 = tpu.memref_slice %arg3[%add3A_230, %dma_wait3A_250, %dma_wait3A_251] : memref<12512x2x128xi32, #tpu.memory_space<hbm>> -> memref<1x2x128xi32, #tpu.memory_space<hbm>>
          %dma_wait3A_253 = tpu.memref_squeeze %dma_wait3A_252 : memref<1x2x128xi32, #tpu.memory_space<hbm>> -> memref<2x128xi32, #tpu.memory_space<hbm>>
          tpu.wait_dma2 semaphore(%run_scoped3A : memref<!tpu.dma_semaphore, #tpu.memory_space<semaphore_mem>>) src(%dma_wait3A_253 : memref<2x128xi32, #tpu.memory_space<hbm>>) dst(%arg13 : memref<2x128xi32, #tpu.memory_space<vmem>>)
          tpu.yield
        }) : () -> ()
        %dma_start3A_231 = arith.constant 0 : i32
        %dma_start3A_232 = arith.constant 0 : i32
        %dma_start3A_233 = tpu.memref_slice %arg13[%dma_start3A_231, %dma_start3A_232] : memref<2x128xi32, #tpu.memory_space<vmem>> -> memref<1x128xi32, #tpu.memory_space<vmem>>
        %dma_start3A_234 = tpu.memref_squeeze %dma_start3A_233 : memref<1x128xi32, #tpu.memory_space<vmem>> -> memref<128xi32, #tpu.memory_space<vmem>>
        %dma_start3A_235 = arith.constant 0 : i32
        %dma_start3A_236 = arith.constant 0 : i32
        %dma_start3A_237 = tpu.memref_slice %arg2[%dma_start3A_235, %dma_start3A_236] : memref<100000x32xf32, #tpu.memory_space<hbm>> -> memref<100000x32xf32, #tpu.memory_space<hbm>>
        tpu.enqueue_indirect_dma source(%dma_start3A_237 : memref<100000x32xf32, #tpu.memory_space<hbm>>) target(%arg9 : memref<128x32xf32, #tpu.memory_space<vmem>>) offsets(%dma_start3A_234 : memref<128xi32, #tpu.memory_space<vmem>>) semaphore(%arg17 : memref<!tpu.dma_semaphore, #tpu.memory_space<semaphore_mem>>)
      } else {
      }
      %mul3A_150 = arith.constant 4 : i32
      %mul3A_151 = arith.muli %mul3A_150, %scan3A_123 : i32
      %add3A_152 = arith.constant 1 : i32
      %add3A_153 = arith.addi %mul3A_151, %add3A_152 : i32
      %dma_wait3A_154 = arith.constant 0 : i32
      %dma_wait3A_155 = arith.constant 0 : i32
      %dma_wait3A_156 = tpu.memref_slice %arg11[%dma_wait3A_154, %dma_wait3A_155] : memref<2x128xi32, #tpu.memory_space<vmem>> -> memref<1x128xi32, #tpu.memory_space<vmem>>
      %dma_wait3A_157 = tpu.memref_squeeze %dma_wait3A_156 : memref<1x128xi32, #tpu.memory_space<vmem>> -> memref<128xi32, #tpu.memory_space<vmem>>
      %dma_wait3A_158 = arith.constant 0 : i32
      %dma_wait3A_159 = arith.constant 0 : i32
      %dma_wait3A_160 = tpu.memref_slice %arg2[%dma_wait3A_158, %dma_wait3A_159] : memref<100000x32xf32, #tpu.memory_space<hbm>> -> memref<100000x32xf32, #tpu.memory_space<hbm>>
      tpu.wait_indirect_dma semaphore(%arg15 : memref<!tpu.dma_semaphore, #tpu.memory_space<semaphore_mem>>) src(%dma_wait3A_160 : memref<100000x32xf32, #tpu.memory_space<hbm>>) dst(%arg7 : memref<128x32xf32, #tpu.memory_space<vmem>>)
      %dma_start3A_161 = arith.constant 1 : i32
      %dma_start3A_162 = arith.constant 0 : i32
      %dma_start3A_163 = tpu.memref_slice %arg11[%dma_start3A_161, %dma_start3A_162] : memref<2x128xi32, #tpu.memory_space<vmem>> -> memref<1x128xi32, #tpu.memory_space<vmem>>
      %dma_start3A_164 = tpu.memref_squeeze %dma_start3A_163 : memref<1x128xi32, #tpu.memory_space<vmem>> -> memref<128xi32, #tpu.memory_space<vmem>>
      %dma_start3A_165 = arith.constant 0 : i32
      %dma_start3A_166 = arith.constant 0 : i32
      %dma_start3A_167 = tpu.memref_slice %arg22[%dma_start3A_165, %dma_start3A_166] : memref<50008x32xf32, #tpu.memory_space<vmem_shared>> -> memref<50008x32xf32, #tpu.memory_space<vmem_shared>>
      tpu.enqueue_indirect_dma source(%arg7 : memref<128x32xf32, #tpu.memory_space<vmem>>) target(%dma_start3A_167 : memref<50008x32xf32, #tpu.memory_space<vmem_shared>>) offsets(%dma_start3A_164 : memref<128xi32, #tpu.memory_space<vmem>>) semaphore(%arg19 : memref<!tpu.dma_semaphore, #tpu.memory_space<semaphore_mem>>) {add = true}
      %add3A_168 = arith.constant 3 : i32
      %add3A_169 = arith.addi %add3A_153, %add3A_168 : i32
      %lt3A_170 = arith.constant 391 : i32
      %lt3A_171 = arith.cmpi slt, %add3A_169, %lt3A_170 : i32
      %convert_element_type3A_172 = arith.extui %lt3A_171 : i1 to i32
      %cond3A_173 = arith.constant 0 : i32
      %cond3A_174 = arith.cmpi ne, %convert_element_type3A_172, %cond3A_173 : i32
      scf.if %cond3A_174 {
        %ge3A = arith.constant 4 : i32
        %ge3A_226 = arith.cmpi sge, %add3A_169, %ge3A : i32
        %convert_element_type3A_227 = arith.extui %ge3A_226 : i1 to i32
        %cond3A_228 = arith.constant 0 : i32
        %cond3A_229 = arith.cmpi ne, %convert_element_type3A_227, %cond3A_228 : i32
        scf.if %cond3A_229 {
          %dma_wait3A_238 = arith.constant 1 : i32
          %dma_wait3A_239 = arith.constant 0 : i32
          %dma_wait3A_240 = tpu.memref_slice %arg10[%dma_wait3A_238, %dma_wait3A_239] : memref<2x128xi32, #tpu.memory_space<vmem>> -> memref<1x128xi32, #tpu.memory_space<vmem>>
          %dma_wait3A_241 = tpu.memref_squeeze %dma_wait3A_240 : memref<1x128xi32, #tpu.memory_space<vmem>> -> memref<128xi32, #tpu.memory_space<vmem>>
          %dma_wait3A_242 = arith.constant 0 : i32
          %dma_wait3A_243 = arith.constant 0 : i32
          %dma_wait3A_244 = tpu.memref_slice %arg22[%dma_wait3A_242, %dma_wait3A_243] : memref<50008x32xf32, #tpu.memory_space<vmem_shared>> -> memref<50008x32xf32, #tpu.memory_space<vmem_shared>>
          tpu.wait_indirect_dma semaphore(%arg18 : memref<!tpu.dma_semaphore, #tpu.memory_space<semaphore_mem>>) src(%arg6 : memref<128x32xf32, #tpu.memory_space<vmem>>) dst(%dma_wait3A_244 : memref<50008x32xf32, #tpu.memory_space<vmem_shared>>)
        } else {
        }
        %add3A_230 = arith.addi %mul3A_8, %add3A_169 : i32
        "tpu.region"() ({
          %run_scoped3A = tpu.sem_alloc : memref<!tpu.dma_semaphore, #tpu.memory_space<semaphore_mem>>
          %dma_start3A_238 = arith.constant 0 : i32
          %dma_start3A_239 = arith.constant 0 : i32
          %dma_start3A_240 = tpu.memref_slice %arg3[%add3A_230, %dma_start3A_238, %dma_start3A_239] : memref<12512x2x128xi32, #tpu.memory_space<hbm>> -> memref<1x2x128xi32, #tpu.memory_space<hbm>>
          %dma_start3A_241 = tpu.memref_squeeze %dma_start3A_240 : memref<1x2x128xi32, #tpu.memory_space<hbm>> -> memref<2x128xi32, #tpu.memory_space<hbm>>
          %dma_start3A_242 = arith.constant 0 : i32
          %dma_start3A_243 = arith.constant 0 : i32
          %dma_start3A_244 = tpu.memref_slice %arg3[%add3A_230, %dma_start3A_242, %dma_start3A_243] : memref<12512x2x128xi32, #tpu.memory_space<hbm>> -> memref<1x2x128xi32, #tpu.memory_space<hbm>>
          %dma_start3A_245 = tpu.memref_squeeze %dma_start3A_244 : memref<1x2x128xi32, #tpu.memory_space<hbm>> -> memref<2x128xi32, #tpu.memory_space<hbm>>
          tpu.enqueue_dma source(%dma_start3A_245 : memref<2x128xi32, #tpu.memory_space<hbm>>) target(%arg10 : memref<2x128xi32, #tpu.memory_space<vmem>>) target_semaphore(%run_scoped3A : memref<!tpu.dma_semaphore, #tpu.memory_space<semaphore_mem>>)
          %dma_wait3A_246 = arith.constant 0 : i32
          %dma_wait3A_247 = arith.constant 0 : i32
          %dma_wait3A_248 = tpu.memref_slice %arg3[%add3A_230, %dma_wait3A_246, %dma_wait3A_247] : memref<12512x2x128xi32, #tpu.memory_space<hbm>> -> memref<1x2x128xi32, #tpu.memory_space<hbm>>
          %dma_wait3A_249 = tpu.memref_squeeze %dma_wait3A_248 : memref<1x2x128xi32, #tpu.memory_space<hbm>> -> memref<2x128xi32, #tpu.memory_space<hbm>>
          %dma_wait3A_250 = arith.constant 0 : i32
          %dma_wait3A_251 = arith.constant 0 : i32
          %dma_wait3A_252 = tpu.memref_slice %arg3[%add3A_230, %dma_wait3A_250, %dma_wait3A_251] : memref<12512x2x128xi32, #tpu.memory_space<hbm>> -> memref<1x2x128xi32, #tpu.memory_space<hbm>>
          %dma_wait3A_253 = tpu.memref_squeeze %dma_wait3A_252 : memref<1x2x128xi32, #tpu.memory_space<hbm>> -> memref<2x128xi32, #tpu.memory_space<hbm>>
          tpu.wait_dma2 semaphore(%run_scoped3A : memref<!tpu.dma_semaphore, #tpu.memory_space<semaphore_mem>>) src(%dma_wait3A_253 : memref<2x128xi32, #tpu.memory_space<hbm>>) dst(%arg10 : memref<2x128xi32, #tpu.memory_space<vmem>>)
          tpu.yield
        }) : () -> ()
        %dma_start3A_231 = arith.constant 0 : i32
        %dma_start3A_232 = arith.constant 0 : i32
        %dma_start3A_233 = tpu.memref_slice %arg10[%dma_start3A_231, %dma_start3A_232] : memref<2x128xi32, #tpu.memory_space<vmem>> -> memref<1x128xi32, #tpu.memory_space<vmem>>
        %dma_start3A_234 = tpu.memref_squeeze %dma_start3A_233 : memref<1x128xi32, #tpu.memory_space<vmem>> -> memref<128xi32, #tpu.memory_space<vmem>>
        %dma_start3A_235 = arith.constant 0 : i32
        %dma_start3A_236 = arith.constant 0 : i32
        %dma_start3A_237 = tpu.memref_slice %arg2[%dma_start3A_235, %dma_start3A_236] : memref<100000x32xf32, #tpu.memory_space<hbm>> -> memref<100000x32xf32, #tpu.memory_space<hbm>>
        tpu.enqueue_indirect_dma source(%dma_start3A_237 : memref<100000x32xf32, #tpu.memory_space<hbm>>) target(%arg6 : memref<128x32xf32, #tpu.memory_space<vmem>>) offsets(%dma_start3A_234 : memref<128xi32, #tpu.memory_space<vmem>>) semaphore(%arg14 : memref<!tpu.dma_semaphore, #tpu.memory_space<semaphore_mem>>)
      } else {
      }
      %mul3A_175 = arith.constant 4 : i32
      %mul3A_176 = arith.muli %mul3A_175, %scan3A_123 : i32
      %add3A_177 = arith.constant 2 : i32
      %add3A_178 = arith.addi %mul3A_176, %add3A_177 : i32
      %dma_wait3A_179 = arith.constant 0 : i32
      %dma_wait3A_180 = arith.constant 0 : i32
      %dma_wait3A_181 = tpu.memref_slice %arg12[%dma_wait3A_179, %dma_wait3A_180] : memref<2x128xi32, #tpu.memory_space<vmem>> -> memref<1x128xi32, #tpu.memory_space<vmem>>
      %dma_wait3A_182 = tpu.memref_squeeze %dma_wait3A_181 : memref<1x128xi32, #tpu.memory_space<vmem>> -> memref<128xi32, #tpu.memory_space<vmem>>
      %dma_wait3A_183 = arith.constant 0 : i32
      %dma_wait3A_184 = arith.constant 0 : i32
      %dma_wait3A_185 = tpu.memref_slice %arg2[%dma_wait3A_183, %dma_wait3A_184] : memref<100000x32xf32, #tpu.memory_space<hbm>> -> memref<100000x32xf32, #tpu.memory_space<hbm>>
      tpu.wait_indirect_dma semaphore(%arg16 : memref<!tpu.dma_semaphore, #tpu.memory_space<semaphore_mem>>) src(%dma_wait3A_185 : memref<100000x32xf32, #tpu.memory_space<hbm>>) dst(%arg8 : memref<128x32xf32, #tpu.memory_space<vmem>>)
      %dma_start3A_186 = arith.constant 1 : i32
      %dma_start3A_187 = arith.constant 0 : i32
      %dma_start3A_188 = tpu.memref_slice %arg12[%dma_start3A_186, %dma_start3A_187] : memref<2x128xi32, #tpu.memory_space<vmem>> -> memref<1x128xi32, #tpu.memory_space<vmem>>
      %dma_start3A_189 = tpu.memref_squeeze %dma_start3A_188 : memref<1x128xi32, #tpu.memory_space<vmem>> -> memref<128xi32, #tpu.memory_space<vmem>>
      %dma_start3A_190 = arith.constant 0 : i32
      %dma_start3A_191 = arith.constant 0 : i32
      %dma_start3A_192 = tpu.memref_slice %arg22[%dma_start3A_190, %dma_start3A_191] : memref<50008x32xf32, #tpu.memory_space<vmem_shared>> -> memref<50008x32xf32, #tpu.memory_space<vmem_shared>>
      tpu.enqueue_indirect_dma source(%arg8 : memref<128x32xf32, #tpu.memory_space<vmem>>) target(%dma_start3A_192 : memref<50008x32xf32, #tpu.memory_space<vmem_shared>>) offsets(%dma_start3A_189 : memref<128xi32, #tpu.memory_space<vmem>>) semaphore(%arg20 : memref<!tpu.dma_semaphore, #tpu.memory_space<semaphore_mem>>) {add = true}
      %add3A_193 = arith.constant 3 : i32
      %add3A_194 = arith.addi %add3A_178, %add3A_193 : i32
      %lt3A_195 = arith.constant 391 : i32
      %lt3A_196 = arith.cmpi slt, %add3A_194, %lt3A_195 : i32
      %convert_element_type3A_197 = arith.extui %lt3A_196 : i1 to i32
      %cond3A_198 = arith.constant 0 : i32
      %cond3A_199 = arith.cmpi ne, %convert_element_type3A_197, %cond3A_198 : i32
      scf.if %cond3A_199 {
        %ge3A = arith.constant 4 : i32
        %ge3A_226 = arith.cmpi sge, %add3A_194, %ge3A : i32
        %convert_element_type3A_227 = arith.extui %ge3A_226 : i1 to i32
        %cond3A_228 = arith.constant 0 : i32
        %cond3A_229 = arith.cmpi ne, %convert_element_type3A_227, %cond3A_228 : i32
        scf.if %cond3A_229 {
          %dma_wait3A_238 = arith.constant 1 : i32
          %dma_wait3A_239 = arith.constant 0 : i32
          %dma_wait3A_240 = tpu.memref_slice %arg11[%dma_wait3A_238, %dma_wait3A_239] : memref<2x128xi32, #tpu.memory_space<vmem>> -> memref<1x128xi32, #tpu.memory_space<vmem>>
          %dma_wait3A_241 = tpu.memref_squeeze %dma_wait3A_240 : memref<1x128xi32, #tpu.memory_space<vmem>> -> memref<128xi32, #tpu.memory_space<vmem>>
          %dma_wait3A_242 = arith.constant 0 : i32
          %dma_wait3A_243 = arith.constant 0 : i32
          %dma_wait3A_244 = tpu.memref_slice %arg22[%dma_wait3A_242, %dma_wait3A_243] : memref<50008x32xf32, #tpu.memory_space<vmem_shared>> -> memref<50008x32xf32, #tpu.memory_space<vmem_shared>>
          tpu.wait_indirect_dma semaphore(%arg19 : memref<!tpu.dma_semaphore, #tpu.memory_space<semaphore_mem>>) src(%arg7 : memref<128x32xf32, #tpu.memory_space<vmem>>) dst(%dma_wait3A_244 : memref<50008x32xf32, #tpu.memory_space<vmem_shared>>)
        } else {
        }
        %add3A_230 = arith.addi %mul3A_8, %add3A_194 : i32
        "tpu.region"() ({
          %run_scoped3A = tpu.sem_alloc : memref<!tpu.dma_semaphore, #tpu.memory_space<semaphore_mem>>
          %dma_start3A_238 = arith.constant 0 : i32
          %dma_start3A_239 = arith.constant 0 : i32
          %dma_start3A_240 = tpu.memref_slice %arg3[%add3A_230, %dma_start3A_238, %dma_start3A_239] : memref<12512x2x128xi32, #tpu.memory_space<hbm>> -> memref<1x2x128xi32, #tpu.memory_space<hbm>>
          %dma_start3A_241 = tpu.memref_squeeze %dma_start3A_240 : memref<1x2x128xi32, #tpu.memory_space<hbm>> -> memref<2x128xi32, #tpu.memory_space<hbm>>
          %dma_start3A_242 = arith.constant 0 : i32
          %dma_start3A_243 = arith.constant 0 : i32
          %dma_start3A_244 = tpu.memref_slice %arg3[%add3A_230, %dma_start3A_242, %dma_start3A_243] : memref<12512x2x128xi32, #tpu.memory_space<hbm>> -> memref<1x2x128xi32, #tpu.memory_space<hbm>>
          %dma_start3A_245 = tpu.memref_squeeze %dma_start3A_244 : memref<1x2x128xi32, #tpu.memory_space<hbm>> -> memref<2x128xi32, #tpu.memory_space<hbm>>
          tpu.enqueue_dma source(%dma_start3A_245 : memref<2x128xi32, #tpu.memory_space<hbm>>) target(%arg11 : memref<2x128xi32, #tpu.memory_space<vmem>>) target_semaphore(%run_scoped3A : memref<!tpu.dma_semaphore, #tpu.memory_space<semaphore_mem>>)
          %dma_wait3A_246 = arith.constant 0 : i32
          %dma_wait3A_247 = arith.constant 0 : i32
          %dma_wait3A_248 = tpu.memref_slice %arg3[%add3A_230, %dma_wait3A_246, %dma_wait3A_247] : memref<12512x2x128xi32, #tpu.memory_space<hbm>> -> memref<1x2x128xi32, #tpu.memory_space<hbm>>
          %dma_wait3A_249 = tpu.memref_squeeze %dma_wait3A_248 : memref<1x2x128xi32, #tpu.memory_space<hbm>> -> memref<2x128xi32, #tpu.memory_space<hbm>>
          %dma_wait3A_250 = arith.constant 0 : i32
          %dma_wait3A_251 = arith.constant 0 : i32
          %dma_wait3A_252 = tpu.memref_slice %arg3[%add3A_230, %dma_wait3A_250, %dma_wait3A_251] : memref<12512x2x128xi32, #tpu.memory_space<hbm>> -> memref<1x2x128xi32, #tpu.memory_space<hbm>>
          %dma_wait3A_253 = tpu.memref_squeeze %dma_wait3A_252 : memref<1x2x128xi32, #tpu.memory_space<hbm>> -> memref<2x128xi32, #tpu.memory_space<hbm>>
          tpu.wait_dma2 semaphore(%run_scoped3A : memref<!tpu.dma_semaphore, #tpu.memory_space<semaphore_mem>>) src(%dma_wait3A_253 : memref<2x128xi32, #tpu.memory_space<hbm>>) dst(%arg11 : memref<2x128xi32, #tpu.memory_space<vmem>>)
          tpu.yield
        }) : () -> ()
        %dma_start3A_231 = arith.constant 0 : i32
        %dma_start3A_232 = arith.constant 0 : i32
        %dma_start3A_233 = tpu.memref_slice %arg11[%dma_start3A_231, %dma_start3A_232] : memref<2x128xi32, #tpu.memory_space<vmem>> -> memref<1x128xi32, #tpu.memory_space<vmem>>
        %dma_start3A_234 = tpu.memref_squeeze %dma_start3A_233 : memref<1x128xi32, #tpu.memory_space<vmem>> -> memref<128xi32, #tpu.memory_space<vmem>>
        %dma_start3A_235 = arith.constant 0 : i32
        %dma_start3A_236 = arith.constant 0 : i32
        %dma_start3A_237 = tpu.memref_slice %arg2[%dma_start3A_235, %dma_start3A_236] : memref<100000x32xf32, #tpu.memory_space<hbm>> -> memref<100000x32xf32, #tpu.memory_space<hbm>>
        tpu.enqueue_indirect_dma source(%dma_start3A_237 : memref<100000x32xf32, #tpu.memory_space<hbm>>) target(%arg7 : memref<128x32xf32, #tpu.memory_space<vmem>>) offsets(%dma_start3A_234 : memref<128xi32, #tpu.memory_space<vmem>>) semaphore(%arg15 : memref<!tpu.dma_semaphore, #tpu.memory_space<semaphore_mem>>)
      } else {
      }
      %mul3A_200 = arith.constant 4 : i32
      %mul3A_201 = arith.muli %mul3A_200, %scan3A_123 : i32
      %add3A_202 = arith.constant 3 : i32
      %add3A_203 = arith.addi %mul3A_201, %add3A_202 : i32
      %dma_wait3A_204 = arith.constant 0 : i32
      %dma_wait3A_205 = arith.constant 0 : i32
      %dma_wait3A_206 = tpu.memref_slice %arg13[%dma_wait3A_204, %dma_wait3A_205] : memref<2x128xi32, #tpu.memory_space<vmem>> -> memref<1x128xi32, #tpu.memory_space<vmem>>
      %dma_wait3A_207 = tpu.memref_squeeze %dma_wait3A_206 : memref<1x128xi32, #tpu.memory_space<vmem>> -> memref<128xi32, #tpu.memory_space<vmem>>
      %dma_wait3A_208 = arith.constant 0 : i32
      %dma_wait3A_209 = arith.constant 0 : i32
      %dma_wait3A_210 = tpu.memref_slice %arg2[%dma_wait3A_208, %dma_wait3A_209] : memref<100000x32xf32, #tpu.memory_space<hbm>> -> memref<100000x32xf32, #tpu.memory_space<hbm>>
      tpu.wait_indirect_dma semaphore(%arg17 : memref<!tpu.dma_semaphore, #tpu.memory_space<semaphore_mem>>) src(%dma_wait3A_210 : memref<100000x32xf32, #tpu.memory_space<hbm>>) dst(%arg9 : memref<128x32xf32, #tpu.memory_space<vmem>>)
      %dma_start3A_211 = arith.constant 1 : i32
      %dma_start3A_212 = arith.constant 0 : i32
      %dma_start3A_213 = tpu.memref_slice %arg13[%dma_start3A_211, %dma_start3A_212] : memref<2x128xi32, #tpu.memory_space<vmem>> -> memref<1x128xi32, #tpu.memory_space<vmem>>
      %dma_start3A_214 = tpu.memref_squeeze %dma_start3A_213 : memref<1x128xi32, #tpu.memory_space<vmem>> -> memref<128xi32, #tpu.memory_space<vmem>>
      %dma_start3A_215 = arith.constant 0 : i32
      %dma_start3A_216 = arith.constant 0 : i32
      %dma_start3A_217 = tpu.memref_slice %arg22[%dma_start3A_215, %dma_start3A_216] : memref<50008x32xf32, #tpu.memory_space<vmem_shared>> -> memref<50008x32xf32, #tpu.memory_space<vmem_shared>>
      tpu.enqueue_indirect_dma source(%arg9 : memref<128x32xf32, #tpu.memory_space<vmem>>) target(%dma_start3A_217 : memref<50008x32xf32, #tpu.memory_space<vmem_shared>>) offsets(%dma_start3A_214 : memref<128xi32, #tpu.memory_space<vmem>>) semaphore(%arg21 : memref<!tpu.dma_semaphore, #tpu.memory_space<semaphore_mem>>) {add = true}
      %add3A_218 = arith.constant 3 : i32
      %add3A_219 = arith.addi %add3A_203, %add3A_218 : i32
      %lt3A_220 = arith.constant 391 : i32
      %lt3A_221 = arith.cmpi slt, %add3A_219, %lt3A_220 : i32
      %convert_element_type3A_222 = arith.extui %lt3A_221 : i1 to i32
      %cond3A_223 = arith.constant 0 : i32
      %cond3A_224 = arith.cmpi ne, %convert_element_type3A_222, %cond3A_223 : i32
      scf.if %cond3A_224 {
        %ge3A = arith.constant 4 : i32
        %ge3A_226 = arith.cmpi sge, %add3A_219, %ge3A : i32
        %convert_element_type3A_227 = arith.extui %ge3A_226 : i1 to i32
        %cond3A_228 = arith.constant 0 : i32
        %cond3A_229 = arith.cmpi ne, %convert_element_type3A_227, %cond3A_228 : i32
        scf.if %cond3A_229 {
          %dma_wait3A_238 = arith.constant 1 : i32
          %dma_wait3A_239 = arith.constant 0 : i32
          %dma_wait3A_240 = tpu.memref_slice %arg12[%dma_wait3A_238, %dma_wait3A_239] : memref<2x128xi32, #tpu.memory_space<vmem>> -> memref<1x128xi32, #tpu.memory_space<vmem>>
          %dma_wait3A_241 = tpu.memref_squeeze %dma_wait3A_240 : memref<1x128xi32, #tpu.memory_space<vmem>> -> memref<128xi32, #tpu.memory_space<vmem>>
          %dma_wait3A_242 = arith.constant 0 : i32
          %dma_wait3A_243 = arith.constant 0 : i32
          %dma_wait3A_244 = tpu.memref_slice %arg22[%dma_wait3A_242, %dma_wait3A_243] : memref<50008x32xf32, #tpu.memory_space<vmem_shared>> -> memref<50008x32xf32, #tpu.memory_space<vmem_shared>>
          tpu.wait_indirect_dma semaphore(%arg20 : memref<!tpu.dma_semaphore, #tpu.memory_space<semaphore_mem>>) src(%arg8 : memref<128x32xf32, #tpu.memory_space<vmem>>) dst(%dma_wait3A_244 : memref<50008x32xf32, #tpu.memory_space<vmem_shared>>)
        } else {
        }
        %add3A_230 = arith.addi %mul3A_8, %add3A_219 : i32
        "tpu.region"() ({
          %run_scoped3A = tpu.sem_alloc : memref<!tpu.dma_semaphore, #tpu.memory_space<semaphore_mem>>
          %dma_start3A_238 = arith.constant 0 : i32
          %dma_start3A_239 = arith.constant 0 : i32
          %dma_start3A_240 = tpu.memref_slice %arg3[%add3A_230, %dma_start3A_238, %dma_start3A_239] : memref<12512x2x128xi32, #tpu.memory_space<hbm>> -> memref<1x2x128xi32, #tpu.memory_space<hbm>>
          %dma_start3A_241 = tpu.memref_squeeze %dma_start3A_240 : memref<1x2x128xi32, #tpu.memory_space<hbm>> -> memref<2x128xi32, #tpu.memory_space<hbm>>
          %dma_start3A_242 = arith.constant 0 : i32
          %dma_start3A_243 = arith.constant 0 : i32
          %dma_start3A_244 = tpu.memref_slice %arg3[%add3A_230, %dma_start3A_242, %dma_start3A_243] : memref<12512x2x128xi32, #tpu.memory_space<hbm>> -> memref<1x2x128xi32, #tpu.memory_space<hbm>>
          %dma_start3A_245 = tpu.memref_squeeze %dma_start3A_244 : memref<1x2x128xi32, #tpu.memory_space<hbm>> -> memref<2x128xi32, #tpu.memory_space<hbm>>
          tpu.enqueue_dma source(%dma_start3A_245 : memref<2x128xi32, #tpu.memory_space<hbm>>) target(%arg12 : memref<2x128xi32, #tpu.memory_space<vmem>>) target_semaphore(%run_scoped3A : memref<!tpu.dma_semaphore, #tpu.memory_space<semaphore_mem>>)
          %dma_wait3A_246 = arith.constant 0 : i32
          %dma_wait3A_247 = arith.constant 0 : i32
          %dma_wait3A_248 = tpu.memref_slice %arg3[%add3A_230, %dma_wait3A_246, %dma_wait3A_247] : memref<12512x2x128xi32, #tpu.memory_space<hbm>> -> memref<1x2x128xi32, #tpu.memory_space<hbm>>
          %dma_wait3A_249 = tpu.memref_squeeze %dma_wait3A_248 : memref<1x2x128xi32, #tpu.memory_space<hbm>> -> memref<2x128xi32, #tpu.memory_space<hbm>>
          %dma_wait3A_250 = arith.constant 0 : i32
          %dma_wait3A_251 = arith.constant 0 : i32
          %dma_wait3A_252 = tpu.memref_slice %arg3[%add3A_230, %dma_wait3A_250, %dma_wait3A_251] : memref<12512x2x128xi32, #tpu.memory_space<hbm>> -> memref<1x2x128xi32, #tpu.memory_space<hbm>>
          %dma_wait3A_253 = tpu.memref_squeeze %dma_wait3A_252 : memref<1x2x128xi32, #tpu.memory_space<hbm>> -> memref<2x128xi32, #tpu.memory_space<hbm>>
          tpu.wait_dma2 semaphore(%run_scoped3A : memref<!tpu.dma_semaphore, #tpu.memory_space<semaphore_mem>>) src(%dma_wait3A_253 : memref<2x128xi32, #tpu.memory_space<hbm>>) dst(%arg12 : memref<2x128xi32, #tpu.memory_space<vmem>>)
          tpu.yield
        }) : () -> ()
        %dma_start3A_231 = arith.constant 0 : i32
        %dma_start3A_232 = arith.constant 0 : i32
        %dma_start3A_233 = tpu.memref_slice %arg12[%dma_start3A_231, %dma_start3A_232] : memref<2x128xi32, #tpu.memory_space<vmem>> -> memref<1x128xi32, #tpu.memory_space<vmem>>
        %dma_start3A_234 = tpu.memref_squeeze %dma_start3A_233 : memref<1x128xi32, #tpu.memory_space<vmem>> -> memref<128xi32, #tpu.memory_space<vmem>>
        %dma_start3A_235 = arith.constant 0 : i32
        %dma_start3A_236 = arith.constant 0 : i32
        %dma_start3A_237 = tpu.memref_slice %arg2[%dma_start3A_235, %dma_start3A_236] : memref<100000x32xf32, #tpu.memory_space<hbm>> -> memref<100000x32xf32, #tpu.memory_space<hbm>>
        tpu.enqueue_indirect_dma source(%dma_start3A_237 : memref<100000x32xf32, #tpu.memory_space<hbm>>) target(%arg8 : memref<128x32xf32, #tpu.memory_space<vmem>>) offsets(%dma_start3A_234 : memref<128xi32, #tpu.memory_space<vmem>>) semaphore(%arg16 : memref<!tpu.dma_semaphore, #tpu.memory_space<semaphore_mem>>)
      } else {
      }
      %scan3A_225 = arith.constant 0 : i32
      scf.yield %scan3A_225 : i32
    }
    %scan3A_40 = arith.constant 97 : i32
    %dma_wait3A = arith.constant 0 : i32
    %dma_wait3A_41 = arith.constant 0 : i32
    %dma_wait3A_42 = tpu.memref_slice %arg10[%dma_wait3A, %dma_wait3A_41] : memref<2x128xi32, #tpu.memory_space<vmem>> -> memref<1x128xi32, #tpu.memory_space<vmem>>
    %dma_wait3A_43 = tpu.memref_squeeze %dma_wait3A_42 : memref<1x128xi32, #tpu.memory_space<vmem>> -> memref<128xi32, #tpu.memory_space<vmem>>
    %dma_wait3A_44 = arith.constant 0 : i32
    %dma_wait3A_45 = arith.constant 0 : i32
    %dma_wait3A_46 = tpu.memref_slice %arg2[%dma_wait3A_44, %dma_wait3A_45] : memref<100000x32xf32, #tpu.memory_space<hbm>> -> memref<100000x32xf32, #tpu.memory_space<hbm>>
    tpu.wait_indirect_dma semaphore(%arg14 : memref<!tpu.dma_semaphore, #tpu.memory_space<semaphore_mem>>) src(%dma_wait3A_46 : memref<100000x32xf32, #tpu.memory_space<hbm>>) dst(%arg6 : memref<128x32xf32, #tpu.memory_space<vmem>>)
    %dma_start3A_47 = arith.constant 1 : i32
    %dma_start3A_48 = arith.constant 0 : i32
    %dma_start3A_49 = tpu.memref_slice %arg10[%dma_start3A_47, %dma_start3A_48] : memref<2x128xi32, #tpu.memory_space<vmem>> -> memref<1x128xi32, #tpu.memory_space<vmem>>
    %dma_start3A_50 = tpu.memref_squeeze %dma_start3A_49 : memref<1x128xi32, #tpu.memory_space<vmem>> -> memref<128xi32, #tpu.memory_space<vmem>>
    %dma_start3A_51 = arith.constant 0 : i32
    %dma_start3A_52 = arith.constant 0 : i32
    %dma_start3A_53 = tpu.memref_slice %arg22[%dma_start3A_51, %dma_start3A_52] : memref<50008x32xf32, #tpu.memory_space<vmem_shared>> -> memref<50008x32xf32, #tpu.memory_space<vmem_shared>>
    tpu.enqueue_indirect_dma source(%arg6 : memref<128x32xf32, #tpu.memory_space<vmem>>) target(%dma_start3A_53 : memref<50008x32xf32, #tpu.memory_space<vmem_shared>>) offsets(%dma_start3A_50 : memref<128xi32, #tpu.memory_space<vmem>>) semaphore(%arg18 : memref<!tpu.dma_semaphore, #tpu.memory_space<semaphore_mem>>) {add = true}
    %dma_wait3A_54 = arith.constant 0 : i32
    %dma_wait3A_55 = arith.constant 0 : i32
    %dma_wait3A_56 = tpu.memref_slice %arg11[%dma_wait3A_54, %dma_wait3A_55] : memref<2x128xi32, #tpu.memory_space<vmem>> -> memref<1x128xi32, #tpu.memory_space<vmem>>
    %dma_wait3A_57 = tpu.memref_squeeze %dma_wait3A_56 : memref<1x128xi32, #tpu.memory_space<vmem>> -> memref<128xi32, #tpu.memory_space<vmem>>
    %dma_wait3A_58 = arith.constant 0 : i32
    %dma_wait3A_59 = arith.constant 0 : i32
    %dma_wait3A_60 = tpu.memref_slice %arg2[%dma_wait3A_58, %dma_wait3A_59] : memref<100000x32xf32, #tpu.memory_space<hbm>> -> memref<100000x32xf32, #tpu.memory_space<hbm>>
    tpu.wait_indirect_dma semaphore(%arg15 : memref<!tpu.dma_semaphore, #tpu.memory_space<semaphore_mem>>) src(%dma_wait3A_60 : memref<100000x32xf32, #tpu.memory_space<hbm>>) dst(%arg7 : memref<128x32xf32, #tpu.memory_space<vmem>>)
    %dma_start3A_61 = arith.constant 1 : i32
    %dma_start3A_62 = arith.constant 0 : i32
    %dma_start3A_63 = tpu.memref_slice %arg11[%dma_start3A_61, %dma_start3A_62] : memref<2x128xi32, #tpu.memory_space<vmem>> -> memref<1x128xi32, #tpu.memory_space<vmem>>
    %dma_start3A_64 = tpu.memref_squeeze %dma_start3A_63 : memref<1x128xi32, #tpu.memory_space<vmem>> -> memref<128xi32, #tpu.memory_space<vmem>>
    %dma_start3A_65 = arith.constant 0 : i32
    %dma_start3A_66 = arith.constant 0 : i32
    %dma_start3A_67 = tpu.memref_slice %arg22[%dma_start3A_65, %dma_start3A_66] : memref<50008x32xf32, #tpu.memory_space<vmem_shared>> -> memref<50008x32xf32, #tpu.memory_space<vmem_shared>>
    tpu.enqueue_indirect_dma source(%arg7 : memref<128x32xf32, #tpu.memory_space<vmem>>) target(%dma_start3A_67 : memref<50008x32xf32, #tpu.memory_space<vmem_shared>>) offsets(%dma_start3A_64 : memref<128xi32, #tpu.memory_space<vmem>>) semaphore(%arg19 : memref<!tpu.dma_semaphore, #tpu.memory_space<semaphore_mem>>) {add = true}
    %dma_wait3A_68 = arith.constant 0 : i32
    %dma_wait3A_69 = arith.constant 0 : i32
    %dma_wait3A_70 = tpu.memref_slice %arg12[%dma_wait3A_68, %dma_wait3A_69] : memref<2x128xi32, #tpu.memory_space<vmem>> -> memref<1x128xi32, #tpu.memory_space<vmem>>
    %dma_wait3A_71 = tpu.memref_squeeze %dma_wait3A_70 : memref<1x128xi32, #tpu.memory_space<vmem>> -> memref<128xi32, #tpu.memory_space<vmem>>
    %dma_wait3A_72 = arith.constant 0 : i32
    %dma_wait3A_73 = arith.constant 0 : i32
    %dma_wait3A_74 = tpu.memref_slice %arg2[%dma_wait3A_72, %dma_wait3A_73] : memref<100000x32xf32, #tpu.memory_space<hbm>> -> memref<100000x32xf32, #tpu.memory_space<hbm>>
    tpu.wait_indirect_dma semaphore(%arg16 : memref<!tpu.dma_semaphore, #tpu.memory_space<semaphore_mem>>) src(%dma_wait3A_74 : memref<100000x32xf32, #tpu.memory_space<hbm>>) dst(%arg8 : memref<128x32xf32, #tpu.memory_space<vmem>>)
    %dma_start3A_75 = arith.constant 1 : i32
    %dma_start3A_76 = arith.constant 0 : i32
    %dma_start3A_77 = tpu.memref_slice %arg12[%dma_start3A_75, %dma_start3A_76] : memref<2x128xi32, #tpu.memory_space<vmem>> -> memref<1x128xi32, #tpu.memory_space<vmem>>
    %dma_start3A_78 = tpu.memref_squeeze %dma_start3A_77 : memref<1x128xi32, #tpu.memory_space<vmem>> -> memref<128xi32, #tpu.memory_space<vmem>>
    %dma_start3A_79 = arith.constant 0 : i32
    %dma_start3A_80 = arith.constant 0 : i32
    %dma_start3A_81 = tpu.memref_slice %arg22[%dma_start3A_79, %dma_start3A_80] : memref<50008x32xf32, #tpu.memory_space<vmem_shared>> -> memref<50008x32xf32, #tpu.memory_space<vmem_shared>>
    tpu.enqueue_indirect_dma source(%arg8 : memref<128x32xf32, #tpu.memory_space<vmem>>) target(%dma_start3A_81 : memref<50008x32xf32, #tpu.memory_space<vmem_shared>>) offsets(%dma_start3A_78 : memref<128xi32, #tpu.memory_space<vmem>>) semaphore(%arg20 : memref<!tpu.dma_semaphore, #tpu.memory_space<semaphore_mem>>) {add = true}
    %dma_wait3A_82 = arith.constant 1 : i32
    %dma_wait3A_83 = arith.constant 0 : i32
    %dma_wait3A_84 = tpu.memref_slice %arg10[%dma_wait3A_82, %dma_wait3A_83] : memref<2x128xi32, #tpu.memory_space<vmem>> -> memref<1x128xi32, #tpu.memory_space<vmem>>
    %dma_wait3A_85 = tpu.memref_squeeze %dma_wait3A_84 : memref<1x128xi32, #tpu.memory_space<vmem>> -> memref<128xi32, #tpu.memory_space<vmem>>
    %dma_wait3A_86 = arith.constant 0 : i32
    %dma_wait3A_87 = arith.constant 0 : i32
    %dma_wait3A_88 = tpu.memref_slice %arg22[%dma_wait3A_86, %dma_wait3A_87] : memref<50008x32xf32, #tpu.memory_space<vmem_shared>> -> memref<50008x32xf32, #tpu.memory_space<vmem_shared>>
    tpu.wait_indirect_dma semaphore(%arg18 : memref<!tpu.dma_semaphore, #tpu.memory_space<semaphore_mem>>) src(%arg6 : memref<128x32xf32, #tpu.memory_space<vmem>>) dst(%dma_wait3A_88 : memref<50008x32xf32, #tpu.memory_space<vmem_shared>>)
    %dma_wait3A_89 = arith.constant 1 : i32
    %dma_wait3A_90 = arith.constant 0 : i32
    %dma_wait3A_91 = tpu.memref_slice %arg11[%dma_wait3A_89, %dma_wait3A_90] : memref<2x128xi32, #tpu.memory_space<vmem>> -> memref<1x128xi32, #tpu.memory_space<vmem>>
    %dma_wait3A_92 = tpu.memref_squeeze %dma_wait3A_91 : memref<1x128xi32, #tpu.memory_space<vmem>> -> memref<128xi32, #tpu.memory_space<vmem>>
    %dma_wait3A_93 = arith.constant 0 : i32
    %dma_wait3A_94 = arith.constant 0 : i32
    %dma_wait3A_95 = tpu.memref_slice %arg22[%dma_wait3A_93, %dma_wait3A_94] : memref<50008x32xf32, #tpu.memory_space<vmem_shared>> -> memref<50008x32xf32, #tpu.memory_space<vmem_shared>>
    tpu.wait_indirect_dma semaphore(%arg19 : memref<!tpu.dma_semaphore, #tpu.memory_space<semaphore_mem>>) src(%arg7 : memref<128x32xf32, #tpu.memory_space<vmem>>) dst(%dma_wait3A_95 : memref<50008x32xf32, #tpu.memory_space<vmem_shared>>)
    %dma_wait3A_96 = arith.constant 1 : i32
    %dma_wait3A_97 = arith.constant 0 : i32
    %dma_wait3A_98 = tpu.memref_slice %arg12[%dma_wait3A_96, %dma_wait3A_97] : memref<2x128xi32, #tpu.memory_space<vmem>> -> memref<1x128xi32, #tpu.memory_space<vmem>>
    %dma_wait3A_99 = tpu.memref_squeeze %dma_wait3A_98 : memref<1x128xi32, #tpu.memory_space<vmem>> -> memref<128xi32, #tpu.memory_space<vmem>>
    %dma_wait3A_100 = arith.constant 0 : i32
    %dma_wait3A_101 = arith.constant 0 : i32
    %dma_wait3A_102 = tpu.memref_slice %arg22[%dma_wait3A_100, %dma_wait3A_101] : memref<50008x32xf32, #tpu.memory_space<vmem_shared>> -> memref<50008x32xf32, #tpu.memory_space<vmem_shared>>
    tpu.wait_indirect_dma semaphore(%arg20 : memref<!tpu.dma_semaphore, #tpu.memory_space<semaphore_mem>>) src(%arg8 : memref<128x32xf32, #tpu.memory_space<vmem>>) dst(%dma_wait3A_102 : memref<50008x32xf32, #tpu.memory_space<vmem_shared>>)
    %dma_wait3A_103 = arith.constant 1 : i32
    %dma_wait3A_104 = arith.constant 0 : i32
    %dma_wait3A_105 = tpu.memref_slice %arg13[%dma_wait3A_103, %dma_wait3A_104] : memref<2x128xi32, #tpu.memory_space<vmem>> -> memref<1x128xi32, #tpu.memory_space<vmem>>
    %dma_wait3A_106 = tpu.memref_squeeze %dma_wait3A_105 : memref<1x128xi32, #tpu.memory_space<vmem>> -> memref<128xi32, #tpu.memory_space<vmem>>
    %dma_wait3A_107 = arith.constant 0 : i32
    %dma_wait3A_108 = arith.constant 0 : i32
    %dma_wait3A_109 = tpu.memref_slice %arg22[%dma_wait3A_107, %dma_wait3A_108] : memref<50008x32xf32, #tpu.memory_space<vmem_shared>> -> memref<50008x32xf32, #tpu.memory_space<vmem_shared>>
    tpu.wait_indirect_dma semaphore(%arg21 : memref<!tpu.dma_semaphore, #tpu.memory_space<semaphore_mem>>) src(%arg9 : memref<128x32xf32, #tpu.memory_space<vmem>>) dst(%dma_wait3A_109 : memref<50008x32xf32, #tpu.memory_space<vmem_shared>>)
    %barrier3A_110 = arith.constant 0 : index
    tpu.barrier barrier_id(%barrier3A_110)
    %mul3A_111 = arith.constant 50000 : i32
    %mul3A_112 = arith.muli %arg0, %mul3A_111 : i32
    %lt3A_113 = arith.constant 15 : i32
    %lt3A_114 = arith.cmpi slt, %arg1, %lt3A_113 : i32
    %convert_element_type3A_115 = arith.extui %lt3A_114 : i1 to i32
    %cond3A_116 = arith.constant 0 : i32
    %cond3A_117 = arith.cmpi ne, %convert_element_type3A_115, %cond3A_116 : i32
    scf.if %cond3A_117 {
      %mul3A_123 = arith.constant 3128 : i32
      %mul3A_124 = arith.muli %arg1, %mul3A_123 : i32
      %mul3A_125 = arith.constant 3128 : i32
      %mul3A_126 = arith.muli %arg1, %mul3A_125 : i32
      %add3A_127 = arith.addi %mul3A_112, %mul3A_126 : i32
      "tpu.region"() ({
        %run_scoped3A = tpu.sem_alloc : memref<!tpu.dma_semaphore, #tpu.memory_space<semaphore_mem>>
        %dma_start3A_128 = arith.constant 0 : i32
        %dma_start3A_129 = tpu.memref_slice %arg5[%add3A_127, %dma_start3A_128] : memref<100000x32xf32, #tpu.memory_space<hbm>> -> memref<3128x32xf32, #tpu.memory_space<hbm>>
        %dma_start3A_130 = arith.constant 0 : i32
        %dma_start3A_131 = tpu.memref_slice %arg22[%mul3A_124, %dma_start3A_130] : memref<50008x32xf32, #tpu.memory_space<vmem_shared>> -> memref<3128x32xf32, #tpu.memory_space<vmem_shared>>
        tpu.enqueue_dma source(%dma_start3A_131 : memref<3128x32xf32, #tpu.memory_space<vmem_shared>>) target(%dma_start3A_129 : memref<3128x32xf32, #tpu.memory_space<hbm>>) target_semaphore(%run_scoped3A : memref<!tpu.dma_semaphore, #tpu.memory_space<semaphore_mem>>)
        %dma_wait3A_132 = arith.constant 0 : i32
        %dma_wait3A_133 = tpu.memref_slice %arg5[%add3A_127, %dma_wait3A_132] : memref<100000x32xf32, #tpu.memory_space<hbm>> -> memref<3128x32xf32, #tpu.memory_space<hbm>>
        %dma_wait3A_134 = arith.constant 0 : i32
        %dma_wait3A_135 = tpu.memref_slice %arg22[%mul3A_124, %dma_wait3A_134] : memref<50008x32xf32, #tpu.memory_space<vmem_shared>> -> memref<3128x32xf32, #tpu.memory_space<vmem_shared>>
        tpu.wait_dma2 semaphore(%run_scoped3A : memref<!tpu.dma_semaphore, #tpu.memory_space<semaphore_mem>>) src(%dma_wait3A_135 : memref<3128x32xf32, #tpu.memory_space<vmem_shared>>) dst(%dma_wait3A_133 : memref<3128x32xf32, #tpu.memory_space<hbm>>)
        tpu.yield
      }) : () -> ()
    } else {
    }
    %eq3A_118 = arith.constant 15 : i32
    %eq3A_119 = arith.cmpi eq, %arg1, %eq3A_118 : i32
    %convert_element_type3A_120 = arith.extui %eq3A_119 : i1 to i32
    %cond3A_121 = arith.constant 0 : i32
    %cond3A_122 = arith.cmpi ne, %convert_element_type3A_120, %cond3A_121 : i32
    scf.if %cond3A_122 {
      %add3A_123 = arith.constant 46920 : i32
      %add3A_124 = arith.addi %mul3A_112, %add3A_123 : i32
      "tpu.region"() ({
        %run_scoped3A = tpu.sem_alloc : memref<!tpu.dma_semaphore, #tpu.memory_space<semaphore_mem>>
        %dma_start3A_125 = arith.constant 0 : i32
        %dma_start3A_126 = tpu.memref_slice %arg5[%add3A_124, %dma_start3A_125] : memref<100000x32xf32, #tpu.memory_space<hbm>> -> memref<3080x32xf32, #tpu.memory_space<hbm>>
        %dma_start3A_127 = arith.constant 46920 : i32
        %dma_start3A_128 = arith.constant 0 : i32
        %dma_start3A_129 = tpu.memref_slice %arg22[%dma_start3A_127, %dma_start3A_128] : memref<50008x32xf32, #tpu.memory_space<vmem_shared>> -> memref<3080x32xf32, #tpu.memory_space<vmem_shared>>
        tpu.enqueue_dma source(%dma_start3A_129 : memref<3080x32xf32, #tpu.memory_space<vmem_shared>>) target(%dma_start3A_126 : memref<3080x32xf32, #tpu.memory_space<hbm>>) target_semaphore(%run_scoped3A : memref<!tpu.dma_semaphore, #tpu.memory_space<semaphore_mem>>)
        %dma_wait3A_130 = arith.constant 0 : i32
        %dma_wait3A_131 = tpu.memref_slice %arg5[%add3A_124, %dma_wait3A_130] : memref<100000x32xf32, #tpu.memory_space<hbm>> -> memref<3080x32xf32, #tpu.memory_space<hbm>>
        %dma_wait3A_132 = arith.constant 46920 : i32
        %dma_wait3A_133 = arith.constant 0 : i32
        %dma_wait3A_134 = tpu.memref_slice %arg22[%dma_wait3A_132, %dma_wait3A_133] : memref<50008x32xf32, #tpu.memory_space<vmem_shared>> -> memref<3080x32xf32, #tpu.memory_space<vmem_shared>>
        tpu.wait_dma2 semaphore(%run_scoped3A : memref<!tpu.dma_semaphore, #tpu.memory_space<semaphore_mem>>) src(%dma_wait3A_134 : memref<3080x32xf32, #tpu.memory_space<vmem_shared>>) dst(%dma_wait3A_131 : memref<3080x32xf32, #tpu.memory_space<hbm>>)
        tpu.yield
      }) : () -> ()
    } else {
    }
    return
  }
}

#map = affine_map<(d0, d1) -> (0, 0)>
#map1 = affine_map<(d0, d1) -> (0)>
module attributes {stable_mosaic.version = 14 : i64} {
  func.func @_sc_fp(%arg0: i32, %arg1: i32, %arg2: memref<50000x64xf32, #tpu.memory_space<hbm>>, %arg3: memref<50000x64xf32, #tpu.memory_space<hbm>>, %arg4: memref<50000xi32, #tpu.memory_space<hbm>>, %arg5: memref<320x64xf32, #tpu.memory_space<hbm>>, %arg6: memref<10016x64xf32, #tpu.memory_space<hbm>>, %arg7: memref<128x64xf32, #tpu.memory_space<vmem>>, %arg8: memref<128x64xf32, #tpu.memory_space<vmem>>, %arg9: memref<128xi32, #tpu.memory_space<vmem>>, %arg10: memref<128xi32, #tpu.memory_space<vmem>>, %arg11: memref<!tpu.dma_semaphore, #tpu.memory_space<semaphore_mem>>, %arg12: memref<!tpu.dma_semaphore, #tpu.memory_space<semaphore_mem>>, %arg13: memref<5008x64xf32, #tpu.memory_space<vmem_shared>>) attributes {dimension_semantics = [#tpu.dimension_semantics<core_parallel>, #tpu.dimension_semantics<subcore_parallel>], iteration_bounds = array<i64: 2, 16>, scalar_prefetch = 0 : i64, scratch_operands = 7 : i64, tpu.core_type = #tpu.core_type<sc_vector_subcore>, window_params = [{transform_indices = #map}, {transform_indices = #map}, {transform_indices = #map1}, {transform_indices = #map}, {transform_indices = #map}]} {
    %mul3A = arith.constant 2 : i32
    %mul3A_0 = arith.muli %arg1, %mul3A : i32
    %add3A = arith.addi %mul3A_0, %arg0 : i32
    %lt3A = arith.constant 15 : i32
    %lt3A_1 = arith.cmpi slt, %arg1, %lt3A : i32
    %convert_element_type3A = arith.extui %lt3A_1 : i1 to i32
    %cond3A = arith.constant 0 : i32
    %cond3A_2 = arith.cmpi ne, %convert_element_type3A, %cond3A : i32
    scf.if %cond3A_2 {
      %mul3A_41 = arith.constant 320 : i32
      %mul3A_42 = arith.muli %arg1, %mul3A_41 : i32
      "tpu.region"() ({
        %run_scoped3A = tpu.sem_alloc : memref<!tpu.dma_semaphore, #tpu.memory_space<semaphore_mem>>
        %dma_start3A = arith.constant 0 : i32
        %dma_start3A_43 = tpu.memref_slice %arg13[%mul3A_42, %dma_start3A] : memref<5008x64xf32, #tpu.memory_space<vmem_shared>> -> memref<320x64xf32, #tpu.memory_space<vmem_shared>>
        tpu.enqueue_dma source(%arg5 : memref<320x64xf32, #tpu.memory_space<hbm>>) target(%dma_start3A_43 : memref<320x64xf32, #tpu.memory_space<vmem_shared>>) target_semaphore(%run_scoped3A : memref<!tpu.dma_semaphore, #tpu.memory_space<semaphore_mem>>)
        %dma_wait3A = arith.constant 0 : i32
        %dma_wait3A_44 = tpu.memref_slice %arg13[%mul3A_42, %dma_wait3A] : memref<5008x64xf32, #tpu.memory_space<vmem_shared>> -> memref<320x64xf32, #tpu.memory_space<vmem_shared>>
        tpu.wait_dma2 semaphore(%run_scoped3A : memref<!tpu.dma_semaphore, #tpu.memory_space<semaphore_mem>>) src(%arg5 : memref<320x64xf32, #tpu.memory_space<hbm>>) dst(%dma_wait3A_44 : memref<320x64xf32, #tpu.memory_space<vmem_shared>>)
        tpu.yield
      }) : () -> ()
    } else {
    }
    %eq3A = arith.constant 15 : i32
    %eq3A_3 = arith.cmpi eq, %arg1, %eq3A : i32
    %convert_element_type3A_4 = arith.extui %eq3A_3 : i1 to i32
    %cond3A_5 = arith.constant 0 : i32
    %cond3A_6 = arith.cmpi ne, %convert_element_type3A_4, %cond3A_5 : i32
    scf.if %cond3A_6 {
      "tpu.region"() ({
        %run_scoped3A = tpu.sem_alloc : memref<!tpu.dma_semaphore, #tpu.memory_space<semaphore_mem>>
        %dma_start3A = arith.constant 4800 : i32
        %dma_start3A_41 = arith.constant 0 : i32
        %dma_start3A_42 = tpu.memref_slice %arg13[%dma_start3A, %dma_start3A_41] : memref<5008x64xf32, #tpu.memory_space<vmem_shared>> -> memref<208x64xf32, #tpu.memory_space<vmem_shared>>
        %dma_start3A_43 = arith.constant 0 : i32
        %dma_start3A_44 = arith.constant 0 : i32
        %dma_start3A_45 = tpu.memref_slice %arg5[%dma_start3A_43, %dma_start3A_44] : memref<320x64xf32, #tpu.memory_space<hbm>> -> memref<208x64xf32, #tpu.memory_space<hbm>>
        tpu.enqueue_dma source(%dma_start3A_45 : memref<208x64xf32, #tpu.memory_space<hbm>>) target(%dma_start3A_42 : memref<208x64xf32, #tpu.memory_space<vmem_shared>>) target_semaphore(%run_scoped3A : memref<!tpu.dma_semaphore, #tpu.memory_space<semaphore_mem>>)
        %dma_wait3A = arith.constant 4800 : i32
        %dma_wait3A_46 = arith.constant 0 : i32
        %dma_wait3A_47 = tpu.memref_slice %arg13[%dma_wait3A, %dma_wait3A_46] : memref<5008x64xf32, #tpu.memory_space<vmem_shared>> -> memref<208x64xf32, #tpu.memory_space<vmem_shared>>
        %dma_wait3A_48 = arith.constant 0 : i32
        %dma_wait3A_49 = arith.constant 0 : i32
        %dma_wait3A_50 = tpu.memref_slice %arg5[%dma_wait3A_48, %dma_wait3A_49] : memref<320x64xf32, #tpu.memory_space<hbm>> -> memref<208x64xf32, #tpu.memory_space<hbm>>
        tpu.wait_dma2 semaphore(%run_scoped3A : memref<!tpu.dma_semaphore, #tpu.memory_space<semaphore_mem>>) src(%dma_wait3A_50 : memref<208x64xf32, #tpu.memory_space<hbm>>) dst(%dma_wait3A_47 : memref<208x64xf32, #tpu.memory_space<vmem_shared>>)
        tpu.yield
      }) : () -> ()
    } else {
    }
    %barrier3A = arith.constant 0 : index
    tpu.barrier barrier_id(%barrier3A)
    %add3A_7 = arith.constant 0 : i32
    %add3A_8 = arith.addi %add3A_7, %arg1 : i32
    %lt3A_9 = arith.constant 390 : i32
    %lt3A_10 = arith.cmpi slt, %add3A_8, %lt3A_9 : i32
    %convert_element_type3A_11 = arith.extui %lt3A_10 : i1 to i32
    %cond3A_12 = arith.constant 0 : i32
    %cond3A_13 = arith.cmpi ne, %convert_element_type3A_11, %cond3A_12 : i32
    scf.if %cond3A_13 {
      %mul3A_41 = arith.constant 128 : i32
      %mul3A_42 = arith.muli %add3A_8, %mul3A_41 : i32
      "tpu.region"() ({
        %run_scoped3A = tpu.sem_alloc : memref<!tpu.dma_semaphore, #tpu.memory_space<semaphore_mem>>
        %dma_start3A = tpu.memref_slice %arg4[%mul3A_42] : memref<50000xi32, #tpu.memory_space<hbm>> -> memref<128xi32, #tpu.memory_space<hbm>>
        %dma_start3A_53 = tpu.memref_slice %arg4[%mul3A_42] : memref<50000xi32, #tpu.memory_space<hbm>> -> memref<128xi32, #tpu.memory_space<hbm>>
        tpu.enqueue_dma source(%dma_start3A_53 : memref<128xi32, #tpu.memory_space<hbm>>) target(%arg9 : memref<128xi32, #tpu.memory_space<vmem>>) target_semaphore(%run_scoped3A : memref<!tpu.dma_semaphore, #tpu.memory_space<semaphore_mem>>)
        %dma_wait3A = tpu.memref_slice %arg4[%mul3A_42] : memref<50000xi32, #tpu.memory_space<hbm>> -> memref<128xi32, #tpu.memory_space<hbm>>
        %dma_wait3A_54 = tpu.memref_slice %arg4[%mul3A_42] : memref<50000xi32, #tpu.memory_space<hbm>> -> memref<128xi32, #tpu.memory_space<hbm>>
        tpu.wait_dma2 semaphore(%run_scoped3A : memref<!tpu.dma_semaphore, #tpu.memory_space<semaphore_mem>>) src(%dma_wait3A_54 : memref<128xi32, #tpu.memory_space<hbm>>) dst(%arg9 : memref<128xi32, #tpu.memory_space<vmem>>)
        tpu.yield
      }) : () -> ()
      %eq3A_43 = arith.constant 0 : i32
      %eq3A_44 = arith.cmpi eq, %arg0, %eq3A_43 : i32
      %convert_element_type3A_45 = arith.extui %eq3A_44 : i1 to i32
      %cond3A_46 = arith.constant 0 : i32
      %cond3A_47 = arith.cmpi ne, %convert_element_type3A_45, %cond3A_46 : i32
      scf.if %cond3A_47 {
        %dma_start3A = arith.constant 0 : i32
        %dma_start3A_53 = tpu.memref_slice %arg2[%mul3A_42, %dma_start3A] : memref<50000x64xf32, #tpu.memory_space<hbm>> -> memref<128x64xf32, #tpu.memory_space<hbm>>
        %dma_start3A_54 = arith.constant 0 : i32
        %dma_start3A_55 = tpu.memref_slice %arg2[%mul3A_42, %dma_start3A_54] : memref<50000x64xf32, #tpu.memory_space<hbm>> -> memref<128x64xf32, #tpu.memory_space<hbm>>
        tpu.enqueue_dma source(%dma_start3A_55 : memref<128x64xf32, #tpu.memory_space<hbm>>) target(%arg7 : memref<128x64xf32, #tpu.memory_space<vmem>>) target_semaphore(%arg11 : memref<!tpu.dma_semaphore, #tpu.memory_space<semaphore_mem>>)
      } else {
      }
      %eq3A_48 = arith.constant 1 : i32
      %eq3A_49 = arith.cmpi eq, %arg0, %eq3A_48 : i32
      %convert_element_type3A_50 = arith.extui %eq3A_49 : i1 to i32
      %cond3A_51 = arith.constant 0 : i32
      %cond3A_52 = arith.cmpi ne, %convert_element_type3A_50, %cond3A_51 : i32
      scf.if %cond3A_52 {
        %dma_start3A = arith.constant 0 : i32
        %dma_start3A_53 = tpu.memref_slice %arg3[%mul3A_42, %dma_start3A] : memref<50000x64xf32, #tpu.memory_space<hbm>> -> memref<128x64xf32, #tpu.memory_space<hbm>>
        %dma_start3A_54 = arith.constant 0 : i32
        %dma_start3A_55 = tpu.memref_slice %arg3[%mul3A_42, %dma_start3A_54] : memref<50000x64xf32, #tpu.memory_space<hbm>> -> memref<128x64xf32, #tpu.memory_space<hbm>>
        tpu.enqueue_dma source(%dma_start3A_55 : memref<128x64xf32, #tpu.memory_space<hbm>>) target(%arg7 : memref<128x64xf32, #tpu.memory_space<vmem>>) target_semaphore(%arg11 : memref<!tpu.dma_semaphore, #tpu.memory_space<semaphore_mem>>)
      } else {
      }
    } else {
    }
    %scan3A = arith.constant 0 : i32
    %scan3A_14 = arith.constant 0 : i32
    %scan3A_15 = arith.constant 13 : i32
    %scan3A_16 = arith.addi %scan3A_14, %scan3A_15 : i32
    %scan3A_17 = arith.constant 1 : i32
    %scan3A_18 = scf.for %scan3A_41 = %scan3A_14 to %scan3A_16 step %scan3A_17 iter_args(%scan3A_42 = %scan3A) -> (i32)  : i32 {
      %mul3A_43 = arith.constant 2 : i32
      %mul3A_44 = arith.muli %mul3A_43, %scan3A_41 : i32
      %add3A_45 = arith.constant 1 : i32
      %add3A_46 = arith.addi %mul3A_44, %add3A_45 : i32
      %mul3A_47 = arith.constant 16 : i32
      %mul3A_48 = arith.muli %add3A_46, %mul3A_47 : i32
      %add3A_49 = arith.addi %mul3A_48, %arg1 : i32
      %lt3A_50 = arith.constant 390 : i32
      %lt3A_51 = arith.cmpi slt, %add3A_49, %lt3A_50 : i32
      %convert_element_type3A_52 = arith.extui %lt3A_51 : i1 to i32
      %cond3A_53 = arith.constant 0 : i32
      %cond3A_54 = arith.cmpi ne, %convert_element_type3A_52, %cond3A_53 : i32
      scf.if %cond3A_54 {
        %mul3A_90 = arith.constant 128 : i32
        %mul3A_91 = arith.muli %add3A_49, %mul3A_90 : i32
        "tpu.region"() ({
          %run_scoped3A = tpu.sem_alloc : memref<!tpu.dma_semaphore, #tpu.memory_space<semaphore_mem>>
          %dma_start3A = tpu.memref_slice %arg4[%mul3A_91] : memref<50000xi32, #tpu.memory_space<hbm>> -> memref<128xi32, #tpu.memory_space<hbm>>
          %dma_start3A_102 = tpu.memref_slice %arg4[%mul3A_91] : memref<50000xi32, #tpu.memory_space<hbm>> -> memref<128xi32, #tpu.memory_space<hbm>>
          tpu.enqueue_dma source(%dma_start3A_102 : memref<128xi32, #tpu.memory_space<hbm>>) target(%arg10 : memref<128xi32, #tpu.memory_space<vmem>>) target_semaphore(%run_scoped3A : memref<!tpu.dma_semaphore, #tpu.memory_space<semaphore_mem>>)
          %dma_wait3A = tpu.memref_slice %arg4[%mul3A_91] : memref<50000xi32, #tpu.memory_space<hbm>> -> memref<128xi32, #tpu.memory_space<hbm>>
          %dma_wait3A_103 = tpu.memref_slice %arg4[%mul3A_91] : memref<50000xi32, #tpu.memory_space<hbm>> -> memref<128xi32, #tpu.memory_space<hbm>>
          tpu.wait_dma2 semaphore(%run_scoped3A : memref<!tpu.dma_semaphore, #tpu.memory_space<semaphore_mem>>) src(%dma_wait3A_103 : memref<128xi32, #tpu.memory_space<hbm>>) dst(%arg10 : memref<128xi32, #tpu.memory_space<vmem>>)
          tpu.yield
        }) : () -> ()
        %eq3A_92 = arith.constant 0 : i32
        %eq3A_93 = arith.cmpi eq, %arg0, %eq3A_92 : i32
        %convert_element_type3A_94 = arith.extui %eq3A_93 : i1 to i32
        %cond3A_95 = arith.constant 0 : i32
        %cond3A_96 = arith.cmpi ne, %convert_element_type3A_94, %cond3A_95 : i32
        scf.if %cond3A_96 {
          %dma_start3A = arith.constant 0 : i32
          %dma_start3A_102 = tpu.memref_slice %arg2[%mul3A_91, %dma_start3A] : memref<50000x64xf32, #tpu.memory_space<hbm>> -> memref<128x64xf32, #tpu.memory_space<hbm>>
          %dma_start3A_103 = arith.constant 0 : i32
          %dma_start3A_104 = tpu.memref_slice %arg2[%mul3A_91, %dma_start3A_103] : memref<50000x64xf32, #tpu.memory_space<hbm>> -> memref<128x64xf32, #tpu.memory_space<hbm>>
          tpu.enqueue_dma source(%dma_start3A_104 : memref<128x64xf32, #tpu.memory_space<hbm>>) target(%arg8 : memref<128x64xf32, #tpu.memory_space<vmem>>) target_semaphore(%arg12 : memref<!tpu.dma_semaphore, #tpu.memory_space<semaphore_mem>>)
        } else {
        }
        %eq3A_97 = arith.constant 1 : i32
        %eq3A_98 = arith.cmpi eq, %arg0, %eq3A_97 : i32
        %convert_element_type3A_99 = arith.extui %eq3A_98 : i1 to i32
        %cond3A_100 = arith.constant 0 : i32
        %cond3A_101 = arith.cmpi ne, %convert_element_type3A_99, %cond3A_100 : i32
        scf.if %cond3A_101 {
          %dma_start3A = arith.constant 0 : i32
          %dma_start3A_102 = tpu.memref_slice %arg3[%mul3A_91, %dma_start3A] : memref<50000x64xf32, #tpu.memory_space<hbm>> -> memref<128x64xf32, #tpu.memory_space<hbm>>
          %dma_start3A_103 = arith.constant 0 : i32
          %dma_start3A_104 = tpu.memref_slice %arg3[%mul3A_91, %dma_start3A_103] : memref<50000x64xf32, #tpu.memory_space<hbm>> -> memref<128x64xf32, #tpu.memory_space<hbm>>
          tpu.enqueue_dma source(%dma_start3A_104 : memref<128x64xf32, #tpu.memory_space<hbm>>) target(%arg8 : memref<128x64xf32, #tpu.memory_space<vmem>>) target_semaphore(%arg12 : memref<!tpu.dma_semaphore, #tpu.memory_space<semaphore_mem>>)
        } else {
        }
      } else {
      }
      %mul3A_55 = arith.constant 2 : i32
      %mul3A_56 = arith.muli %mul3A_55, %scan3A_41 : i32
      %mul3A_57 = arith.constant 16 : i32
      %mul3A_58 = arith.muli %mul3A_56, %mul3A_57 : i32
      %add3A_59 = arith.addi %mul3A_58, %arg1 : i32
      %lt3A_60 = arith.constant 390 : i32
      %lt3A_61 = arith.cmpi slt, %add3A_59, %lt3A_60 : i32
      %convert_element_type3A_62 = arith.extui %lt3A_61 : i1 to i32
      %cond3A_63 = arith.constant 0 : i32
      %cond3A_64 = arith.cmpi ne, %convert_element_type3A_62, %cond3A_63 : i32
      scf.if %cond3A_64 {
        %dma_wait3A = arith.constant 0 : i32
        %dma_wait3A_90 = arith.constant 0 : i32
        %dma_wait3A_91 = tpu.memref_slice %arg2[%dma_wait3A, %dma_wait3A_90] : memref<50000x64xf32, #tpu.memory_space<hbm>> -> memref<128x64xf32, #tpu.memory_space<hbm>>
        %dma_wait3A_92 = arith.constant 0 : i32
        %dma_wait3A_93 = arith.constant 0 : i32
        %dma_wait3A_94 = tpu.memref_slice %arg2[%dma_wait3A_92, %dma_wait3A_93] : memref<50000x64xf32, #tpu.memory_space<hbm>> -> memref<128x64xf32, #tpu.memory_space<hbm>>
        tpu.wait_dma2 semaphore(%arg11 : memref<!tpu.dma_semaphore, #tpu.memory_space<semaphore_mem>>) src(%dma_wait3A_94 : memref<128x64xf32, #tpu.memory_space<hbm>>) dst(%arg7 : memref<128x64xf32, #tpu.memory_space<vmem>>)
        "tpu.region"() ({
          %run_scoped3A = tpu.sem_alloc : memref<!tpu.dma_semaphore, #tpu.memory_space<semaphore_mem>>
          %dma_start3A = arith.constant 0 : i32
          %dma_start3A_95 = arith.constant 0 : i32
          %dma_start3A_96 = tpu.memref_slice %arg13[%dma_start3A, %dma_start3A_95] : memref<5008x64xf32, #tpu.memory_space<vmem_shared>> -> memref<5008x64xf32, #tpu.memory_space<vmem_shared>>
          tpu.enqueue_indirect_dma source(%arg7 : memref<128x64xf32, #tpu.memory_space<vmem>>) target(%dma_start3A_96 : memref<5008x64xf32, #tpu.memory_space<vmem_shared>>) offsets(%arg9 : memref<128xi32, #tpu.memory_space<vmem>>) semaphore(%run_scoped3A : memref<!tpu.dma_semaphore, #tpu.memory_space<semaphore_mem>>) {add = true}
          %dma_wait3A_97 = arith.constant 0 : i32
          %dma_wait3A_98 = arith.constant 0 : i32
          %dma_wait3A_99 = tpu.memref_slice %arg13[%dma_wait3A_97, %dma_wait3A_98] : memref<5008x64xf32, #tpu.memory_space<vmem_shared>> -> memref<5008x64xf32, #tpu.memory_space<vmem_shared>>
          tpu.wait_indirect_dma semaphore(%run_scoped3A : memref<!tpu.dma_semaphore, #tpu.memory_space<semaphore_mem>>) src(%arg7 : memref<128x64xf32, #tpu.memory_space<vmem>>) dst(%dma_wait3A_99 : memref<5008x64xf32, #tpu.memory_space<vmem_shared>>)
          tpu.yield
        }) : () -> ()
      } else {
      }
      %mul3A_65 = arith.constant 2 : i32
      %mul3A_66 = arith.muli %mul3A_65, %scan3A_41 : i32
      %add3A_67 = arith.constant 2 : i32
      %add3A_68 = arith.addi %mul3A_66, %add3A_67 : i32
      %mul3A_69 = arith.constant 16 : i32
      %mul3A_70 = arith.muli %add3A_68, %mul3A_69 : i32
      %add3A_71 = arith.addi %mul3A_70, %arg1 : i32
      %lt3A_72 = arith.constant 390 : i32
      %lt3A_73 = arith.cmpi slt, %add3A_71, %lt3A_72 : i32
      %convert_element_type3A_74 = arith.extui %lt3A_73 : i1 to i32
      %cond3A_75 = arith.constant 0 : i32
      %cond3A_76 = arith.cmpi ne, %convert_element_type3A_74, %cond3A_75 : i32
      scf.if %cond3A_76 {
        %mul3A_90 = arith.constant 128 : i32
        %mul3A_91 = arith.muli %add3A_71, %mul3A_90 : i32
        "tpu.region"() ({
          %run_scoped3A = tpu.sem_alloc : memref<!tpu.dma_semaphore, #tpu.memory_space<semaphore_mem>>
          %dma_start3A = tpu.memref_slice %arg4[%mul3A_91] : memref<50000xi32, #tpu.memory_space<hbm>> -> memref<128xi32, #tpu.memory_space<hbm>>
          %dma_start3A_102 = tpu.memref_slice %arg4[%mul3A_91] : memref<50000xi32, #tpu.memory_space<hbm>> -> memref<128xi32, #tpu.memory_space<hbm>>
          tpu.enqueue_dma source(%dma_start3A_102 : memref<128xi32, #tpu.memory_space<hbm>>) target(%arg9 : memref<128xi32, #tpu.memory_space<vmem>>) target_semaphore(%run_scoped3A : memref<!tpu.dma_semaphore, #tpu.memory_space<semaphore_mem>>)
          %dma_wait3A = tpu.memref_slice %arg4[%mul3A_91] : memref<50000xi32, #tpu.memory_space<hbm>> -> memref<128xi32, #tpu.memory_space<hbm>>
          %dma_wait3A_103 = tpu.memref_slice %arg4[%mul3A_91] : memref<50000xi32, #tpu.memory_space<hbm>> -> memref<128xi32, #tpu.memory_space<hbm>>
          tpu.wait_dma2 semaphore(%run_scoped3A : memref<!tpu.dma_semaphore, #tpu.memory_space<semaphore_mem>>) src(%dma_wait3A_103 : memref<128xi32, #tpu.memory_space<hbm>>) dst(%arg9 : memref<128xi32, #tpu.memory_space<vmem>>)
          tpu.yield
        }) : () -> ()
        %eq3A_92 = arith.constant 0 : i32
        %eq3A_93 = arith.cmpi eq, %arg0, %eq3A_92 : i32
        %convert_element_type3A_94 = arith.extui %eq3A_93 : i1 to i32
        %cond3A_95 = arith.constant 0 : i32
        %cond3A_96 = arith.cmpi ne, %convert_element_type3A_94, %cond3A_95 : i32
        scf.if %cond3A_96 {
          %dma_start3A = arith.constant 0 : i32
          %dma_start3A_102 = tpu.memref_slice %arg2[%mul3A_91, %dma_start3A] : memref<50000x64xf32, #tpu.memory_space<hbm>> -> memref<128x64xf32, #tpu.memory_space<hbm>>
          %dma_start3A_103 = arith.constant 0 : i32
          %dma_start3A_104 = tpu.memref_slice %arg2[%mul3A_91, %dma_start3A_103] : memref<50000x64xf32, #tpu.memory_space<hbm>> -> memref<128x64xf32, #tpu.memory_space<hbm>>
          tpu.enqueue_dma source(%dma_start3A_104 : memref<128x64xf32, #tpu.memory_space<hbm>>) target(%arg7 : memref<128x64xf32, #tpu.memory_space<vmem>>) target_semaphore(%arg11 : memref<!tpu.dma_semaphore, #tpu.memory_space<semaphore_mem>>)
        } else {
        }
        %eq3A_97 = arith.constant 1 : i32
        %eq3A_98 = arith.cmpi eq, %arg0, %eq3A_97 : i32
        %convert_element_type3A_99 = arith.extui %eq3A_98 : i1 to i32
        %cond3A_100 = arith.constant 0 : i32
        %cond3A_101 = arith.cmpi ne, %convert_element_type3A_99, %cond3A_100 : i32
        scf.if %cond3A_101 {
          %dma_start3A = arith.constant 0 : i32
          %dma_start3A_102 = tpu.memref_slice %arg3[%mul3A_91, %dma_start3A] : memref<50000x64xf32, #tpu.memory_space<hbm>> -> memref<128x64xf32, #tpu.memory_space<hbm>>
          %dma_start3A_103 = arith.constant 0 : i32
          %dma_start3A_104 = tpu.memref_slice %arg3[%mul3A_91, %dma_start3A_103] : memref<50000x64xf32, #tpu.memory_space<hbm>> -> memref<128x64xf32, #tpu.memory_space<hbm>>
          tpu.enqueue_dma source(%dma_start3A_104 : memref<128x64xf32, #tpu.memory_space<hbm>>) target(%arg7 : memref<128x64xf32, #tpu.memory_space<vmem>>) target_semaphore(%arg11 : memref<!tpu.dma_semaphore, #tpu.memory_space<semaphore_mem>>)
        } else {
        }
      } else {
      }
      %mul3A_77 = arith.constant 2 : i32
      %mul3A_78 = arith.muli %mul3A_77, %scan3A_41 : i32
      %add3A_79 = arith.constant 1 : i32
      %add3A_80 = arith.addi %mul3A_78, %add3A_79 : i32
      %mul3A_81 = arith.constant 16 : i32
      %mul3A_82 = arith.muli %add3A_80, %mul3A_81 : i32
      %add3A_83 = arith.addi %mul3A_82, %arg1 : i32
      %lt3A_84 = arith.constant 390 : i32
      %lt3A_85 = arith.cmpi slt, %add3A_83, %lt3A_84 : i32
      %convert_element_type3A_86 = arith.extui %lt3A_85 : i1 to i32
      %cond3A_87 = arith.constant 0 : i32
      %cond3A_88 = arith.cmpi ne, %convert_element_type3A_86, %cond3A_87 : i32
      scf.if %cond3A_88 {
        %dma_wait3A = arith.constant 0 : i32
        %dma_wait3A_90 = arith.constant 0 : i32
        %dma_wait3A_91 = tpu.memref_slice %arg2[%dma_wait3A, %dma_wait3A_90] : memref<50000x64xf32, #tpu.memory_space<hbm>> -> memref<128x64xf32, #tpu.memory_space<hbm>>
        %dma_wait3A_92 = arith.constant 0 : i32
        %dma_wait3A_93 = arith.constant 0 : i32
        %dma_wait3A_94 = tpu.memref_slice %arg2[%dma_wait3A_92, %dma_wait3A_93] : memref<50000x64xf32, #tpu.memory_space<hbm>> -> memref<128x64xf32, #tpu.memory_space<hbm>>
        tpu.wait_dma2 semaphore(%arg12 : memref<!tpu.dma_semaphore, #tpu.memory_space<semaphore_mem>>) src(%dma_wait3A_94 : memref<128x64xf32, #tpu.memory_space<hbm>>) dst(%arg8 : memref<128x64xf32, #tpu.memory_space<vmem>>)
        "tpu.region"() ({
          %run_scoped3A = tpu.sem_alloc : memref<!tpu.dma_semaphore, #tpu.memory_space<semaphore_mem>>
          %dma_start3A = arith.constant 0 : i32
          %dma_start3A_95 = arith.constant 0 : i32
          %dma_start3A_96 = tpu.memref_slice %arg13[%dma_start3A, %dma_start3A_95] : memref<5008x64xf32, #tpu.memory_space<vmem_shared>> -> memref<5008x64xf32, #tpu.memory_space<vmem_shared>>
          tpu.enqueue_indirect_dma source(%arg8 : memref<128x64xf32, #tpu.memory_space<vmem>>) target(%dma_start3A_96 : memref<5008x64xf32, #tpu.memory_space<vmem_shared>>) offsets(%arg10 : memref<128xi32, #tpu.memory_space<vmem>>) semaphore(%run_scoped3A : memref<!tpu.dma_semaphore, #tpu.memory_space<semaphore_mem>>) {add = true}
          %dma_wait3A_97 = arith.constant 0 : i32
          %dma_wait3A_98 = arith.constant 0 : i32
          %dma_wait3A_99 = tpu.memref_slice %arg13[%dma_wait3A_97, %dma_wait3A_98] : memref<5008x64xf32, #tpu.memory_space<vmem_shared>> -> memref<5008x64xf32, #tpu.memory_space<vmem_shared>>
          tpu.wait_indirect_dma semaphore(%run_scoped3A : memref<!tpu.dma_semaphore, #tpu.memory_space<semaphore_mem>>) src(%arg8 : memref<128x64xf32, #tpu.memory_space<vmem>>) dst(%dma_wait3A_99 : memref<5008x64xf32, #tpu.memory_space<vmem_shared>>)
          tpu.yield
        }) : () -> ()
      } else {
      }
      %scan3A_89 = arith.constant 0 : i32
      scf.yield %scan3A_89 : i32
    }
    %scan3A_19 = arith.constant 13 : i32
    %eq3A_20 = arith.constant 0 : i32
    %eq3A_21 = arith.cmpi eq, %add3A, %eq3A_20 : i32
    %convert_element_type3A_22 = arith.extui %eq3A_21 : i1 to i32
    %cond3A_23 = arith.constant 0 : i32
    %cond3A_24 = arith.cmpi ne, %convert_element_type3A_22, %cond3A_23 : i32
    scf.if %cond3A_24 {
      %eq3A_41 = arith.constant 0 : i32
      %eq3A_42 = arith.cmpi eq, %arg0, %eq3A_41 : i32
      %convert_element_type3A_43 = arith.extui %eq3A_42 : i1 to i32
      %cond3A_44 = arith.constant 0 : i32
      %cond3A_45 = arith.cmpi ne, %convert_element_type3A_43, %cond3A_44 : i32
      scf.if %cond3A_45 {
        "tpu.region"() ({
          %run_scoped3A = tpu.sem_alloc : memref<!tpu.dma_semaphore, #tpu.memory_space<semaphore_mem>>
          %dma_start3A = arith.constant 0 : i32
          %dma_start3A_46 = arith.constant 0 : i32
          %dma_start3A_47 = tpu.memref_slice %arg7[%dma_start3A, %dma_start3A_46] : memref<128x64xf32, #tpu.memory_space<vmem>> -> memref<80x64xf32, #tpu.memory_space<vmem>>
          %dma_start3A_48 = arith.constant 49920 : i32
          %dma_start3A_49 = arith.constant 0 : i32
          %dma_start3A_50 = tpu.memref_slice %arg2[%dma_start3A_48, %dma_start3A_49] : memref<50000x64xf32, #tpu.memory_space<hbm>> -> memref<80x64xf32, #tpu.memory_space<hbm>>
          %dma_start3A_51 = arith.constant 0 : i32
          %dma_start3A_52 = arith.constant 0 : i32
          %dma_start3A_53 = tpu.memref_slice %arg7[%dma_start3A_51, %dma_start3A_52] : memref<128x64xf32, #tpu.memory_space<vmem>> -> memref<80x64xf32, #tpu.memory_space<vmem>>
          %dma_start3A_54 = arith.constant 49920 : i32
          %dma_start3A_55 = arith.constant 0 : i32
          %dma_start3A_56 = tpu.memref_slice %arg2[%dma_start3A_54, %dma_start3A_55] : memref<50000x64xf32, #tpu.memory_space<hbm>> -> memref<80x64xf32, #tpu.memory_space<hbm>>
          tpu.enqueue_dma source(%dma_start3A_56 : memref<80x64xf32, #tpu.memory_space<hbm>>) target(%dma_start3A_53 : memref<80x64xf32, #tpu.memory_space<vmem>>) target_semaphore(%run_scoped3A : memref<!tpu.dma_semaphore, #tpu.memory_space<semaphore_mem>>)
          %dma_wait3A = arith.constant 0 : i32
          %dma_wait3A_57 = arith.constant 0 : i32
          %dma_wait3A_58 = tpu.memref_slice %arg7[%dma_wait3A, %dma_wait3A_57] : memref<128x64xf32, #tpu.memory_space<vmem>> -> memref<80x64xf32, #tpu.memory_space<vmem>>
          %dma_wait3A_59 = arith.constant 49920 : i32
          %dma_wait3A_60 = arith.constant 0 : i32
          %dma_wait3A_61 = tpu.memref_slice %arg2[%dma_wait3A_59, %dma_wait3A_60] : memref<50000x64xf32, #tpu.memory_space<hbm>> -> memref<80x64xf32, #tpu.memory_space<hbm>>
          %dma_wait3A_62 = arith.constant 0 : i32
          %dma_wait3A_63 = arith.constant 0 : i32
          %dma_wait3A_64 = tpu.memref_slice %arg7[%dma_wait3A_62, %dma_wait3A_63] : memref<128x64xf32, #tpu.memory_space<vmem>> -> memref<80x64xf32, #tpu.memory_space<vmem>>
          %dma_wait3A_65 = arith.constant 49920 : i32
          %dma_wait3A_66 = arith.constant 0 : i32
          %dma_wait3A_67 = tpu.memref_slice %arg2[%dma_wait3A_65, %dma_wait3A_66] : memref<50000x64xf32, #tpu.memory_space<hbm>> -> memref<80x64xf32, #tpu.memory_space<hbm>>
          tpu.wait_dma2 semaphore(%run_scoped3A : memref<!tpu.dma_semaphore, #tpu.memory_space<semaphore_mem>>) src(%dma_wait3A_67 : memref<80x64xf32, #tpu.memory_space<hbm>>) dst(%dma_wait3A_64 : memref<80x64xf32, #tpu.memory_space<vmem>>)
          tpu.yield
        }) : () -> ()
      } else {
      }
      "tpu.region"() ({
        %run_scoped3A = tpu.sem_alloc : memref<!tpu.dma_semaphore, #tpu.memory_space<semaphore_mem>>
        %dma_start3A = arith.constant 0 : i32
        %dma_start3A_46 = tpu.memref_slice %arg9[%dma_start3A] : memref<128xi32, #tpu.memory_space<vmem>> -> memref<80xi32, #tpu.memory_space<vmem>>
        %dma_start3A_47 = arith.constant 49920 : i32
        %dma_start3A_48 = tpu.memref_slice %arg4[%dma_start3A_47] : memref<50000xi32, #tpu.memory_space<hbm>> -> memref<80xi32, #tpu.memory_space<hbm>>
        %dma_start3A_49 = arith.constant 0 : i32
        %dma_start3A_50 = tpu.memref_slice %arg9[%dma_start3A_49] : memref<128xi32, #tpu.memory_space<vmem>> -> memref<80xi32, #tpu.memory_space<vmem>>
        %dma_start3A_51 = arith.constant 49920 : i32
        %dma_start3A_52 = tpu.memref_slice %arg4[%dma_start3A_51] : memref<50000xi32, #tpu.memory_space<hbm>> -> memref<80xi32, #tpu.memory_space<hbm>>
        tpu.enqueue_dma source(%dma_start3A_52 : memref<80xi32, #tpu.memory_space<hbm>>) target(%dma_start3A_50 : memref<80xi32, #tpu.memory_space<vmem>>) target_semaphore(%run_scoped3A : memref<!tpu.dma_semaphore, #tpu.memory_space<semaphore_mem>>)
        %dma_wait3A = arith.constant 0 : i32
        %dma_wait3A_53 = tpu.memref_slice %arg9[%dma_wait3A] : memref<128xi32, #tpu.memory_space<vmem>> -> memref<80xi32, #tpu.memory_space<vmem>>
        %dma_wait3A_54 = arith.constant 49920 : i32
        %dma_wait3A_55 = tpu.memref_slice %arg4[%dma_wait3A_54] : memref<50000xi32, #tpu.memory_space<hbm>> -> memref<80xi32, #tpu.memory_space<hbm>>
        %dma_wait3A_56 = arith.constant 0 : i32
        %dma_wait3A_57 = tpu.memref_slice %arg9[%dma_wait3A_56] : memref<128xi32, #tpu.memory_space<vmem>> -> memref<80xi32, #tpu.memory_space<vmem>>
        %dma_wait3A_58 = arith.constant 49920 : i32
        %dma_wait3A_59 = tpu.memref_slice %arg4[%dma_wait3A_58] : memref<50000xi32, #tpu.memory_space<hbm>> -> memref<80xi32, #tpu.memory_space<hbm>>
        tpu.wait_dma2 semaphore(%run_scoped3A : memref<!tpu.dma_semaphore, #tpu.memory_space<semaphore_mem>>) src(%dma_wait3A_59 : memref<80xi32, #tpu.memory_space<hbm>>) dst(%dma_wait3A_57 : memref<80xi32, #tpu.memory_space<vmem>>)
        tpu.yield
      }) : () -> ()
      "tpu.region"() ({
        %run_scoped3A = tpu.sem_alloc : memref<!tpu.dma_semaphore, #tpu.memory_space<semaphore_mem>>
        %dma_start3A = arith.constant 0 : i32
        %dma_start3A_46 = arith.constant 0 : i32
        %dma_start3A_47 = tpu.memref_slice %arg7[%dma_start3A, %dma_start3A_46] : memref<128x64xf32, #tpu.memory_space<vmem>> -> memref<80x64xf32, #tpu.memory_space<vmem>>
        %dma_start3A_48 = arith.constant 0 : i32
        %dma_start3A_49 = tpu.memref_slice %arg9[%dma_start3A_48] : memref<128xi32, #tpu.memory_space<vmem>> -> memref<80xi32, #tpu.memory_space<vmem>>
        %dma_start3A_50 = arith.constant 0 : i32
        %dma_start3A_51 = arith.constant 0 : i32
        %dma_start3A_52 = tpu.memref_slice %arg13[%dma_start3A_50, %dma_start3A_51] : memref<5008x64xf32, #tpu.memory_space<vmem_shared>> -> memref<5008x64xf32, #tpu.memory_space<vmem_shared>>
        tpu.enqueue_indirect_dma source(%dma_start3A_47 : memref<80x64xf32, #tpu.memory_space<vmem>>) target(%dma_start3A_52 : memref<5008x64xf32, #tpu.memory_space<vmem_shared>>) offsets(%dma_start3A_49 : memref<80xi32, #tpu.memory_space<vmem>>) semaphore(%run_scoped3A : memref<!tpu.dma_semaphore, #tpu.memory_space<semaphore_mem>>) {add = true}
        %dma_wait3A = arith.constant 0 : i32
        %dma_wait3A_53 = arith.constant 0 : i32
        %dma_wait3A_54 = tpu.memref_slice %arg7[%dma_wait3A, %dma_wait3A_53] : memref<128x64xf32, #tpu.memory_space<vmem>> -> memref<80x64xf32, #tpu.memory_space<vmem>>
        %dma_wait3A_55 = arith.constant 0 : i32
        %dma_wait3A_56 = tpu.memref_slice %arg9[%dma_wait3A_55] : memref<128xi32, #tpu.memory_space<vmem>> -> memref<80xi32, #tpu.memory_space<vmem>>
        %dma_wait3A_57 = arith.constant 0 : i32
        %dma_wait3A_58 = arith.constant 0 : i32
        %dma_wait3A_59 = tpu.memref_slice %arg13[%dma_wait3A_57, %dma_wait3A_58] : memref<5008x64xf32, #tpu.memory_space<vmem_shared>> -> memref<5008x64xf32, #tpu.memory_space<vmem_shared>>
        tpu.wait_indirect_dma semaphore(%run_scoped3A : memref<!tpu.dma_semaphore, #tpu.memory_space<semaphore_mem>>) src(%dma_wait3A_54 : memref<80x64xf32, #tpu.memory_space<vmem>>) dst(%dma_wait3A_59 : memref<5008x64xf32, #tpu.memory_space<vmem_shared>>)
        tpu.yield
      }) : () -> ()
    } else {
    }
    %eq3A_25 = arith.constant 1 : i32
    %eq3A_26 = arith.cmpi eq, %add3A, %eq3A_25 : i32
    %convert_element_type3A_27 = arith.extui %eq3A_26 : i1 to i32
    %cond3A_28 = arith.constant 0 : i32
    %cond3A_29 = arith.cmpi ne, %convert_element_type3A_27, %cond3A_28 : i32
    scf.if %cond3A_29 {
      "tpu.region"() ({
        %run_scoped3A = tpu.sem_alloc : memref<!tpu.dma_semaphore, #tpu.memory_space<semaphore_mem>>
        %dma_start3A = arith.constant 0 : i32
        %dma_start3A_41 = arith.constant 0 : i32
        %dma_start3A_42 = tpu.memref_slice %arg7[%dma_start3A, %dma_start3A_41] : memref<128x64xf32, #tpu.memory_space<vmem>> -> memref<80x64xf32, #tpu.memory_space<vmem>>
        %dma_start3A_43 = arith.constant 49920 : i32
        %dma_start3A_44 = arith.constant 0 : i32
        %dma_start3A_45 = tpu.memref_slice %arg3[%dma_start3A_43, %dma_start3A_44] : memref<50000x64xf32, #tpu.memory_space<hbm>> -> memref<80x64xf32, #tpu.memory_space<hbm>>
        %dma_start3A_46 = arith.constant 0 : i32
        %dma_start3A_47 = arith.constant 0 : i32
        %dma_start3A_48 = tpu.memref_slice %arg7[%dma_start3A_46, %dma_start3A_47] : memref<128x64xf32, #tpu.memory_space<vmem>> -> memref<80x64xf32, #tpu.memory_space<vmem>>
        %dma_start3A_49 = arith.constant 49920 : i32
        %dma_start3A_50 = arith.constant 0 : i32
        %dma_start3A_51 = tpu.memref_slice %arg3[%dma_start3A_49, %dma_start3A_50] : memref<50000x64xf32, #tpu.memory_space<hbm>> -> memref<80x64xf32, #tpu.memory_space<hbm>>
        tpu.enqueue_dma source(%dma_start3A_51 : memref<80x64xf32, #tpu.memory_space<hbm>>) target(%dma_start3A_48 : memref<80x64xf32, #tpu.memory_space<vmem>>) target_semaphore(%run_scoped3A : memref<!tpu.dma_semaphore, #tpu.memory_space<semaphore_mem>>)
        %dma_wait3A = arith.constant 0 : i32
        %dma_wait3A_52 = arith.constant 0 : i32
        %dma_wait3A_53 = tpu.memref_slice %arg7[%dma_wait3A, %dma_wait3A_52] : memref<128x64xf32, #tpu.memory_space<vmem>> -> memref<80x64xf32, #tpu.memory_space<vmem>>
        %dma_wait3A_54 = arith.constant 49920 : i32
        %dma_wait3A_55 = arith.constant 0 : i32
        %dma_wait3A_56 = tpu.memref_slice %arg3[%dma_wait3A_54, %dma_wait3A_55] : memref<50000x64xf32, #tpu.memory_space<hbm>> -> memref<80x64xf32, #tpu.memory_space<hbm>>
        %dma_wait3A_57 = arith.constant 0 : i32
        %dma_wait3A_58 = arith.constant 0 : i32
        %dma_wait3A_59 = tpu.memref_slice %arg7[%dma_wait3A_57, %dma_wait3A_58] : memref<128x64xf32, #tpu.memory_space<vmem>> -> memref<80x64xf32, #tpu.memory_space<vmem>>
        %dma_wait3A_60 = arith.constant 49920 : i32
        %dma_wait3A_61 = arith.constant 0 : i32
        %dma_wait3A_62 = tpu.memref_slice %arg3[%dma_wait3A_60, %dma_wait3A_61] : memref<50000x64xf32, #tpu.memory_space<hbm>> -> memref<80x64xf32, #tpu.memory_space<hbm>>
        tpu.wait_dma2 semaphore(%run_scoped3A : memref<!tpu.dma_semaphore, #tpu.memory_space<semaphore_mem>>) src(%dma_wait3A_62 : memref<80x64xf32, #tpu.memory_space<hbm>>) dst(%dma_wait3A_59 : memref<80x64xf32, #tpu.memory_space<vmem>>)
        tpu.yield
      }) : () -> ()
      "tpu.region"() ({
        %run_scoped3A = tpu.sem_alloc : memref<!tpu.dma_semaphore, #tpu.memory_space<semaphore_mem>>
        %dma_start3A = arith.constant 0 : i32
        %dma_start3A_41 = tpu.memref_slice %arg9[%dma_start3A] : memref<128xi32, #tpu.memory_space<vmem>> -> memref<80xi32, #tpu.memory_space<vmem>>
        %dma_start3A_42 = arith.constant 49920 : i32
        %dma_start3A_43 = tpu.memref_slice %arg4[%dma_start3A_42] : memref<50000xi32, #tpu.memory_space<hbm>> -> memref<80xi32, #tpu.memory_space<hbm>>
        %dma_start3A_44 = arith.constant 0 : i32
        %dma_start3A_45 = tpu.memref_slice %arg9[%dma_start3A_44] : memref<128xi32, #tpu.memory_space<vmem>> -> memref<80xi32, #tpu.memory_space<vmem>>
        %dma_start3A_46 = arith.constant 49920 : i32
        %dma_start3A_47 = tpu.memref_slice %arg4[%dma_start3A_46] : memref<50000xi32, #tpu.memory_space<hbm>> -> memref<80xi32, #tpu.memory_space<hbm>>
        tpu.enqueue_dma source(%dma_start3A_47 : memref<80xi32, #tpu.memory_space<hbm>>) target(%dma_start3A_45 : memref<80xi32, #tpu.memory_space<vmem>>) target_semaphore(%run_scoped3A : memref<!tpu.dma_semaphore, #tpu.memory_space<semaphore_mem>>)
        %dma_wait3A = arith.constant 0 : i32
        %dma_wait3A_48 = tpu.memref_slice %arg9[%dma_wait3A] : memref<128xi32, #tpu.memory_space<vmem>> -> memref<80xi32, #tpu.memory_space<vmem>>
        %dma_wait3A_49 = arith.constant 49920 : i32
        %dma_wait3A_50 = tpu.memref_slice %arg4[%dma_wait3A_49] : memref<50000xi32, #tpu.memory_space<hbm>> -> memref<80xi32, #tpu.memory_space<hbm>>
        %dma_wait3A_51 = arith.constant 0 : i32
        %dma_wait3A_52 = tpu.memref_slice %arg9[%dma_wait3A_51] : memref<128xi32, #tpu.memory_space<vmem>> -> memref<80xi32, #tpu.memory_space<vmem>>
        %dma_wait3A_53 = arith.constant 49920 : i32
        %dma_wait3A_54 = tpu.memref_slice %arg4[%dma_wait3A_53] : memref<50000xi32, #tpu.memory_space<hbm>> -> memref<80xi32, #tpu.memory_space<hbm>>
        tpu.wait_dma2 semaphore(%run_scoped3A : memref<!tpu.dma_semaphore, #tpu.memory_space<semaphore_mem>>) src(%dma_wait3A_54 : memref<80xi32, #tpu.memory_space<hbm>>) dst(%dma_wait3A_52 : memref<80xi32, #tpu.memory_space<vmem>>)
        tpu.yield
      }) : () -> ()
      "tpu.region"() ({
        %run_scoped3A = tpu.sem_alloc : memref<!tpu.dma_semaphore, #tpu.memory_space<semaphore_mem>>
        %dma_start3A = arith.constant 0 : i32
        %dma_start3A_41 = arith.constant 0 : i32
        %dma_start3A_42 = tpu.memref_slice %arg7[%dma_start3A, %dma_start3A_41] : memref<128x64xf32, #tpu.memory_space<vmem>> -> memref<80x64xf32, #tpu.memory_space<vmem>>
        %dma_start3A_43 = arith.constant 0 : i32
        %dma_start3A_44 = tpu.memref_slice %arg9[%dma_start3A_43] : memref<128xi32, #tpu.memory_space<vmem>> -> memref<80xi32, #tpu.memory_space<vmem>>
        %dma_start3A_45 = arith.constant 0 : i32
        %dma_start3A_46 = arith.constant 0 : i32
        %dma_start3A_47 = tpu.memref_slice %arg13[%dma_start3A_45, %dma_start3A_46] : memref<5008x64xf32, #tpu.memory_space<vmem_shared>> -> memref<5008x64xf32, #tpu.memory_space<vmem_shared>>
        tpu.enqueue_indirect_dma source(%dma_start3A_42 : memref<80x64xf32, #tpu.memory_space<vmem>>) target(%dma_start3A_47 : memref<5008x64xf32, #tpu.memory_space<vmem_shared>>) offsets(%dma_start3A_44 : memref<80xi32, #tpu.memory_space<vmem>>) semaphore(%run_scoped3A : memref<!tpu.dma_semaphore, #tpu.memory_space<semaphore_mem>>) {add = true}
        %dma_wait3A = arith.constant 0 : i32
        %dma_wait3A_48 = arith.constant 0 : i32
        %dma_wait3A_49 = tpu.memref_slice %arg7[%dma_wait3A, %dma_wait3A_48] : memref<128x64xf32, #tpu.memory_space<vmem>> -> memref<80x64xf32, #tpu.memory_space<vmem>>
        %dma_wait3A_50 = arith.constant 0 : i32
        %dma_wait3A_51 = tpu.memref_slice %arg9[%dma_wait3A_50] : memref<128xi32, #tpu.memory_space<vmem>> -> memref<80xi32, #tpu.memory_space<vmem>>
        %dma_wait3A_52 = arith.constant 0 : i32
        %dma_wait3A_53 = arith.constant 0 : i32
        %dma_wait3A_54 = tpu.memref_slice %arg13[%dma_wait3A_52, %dma_wait3A_53] : memref<5008x64xf32, #tpu.memory_space<vmem_shared>> -> memref<5008x64xf32, #tpu.memory_space<vmem_shared>>
        tpu.wait_indirect_dma semaphore(%run_scoped3A : memref<!tpu.dma_semaphore, #tpu.memory_space<semaphore_mem>>) src(%dma_wait3A_49 : memref<80x64xf32, #tpu.memory_space<vmem>>) dst(%dma_wait3A_54 : memref<5008x64xf32, #tpu.memory_space<vmem_shared>>)
        tpu.yield
      }) : () -> ()
    } else {
    }
    %barrier3A_30 = arith.constant 0 : index
    tpu.barrier barrier_id(%barrier3A_30)
    %lt3A_31 = arith.constant 15 : i32
    %lt3A_32 = arith.cmpi slt, %arg1, %lt3A_31 : i32
    %convert_element_type3A_33 = arith.extui %lt3A_32 : i1 to i32
    %cond3A_34 = arith.constant 0 : i32
    %cond3A_35 = arith.cmpi ne, %convert_element_type3A_33, %cond3A_34 : i32
    scf.if %cond3A_35 {
      %mul3A_41 = arith.constant 320 : i32
      %mul3A_42 = arith.muli %arg1, %mul3A_41 : i32
      %mul3A_43 = arith.constant 5008 : i32
      %mul3A_44 = arith.muli %arg0, %mul3A_43 : i32
      %mul3A_45 = arith.constant 320 : i32
      %mul3A_46 = arith.muli %arg1, %mul3A_45 : i32
      %add3A_47 = arith.addi %mul3A_44, %mul3A_46 : i32
      "tpu.region"() ({
        %run_scoped3A = tpu.sem_alloc : memref<!tpu.dma_semaphore, #tpu.memory_space<semaphore_mem>>
        %dma_start3A = arith.constant 0 : i32
        %dma_start3A_48 = tpu.memref_slice %arg6[%add3A_47, %dma_start3A] : memref<10016x64xf32, #tpu.memory_space<hbm>> -> memref<320x64xf32, #tpu.memory_space<hbm>>
        %dma_start3A_49 = arith.constant 0 : i32
        %dma_start3A_50 = tpu.memref_slice %arg13[%mul3A_42, %dma_start3A_49] : memref<5008x64xf32, #tpu.memory_space<vmem_shared>> -> memref<320x64xf32, #tpu.memory_space<vmem_shared>>
        tpu.enqueue_dma source(%dma_start3A_50 : memref<320x64xf32, #tpu.memory_space<vmem_shared>>) target(%dma_start3A_48 : memref<320x64xf32, #tpu.memory_space<hbm>>) target_semaphore(%run_scoped3A : memref<!tpu.dma_semaphore, #tpu.memory_space<semaphore_mem>>)
        %dma_wait3A = arith.constant 0 : i32
        %dma_wait3A_51 = tpu.memref_slice %arg6[%add3A_47, %dma_wait3A] : memref<10016x64xf32, #tpu.memory_space<hbm>> -> memref<320x64xf32, #tpu.memory_space<hbm>>
        %dma_wait3A_52 = arith.constant 0 : i32
        %dma_wait3A_53 = tpu.memref_slice %arg13[%mul3A_42, %dma_wait3A_52] : memref<5008x64xf32, #tpu.memory_space<vmem_shared>> -> memref<320x64xf32, #tpu.memory_space<vmem_shared>>
        tpu.wait_dma2 semaphore(%run_scoped3A : memref<!tpu.dma_semaphore, #tpu.memory_space<semaphore_mem>>) src(%dma_wait3A_53 : memref<320x64xf32, #tpu.memory_space<vmem_shared>>) dst(%dma_wait3A_51 : memref<320x64xf32, #tpu.memory_space<hbm>>)
        tpu.yield
      }) : () -> ()
    } else {
    }
    %eq3A_36 = arith.constant 15 : i32
    %eq3A_37 = arith.cmpi eq, %arg1, %eq3A_36 : i32
    %convert_element_type3A_38 = arith.extui %eq3A_37 : i1 to i32
    %cond3A_39 = arith.constant 0 : i32
    %cond3A_40 = arith.cmpi ne, %convert_element_type3A_38, %cond3A_39 : i32
    scf.if %cond3A_40 {
      %mul3A_41 = arith.constant 5008 : i32
      %mul3A_42 = arith.muli %arg0, %mul3A_41 : i32
      %add3A_43 = arith.constant 4800 : i32
      %add3A_44 = arith.addi %mul3A_42, %add3A_43 : i32
      "tpu.region"() ({
        %run_scoped3A = tpu.sem_alloc : memref<!tpu.dma_semaphore, #tpu.memory_space<semaphore_mem>>
        %dma_start3A = arith.constant 0 : i32
        %dma_start3A_45 = tpu.memref_slice %arg6[%add3A_44, %dma_start3A] : memref<10016x64xf32, #tpu.memory_space<hbm>> -> memref<208x64xf32, #tpu.memory_space<hbm>>
        %dma_start3A_46 = arith.constant 4800 : i32
        %dma_start3A_47 = arith.constant 0 : i32
        %dma_start3A_48 = tpu.memref_slice %arg13[%dma_start3A_46, %dma_start3A_47] : memref<5008x64xf32, #tpu.memory_space<vmem_shared>> -> memref<208x64xf32, #tpu.memory_space<vmem_shared>>
        tpu.enqueue_dma source(%dma_start3A_48 : memref<208x64xf32, #tpu.memory_space<vmem_shared>>) target(%dma_start3A_45 : memref<208x64xf32, #tpu.memory_space<hbm>>) target_semaphore(%run_scoped3A : memref<!tpu.dma_semaphore, #tpu.memory_space<semaphore_mem>>)
        %dma_wait3A = arith.constant 0 : i32
        %dma_wait3A_49 = tpu.memref_slice %arg6[%add3A_44, %dma_wait3A] : memref<10016x64xf32, #tpu.memory_space<hbm>> -> memref<208x64xf32, #tpu.memory_space<hbm>>
        %dma_wait3A_50 = arith.constant 4800 : i32
        %dma_wait3A_51 = arith.constant 0 : i32
        %dma_wait3A_52 = tpu.memref_slice %arg13[%dma_wait3A_50, %dma_wait3A_51] : memref<5008x64xf32, #tpu.memory_space<vmem_shared>> -> memref<208x64xf32, #tpu.memory_space<vmem_shared>>
        tpu.wait_dma2 semaphore(%run_scoped3A : memref<!tpu.dma_semaphore, #tpu.memory_space<semaphore_mem>>) src(%dma_wait3A_52 : memref<208x64xf32, #tpu.memory_space<vmem_shared>>) dst(%dma_wait3A_49 : memref<208x64xf32, #tpu.memory_space<hbm>>)
        tpu.yield
      }) : () -> ()
    } else {
    }
    return
  }
}

#map = affine_map<(d0, d1) -> (0, 0)>
#map1 = affine_map<(d0, d1) -> (0, 0, 0)>
module attributes {stable_mosaic.version = 14 : i64} {
  func.func @_sc_msg(%arg0: i32, %arg1: i32, %arg2: memref<100000x32xf32, #tpu.memory_space<hbm>>, %arg3: memref<12512x2x128xi32, #tpu.memory_space<hbm>>, %arg4: memref<3128x32xf32, #tpu.memory_space<hbm>>, %arg5: memref<100000x32xf32, #tpu.memory_space<hbm>>, %arg6: memref<128x32xf32, #tpu.memory_space<vmem>>, %arg7: memref<128x32xf32, #tpu.memory_space<vmem>>, %arg8: memref<128x32xf32, #tpu.memory_space<vmem>>, %arg9: memref<128x32xf32, #tpu.memory_space<vmem>>, %arg10: memref<2x128xi32, #tpu.memory_space<vmem>>, %arg11: memref<2x128xi32, #tpu.memory_space<vmem>>, %arg12: memref<2x128xi32, #tpu.memory_space<vmem>>, %arg13: memref<2x128xi32, #tpu.memory_space<vmem>>, %arg14: memref<!tpu.dma_semaphore, #tpu.memory_space<semaphore_mem>>, %arg15: memref<!tpu.dma_semaphore, #tpu.memory_space<semaphore_mem>>, %arg16: memref<!tpu.dma_semaphore, #tpu.memory_space<semaphore_mem>>, %arg17: memref<!tpu.dma_semaphore, #tpu.memory_space<semaphore_mem>>, %arg18: memref<!tpu.dma_semaphore, #tpu.memory_space<semaphore_mem>>, %arg19: memref<!tpu.dma_semaphore, #tpu.memory_space<semaphore_mem>>, %arg20: memref<!tpu.dma_semaphore, #tpu.memory_space<semaphore_mem>>, %arg21: memref<!tpu.dma_semaphore, #tpu.memory_space<semaphore_mem>>, %arg22: memref<50008x32xf32, #tpu.memory_space<vmem_shared>>) attributes {dimension_semantics = [#tpu.dimension_semantics<core_parallel>, #tpu.dimension_semantics<subcore_parallel>], iteration_bounds = array<i64: 2, 16>, scalar_prefetch = 0 : i64, scratch_operands = 17 : i64, tpu.core_type = #tpu.core_type<sc_vector_subcore>, window_params = [{transform_indices = #map}, {transform_indices = #map1}, {transform_indices = #map}, {transform_indices = #map}]} {
    %lt3A = arith.constant 15 : i32
    %lt3A_0 = arith.cmpi slt, %arg1, %lt3A : i32
    %convert_element_type3A = arith.extui %lt3A_0 : i1 to i32
    %cond3A = arith.constant 0 : i32
    %cond3A_1 = arith.cmpi ne, %convert_element_type3A, %cond3A : i32
    scf.if %cond3A_1 {
      %mul3A_123 = arith.constant 3128 : i32
      %mul3A_124 = arith.muli %arg1, %mul3A_123 : i32
      "tpu.region"() ({
        %run_scoped3A = tpu.sem_alloc : memref<!tpu.dma_semaphore, #tpu.memory_space<semaphore_mem>>
        %dma_start3A_125 = arith.constant 0 : i32
        %dma_start3A_126 = tpu.memref_slice %arg22[%mul3A_124, %dma_start3A_125] : memref<50008x32xf32, #tpu.memory_space<vmem_shared>> -> memref<3128x32xf32, #tpu.memory_space<vmem_shared>>
        tpu.enqueue_dma source(%arg4 : memref<3128x32xf32, #tpu.memory_space<hbm>>) target(%dma_start3A_126 : memref<3128x32xf32, #tpu.memory_space<vmem_shared>>) target_semaphore(%run_scoped3A : memref<!tpu.dma_semaphore, #tpu.memory_space<semaphore_mem>>)
        %dma_wait3A_127 = arith.constant 0 : i32
        %dma_wait3A_128 = tpu.memref_slice %arg22[%mul3A_124, %dma_wait3A_127] : memref<50008x32xf32, #tpu.memory_space<vmem_shared>> -> memref<3128x32xf32, #tpu.memory_space<vmem_shared>>
        tpu.wait_dma2 semaphore(%run_scoped3A : memref<!tpu.dma_semaphore, #tpu.memory_space<semaphore_mem>>) src(%arg4 : memref<3128x32xf32, #tpu.memory_space<hbm>>) dst(%dma_wait3A_128 : memref<3128x32xf32, #tpu.memory_space<vmem_shared>>)
        tpu.yield
      }) : () -> ()
    } else {
    }
    %eq3A = arith.constant 15 : i32
    %eq3A_2 = arith.cmpi eq, %arg1, %eq3A : i32
    %convert_element_type3A_3 = arith.extui %eq3A_2 : i1 to i32
    %cond3A_4 = arith.constant 0 : i32
    %cond3A_5 = arith.cmpi ne, %convert_element_type3A_3, %cond3A_4 : i32
    scf.if %cond3A_5 {
      "tpu.region"() ({
        %run_scoped3A = tpu.sem_alloc : memref<!tpu.dma_semaphore, #tpu.memory_space<semaphore_mem>>
        %dma_start3A_123 = arith.constant 46920 : i32
        %dma_start3A_124 = arith.constant 0 : i32
        %dma_start3A_125 = tpu.memref_slice %arg22[%dma_start3A_123, %dma_start3A_124] : memref<50008x32xf32, #tpu.memory_space<vmem_shared>> -> memref<3080x32xf32, #tpu.memory_space<vmem_shared>>
        %dma_start3A_126 = arith.constant 0 : i32
        %dma_start3A_127 = arith.constant 0 : i32
        %dma_start3A_128 = tpu.memref_slice %arg4[%dma_start3A_126, %dma_start3A_127] : memref<3128x32xf32, #tpu.memory_space<hbm>> -> memref<3080x32xf32, #tpu.memory_space<hbm>>
        tpu.enqueue_dma source(%dma_start3A_128 : memref<3080x32xf32, #tpu.memory_space<hbm>>) target(%dma_start3A_125 : memref<3080x32xf32, #tpu.memory_space<vmem_shared>>) target_semaphore(%run_scoped3A : memref<!tpu.dma_semaphore, #tpu.memory_space<semaphore_mem>>)
        %dma_wait3A_129 = arith.constant 46920 : i32
        %dma_wait3A_130 = arith.constant 0 : i32
        %dma_wait3A_131 = tpu.memref_slice %arg22[%dma_wait3A_129, %dma_wait3A_130] : memref<50008x32xf32, #tpu.memory_space<vmem_shared>> -> memref<3080x32xf32, #tpu.memory_space<vmem_shared>>
        %dma_wait3A_132 = arith.constant 0 : i32
        %dma_wait3A_133 = arith.constant 0 : i32
        %dma_wait3A_134 = tpu.memref_slice %arg4[%dma_wait3A_132, %dma_wait3A_133] : memref<3128x32xf32, #tpu.memory_space<hbm>> -> memref<3080x32xf32, #tpu.memory_space<hbm>>
        tpu.wait_dma2 semaphore(%run_scoped3A : memref<!tpu.dma_semaphore, #tpu.memory_space<semaphore_mem>>) src(%dma_wait3A_134 : memref<3080x32xf32, #tpu.memory_space<hbm>>) dst(%dma_wait3A_131 : memref<3080x32xf32, #tpu.memory_space<vmem_shared>>)
        tpu.yield
      }) : () -> ()
    } else {
    }
    %barrier3A = arith.constant 0 : index
    tpu.barrier barrier_id(%barrier3A)
    %mul3A = arith.constant 16 : i32
    %mul3A_6 = arith.muli %arg0, %mul3A : i32
    %add3A = arith.addi %mul3A_6, %arg1 : i32
    %mul3A_7 = arith.constant 391 : i32
    %mul3A_8 = arith.muli %add3A, %mul3A_7 : i32
    %add3A_9 = arith.constant 0 : i32
    %add3A_10 = arith.addi %mul3A_8, %add3A_9 : i32
    "tpu.region"() ({
      %run_scoped3A = tpu.sem_alloc : memref<!tpu.dma_semaphore, #tpu.memory_space<semaphore_mem>>
      %dma_start3A_123 = arith.constant 0 : i32
      %dma_start3A_124 = arith.constant 0 : i32
      %dma_start3A_125 = tpu.memref_slice %arg3[%add3A_10, %dma_start3A_123, %dma_start3A_124] : memref<12512x2x128xi32, #tpu.memory_space<hbm>> -> memref<1x2x128xi32, #tpu.memory_space<hbm>>
      %dma_start3A_126 = tpu.memref_squeeze %dma_start3A_125 : memref<1x2x128xi32, #tpu.memory_space<hbm>> -> memref<2x128xi32, #tpu.memory_space<hbm>>
      %dma_start3A_127 = arith.constant 0 : i32
      %dma_start3A_128 = arith.constant 0 : i32
      %dma_start3A_129 = tpu.memref_slice %arg3[%add3A_10, %dma_start3A_127, %dma_start3A_128] : memref<12512x2x128xi32, #tpu.memory_space<hbm>> -> memref<1x2x128xi32, #tpu.memory_space<hbm>>
      %dma_start3A_130 = tpu.memref_squeeze %dma_start3A_129 : memref<1x2x128xi32, #tpu.memory_space<hbm>> -> memref<2x128xi32, #tpu.memory_space<hbm>>
      tpu.enqueue_dma source(%dma_start3A_130 : memref<2x128xi32, #tpu.memory_space<hbm>>) target(%arg10 : memref<2x128xi32, #tpu.memory_space<vmem>>) target_semaphore(%run_scoped3A : memref<!tpu.dma_semaphore, #tpu.memory_space<semaphore_mem>>)
      %dma_wait3A_131 = arith.constant 0 : i32
      %dma_wait3A_132 = arith.constant 0 : i32
      %dma_wait3A_133 = tpu.memref_slice %arg3[%add3A_10, %dma_wait3A_131, %dma_wait3A_132] : memref<12512x2x128xi32, #tpu.memory_space<hbm>> -> memref<1x2x128xi32, #tpu.memory_space<hbm>>
      %dma_wait3A_134 = tpu.memref_squeeze %dma_wait3A_133 : memref<1x2x128xi32, #tpu.memory_space<hbm>> -> memref<2x128xi32, #tpu.memory_space<hbm>>
      %dma_wait3A_135 = arith.constant 0 : i32
      %dma_wait3A_136 = arith.constant 0 : i32
      %dma_wait3A_137 = tpu.memref_slice %arg3[%add3A_10, %dma_wait3A_135, %dma_wait3A_136] : memref<12512x2x128xi32, #tpu.memory_space<hbm>> -> memref<1x2x128xi32, #tpu.memory_space<hbm>>
      %dma_wait3A_138 = tpu.memref_squeeze %dma_wait3A_137 : memref<1x2x128xi32, #tpu.memory_space<hbm>> -> memref<2x128xi32, #tpu.memory_space<hbm>>
      tpu.wait_dma2 semaphore(%run_scoped3A : memref<!tpu.dma_semaphore, #tpu.memory_space<semaphore_mem>>) src(%dma_wait3A_138 : memref<2x128xi32, #tpu.memory_space<hbm>>) dst(%arg10 : memref<2x128xi32, #tpu.memory_space<vmem>>)
      tpu.yield
    }) : () -> ()
    %dma_start3A = arith.constant 0 : i32
    %dma_start3A_11 = arith.constant 0 : i32
    %dma_start3A_12 = tpu.memref_slice %arg10[%dma_start3A, %dma_start3A_11] : memref<2x128xi32, #tpu.memory_space<vmem>> -> memref<1x128xi32, #tpu.memory_space<vmem>>
    %dma_start3A_13 = tpu.memref_squeeze %dma_start3A_12 : memref<1x128xi32, #tpu.memory_space<vmem>> -> memref<128xi32, #tpu.memory_space<vmem>>
    %dma_start3A_14 = arith.constant 0 : i32
    %dma_start3A_15 = arith.constant 0 : i32
    %dma_start3A_16 = tpu.memref_slice %arg2[%dma_start3A_14, %dma_start3A_15] : memref<100000x32xf32, #tpu.memory_space<hbm>> -> memref<100000x32xf32, #tpu.memory_space<hbm>>
    tpu.enqueue_indirect_dma source(%dma_start3A_16 : memref<100000x32xf32, #tpu.memory_space<hbm>>) target(%arg6 : memref<128x32xf32, #tpu.memory_space<vmem>>) offsets(%dma_start3A_13 : memref<128xi32, #tpu.memory_space<vmem>>) semaphore(%arg14 : memref<!tpu.dma_semaphore, #tpu.memory_space<semaphore_mem>>)
    %add3A_17 = arith.constant 1 : i32
    %add3A_18 = arith.addi %mul3A_8, %add3A_17 : i32
    "tpu.region"() ({
      %run_scoped3A = tpu.sem_alloc : memref<!tpu.dma_semaphore, #tpu.memory_space<semaphore_mem>>
      %dma_start3A_123 = arith.constant 0 : i32
      %dma_start3A_124 = arith.constant 0 : i32
      %dma_start3A_125 = tpu.memref_slice %arg3[%add3A_18, %dma_start3A_123, %dma_start3A_124] : memref<12512x2x128xi32, #tpu.memory_space<hbm>> -> memref<1x2x128xi32, #tpu.memory_space<hbm>>
      %dma_start3A_126 = tpu.memref_squeeze %dma_start3A_125 : memref<1x2x128xi32, #tpu.memory_space<hbm>> -> memref<2x128xi32, #tpu.memory_space<hbm>>
      %dma_start3A_127 = arith.constant 0 : i32
      %dma_start3A_128 = arith.constant 0 : i32
      %dma_start3A_129 = tpu.memref_slice %arg3[%add3A_18, %dma_start3A_127, %dma_start3A_128] : memref<12512x2x128xi32, #tpu.memory_space<hbm>> -> memref<1x2x128xi32, #tpu.memory_space<hbm>>
      %dma_start3A_130 = tpu.memref_squeeze %dma_start3A_129 : memref<1x2x128xi32, #tpu.memory_space<hbm>> -> memref<2x128xi32, #tpu.memory_space<hbm>>
      tpu.enqueue_dma source(%dma_start3A_130 : memref<2x128xi32, #tpu.memory_space<hbm>>) target(%arg11 : memref<2x128xi32, #tpu.memory_space<vmem>>) target_semaphore(%run_scoped3A : memref<!tpu.dma_semaphore, #tpu.memory_space<semaphore_mem>>)
      %dma_wait3A_131 = arith.constant 0 : i32
      %dma_wait3A_132 = arith.constant 0 : i32
      %dma_wait3A_133 = tpu.memref_slice %arg3[%add3A_18, %dma_wait3A_131, %dma_wait3A_132] : memref<12512x2x128xi32, #tpu.memory_space<hbm>> -> memref<1x2x128xi32, #tpu.memory_space<hbm>>
      %dma_wait3A_134 = tpu.memref_squeeze %dma_wait3A_133 : memref<1x2x128xi32, #tpu.memory_space<hbm>> -> memref<2x128xi32, #tpu.memory_space<hbm>>
      %dma_wait3A_135 = arith.constant 0 : i32
      %dma_wait3A_136 = arith.constant 0 : i32
      %dma_wait3A_137 = tpu.memref_slice %arg3[%add3A_18, %dma_wait3A_135, %dma_wait3A_136] : memref<12512x2x128xi32, #tpu.memory_space<hbm>> -> memref<1x2x128xi32, #tpu.memory_space<hbm>>
      %dma_wait3A_138 = tpu.memref_squeeze %dma_wait3A_137 : memref<1x2x128xi32, #tpu.memory_space<hbm>> -> memref<2x128xi32, #tpu.memory_space<hbm>>
      tpu.wait_dma2 semaphore(%run_scoped3A : memref<!tpu.dma_semaphore, #tpu.memory_space<semaphore_mem>>) src(%dma_wait3A_138 : memref<2x128xi32, #tpu.memory_space<hbm>>) dst(%arg11 : memref<2x128xi32, #tpu.memory_space<vmem>>)
      tpu.yield
    }) : () -> ()
    %dma_start3A_19 = arith.constant 0 : i32
    %dma_start3A_20 = arith.constant 0 : i32
    %dma_start3A_21 = tpu.memref_slice %arg11[%dma_start3A_19, %dma_start3A_20] : memref<2x128xi32, #tpu.memory_space<vmem>> -> memref<1x128xi32, #tpu.memory_space<vmem>>
    %dma_start3A_22 = tpu.memref_squeeze %dma_start3A_21 : memref<1x128xi32, #tpu.memory_space<vmem>> -> memref<128xi32, #tpu.memory_space<vmem>>
    %dma_start3A_23 = arith.constant 0 : i32
    %dma_start3A_24 = arith.constant 0 : i32
    %dma_start3A_25 = tpu.memref_slice %arg2[%dma_start3A_23, %dma_start3A_24] : memref<100000x32xf32, #tpu.memory_space<hbm>> -> memref<100000x32xf32, #tpu.memory_space<hbm>>
    tpu.enqueue_indirect_dma source(%dma_start3A_25 : memref<100000x32xf32, #tpu.memory_space<hbm>>) target(%arg7 : memref<128x32xf32, #tpu.memory_space<vmem>>) offsets(%dma_start3A_22 : memref<128xi32, #tpu.memory_space<vmem>>) semaphore(%arg15 : memref<!tpu.dma_semaphore, #tpu.memory_space<semaphore_mem>>)
    %add3A_26 = arith.constant 2 : i32
    %add3A_27 = arith.addi %mul3A_8, %add3A_26 : i32
    "tpu.region"() ({
      %run_scoped3A = tpu.sem_alloc : memref<!tpu.dma_semaphore, #tpu.memory_space<semaphore_mem>>
      %dma_start3A_123 = arith.constant 0 : i32
      %dma_start3A_124 = arith.constant 0 : i32
      %dma_start3A_125 = tpu.memref_slice %arg3[%add3A_27, %dma_start3A_123, %dma_start3A_124] : memref<12512x2x128xi32, #tpu.memory_space<hbm>> -> memref<1x2x128xi32, #tpu.memory_space<hbm>>
      %dma_start3A_126 = tpu.memref_squeeze %dma_start3A_125 : memref<1x2x128xi32, #tpu.memory_space<hbm>> -> memref<2x128xi32, #tpu.memory_space<hbm>>
      %dma_start3A_127 = arith.constant 0 : i32
      %dma_start3A_128 = arith.constant 0 : i32
      %dma_start3A_129 = tpu.memref_slice %arg3[%add3A_27, %dma_start3A_127, %dma_start3A_128] : memref<12512x2x128xi32, #tpu.memory_space<hbm>> -> memref<1x2x128xi32, #tpu.memory_space<hbm>>
      %dma_start3A_130 = tpu.memref_squeeze %dma_start3A_129 : memref<1x2x128xi32, #tpu.memory_space<hbm>> -> memref<2x128xi32, #tpu.memory_space<hbm>>
      tpu.enqueue_dma source(%dma_start3A_130 : memref<2x128xi32, #tpu.memory_space<hbm>>) target(%arg12 : memref<2x128xi32, #tpu.memory_space<vmem>>) target_semaphore(%run_scoped3A : memref<!tpu.dma_semaphore, #tpu.memory_space<semaphore_mem>>)
      %dma_wait3A_131 = arith.constant 0 : i32
      %dma_wait3A_132 = arith.constant 0 : i32
      %dma_wait3A_133 = tpu.memref_slice %arg3[%add3A_27, %dma_wait3A_131, %dma_wait3A_132] : memref<12512x2x128xi32, #tpu.memory_space<hbm>> -> memref<1x2x128xi32, #tpu.memory_space<hbm>>
      %dma_wait3A_134 = tpu.memref_squeeze %dma_wait3A_133 : memref<1x2x128xi32, #tpu.memory_space<hbm>> -> memref<2x128xi32, #tpu.memory_space<hbm>>
      %dma_wait3A_135 = arith.constant 0 : i32
      %dma_wait3A_136 = arith.constant 0 : i32
      %dma_wait3A_137 = tpu.memref_slice %arg3[%add3A_27, %dma_wait3A_135, %dma_wait3A_136] : memref<12512x2x128xi32, #tpu.memory_space<hbm>> -> memref<1x2x128xi32, #tpu.memory_space<hbm>>
      %dma_wait3A_138 = tpu.memref_squeeze %dma_wait3A_137 : memref<1x2x128xi32, #tpu.memory_space<hbm>> -> memref<2x128xi32, #tpu.memory_space<hbm>>
      tpu.wait_dma2 semaphore(%run_scoped3A : memref<!tpu.dma_semaphore, #tpu.memory_space<semaphore_mem>>) src(%dma_wait3A_138 : memref<2x128xi32, #tpu.memory_space<hbm>>) dst(%arg12 : memref<2x128xi32, #tpu.memory_space<vmem>>)
      tpu.yield
    }) : () -> ()
    %dma_start3A_28 = arith.constant 0 : i32
    %dma_start3A_29 = arith.constant 0 : i32
    %dma_start3A_30 = tpu.memref_slice %arg12[%dma_start3A_28, %dma_start3A_29] : memref<2x128xi32, #tpu.memory_space<vmem>> -> memref<1x128xi32, #tpu.memory_space<vmem>>
    %dma_start3A_31 = tpu.memref_squeeze %dma_start3A_30 : memref<1x128xi32, #tpu.memory_space<vmem>> -> memref<128xi32, #tpu.memory_space<vmem>>
    %dma_start3A_32 = arith.constant 0 : i32
    %dma_start3A_33 = arith.constant 0 : i32
    %dma_start3A_34 = tpu.memref_slice %arg2[%dma_start3A_32, %dma_start3A_33] : memref<100000x32xf32, #tpu.memory_space<hbm>> -> memref<100000x32xf32, #tpu.memory_space<hbm>>
    tpu.enqueue_indirect_dma source(%dma_start3A_34 : memref<100000x32xf32, #tpu.memory_space<hbm>>) target(%arg8 : memref<128x32xf32, #tpu.memory_space<vmem>>) offsets(%dma_start3A_31 : memref<128xi32, #tpu.memory_space<vmem>>) semaphore(%arg16 : memref<!tpu.dma_semaphore, #tpu.memory_space<semaphore_mem>>)
    %scan3A = arith.constant 0 : i32
    %scan3A_35 = arith.constant 0 : i32
    %scan3A_36 = arith.constant 97 : i32
    %scan3A_37 = arith.addi %scan3A_35, %scan3A_36 : i32
    %scan3A_38 = arith.constant 1 : i32
    %scan3A_39 = scf.for %scan3A_123 = %scan3A_35 to %scan3A_37 step %scan3A_38 iter_args(%scan3A_124 = %scan3A) -> (i32)  : i32 {
      %mul3A_125 = arith.constant 4 : i32
      %mul3A_126 = arith.muli %mul3A_125, %scan3A_123 : i32
      %add3A_127 = arith.constant 0 : i32
      %add3A_128 = arith.addi %mul3A_126, %add3A_127 : i32
      %dma_wait3A_129 = arith.constant 0 : i32
      %dma_wait3A_130 = arith.constant 0 : i32
      %dma_wait3A_131 = tpu.memref_slice %arg10[%dma_wait3A_129, %dma_wait3A_130] : memref<2x128xi32, #tpu.memory_space<vmem>> -> memref<1x128xi32, #tpu.memory_space<vmem>>
      %dma_wait3A_132 = tpu.memref_squeeze %dma_wait3A_131 : memref<1x128xi32, #tpu.memory_space<vmem>> -> memref<128xi32, #tpu.memory_space<vmem>>
      %dma_wait3A_133 = arith.constant 0 : i32
      %dma_wait3A_134 = arith.constant 0 : i32
      %dma_wait3A_135 = tpu.memref_slice %arg2[%dma_wait3A_133, %dma_wait3A_134] : memref<100000x32xf32, #tpu.memory_space<hbm>> -> memref<100000x32xf32, #tpu.memory_space<hbm>>
      tpu.wait_indirect_dma semaphore(%arg14 : memref<!tpu.dma_semaphore, #tpu.memory_space<semaphore_mem>>) src(%dma_wait3A_135 : memref<100000x32xf32, #tpu.memory_space<hbm>>) dst(%arg6 : memref<128x32xf32, #tpu.memory_space<vmem>>)
      %dma_start3A_136 = arith.constant 1 : i32
      %dma_start3A_137 = arith.constant 0 : i32
      %dma_start3A_138 = tpu.memref_slice %arg10[%dma_start3A_136, %dma_start3A_137] : memref<2x128xi32, #tpu.memory_space<vmem>> -> memref<1x128xi32, #tpu.memory_space<vmem>>
      %dma_start3A_139 = tpu.memref_squeeze %dma_start3A_138 : memref<1x128xi32, #tpu.memory_space<vmem>> -> memref<128xi32, #tpu.memory_space<vmem>>
      %dma_start3A_140 = arith.constant 0 : i32
      %dma_start3A_141 = arith.constant 0 : i32
      %dma_start3A_142 = tpu.memref_slice %arg22[%dma_start3A_140, %dma_start3A_141] : memref<50008x32xf32, #tpu.memory_space<vmem_shared>> -> memref<50008x32xf32, #tpu.memory_space<vmem_shared>>
      tpu.enqueue_indirect_dma source(%arg6 : memref<128x32xf32, #tpu.memory_space<vmem>>) target(%dma_start3A_142 : memref<50008x32xf32, #tpu.memory_space<vmem_shared>>) offsets(%dma_start3A_139 : memref<128xi32, #tpu.memory_space<vmem>>) semaphore(%arg18 : memref<!tpu.dma_semaphore, #tpu.memory_space<semaphore_mem>>) {add = true}
      %add3A_143 = arith.constant 3 : i32
      %add3A_144 = arith.addi %add3A_128, %add3A_143 : i32
      %lt3A_145 = arith.constant 391 : i32
      %lt3A_146 = arith.cmpi slt, %add3A_144, %lt3A_145 : i32
      %convert_element_type3A_147 = arith.extui %lt3A_146 : i1 to i32
      %cond3A_148 = arith.constant 0 : i32
      %cond3A_149 = arith.cmpi ne, %convert_element_type3A_147, %cond3A_148 : i32
      scf.if %cond3A_149 {
        %ge3A = arith.constant 4 : i32
        %ge3A_226 = arith.cmpi sge, %add3A_144, %ge3A : i32
        %convert_element_type3A_227 = arith.extui %ge3A_226 : i1 to i32
        %cond3A_228 = arith.constant 0 : i32
        %cond3A_229 = arith.cmpi ne, %convert_element_type3A_227, %cond3A_228 : i32
        scf.if %cond3A_229 {
          %dma_wait3A_238 = arith.constant 1 : i32
          %dma_wait3A_239 = arith.constant 0 : i32
          %dma_wait3A_240 = tpu.memref_slice %arg13[%dma_wait3A_238, %dma_wait3A_239] : memref<2x128xi32, #tpu.memory_space<vmem>> -> memref<1x128xi32, #tpu.memory_space<vmem>>
          %dma_wait3A_241 = tpu.memref_squeeze %dma_wait3A_240 : memref<1x128xi32, #tpu.memory_space<vmem>> -> memref<128xi32, #tpu.memory_space<vmem>>
          %dma_wait3A_242 = arith.constant 0 : i32
          %dma_wait3A_243 = arith.constant 0 : i32
          %dma_wait3A_244 = tpu.memref_slice %arg22[%dma_wait3A_242, %dma_wait3A_243] : memref<50008x32xf32, #tpu.memory_space<vmem_shared>> -> memref<50008x32xf32, #tpu.memory_space<vmem_shared>>
          tpu.wait_indirect_dma semaphore(%arg21 : memref<!tpu.dma_semaphore, #tpu.memory_space<semaphore_mem>>) src(%arg9 : memref<128x32xf32, #tpu.memory_space<vmem>>) dst(%dma_wait3A_244 : memref<50008x32xf32, #tpu.memory_space<vmem_shared>>)
        } else {
        }
        %add3A_230 = arith.addi %mul3A_8, %add3A_144 : i32
        "tpu.region"() ({
          %run_scoped3A = tpu.sem_alloc : memref<!tpu.dma_semaphore, #tpu.memory_space<semaphore_mem>>
          %dma_start3A_238 = arith.constant 0 : i32
          %dma_start3A_239 = arith.constant 0 : i32
          %dma_start3A_240 = tpu.memref_slice %arg3[%add3A_230, %dma_start3A_238, %dma_start3A_239] : memref<12512x2x128xi32, #tpu.memory_space<hbm>> -> memref<1x2x128xi32, #tpu.memory_space<hbm>>
          %dma_start3A_241 = tpu.memref_squeeze %dma_start3A_240 : memref<1x2x128xi32, #tpu.memory_space<hbm>> -> memref<2x128xi32, #tpu.memory_space<hbm>>
          %dma_start3A_242 = arith.constant 0 : i32
          %dma_start3A_243 = arith.constant 0 : i32
          %dma_start3A_244 = tpu.memref_slice %arg3[%add3A_230, %dma_start3A_242, %dma_start3A_243] : memref<12512x2x128xi32, #tpu.memory_space<hbm>> -> memref<1x2x128xi32, #tpu.memory_space<hbm>>
          %dma_start3A_245 = tpu.memref_squeeze %dma_start3A_244 : memref<1x2x128xi32, #tpu.memory_space<hbm>> -> memref<2x128xi32, #tpu.memory_space<hbm>>
          tpu.enqueue_dma source(%dma_start3A_245 : memref<2x128xi32, #tpu.memory_space<hbm>>) target(%arg13 : memref<2x128xi32, #tpu.memory_space<vmem>>) target_semaphore(%run_scoped3A : memref<!tpu.dma_semaphore, #tpu.memory_space<semaphore_mem>>)
          %dma_wait3A_246 = arith.constant 0 : i32
          %dma_wait3A_247 = arith.constant 0 : i32
          %dma_wait3A_248 = tpu.memref_slice %arg3[%add3A_230, %dma_wait3A_246, %dma_wait3A_247] : memref<12512x2x128xi32, #tpu.memory_space<hbm>> -> memref<1x2x128xi32, #tpu.memory_space<hbm>>
          %dma_wait3A_249 = tpu.memref_squeeze %dma_wait3A_248 : memref<1x2x128xi32, #tpu.memory_space<hbm>> -> memref<2x128xi32, #tpu.memory_space<hbm>>
          %dma_wait3A_250 = arith.constant 0 : i32
          %dma_wait3A_251 = arith.constant 0 : i32
          %dma_wait3A_252 = tpu.memref_slice %arg3[%add3A_230, %dma_wait3A_250, %dma_wait3A_251] : memref<12512x2x128xi32, #tpu.memory_space<hbm>> -> memref<1x2x128xi32, #tpu.memory_space<hbm>>
          %dma_wait3A_253 = tpu.memref_squeeze %dma_wait3A_252 : memref<1x2x128xi32, #tpu.memory_space<hbm>> -> memref<2x128xi32, #tpu.memory_space<hbm>>
          tpu.wait_dma2 semaphore(%run_scoped3A : memref<!tpu.dma_semaphore, #tpu.memory_space<semaphore_mem>>) src(%dma_wait3A_253 : memref<2x128xi32, #tpu.memory_space<hbm>>) dst(%arg13 : memref<2x128xi32, #tpu.memory_space<vmem>>)
          tpu.yield
        }) : () -> ()
        %dma_start3A_231 = arith.constant 0 : i32
        %dma_start3A_232 = arith.constant 0 : i32
        %dma_start3A_233 = tpu.memref_slice %arg13[%dma_start3A_231, %dma_start3A_232] : memref<2x128xi32, #tpu.memory_space<vmem>> -> memref<1x128xi32, #tpu.memory_space<vmem>>
        %dma_start3A_234 = tpu.memref_squeeze %dma_start3A_233 : memref<1x128xi32, #tpu.memory_space<vmem>> -> memref<128xi32, #tpu.memory_space<vmem>>
        %dma_start3A_235 = arith.constant 0 : i32
        %dma_start3A_236 = arith.constant 0 : i32
        %dma_start3A_237 = tpu.memref_slice %arg2[%dma_start3A_235, %dma_start3A_236] : memref<100000x32xf32, #tpu.memory_space<hbm>> -> memref<100000x32xf32, #tpu.memory_space<hbm>>
        tpu.enqueue_indirect_dma source(%dma_start3A_237 : memref<100000x32xf32, #tpu.memory_space<hbm>>) target(%arg9 : memref<128x32xf32, #tpu.memory_space<vmem>>) offsets(%dma_start3A_234 : memref<128xi32, #tpu.memory_space<vmem>>) semaphore(%arg17 : memref<!tpu.dma_semaphore, #tpu.memory_space<semaphore_mem>>)
      } else {
      }
      %mul3A_150 = arith.constant 4 : i32
      %mul3A_151 = arith.muli %mul3A_150, %scan3A_123 : i32
      %add3A_152 = arith.constant 1 : i32
      %add3A_153 = arith.addi %mul3A_151, %add3A_152 : i32
      %dma_wait3A_154 = arith.constant 0 : i32
      %dma_wait3A_155 = arith.constant 0 : i32
      %dma_wait3A_156 = tpu.memref_slice %arg11[%dma_wait3A_154, %dma_wait3A_155] : memref<2x128xi32, #tpu.memory_space<vmem>> -> memref<1x128xi32, #tpu.memory_space<vmem>>
      %dma_wait3A_157 = tpu.memref_squeeze %dma_wait3A_156 : memref<1x128xi32, #tpu.memory_space<vmem>> -> memref<128xi32, #tpu.memory_space<vmem>>
      %dma_wait3A_158 = arith.constant 0 : i32
      %dma_wait3A_159 = arith.constant 0 : i32
      %dma_wait3A_160 = tpu.memref_slice %arg2[%dma_wait3A_158, %dma_wait3A_159] : memref<100000x32xf32, #tpu.memory_space<hbm>> -> memref<100000x32xf32, #tpu.memory_space<hbm>>
      tpu.wait_indirect_dma semaphore(%arg15 : memref<!tpu.dma_semaphore, #tpu.memory_space<semaphore_mem>>) src(%dma_wait3A_160 : memref<100000x32xf32, #tpu.memory_space<hbm>>) dst(%arg7 : memref<128x32xf32, #tpu.memory_space<vmem>>)
      %dma_start3A_161 = arith.constant 1 : i32
      %dma_start3A_162 = arith.constant 0 : i32
      %dma_start3A_163 = tpu.memref_slice %arg11[%dma_start3A_161, %dma_start3A_162] : memref<2x128xi32, #tpu.memory_space<vmem>> -> memref<1x128xi32, #tpu.memory_space<vmem>>
      %dma_start3A_164 = tpu.memref_squeeze %dma_start3A_163 : memref<1x128xi32, #tpu.memory_space<vmem>> -> memref<128xi32, #tpu.memory_space<vmem>>
      %dma_start3A_165 = arith.constant 0 : i32
      %dma_start3A_166 = arith.constant 0 : i32
      %dma_start3A_167 = tpu.memref_slice %arg22[%dma_start3A_165, %dma_start3A_166] : memref<50008x32xf32, #tpu.memory_space<vmem_shared>> -> memref<50008x32xf32, #tpu.memory_space<vmem_shared>>
      tpu.enqueue_indirect_dma source(%arg7 : memref<128x32xf32, #tpu.memory_space<vmem>>) target(%dma_start3A_167 : memref<50008x32xf32, #tpu.memory_space<vmem_shared>>) offsets(%dma_start3A_164 : memref<128xi32, #tpu.memory_space<vmem>>) semaphore(%arg19 : memref<!tpu.dma_semaphore, #tpu.memory_space<semaphore_mem>>) {add = true}
      %add3A_168 = arith.constant 3 : i32
      %add3A_169 = arith.addi %add3A_153, %add3A_168 : i32
      %lt3A_170 = arith.constant 391 : i32
      %lt3A_171 = arith.cmpi slt, %add3A_169, %lt3A_170 : i32
      %convert_element_type3A_172 = arith.extui %lt3A_171 : i1 to i32
      %cond3A_173 = arith.constant 0 : i32
      %cond3A_174 = arith.cmpi ne, %convert_element_type3A_172, %cond3A_173 : i32
      scf.if %cond3A_174 {
        %ge3A = arith.constant 4 : i32
        %ge3A_226 = arith.cmpi sge, %add3A_169, %ge3A : i32
        %convert_element_type3A_227 = arith.extui %ge3A_226 : i1 to i32
        %cond3A_228 = arith.constant 0 : i32
        %cond3A_229 = arith.cmpi ne, %convert_element_type3A_227, %cond3A_228 : i32
        scf.if %cond3A_229 {
          %dma_wait3A_238 = arith.constant 1 : i32
          %dma_wait3A_239 = arith.constant 0 : i32
          %dma_wait3A_240 = tpu.memref_slice %arg10[%dma_wait3A_238, %dma_wait3A_239] : memref<2x128xi32, #tpu.memory_space<vmem>> -> memref<1x128xi32, #tpu.memory_space<vmem>>
          %dma_wait3A_241 = tpu.memref_squeeze %dma_wait3A_240 : memref<1x128xi32, #tpu.memory_space<vmem>> -> memref<128xi32, #tpu.memory_space<vmem>>
          %dma_wait3A_242 = arith.constant 0 : i32
          %dma_wait3A_243 = arith.constant 0 : i32
          %dma_wait3A_244 = tpu.memref_slice %arg22[%dma_wait3A_242, %dma_wait3A_243] : memref<50008x32xf32, #tpu.memory_space<vmem_shared>> -> memref<50008x32xf32, #tpu.memory_space<vmem_shared>>
          tpu.wait_indirect_dma semaphore(%arg18 : memref<!tpu.dma_semaphore, #tpu.memory_space<semaphore_mem>>) src(%arg6 : memref<128x32xf32, #tpu.memory_space<vmem>>) dst(%dma_wait3A_244 : memref<50008x32xf32, #tpu.memory_space<vmem_shared>>)
        } else {
        }
        %add3A_230 = arith.addi %mul3A_8, %add3A_169 : i32
        "tpu.region"() ({
          %run_scoped3A = tpu.sem_alloc : memref<!tpu.dma_semaphore, #tpu.memory_space<semaphore_mem>>
          %dma_start3A_238 = arith.constant 0 : i32
          %dma_start3A_239 = arith.constant 0 : i32
          %dma_start3A_240 = tpu.memref_slice %arg3[%add3A_230, %dma_start3A_238, %dma_start3A_239] : memref<12512x2x128xi32, #tpu.memory_space<hbm>> -> memref<1x2x128xi32, #tpu.memory_space<hbm>>
          %dma_start3A_241 = tpu.memref_squeeze %dma_start3A_240 : memref<1x2x128xi32, #tpu.memory_space<hbm>> -> memref<2x128xi32, #tpu.memory_space<hbm>>
          %dma_start3A_242 = arith.constant 0 : i32
          %dma_start3A_243 = arith.constant 0 : i32
          %dma_start3A_244 = tpu.memref_slice %arg3[%add3A_230, %dma_start3A_242, %dma_start3A_243] : memref<12512x2x128xi32, #tpu.memory_space<hbm>> -> memref<1x2x128xi32, #tpu.memory_space<hbm>>
          %dma_start3A_245 = tpu.memref_squeeze %dma_start3A_244 : memref<1x2x128xi32, #tpu.memory_space<hbm>> -> memref<2x128xi32, #tpu.memory_space<hbm>>
          tpu.enqueue_dma source(%dma_start3A_245 : memref<2x128xi32, #tpu.memory_space<hbm>>) target(%arg10 : memref<2x128xi32, #tpu.memory_space<vmem>>) target_semaphore(%run_scoped3A : memref<!tpu.dma_semaphore, #tpu.memory_space<semaphore_mem>>)
          %dma_wait3A_246 = arith.constant 0 : i32
          %dma_wait3A_247 = arith.constant 0 : i32
          %dma_wait3A_248 = tpu.memref_slice %arg3[%add3A_230, %dma_wait3A_246, %dma_wait3A_247] : memref<12512x2x128xi32, #tpu.memory_space<hbm>> -> memref<1x2x128xi32, #tpu.memory_space<hbm>>
          %dma_wait3A_249 = tpu.memref_squeeze %dma_wait3A_248 : memref<1x2x128xi32, #tpu.memory_space<hbm>> -> memref<2x128xi32, #tpu.memory_space<hbm>>
          %dma_wait3A_250 = arith.constant 0 : i32
          %dma_wait3A_251 = arith.constant 0 : i32
          %dma_wait3A_252 = tpu.memref_slice %arg3[%add3A_230, %dma_wait3A_250, %dma_wait3A_251] : memref<12512x2x128xi32, #tpu.memory_space<hbm>> -> memref<1x2x128xi32, #tpu.memory_space<hbm>>
          %dma_wait3A_253 = tpu.memref_squeeze %dma_wait3A_252 : memref<1x2x128xi32, #tpu.memory_space<hbm>> -> memref<2x128xi32, #tpu.memory_space<hbm>>
          tpu.wait_dma2 semaphore(%run_scoped3A : memref<!tpu.dma_semaphore, #tpu.memory_space<semaphore_mem>>) src(%dma_wait3A_253 : memref<2x128xi32, #tpu.memory_space<hbm>>) dst(%arg10 : memref<2x128xi32, #tpu.memory_space<vmem>>)
          tpu.yield
        }) : () -> ()
        %dma_start3A_231 = arith.constant 0 : i32
        %dma_start3A_232 = arith.constant 0 : i32
        %dma_start3A_233 = tpu.memref_slice %arg10[%dma_start3A_231, %dma_start3A_232] : memref<2x128xi32, #tpu.memory_space<vmem>> -> memref<1x128xi32, #tpu.memory_space<vmem>>
        %dma_start3A_234 = tpu.memref_squeeze %dma_start3A_233 : memref<1x128xi32, #tpu.memory_space<vmem>> -> memref<128xi32, #tpu.memory_space<vmem>>
        %dma_start3A_235 = arith.constant 0 : i32
        %dma_start3A_236 = arith.constant 0 : i32
        %dma_start3A_237 = tpu.memref_slice %arg2[%dma_start3A_235, %dma_start3A_236] : memref<100000x32xf32, #tpu.memory_space<hbm>> -> memref<100000x32xf32, #tpu.memory_space<hbm>>
        tpu.enqueue_indirect_dma source(%dma_start3A_237 : memref<100000x32xf32, #tpu.memory_space<hbm>>) target(%arg6 : memref<128x32xf32, #tpu.memory_space<vmem>>) offsets(%dma_start3A_234 : memref<128xi32, #tpu.memory_space<vmem>>) semaphore(%arg14 : memref<!tpu.dma_semaphore, #tpu.memory_space<semaphore_mem>>)
      } else {
      }
      %mul3A_175 = arith.constant 4 : i32
      %mul3A_176 = arith.muli %mul3A_175, %scan3A_123 : i32
      %add3A_177 = arith.constant 2 : i32
      %add3A_178 = arith.addi %mul3A_176, %add3A_177 : i32
      %dma_wait3A_179 = arith.constant 0 : i32
      %dma_wait3A_180 = arith.constant 0 : i32
      %dma_wait3A_181 = tpu.memref_slice %arg12[%dma_wait3A_179, %dma_wait3A_180] : memref<2x128xi32, #tpu.memory_space<vmem>> -> memref<1x128xi32, #tpu.memory_space<vmem>>
      %dma_wait3A_182 = tpu.memref_squeeze %dma_wait3A_181 : memref<1x128xi32, #tpu.memory_space<vmem>> -> memref<128xi32, #tpu.memory_space<vmem>>
      %dma_wait3A_183 = arith.constant 0 : i32
      %dma_wait3A_184 = arith.constant 0 : i32
      %dma_wait3A_185 = tpu.memref_slice %arg2[%dma_wait3A_183, %dma_wait3A_184] : memref<100000x32xf32, #tpu.memory_space<hbm>> -> memref<100000x32xf32, #tpu.memory_space<hbm>>
      tpu.wait_indirect_dma semaphore(%arg16 : memref<!tpu.dma_semaphore, #tpu.memory_space<semaphore_mem>>) src(%dma_wait3A_185 : memref<100000x32xf32, #tpu.memory_space<hbm>>) dst(%arg8 : memref<128x32xf32, #tpu.memory_space<vmem>>)
      %dma_start3A_186 = arith.constant 1 : i32
      %dma_start3A_187 = arith.constant 0 : i32
      %dma_start3A_188 = tpu.memref_slice %arg12[%dma_start3A_186, %dma_start3A_187] : memref<2x128xi32, #tpu.memory_space<vmem>> -> memref<1x128xi32, #tpu.memory_space<vmem>>
      %dma_start3A_189 = tpu.memref_squeeze %dma_start3A_188 : memref<1x128xi32, #tpu.memory_space<vmem>> -> memref<128xi32, #tpu.memory_space<vmem>>
      %dma_start3A_190 = arith.constant 0 : i32
      %dma_start3A_191 = arith.constant 0 : i32
      %dma_start3A_192 = tpu.memref_slice %arg22[%dma_start3A_190, %dma_start3A_191] : memref<50008x32xf32, #tpu.memory_space<vmem_shared>> -> memref<50008x32xf32, #tpu.memory_space<vmem_shared>>
      tpu.enqueue_indirect_dma source(%arg8 : memref<128x32xf32, #tpu.memory_space<vmem>>) target(%dma_start3A_192 : memref<50008x32xf32, #tpu.memory_space<vmem_shared>>) offsets(%dma_start3A_189 : memref<128xi32, #tpu.memory_space<vmem>>) semaphore(%arg20 : memref<!tpu.dma_semaphore, #tpu.memory_space<semaphore_mem>>) {add = true}
      %add3A_193 = arith.constant 3 : i32
      %add3A_194 = arith.addi %add3A_178, %add3A_193 : i32
      %lt3A_195 = arith.constant 391 : i32
      %lt3A_196 = arith.cmpi slt, %add3A_194, %lt3A_195 : i32
      %convert_element_type3A_197 = arith.extui %lt3A_196 : i1 to i32
      %cond3A_198 = arith.constant 0 : i32
      %cond3A_199 = arith.cmpi ne, %convert_element_type3A_197, %cond3A_198 : i32
      scf.if %cond3A_199 {
        %ge3A = arith.constant 4 : i32
        %ge3A_226 = arith.cmpi sge, %add3A_194, %ge3A : i32
        %convert_element_type3A_227 = arith.extui %ge3A_226 : i1 to i32
        %cond3A_228 = arith.constant 0 : i32
        %cond3A_229 = arith.cmpi ne, %convert_element_type3A_227, %cond3A_228 : i32
        scf.if %cond3A_229 {
          %dma_wait3A_238 = arith.constant 1 : i32
          %dma_wait3A_239 = arith.constant 0 : i32
          %dma_wait3A_240 = tpu.memref_slice %arg11[%dma_wait3A_238, %dma_wait3A_239] : memref<2x128xi32, #tpu.memory_space<vmem>> -> memref<1x128xi32, #tpu.memory_space<vmem>>
          %dma_wait3A_241 = tpu.memref_squeeze %dma_wait3A_240 : memref<1x128xi32, #tpu.memory_space<vmem>> -> memref<128xi32, #tpu.memory_space<vmem>>
          %dma_wait3A_242 = arith.constant 0 : i32
          %dma_wait3A_243 = arith.constant 0 : i32
          %dma_wait3A_244 = tpu.memref_slice %arg22[%dma_wait3A_242, %dma_wait3A_243] : memref<50008x32xf32, #tpu.memory_space<vmem_shared>> -> memref<50008x32xf32, #tpu.memory_space<vmem_shared>>
          tpu.wait_indirect_dma semaphore(%arg19 : memref<!tpu.dma_semaphore, #tpu.memory_space<semaphore_mem>>) src(%arg7 : memref<128x32xf32, #tpu.memory_space<vmem>>) dst(%dma_wait3A_244 : memref<50008x32xf32, #tpu.memory_space<vmem_shared>>)
        } else {
        }
        %add3A_230 = arith.addi %mul3A_8, %add3A_194 : i32
        "tpu.region"() ({
          %run_scoped3A = tpu.sem_alloc : memref<!tpu.dma_semaphore, #tpu.memory_space<semaphore_mem>>
          %dma_start3A_238 = arith.constant 0 : i32
          %dma_start3A_239 = arith.constant 0 : i32
          %dma_start3A_240 = tpu.memref_slice %arg3[%add3A_230, %dma_start3A_238, %dma_start3A_239] : memref<12512x2x128xi32, #tpu.memory_space<hbm>> -> memref<1x2x128xi32, #tpu.memory_space<hbm>>
          %dma_start3A_241 = tpu.memref_squeeze %dma_start3A_240 : memref<1x2x128xi32, #tpu.memory_space<hbm>> -> memref<2x128xi32, #tpu.memory_space<hbm>>
          %dma_start3A_242 = arith.constant 0 : i32
          %dma_start3A_243 = arith.constant 0 : i32
          %dma_start3A_244 = tpu.memref_slice %arg3[%add3A_230, %dma_start3A_242, %dma_start3A_243] : memref<12512x2x128xi32, #tpu.memory_space<hbm>> -> memref<1x2x128xi32, #tpu.memory_space<hbm>>
          %dma_start3A_245 = tpu.memref_squeeze %dma_start3A_244 : memref<1x2x128xi32, #tpu.memory_space<hbm>> -> memref<2x128xi32, #tpu.memory_space<hbm>>
          tpu.enqueue_dma source(%dma_start3A_245 : memref<2x128xi32, #tpu.memory_space<hbm>>) target(%arg11 : memref<2x128xi32, #tpu.memory_space<vmem>>) target_semaphore(%run_scoped3A : memref<!tpu.dma_semaphore, #tpu.memory_space<semaphore_mem>>)
          %dma_wait3A_246 = arith.constant 0 : i32
          %dma_wait3A_247 = arith.constant 0 : i32
          %dma_wait3A_248 = tpu.memref_slice %arg3[%add3A_230, %dma_wait3A_246, %dma_wait3A_247] : memref<12512x2x128xi32, #tpu.memory_space<hbm>> -> memref<1x2x128xi32, #tpu.memory_space<hbm>>
          %dma_wait3A_249 = tpu.memref_squeeze %dma_wait3A_248 : memref<1x2x128xi32, #tpu.memory_space<hbm>> -> memref<2x128xi32, #tpu.memory_space<hbm>>
          %dma_wait3A_250 = arith.constant 0 : i32
          %dma_wait3A_251 = arith.constant 0 : i32
          %dma_wait3A_252 = tpu.memref_slice %arg3[%add3A_230, %dma_wait3A_250, %dma_wait3A_251] : memref<12512x2x128xi32, #tpu.memory_space<hbm>> -> memref<1x2x128xi32, #tpu.memory_space<hbm>>
          %dma_wait3A_253 = tpu.memref_squeeze %dma_wait3A_252 : memref<1x2x128xi32, #tpu.memory_space<hbm>> -> memref<2x128xi32, #tpu.memory_space<hbm>>
          tpu.wait_dma2 semaphore(%run_scoped3A : memref<!tpu.dma_semaphore, #tpu.memory_space<semaphore_mem>>) src(%dma_wait3A_253 : memref<2x128xi32, #tpu.memory_space<hbm>>) dst(%arg11 : memref<2x128xi32, #tpu.memory_space<vmem>>)
          tpu.yield
        }) : () -> ()
        %dma_start3A_231 = arith.constant 0 : i32
        %dma_start3A_232 = arith.constant 0 : i32
        %dma_start3A_233 = tpu.memref_slice %arg11[%dma_start3A_231, %dma_start3A_232] : memref<2x128xi32, #tpu.memory_space<vmem>> -> memref<1x128xi32, #tpu.memory_space<vmem>>
        %dma_start3A_234 = tpu.memref_squeeze %dma_start3A_233 : memref<1x128xi32, #tpu.memory_space<vmem>> -> memref<128xi32, #tpu.memory_space<vmem>>
        %dma_start3A_235 = arith.constant 0 : i32
        %dma_start3A_236 = arith.constant 0 : i32
        %dma_start3A_237 = tpu.memref_slice %arg2[%dma_start3A_235, %dma_start3A_236] : memref<100000x32xf32, #tpu.memory_space<hbm>> -> memref<100000x32xf32, #tpu.memory_space<hbm>>
        tpu.enqueue_indirect_dma source(%dma_start3A_237 : memref<100000x32xf32, #tpu.memory_space<hbm>>) target(%arg7 : memref<128x32xf32, #tpu.memory_space<vmem>>) offsets(%dma_start3A_234 : memref<128xi32, #tpu.memory_space<vmem>>) semaphore(%arg15 : memref<!tpu.dma_semaphore, #tpu.memory_space<semaphore_mem>>)
      } else {
      }
      %mul3A_200 = arith.constant 4 : i32
      %mul3A_201 = arith.muli %mul3A_200, %scan3A_123 : i32
      %add3A_202 = arith.constant 3 : i32
      %add3A_203 = arith.addi %mul3A_201, %add3A_202 : i32
      %dma_wait3A_204 = arith.constant 0 : i32
      %dma_wait3A_205 = arith.constant 0 : i32
      %dma_wait3A_206 = tpu.memref_slice %arg13[%dma_wait3A_204, %dma_wait3A_205] : memref<2x128xi32, #tpu.memory_space<vmem>> -> memref<1x128xi32, #tpu.memory_space<vmem>>
      %dma_wait3A_207 = tpu.memref_squeeze %dma_wait3A_206 : memref<1x128xi32, #tpu.memory_space<vmem>> -> memref<128xi32, #tpu.memory_space<vmem>>
      %dma_wait3A_208 = arith.constant 0 : i32
      %dma_wait3A_209 = arith.constant 0 : i32
      %dma_wait3A_210 = tpu.memref_slice %arg2[%dma_wait3A_208, %dma_wait3A_209] : memref<100000x32xf32, #tpu.memory_space<hbm>> -> memref<100000x32xf32, #tpu.memory_space<hbm>>
      tpu.wait_indirect_dma semaphore(%arg17 : memref<!tpu.dma_semaphore, #tpu.memory_space<semaphore_mem>>) src(%dma_wait3A_210 : memref<100000x32xf32, #tpu.memory_space<hbm>>) dst(%arg9 : memref<128x32xf32, #tpu.memory_space<vmem>>)
      %dma_start3A_211 = arith.constant 1 : i32
      %dma_start3A_212 = arith.constant 0 : i32
      %dma_start3A_213 = tpu.memref_slice %arg13[%dma_start3A_211, %dma_start3A_212] : memref<2x128xi32, #tpu.memory_space<vmem>> -> memref<1x128xi32, #tpu.memory_space<vmem>>
      %dma_start3A_214 = tpu.memref_squeeze %dma_start3A_213 : memref<1x128xi32, #tpu.memory_space<vmem>> -> memref<128xi32, #tpu.memory_space<vmem>>
      %dma_start3A_215 = arith.constant 0 : i32
      %dma_start3A_216 = arith.constant 0 : i32
      %dma_start3A_217 = tpu.memref_slice %arg22[%dma_start3A_215, %dma_start3A_216] : memref<50008x32xf32, #tpu.memory_space<vmem_shared>> -> memref<50008x32xf32, #tpu.memory_space<vmem_shared>>
      tpu.enqueue_indirect_dma source(%arg9 : memref<128x32xf32, #tpu.memory_space<vmem>>) target(%dma_start3A_217 : memref<50008x32xf32, #tpu.memory_space<vmem_shared>>) offsets(%dma_start3A_214 : memref<128xi32, #tpu.memory_space<vmem>>) semaphore(%arg21 : memref<!tpu.dma_semaphore, #tpu.memory_space<semaphore_mem>>) {add = true}
      %add3A_218 = arith.constant 3 : i32
      %add3A_219 = arith.addi %add3A_203, %add3A_218 : i32
      %lt3A_220 = arith.constant 391 : i32
      %lt3A_221 = arith.cmpi slt, %add3A_219, %lt3A_220 : i32
      %convert_element_type3A_222 = arith.extui %lt3A_221 : i1 to i32
      %cond3A_223 = arith.constant 0 : i32
      %cond3A_224 = arith.cmpi ne, %convert_element_type3A_222, %cond3A_223 : i32
      scf.if %cond3A_224 {
        %ge3A = arith.constant 4 : i32
        %ge3A_226 = arith.cmpi sge, %add3A_219, %ge3A : i32
        %convert_element_type3A_227 = arith.extui %ge3A_226 : i1 to i32
        %cond3A_228 = arith.constant 0 : i32
        %cond3A_229 = arith.cmpi ne, %convert_element_type3A_227, %cond3A_228 : i32
        scf.if %cond3A_229 {
          %dma_wait3A_238 = arith.constant 1 : i32
          %dma_wait3A_239 = arith.constant 0 : i32
          %dma_wait3A_240 = tpu.memref_slice %arg12[%dma_wait3A_238, %dma_wait3A_239] : memref<2x128xi32, #tpu.memory_space<vmem>> -> memref<1x128xi32, #tpu.memory_space<vmem>>
          %dma_wait3A_241 = tpu.memref_squeeze %dma_wait3A_240 : memref<1x128xi32, #tpu.memory_space<vmem>> -> memref<128xi32, #tpu.memory_space<vmem>>
          %dma_wait3A_242 = arith.constant 0 : i32
          %dma_wait3A_243 = arith.constant 0 : i32
          %dma_wait3A_244 = tpu.memref_slice %arg22[%dma_wait3A_242, %dma_wait3A_243] : memref<50008x32xf32, #tpu.memory_space<vmem_shared>> -> memref<50008x32xf32, #tpu.memory_space<vmem_shared>>
          tpu.wait_indirect_dma semaphore(%arg20 : memref<!tpu.dma_semaphore, #tpu.memory_space<semaphore_mem>>) src(%arg8 : memref<128x32xf32, #tpu.memory_space<vmem>>) dst(%dma_wait3A_244 : memref<50008x32xf32, #tpu.memory_space<vmem_shared>>)
        } else {
        }
        %add3A_230 = arith.addi %mul3A_8, %add3A_219 : i32
        "tpu.region"() ({
          %run_scoped3A = tpu.sem_alloc : memref<!tpu.dma_semaphore, #tpu.memory_space<semaphore_mem>>
          %dma_start3A_238 = arith.constant 0 : i32
          %dma_start3A_239 = arith.constant 0 : i32
          %dma_start3A_240 = tpu.memref_slice %arg3[%add3A_230, %dma_start3A_238, %dma_start3A_239] : memref<12512x2x128xi32, #tpu.memory_space<hbm>> -> memref<1x2x128xi32, #tpu.memory_space<hbm>>
          %dma_start3A_241 = tpu.memref_squeeze %dma_start3A_240 : memref<1x2x128xi32, #tpu.memory_space<hbm>> -> memref<2x128xi32, #tpu.memory_space<hbm>>
          %dma_start3A_242 = arith.constant 0 : i32
          %dma_start3A_243 = arith.constant 0 : i32
          %dma_start3A_244 = tpu.memref_slice %arg3[%add3A_230, %dma_start3A_242, %dma_start3A_243] : memref<12512x2x128xi32, #tpu.memory_space<hbm>> -> memref<1x2x128xi32, #tpu.memory_space<hbm>>
          %dma_start3A_245 = tpu.memref_squeeze %dma_start3A_244 : memref<1x2x128xi32, #tpu.memory_space<hbm>> -> memref<2x128xi32, #tpu.memory_space<hbm>>
          tpu.enqueue_dma source(%dma_start3A_245 : memref<2x128xi32, #tpu.memory_space<hbm>>) target(%arg12 : memref<2x128xi32, #tpu.memory_space<vmem>>) target_semaphore(%run_scoped3A : memref<!tpu.dma_semaphore, #tpu.memory_space<semaphore_mem>>)
          %dma_wait3A_246 = arith.constant 0 : i32
          %dma_wait3A_247 = arith.constant 0 : i32
          %dma_wait3A_248 = tpu.memref_slice %arg3[%add3A_230, %dma_wait3A_246, %dma_wait3A_247] : memref<12512x2x128xi32, #tpu.memory_space<hbm>> -> memref<1x2x128xi32, #tpu.memory_space<hbm>>
          %dma_wait3A_249 = tpu.memref_squeeze %dma_wait3A_248 : memref<1x2x128xi32, #tpu.memory_space<hbm>> -> memref<2x128xi32, #tpu.memory_space<hbm>>
          %dma_wait3A_250 = arith.constant 0 : i32
          %dma_wait3A_251 = arith.constant 0 : i32
          %dma_wait3A_252 = tpu.memref_slice %arg3[%add3A_230, %dma_wait3A_250, %dma_wait3A_251] : memref<12512x2x128xi32, #tpu.memory_space<hbm>> -> memref<1x2x128xi32, #tpu.memory_space<hbm>>
          %dma_wait3A_253 = tpu.memref_squeeze %dma_wait3A_252 : memref<1x2x128xi32, #tpu.memory_space<hbm>> -> memref<2x128xi32, #tpu.memory_space<hbm>>
          tpu.wait_dma2 semaphore(%run_scoped3A : memref<!tpu.dma_semaphore, #tpu.memory_space<semaphore_mem>>) src(%dma_wait3A_253 : memref<2x128xi32, #tpu.memory_space<hbm>>) dst(%arg12 : memref<2x128xi32, #tpu.memory_space<vmem>>)
          tpu.yield
        }) : () -> ()
        %dma_start3A_231 = arith.constant 0 : i32
        %dma_start3A_232 = arith.constant 0 : i32
        %dma_start3A_233 = tpu.memref_slice %arg12[%dma_start3A_231, %dma_start3A_232] : memref<2x128xi32, #tpu.memory_space<vmem>> -> memref<1x128xi32, #tpu.memory_space<vmem>>
        %dma_start3A_234 = tpu.memref_squeeze %dma_start3A_233 : memref<1x128xi32, #tpu.memory_space<vmem>> -> memref<128xi32, #tpu.memory_space<vmem>>
        %dma_start3A_235 = arith.constant 0 : i32
        %dma_start3A_236 = arith.constant 0 : i32
        %dma_start3A_237 = tpu.memref_slice %arg2[%dma_start3A_235, %dma_start3A_236] : memref<100000x32xf32, #tpu.memory_space<hbm>> -> memref<100000x32xf32, #tpu.memory_space<hbm>>
        tpu.enqueue_indirect_dma source(%dma_start3A_237 : memref<100000x32xf32, #tpu.memory_space<hbm>>) target(%arg8 : memref<128x32xf32, #tpu.memory_space<vmem>>) offsets(%dma_start3A_234 : memref<128xi32, #tpu.memory_space<vmem>>) semaphore(%arg16 : memref<!tpu.dma_semaphore, #tpu.memory_space<semaphore_mem>>)
      } else {
      }
      %scan3A_225 = arith.constant 0 : i32
      scf.yield %scan3A_225 : i32
    }
    %scan3A_40 = arith.constant 97 : i32
    %dma_wait3A = arith.constant 0 : i32
    %dma_wait3A_41 = arith.constant 0 : i32
    %dma_wait3A_42 = tpu.memref_slice %arg10[%dma_wait3A, %dma_wait3A_41] : memref<2x128xi32, #tpu.memory_space<vmem>> -> memref<1x128xi32, #tpu.memory_space<vmem>>
    %dma_wait3A_43 = tpu.memref_squeeze %dma_wait3A_42 : memref<1x128xi32, #tpu.memory_space<vmem>> -> memref<128xi32, #tpu.memory_space<vmem>>
    %dma_wait3A_44 = arith.constant 0 : i32
    %dma_wait3A_45 = arith.constant 0 : i32
    %dma_wait3A_46 = tpu.memref_slice %arg2[%dma_wait3A_44, %dma_wait3A_45] : memref<100000x32xf32, #tpu.memory_space<hbm>> -> memref<100000x32xf32, #tpu.memory_space<hbm>>
    tpu.wait_indirect_dma semaphore(%arg14 : memref<!tpu.dma_semaphore, #tpu.memory_space<semaphore_mem>>) src(%dma_wait3A_46 : memref<100000x32xf32, #tpu.memory_space<hbm>>) dst(%arg6 : memref<128x32xf32, #tpu.memory_space<vmem>>)
    %dma_start3A_47 = arith.constant 1 : i32
    %dma_start3A_48 = arith.constant 0 : i32
    %dma_start3A_49 = tpu.memref_slice %arg10[%dma_start3A_47, %dma_start3A_48] : memref<2x128xi32, #tpu.memory_space<vmem>> -> memref<1x128xi32, #tpu.memory_space<vmem>>
    %dma_start3A_50 = tpu.memref_squeeze %dma_start3A_49 : memref<1x128xi32, #tpu.memory_space<vmem>> -> memref<128xi32, #tpu.memory_space<vmem>>
    %dma_start3A_51 = arith.constant 0 : i32
    %dma_start3A_52 = arith.constant 0 : i32
    %dma_start3A_53 = tpu.memref_slice %arg22[%dma_start3A_51, %dma_start3A_52] : memref<50008x32xf32, #tpu.memory_space<vmem_shared>> -> memref<50008x32xf32, #tpu.memory_space<vmem_shared>>
    tpu.enqueue_indirect_dma source(%arg6 : memref<128x32xf32, #tpu.memory_space<vmem>>) target(%dma_start3A_53 : memref<50008x32xf32, #tpu.memory_space<vmem_shared>>) offsets(%dma_start3A_50 : memref<128xi32, #tpu.memory_space<vmem>>) semaphore(%arg18 : memref<!tpu.dma_semaphore, #tpu.memory_space<semaphore_mem>>) {add = true}
    %dma_wait3A_54 = arith.constant 0 : i32
    %dma_wait3A_55 = arith.constant 0 : i32
    %dma_wait3A_56 = tpu.memref_slice %arg11[%dma_wait3A_54, %dma_wait3A_55] : memref<2x128xi32, #tpu.memory_space<vmem>> -> memref<1x128xi32, #tpu.memory_space<vmem>>
    %dma_wait3A_57 = tpu.memref_squeeze %dma_wait3A_56 : memref<1x128xi32, #tpu.memory_space<vmem>> -> memref<128xi32, #tpu.memory_space<vmem>>
    %dma_wait3A_58 = arith.constant 0 : i32
    %dma_wait3A_59 = arith.constant 0 : i32
    %dma_wait3A_60 = tpu.memref_slice %arg2[%dma_wait3A_58, %dma_wait3A_59] : memref<100000x32xf32, #tpu.memory_space<hbm>> -> memref<100000x32xf32, #tpu.memory_space<hbm>>
    tpu.wait_indirect_dma semaphore(%arg15 : memref<!tpu.dma_semaphore, #tpu.memory_space<semaphore_mem>>) src(%dma_wait3A_60 : memref<100000x32xf32, #tpu.memory_space<hbm>>) dst(%arg7 : memref<128x32xf32, #tpu.memory_space<vmem>>)
    %dma_start3A_61 = arith.constant 1 : i32
    %dma_start3A_62 = arith.constant 0 : i32
    %dma_start3A_63 = tpu.memref_slice %arg11[%dma_start3A_61, %dma_start3A_62] : memref<2x128xi32, #tpu.memory_space<vmem>> -> memref<1x128xi32, #tpu.memory_space<vmem>>
    %dma_start3A_64 = tpu.memref_squeeze %dma_start3A_63 : memref<1x128xi32, #tpu.memory_space<vmem>> -> memref<128xi32, #tpu.memory_space<vmem>>
    %dma_start3A_65 = arith.constant 0 : i32
    %dma_start3A_66 = arith.constant 0 : i32
    %dma_start3A_67 = tpu.memref_slice %arg22[%dma_start3A_65, %dma_start3A_66] : memref<50008x32xf32, #tpu.memory_space<vmem_shared>> -> memref<50008x32xf32, #tpu.memory_space<vmem_shared>>
    tpu.enqueue_indirect_dma source(%arg7 : memref<128x32xf32, #tpu.memory_space<vmem>>) target(%dma_start3A_67 : memref<50008x32xf32, #tpu.memory_space<vmem_shared>>) offsets(%dma_start3A_64 : memref<128xi32, #tpu.memory_space<vmem>>) semaphore(%arg19 : memref<!tpu.dma_semaphore, #tpu.memory_space<semaphore_mem>>) {add = true}
    %dma_wait3A_68 = arith.constant 0 : i32
    %dma_wait3A_69 = arith.constant 0 : i32
    %dma_wait3A_70 = tpu.memref_slice %arg12[%dma_wait3A_68, %dma_wait3A_69] : memref<2x128xi32, #tpu.memory_space<vmem>> -> memref<1x128xi32, #tpu.memory_space<vmem>>
    %dma_wait3A_71 = tpu.memref_squeeze %dma_wait3A_70 : memref<1x128xi32, #tpu.memory_space<vmem>> -> memref<128xi32, #tpu.memory_space<vmem>>
    %dma_wait3A_72 = arith.constant 0 : i32
    %dma_wait3A_73 = arith.constant 0 : i32
    %dma_wait3A_74 = tpu.memref_slice %arg2[%dma_wait3A_72, %dma_wait3A_73] : memref<100000x32xf32, #tpu.memory_space<hbm>> -> memref<100000x32xf32, #tpu.memory_space<hbm>>
    tpu.wait_indirect_dma semaphore(%arg16 : memref<!tpu.dma_semaphore, #tpu.memory_space<semaphore_mem>>) src(%dma_wait3A_74 : memref<100000x32xf32, #tpu.memory_space<hbm>>) dst(%arg8 : memref<128x32xf32, #tpu.memory_space<vmem>>)
    %dma_start3A_75 = arith.constant 1 : i32
    %dma_start3A_76 = arith.constant 0 : i32
    %dma_start3A_77 = tpu.memref_slice %arg12[%dma_start3A_75, %dma_start3A_76] : memref<2x128xi32, #tpu.memory_space<vmem>> -> memref<1x128xi32, #tpu.memory_space<vmem>>
    %dma_start3A_78 = tpu.memref_squeeze %dma_start3A_77 : memref<1x128xi32, #tpu.memory_space<vmem>> -> memref<128xi32, #tpu.memory_space<vmem>>
    %dma_start3A_79 = arith.constant 0 : i32
    %dma_start3A_80 = arith.constant 0 : i32
    %dma_start3A_81 = tpu.memref_slice %arg22[%dma_start3A_79, %dma_start3A_80] : memref<50008x32xf32, #tpu.memory_space<vmem_shared>> -> memref<50008x32xf32, #tpu.memory_space<vmem_shared>>
    tpu.enqueue_indirect_dma source(%arg8 : memref<128x32xf32, #tpu.memory_space<vmem>>) target(%dma_start3A_81 : memref<50008x32xf32, #tpu.memory_space<vmem_shared>>) offsets(%dma_start3A_78 : memref<128xi32, #tpu.memory_space<vmem>>) semaphore(%arg20 : memref<!tpu.dma_semaphore, #tpu.memory_space<semaphore_mem>>) {add = true}
    %dma_wait3A_82 = arith.constant 1 : i32
    %dma_wait3A_83 = arith.constant 0 : i32
    %dma_wait3A_84 = tpu.memref_slice %arg10[%dma_wait3A_82, %dma_wait3A_83] : memref<2x128xi32, #tpu.memory_space<vmem>> -> memref<1x128xi32, #tpu.memory_space<vmem>>
    %dma_wait3A_85 = tpu.memref_squeeze %dma_wait3A_84 : memref<1x128xi32, #tpu.memory_space<vmem>> -> memref<128xi32, #tpu.memory_space<vmem>>
    %dma_wait3A_86 = arith.constant 0 : i32
    %dma_wait3A_87 = arith.constant 0 : i32
    %dma_wait3A_88 = tpu.memref_slice %arg22[%dma_wait3A_86, %dma_wait3A_87] : memref<50008x32xf32, #tpu.memory_space<vmem_shared>> -> memref<50008x32xf32, #tpu.memory_space<vmem_shared>>
    tpu.wait_indirect_dma semaphore(%arg18 : memref<!tpu.dma_semaphore, #tpu.memory_space<semaphore_mem>>) src(%arg6 : memref<128x32xf32, #tpu.memory_space<vmem>>) dst(%dma_wait3A_88 : memref<50008x32xf32, #tpu.memory_space<vmem_shared>>)
    %dma_wait3A_89 = arith.constant 1 : i32
    %dma_wait3A_90 = arith.constant 0 : i32
    %dma_wait3A_91 = tpu.memref_slice %arg11[%dma_wait3A_89, %dma_wait3A_90] : memref<2x128xi32, #tpu.memory_space<vmem>> -> memref<1x128xi32, #tpu.memory_space<vmem>>
    %dma_wait3A_92 = tpu.memref_squeeze %dma_wait3A_91 : memref<1x128xi32, #tpu.memory_space<vmem>> -> memref<128xi32, #tpu.memory_space<vmem>>
    %dma_wait3A_93 = arith.constant 0 : i32
    %dma_wait3A_94 = arith.constant 0 : i32
    %dma_wait3A_95 = tpu.memref_slice %arg22[%dma_wait3A_93, %dma_wait3A_94] : memref<50008x32xf32, #tpu.memory_space<vmem_shared>> -> memref<50008x32xf32, #tpu.memory_space<vmem_shared>>
    tpu.wait_indirect_dma semaphore(%arg19 : memref<!tpu.dma_semaphore, #tpu.memory_space<semaphore_mem>>) src(%arg7 : memref<128x32xf32, #tpu.memory_space<vmem>>) dst(%dma_wait3A_95 : memref<50008x32xf32, #tpu.memory_space<vmem_shared>>)
    %dma_wait3A_96 = arith.constant 1 : i32
    %dma_wait3A_97 = arith.constant 0 : i32
    %dma_wait3A_98 = tpu.memref_slice %arg12[%dma_wait3A_96, %dma_wait3A_97] : memref<2x128xi32, #tpu.memory_space<vmem>> -> memref<1x128xi32, #tpu.memory_space<vmem>>
    %dma_wait3A_99 = tpu.memref_squeeze %dma_wait3A_98 : memref<1x128xi32, #tpu.memory_space<vmem>> -> memref<128xi32, #tpu.memory_space<vmem>>
    %dma_wait3A_100 = arith.constant 0 : i32
    %dma_wait3A_101 = arith.constant 0 : i32
    %dma_wait3A_102 = tpu.memref_slice %arg22[%dma_wait3A_100, %dma_wait3A_101] : memref<50008x32xf32, #tpu.memory_space<vmem_shared>> -> memref<50008x32xf32, #tpu.memory_space<vmem_shared>>
    tpu.wait_indirect_dma semaphore(%arg20 : memref<!tpu.dma_semaphore, #tpu.memory_space<semaphore_mem>>) src(%arg8 : memref<128x32xf32, #tpu.memory_space<vmem>>) dst(%dma_wait3A_102 : memref<50008x32xf32, #tpu.memory_space<vmem_shared>>)
    %dma_wait3A_103 = arith.constant 1 : i32
    %dma_wait3A_104 = arith.constant 0 : i32
    %dma_wait3A_105 = tpu.memref_slice %arg13[%dma_wait3A_103, %dma_wait3A_104] : memref<2x128xi32, #tpu.memory_space<vmem>> -> memref<1x128xi32, #tpu.memory_space<vmem>>
    %dma_wait3A_106 = tpu.memref_squeeze %dma_wait3A_105 : memref<1x128xi32, #tpu.memory_space<vmem>> -> memref<128xi32, #tpu.memory_space<vmem>>
    %dma_wait3A_107 = arith.constant 0 : i32
    %dma_wait3A_108 = arith.constant 0 : i32
    %dma_wait3A_109 = tpu.memref_slice %arg22[%dma_wait3A_107, %dma_wait3A_108] : memref<50008x32xf32, #tpu.memory_space<vmem_shared>> -> memref<50008x32xf32, #tpu.memory_space<vmem_shared>>
    tpu.wait_indirect_dma semaphore(%arg21 : memref<!tpu.dma_semaphore, #tpu.memory_space<semaphore_mem>>) src(%arg9 : memref<128x32xf32, #tpu.memory_space<vmem>>) dst(%dma_wait3A_109 : memref<50008x32xf32, #tpu.memory_space<vmem_shared>>)
    %barrier3A_110 = arith.constant 0 : index
    tpu.barrier barrier_id(%barrier3A_110)
    %mul3A_111 = arith.constant 50000 : i32
    %mul3A_112 = arith.muli %arg0, %mul3A_111 : i32
    %lt3A_113 = arith.constant 15 : i32
    %lt3A_114 = arith.cmpi slt, %arg1, %lt3A_113 : i32
    %convert_element_type3A_115 = arith.extui %lt3A_114 : i1 to i32
    %cond3A_116 = arith.constant 0 : i32
    %cond3A_117 = arith.cmpi ne, %convert_element_type3A_115, %cond3A_116 : i32
    scf.if %cond3A_117 {
      %mul3A_123 = arith.constant 3128 : i32
      %mul3A_124 = arith.muli %arg1, %mul3A_123 : i32
      %mul3A_125 = arith.constant 3128 : i32
      %mul3A_126 = arith.muli %arg1, %mul3A_125 : i32
      %add3A_127 = arith.addi %mul3A_112, %mul3A_126 : i32
      "tpu.region"() ({
        %run_scoped3A = tpu.sem_alloc : memref<!tpu.dma_semaphore, #tpu.memory_space<semaphore_mem>>
        %dma_start3A_128 = arith.constant 0 : i32
        %dma_start3A_129 = tpu.memref_slice %arg5[%add3A_127, %dma_start3A_128] : memref<100000x32xf32, #tpu.memory_space<hbm>> -> memref<3128x32xf32, #tpu.memory_space<hbm>>
        %dma_start3A_130 = arith.constant 0 : i32
        %dma_start3A_131 = tpu.memref_slice %arg22[%mul3A_124, %dma_start3A_130] : memref<50008x32xf32, #tpu.memory_space<vmem_shared>> -> memref<3128x32xf32, #tpu.memory_space<vmem_shared>>
        tpu.enqueue_dma source(%dma_start3A_131 : memref<3128x32xf32, #tpu.memory_space<vmem_shared>>) target(%dma_start3A_129 : memref<3128x32xf32, #tpu.memory_space<hbm>>) target_semaphore(%run_scoped3A : memref<!tpu.dma_semaphore, #tpu.memory_space<semaphore_mem>>)
        %dma_wait3A_132 = arith.constant 0 : i32
        %dma_wait3A_133 = tpu.memref_slice %arg5[%add3A_127, %dma_wait3A_132] : memref<100000x32xf32, #tpu.memory_space<hbm>> -> memref<3128x32xf32, #tpu.memory_space<hbm>>
        %dma_wait3A_134 = arith.constant 0 : i32
        %dma_wait3A_135 = tpu.memref_slice %arg22[%mul3A_124, %dma_wait3A_134] : memref<50008x32xf32, #tpu.memory_space<vmem_shared>> -> memref<3128x32xf32, #tpu.memory_space<vmem_shared>>
        tpu.wait_dma2 semaphore(%run_scoped3A : memref<!tpu.dma_semaphore, #tpu.memory_space<semaphore_mem>>) src(%dma_wait3A_135 : memref<3128x32xf32, #tpu.memory_space<vmem_shared>>) dst(%dma_wait3A_133 : memref<3128x32xf32, #tpu.memory_space<hbm>>)
        tpu.yield
      }) : () -> ()
    } else {
    }
    %eq3A_118 = arith.constant 15 : i32
    %eq3A_119 = arith.cmpi eq, %arg1, %eq3A_118 : i32
    %convert_element_type3A_120 = arith.extui %eq3A_119 : i1 to i32
    %cond3A_121 = arith.constant 0 : i32
    %cond3A_122 = arith.cmpi ne, %convert_element_type3A_120, %cond3A_121 : i32
    scf.if %cond3A_122 {
      %add3A_123 = arith.constant 46920 : i32
      %add3A_124 = arith.addi %mul3A_112, %add3A_123 : i32
      "tpu.region"() ({
        %run_scoped3A = tpu.sem_alloc : memref<!tpu.dma_semaphore, #tpu.memory_space<semaphore_mem>>
        %dma_start3A_125 = arith.constant 0 : i32
        %dma_start3A_126 = tpu.memref_slice %arg5[%add3A_124, %dma_start3A_125] : memref<100000x32xf32, #tpu.memory_space<hbm>> -> memref<3080x32xf32, #tpu.memory_space<hbm>>
        %dma_start3A_127 = arith.constant 46920 : i32
        %dma_start3A_128 = arith.constant 0 : i32
        %dma_start3A_129 = tpu.memref_slice %arg22[%dma_start3A_127, %dma_start3A_128] : memref<50008x32xf32, #tpu.memory_space<vmem_shared>> -> memref<3080x32xf32, #tpu.memory_space<vmem_shared>>
        tpu.enqueue_dma source(%dma_start3A_129 : memref<3080x32xf32, #tpu.memory_space<vmem_shared>>) target(%dma_start3A_126 : memref<3080x32xf32, #tpu.memory_space<hbm>>) target_semaphore(%run_scoped3A : memref<!tpu.dma_semaphore, #tpu.memory_space<semaphore_mem>>)
        %dma_wait3A_130 = arith.constant 0 : i32
        %dma_wait3A_131 = tpu.memref_slice %arg5[%add3A_124, %dma_wait3A_130] : memref<100000x32xf32, #tpu.memory_space<hbm>> -> memref<3080x32xf32, #tpu.memory_space<hbm>>
        %dma_wait3A_132 = arith.constant 46920 : i32
        %dma_wait3A_133 = arith.constant 0 : i32
        %dma_wait3A_134 = tpu.memref_slice %arg22[%dma_wait3A_132, %dma_wait3A_133] : memref<50008x32xf32, #tpu.memory_space<vmem_shared>> -> memref<3080x32xf32, #tpu.memory_space<vmem_shared>>
        tpu.wait_dma2 semaphore(%run_scoped3A : memref<!tpu.dma_semaphore, #tpu.memory_space<semaphore_mem>>) src(%dma_wait3A_134 : memref<3080x32xf32, #tpu.memory_space<vmem_shared>>) dst(%dma_wait3A_131 : memref<3080x32xf32, #tpu.memory_space<hbm>>)
        tpu.yield
      }) : () -> ()
    } else {
    }
    return
  }
}

#map = affine_map<(d0, d1) -> (0, 0)>
#map1 = affine_map<(d0, d1) -> (0)>
module attributes {stable_mosaic.version = 14 : i64} {
  func.func @_sc_fp(%arg0: i32, %arg1: i32, %arg2: memref<50000x64xf32, #tpu.memory_space<hbm>>, %arg3: memref<50000x64xf32, #tpu.memory_space<hbm>>, %arg4: memref<50000xi32, #tpu.memory_space<hbm>>, %arg5: memref<320x64xf32, #tpu.memory_space<hbm>>, %arg6: memref<10016x64xf32, #tpu.memory_space<hbm>>, %arg7: memref<128x64xf32, #tpu.memory_space<vmem>>, %arg8: memref<128x64xf32, #tpu.memory_space<vmem>>, %arg9: memref<128xi32, #tpu.memory_space<vmem>>, %arg10: memref<128xi32, #tpu.memory_space<vmem>>, %arg11: memref<!tpu.dma_semaphore, #tpu.memory_space<semaphore_mem>>, %arg12: memref<!tpu.dma_semaphore, #tpu.memory_space<semaphore_mem>>, %arg13: memref<5008x64xf32, #tpu.memory_space<vmem_shared>>) attributes {dimension_semantics = [#tpu.dimension_semantics<core_parallel>, #tpu.dimension_semantics<subcore_parallel>], iteration_bounds = array<i64: 2, 16>, scalar_prefetch = 0 : i64, scratch_operands = 7 : i64, tpu.core_type = #tpu.core_type<sc_vector_subcore>, window_params = [{transform_indices = #map}, {transform_indices = #map}, {transform_indices = #map1}, {transform_indices = #map}, {transform_indices = #map}]} {
    %mul3A = arith.constant 2 : i32
    %mul3A_0 = arith.muli %arg1, %mul3A : i32
    %add3A = arith.addi %mul3A_0, %arg0 : i32
    %lt3A = arith.constant 15 : i32
    %lt3A_1 = arith.cmpi slt, %arg1, %lt3A : i32
    %convert_element_type3A = arith.extui %lt3A_1 : i1 to i32
    %cond3A = arith.constant 0 : i32
    %cond3A_2 = arith.cmpi ne, %convert_element_type3A, %cond3A : i32
    scf.if %cond3A_2 {
      %mul3A_41 = arith.constant 320 : i32
      %mul3A_42 = arith.muli %arg1, %mul3A_41 : i32
      "tpu.region"() ({
        %run_scoped3A = tpu.sem_alloc : memref<!tpu.dma_semaphore, #tpu.memory_space<semaphore_mem>>
        %dma_start3A = arith.constant 0 : i32
        %dma_start3A_43 = tpu.memref_slice %arg13[%mul3A_42, %dma_start3A] : memref<5008x64xf32, #tpu.memory_space<vmem_shared>> -> memref<320x64xf32, #tpu.memory_space<vmem_shared>>
        tpu.enqueue_dma source(%arg5 : memref<320x64xf32, #tpu.memory_space<hbm>>) target(%dma_start3A_43 : memref<320x64xf32, #tpu.memory_space<vmem_shared>>) target_semaphore(%run_scoped3A : memref<!tpu.dma_semaphore, #tpu.memory_space<semaphore_mem>>)
        %dma_wait3A = arith.constant 0 : i32
        %dma_wait3A_44 = tpu.memref_slice %arg13[%mul3A_42, %dma_wait3A] : memref<5008x64xf32, #tpu.memory_space<vmem_shared>> -> memref<320x64xf32, #tpu.memory_space<vmem_shared>>
        tpu.wait_dma2 semaphore(%run_scoped3A : memref<!tpu.dma_semaphore, #tpu.memory_space<semaphore_mem>>) src(%arg5 : memref<320x64xf32, #tpu.memory_space<hbm>>) dst(%dma_wait3A_44 : memref<320x64xf32, #tpu.memory_space<vmem_shared>>)
        tpu.yield
      }) : () -> ()
    } else {
    }
    %eq3A = arith.constant 15 : i32
    %eq3A_3 = arith.cmpi eq, %arg1, %eq3A : i32
    %convert_element_type3A_4 = arith.extui %eq3A_3 : i1 to i32
    %cond3A_5 = arith.constant 0 : i32
    %cond3A_6 = arith.cmpi ne, %convert_element_type3A_4, %cond3A_5 : i32
    scf.if %cond3A_6 {
      "tpu.region"() ({
        %run_scoped3A = tpu.sem_alloc : memref<!tpu.dma_semaphore, #tpu.memory_space<semaphore_mem>>
        %dma_start3A = arith.constant 4800 : i32
        %dma_start3A_41 = arith.constant 0 : i32
        %dma_start3A_42 = tpu.memref_slice %arg13[%dma_start3A, %dma_start3A_41] : memref<5008x64xf32, #tpu.memory_space<vmem_shared>> -> memref<208x64xf32, #tpu.memory_space<vmem_shared>>
        %dma_start3A_43 = arith.constant 0 : i32
        %dma_start3A_44 = arith.constant 0 : i32
        %dma_start3A_45 = tpu.memref_slice %arg5[%dma_start3A_43, %dma_start3A_44] : memref<320x64xf32, #tpu.memory_space<hbm>> -> memref<208x64xf32, #tpu.memory_space<hbm>>
        tpu.enqueue_dma source(%dma_start3A_45 : memref<208x64xf32, #tpu.memory_space<hbm>>) target(%dma_start3A_42 : memref<208x64xf32, #tpu.memory_space<vmem_shared>>) target_semaphore(%run_scoped3A : memref<!tpu.dma_semaphore, #tpu.memory_space<semaphore_mem>>)
        %dma_wait3A = arith.constant 4800 : i32
        %dma_wait3A_46 = arith.constant 0 : i32
        %dma_wait3A_47 = tpu.memref_slice %arg13[%dma_wait3A, %dma_wait3A_46] : memref<5008x64xf32, #tpu.memory_space<vmem_shared>> -> memref<208x64xf32, #tpu.memory_space<vmem_shared>>
        %dma_wait3A_48 = arith.constant 0 : i32
        %dma_wait3A_49 = arith.constant 0 : i32
        %dma_wait3A_50 = tpu.memref_slice %arg5[%dma_wait3A_48, %dma_wait3A_49] : memref<320x64xf32, #tpu.memory_space<hbm>> -> memref<208x64xf32, #tpu.memory_space<hbm>>
        tpu.wait_dma2 semaphore(%run_scoped3A : memref<!tpu.dma_semaphore, #tpu.memory_space<semaphore_mem>>) src(%dma_wait3A_50 : memref<208x64xf32, #tpu.memory_space<hbm>>) dst(%dma_wait3A_47 : memref<208x64xf32, #tpu.memory_space<vmem_shared>>)
        tpu.yield
      }) : () -> ()
    } else {
    }
    %barrier3A = arith.constant 0 : index
    tpu.barrier barrier_id(%barrier3A)
    %add3A_7 = arith.constant 0 : i32
    %add3A_8 = arith.addi %add3A_7, %arg1 : i32
    %lt3A_9 = arith.constant 390 : i32
    %lt3A_10 = arith.cmpi slt, %add3A_8, %lt3A_9 : i32
    %convert_element_type3A_11 = arith.extui %lt3A_10 : i1 to i32
    %cond3A_12 = arith.constant 0 : i32
    %cond3A_13 = arith.cmpi ne, %convert_element_type3A_11, %cond3A_12 : i32
    scf.if %cond3A_13 {
      %mul3A_41 = arith.constant 128 : i32
      %mul3A_42 = arith.muli %add3A_8, %mul3A_41 : i32
      "tpu.region"() ({
        %run_scoped3A = tpu.sem_alloc : memref<!tpu.dma_semaphore, #tpu.memory_space<semaphore_mem>>
        %dma_start3A = tpu.memref_slice %arg4[%mul3A_42] : memref<50000xi32, #tpu.memory_space<hbm>> -> memref<128xi32, #tpu.memory_space<hbm>>
        %dma_start3A_53 = tpu.memref_slice %arg4[%mul3A_42] : memref<50000xi32, #tpu.memory_space<hbm>> -> memref<128xi32, #tpu.memory_space<hbm>>
        tpu.enqueue_dma source(%dma_start3A_53 : memref<128xi32, #tpu.memory_space<hbm>>) target(%arg9 : memref<128xi32, #tpu.memory_space<vmem>>) target_semaphore(%run_scoped3A : memref<!tpu.dma_semaphore, #tpu.memory_space<semaphore_mem>>)
        %dma_wait3A = tpu.memref_slice %arg4[%mul3A_42] : memref<50000xi32, #tpu.memory_space<hbm>> -> memref<128xi32, #tpu.memory_space<hbm>>
        %dma_wait3A_54 = tpu.memref_slice %arg4[%mul3A_42] : memref<50000xi32, #tpu.memory_space<hbm>> -> memref<128xi32, #tpu.memory_space<hbm>>
        tpu.wait_dma2 semaphore(%run_scoped3A : memref<!tpu.dma_semaphore, #tpu.memory_space<semaphore_mem>>) src(%dma_wait3A_54 : memref<128xi32, #tpu.memory_space<hbm>>) dst(%arg9 : memref<128xi32, #tpu.memory_space<vmem>>)
        tpu.yield
      }) : () -> ()
      %eq3A_43 = arith.constant 0 : i32
      %eq3A_44 = arith.cmpi eq, %arg0, %eq3A_43 : i32
      %convert_element_type3A_45 = arith.extui %eq3A_44 : i1 to i32
      %cond3A_46 = arith.constant 0 : i32
      %cond3A_47 = arith.cmpi ne, %convert_element_type3A_45, %cond3A_46 : i32
      scf.if %cond3A_47 {
        %dma_start3A = arith.constant 0 : i32
        %dma_start3A_53 = tpu.memref_slice %arg2[%mul3A_42, %dma_start3A] : memref<50000x64xf32, #tpu.memory_space<hbm>> -> memref<128x64xf32, #tpu.memory_space<hbm>>
        %dma_start3A_54 = arith.constant 0 : i32
        %dma_start3A_55 = tpu.memref_slice %arg2[%mul3A_42, %dma_start3A_54] : memref<50000x64xf32, #tpu.memory_space<hbm>> -> memref<128x64xf32, #tpu.memory_space<hbm>>
        tpu.enqueue_dma source(%dma_start3A_55 : memref<128x64xf32, #tpu.memory_space<hbm>>) target(%arg7 : memref<128x64xf32, #tpu.memory_space<vmem>>) target_semaphore(%arg11 : memref<!tpu.dma_semaphore, #tpu.memory_space<semaphore_mem>>)
      } else {
      }
      %eq3A_48 = arith.constant 1 : i32
      %eq3A_49 = arith.cmpi eq, %arg0, %eq3A_48 : i32
      %convert_element_type3A_50 = arith.extui %eq3A_49 : i1 to i32
      %cond3A_51 = arith.constant 0 : i32
      %cond3A_52 = arith.cmpi ne, %convert_element_type3A_50, %cond3A_51 : i32
      scf.if %cond3A_52 {
        %dma_start3A = arith.constant 0 : i32
        %dma_start3A_53 = tpu.memref_slice %arg3[%mul3A_42, %dma_start3A] : memref<50000x64xf32, #tpu.memory_space<hbm>> -> memref<128x64xf32, #tpu.memory_space<hbm>>
        %dma_start3A_54 = arith.constant 0 : i32
        %dma_start3A_55 = tpu.memref_slice %arg3[%mul3A_42, %dma_start3A_54] : memref<50000x64xf32, #tpu.memory_space<hbm>> -> memref<128x64xf32, #tpu.memory_space<hbm>>
        tpu.enqueue_dma source(%dma_start3A_55 : memref<128x64xf32, #tpu.memory_space<hbm>>) target(%arg7 : memref<128x64xf32, #tpu.memory_space<vmem>>) target_semaphore(%arg11 : memref<!tpu.dma_semaphore, #tpu.memory_space<semaphore_mem>>)
      } else {
      }
    } else {
    }
    %scan3A = arith.constant 0 : i32
    %scan3A_14 = arith.constant 0 : i32
    %scan3A_15 = arith.constant 13 : i32
    %scan3A_16 = arith.addi %scan3A_14, %scan3A_15 : i32
    %scan3A_17 = arith.constant 1 : i32
    %scan3A_18 = scf.for %scan3A_41 = %scan3A_14 to %scan3A_16 step %scan3A_17 iter_args(%scan3A_42 = %scan3A) -> (i32)  : i32 {
      %mul3A_43 = arith.constant 2 : i32
      %mul3A_44 = arith.muli %mul3A_43, %scan3A_41 : i32
      %add3A_45 = arith.constant 1 : i32
      %add3A_46 = arith.addi %mul3A_44, %add3A_45 : i32
      %mul3A_47 = arith.constant 16 : i32
      %mul3A_48 = arith.muli %add3A_46, %mul3A_47 : i32
      %add3A_49 = arith.addi %mul3A_48, %arg1 : i32
      %lt3A_50 = arith.constant 390 : i32
      %lt3A_51 = arith.cmpi slt, %add3A_49, %lt3A_50 : i32
      %convert_element_type3A_52 = arith.extui %lt3A_51 : i1 to i32
      %cond3A_53 = arith.constant 0 : i32
      %cond3A_54 = arith.cmpi ne, %convert_element_type3A_52, %cond3A_53 : i32
      scf.if %cond3A_54 {
        %mul3A_90 = arith.constant 128 : i32
        %mul3A_91 = arith.muli %add3A_49, %mul3A_90 : i32
        "tpu.region"() ({
          %run_scoped3A = tpu.sem_alloc : memref<!tpu.dma_semaphore, #tpu.memory_space<semaphore_mem>>
          %dma_start3A = tpu.memref_slice %arg4[%mul3A_91] : memref<50000xi32, #tpu.memory_space<hbm>> -> memref<128xi32, #tpu.memory_space<hbm>>
          %dma_start3A_102 = tpu.memref_slice %arg4[%mul3A_91] : memref<50000xi32, #tpu.memory_space<hbm>> -> memref<128xi32, #tpu.memory_space<hbm>>
          tpu.enqueue_dma source(%dma_start3A_102 : memref<128xi32, #tpu.memory_space<hbm>>) target(%arg10 : memref<128xi32, #tpu.memory_space<vmem>>) target_semaphore(%run_scoped3A : memref<!tpu.dma_semaphore, #tpu.memory_space<semaphore_mem>>)
          %dma_wait3A = tpu.memref_slice %arg4[%mul3A_91] : memref<50000xi32, #tpu.memory_space<hbm>> -> memref<128xi32, #tpu.memory_space<hbm>>
          %dma_wait3A_103 = tpu.memref_slice %arg4[%mul3A_91] : memref<50000xi32, #tpu.memory_space<hbm>> -> memref<128xi32, #tpu.memory_space<hbm>>
          tpu.wait_dma2 semaphore(%run_scoped3A : memref<!tpu.dma_semaphore, #tpu.memory_space<semaphore_mem>>) src(%dma_wait3A_103 : memref<128xi32, #tpu.memory_space<hbm>>) dst(%arg10 : memref<128xi32, #tpu.memory_space<vmem>>)
          tpu.yield
        }) : () -> ()
        %eq3A_92 = arith.constant 0 : i32
        %eq3A_93 = arith.cmpi eq, %arg0, %eq3A_92 : i32
        %convert_element_type3A_94 = arith.extui %eq3A_93 : i1 to i32
        %cond3A_95 = arith.constant 0 : i32
        %cond3A_96 = arith.cmpi ne, %convert_element_type3A_94, %cond3A_95 : i32
        scf.if %cond3A_96 {
          %dma_start3A = arith.constant 0 : i32
          %dma_start3A_102 = tpu.memref_slice %arg2[%mul3A_91, %dma_start3A] : memref<50000x64xf32, #tpu.memory_space<hbm>> -> memref<128x64xf32, #tpu.memory_space<hbm>>
          %dma_start3A_103 = arith.constant 0 : i32
          %dma_start3A_104 = tpu.memref_slice %arg2[%mul3A_91, %dma_start3A_103] : memref<50000x64xf32, #tpu.memory_space<hbm>> -> memref<128x64xf32, #tpu.memory_space<hbm>>
          tpu.enqueue_dma source(%dma_start3A_104 : memref<128x64xf32, #tpu.memory_space<hbm>>) target(%arg8 : memref<128x64xf32, #tpu.memory_space<vmem>>) target_semaphore(%arg12 : memref<!tpu.dma_semaphore, #tpu.memory_space<semaphore_mem>>)
        } else {
        }
        %eq3A_97 = arith.constant 1 : i32
        %eq3A_98 = arith.cmpi eq, %arg0, %eq3A_97 : i32
        %convert_element_type3A_99 = arith.extui %eq3A_98 : i1 to i32
        %cond3A_100 = arith.constant 0 : i32
        %cond3A_101 = arith.cmpi ne, %convert_element_type3A_99, %cond3A_100 : i32
        scf.if %cond3A_101 {
          %dma_start3A = arith.constant 0 : i32
          %dma_start3A_102 = tpu.memref_slice %arg3[%mul3A_91, %dma_start3A] : memref<50000x64xf32, #tpu.memory_space<hbm>> -> memref<128x64xf32, #tpu.memory_space<hbm>>
          %dma_start3A_103 = arith.constant 0 : i32
          %dma_start3A_104 = tpu.memref_slice %arg3[%mul3A_91, %dma_start3A_103] : memref<50000x64xf32, #tpu.memory_space<hbm>> -> memref<128x64xf32, #tpu.memory_space<hbm>>
          tpu.enqueue_dma source(%dma_start3A_104 : memref<128x64xf32, #tpu.memory_space<hbm>>) target(%arg8 : memref<128x64xf32, #tpu.memory_space<vmem>>) target_semaphore(%arg12 : memref<!tpu.dma_semaphore, #tpu.memory_space<semaphore_mem>>)
        } else {
        }
      } else {
      }
      %mul3A_55 = arith.constant 2 : i32
      %mul3A_56 = arith.muli %mul3A_55, %scan3A_41 : i32
      %mul3A_57 = arith.constant 16 : i32
      %mul3A_58 = arith.muli %mul3A_56, %mul3A_57 : i32
      %add3A_59 = arith.addi %mul3A_58, %arg1 : i32
      %lt3A_60 = arith.constant 390 : i32
      %lt3A_61 = arith.cmpi slt, %add3A_59, %lt3A_60 : i32
      %convert_element_type3A_62 = arith.extui %lt3A_61 : i1 to i32
      %cond3A_63 = arith.constant 0 : i32
      %cond3A_64 = arith.cmpi ne, %convert_element_type3A_62, %cond3A_63 : i32
      scf.if %cond3A_64 {
        %dma_wait3A = arith.constant 0 : i32
        %dma_wait3A_90 = arith.constant 0 : i32
        %dma_wait3A_91 = tpu.memref_slice %arg2[%dma_wait3A, %dma_wait3A_90] : memref<50000x64xf32, #tpu.memory_space<hbm>> -> memref<128x64xf32, #tpu.memory_space<hbm>>
        %dma_wait3A_92 = arith.constant 0 : i32
        %dma_wait3A_93 = arith.constant 0 : i32
        %dma_wait3A_94 = tpu.memref_slice %arg2[%dma_wait3A_92, %dma_wait3A_93] : memref<50000x64xf32, #tpu.memory_space<hbm>> -> memref<128x64xf32, #tpu.memory_space<hbm>>
        tpu.wait_dma2 semaphore(%arg11 : memref<!tpu.dma_semaphore, #tpu.memory_space<semaphore_mem>>) src(%dma_wait3A_94 : memref<128x64xf32, #tpu.memory_space<hbm>>) dst(%arg7 : memref<128x64xf32, #tpu.memory_space<vmem>>)
        "tpu.region"() ({
          %run_scoped3A = tpu.sem_alloc : memref<!tpu.dma_semaphore, #tpu.memory_space<semaphore_mem>>
          %dma_start3A = arith.constant 0 : i32
          %dma_start3A_95 = arith.constant 0 : i32
          %dma_start3A_96 = tpu.memref_slice %arg13[%dma_start3A, %dma_start3A_95] : memref<5008x64xf32, #tpu.memory_space<vmem_shared>> -> memref<5008x64xf32, #tpu.memory_space<vmem_shared>>
          tpu.enqueue_indirect_dma source(%arg7 : memref<128x64xf32, #tpu.memory_space<vmem>>) target(%dma_start3A_96 : memref<5008x64xf32, #tpu.memory_space<vmem_shared>>) offsets(%arg9 : memref<128xi32, #tpu.memory_space<vmem>>) semaphore(%run_scoped3A : memref<!tpu.dma_semaphore, #tpu.memory_space<semaphore_mem>>) {add = true}
          %dma_wait3A_97 = arith.constant 0 : i32
          %dma_wait3A_98 = arith.constant 0 : i32
          %dma_wait3A_99 = tpu.memref_slice %arg13[%dma_wait3A_97, %dma_wait3A_98] : memref<5008x64xf32, #tpu.memory_space<vmem_shared>> -> memref<5008x64xf32, #tpu.memory_space<vmem_shared>>
          tpu.wait_indirect_dma semaphore(%run_scoped3A : memref<!tpu.dma_semaphore, #tpu.memory_space<semaphore_mem>>) src(%arg7 : memref<128x64xf32, #tpu.memory_space<vmem>>) dst(%dma_wait3A_99 : memref<5008x64xf32, #tpu.memory_space<vmem_shared>>)
          tpu.yield
        }) : () -> ()
      } else {
      }
      %mul3A_65 = arith.constant 2 : i32
      %mul3A_66 = arith.muli %mul3A_65, %scan3A_41 : i32
      %add3A_67 = arith.constant 2 : i32
      %add3A_68 = arith.addi %mul3A_66, %add3A_67 : i32
      %mul3A_69 = arith.constant 16 : i32
      %mul3A_70 = arith.muli %add3A_68, %mul3A_69 : i32
      %add3A_71 = arith.addi %mul3A_70, %arg1 : i32
      %lt3A_72 = arith.constant 390 : i32
      %lt3A_73 = arith.cmpi slt, %add3A_71, %lt3A_72 : i32
      %convert_element_type3A_74 = arith.extui %lt3A_73 : i1 to i32
      %cond3A_75 = arith.constant 0 : i32
      %cond3A_76 = arith.cmpi ne, %convert_element_type3A_74, %cond3A_75 : i32
      scf.if %cond3A_76 {
        %mul3A_90 = arith.constant 128 : i32
        %mul3A_91 = arith.muli %add3A_71, %mul3A_90 : i32
        "tpu.region"() ({
          %run_scoped3A = tpu.sem_alloc : memref<!tpu.dma_semaphore, #tpu.memory_space<semaphore_mem>>
          %dma_start3A = tpu.memref_slice %arg4[%mul3A_91] : memref<50000xi32, #tpu.memory_space<hbm>> -> memref<128xi32, #tpu.memory_space<hbm>>
          %dma_start3A_102 = tpu.memref_slice %arg4[%mul3A_91] : memref<50000xi32, #tpu.memory_space<hbm>> -> memref<128xi32, #tpu.memory_space<hbm>>
          tpu.enqueue_dma source(%dma_start3A_102 : memref<128xi32, #tpu.memory_space<hbm>>) target(%arg9 : memref<128xi32, #tpu.memory_space<vmem>>) target_semaphore(%run_scoped3A : memref<!tpu.dma_semaphore, #tpu.memory_space<semaphore_mem>>)
          %dma_wait3A = tpu.memref_slice %arg4[%mul3A_91] : memref<50000xi32, #tpu.memory_space<hbm>> -> memref<128xi32, #tpu.memory_space<hbm>>
          %dma_wait3A_103 = tpu.memref_slice %arg4[%mul3A_91] : memref<50000xi32, #tpu.memory_space<hbm>> -> memref<128xi32, #tpu.memory_space<hbm>>
          tpu.wait_dma2 semaphore(%run_scoped3A : memref<!tpu.dma_semaphore, #tpu.memory_space<semaphore_mem>>) src(%dma_wait3A_103 : memref<128xi32, #tpu.memory_space<hbm>>) dst(%arg9 : memref<128xi32, #tpu.memory_space<vmem>>)
          tpu.yield
        }) : () -> ()
        %eq3A_92 = arith.constant 0 : i32
        %eq3A_93 = arith.cmpi eq, %arg0, %eq3A_92 : i32
        %convert_element_type3A_94 = arith.extui %eq3A_93 : i1 to i32
        %cond3A_95 = arith.constant 0 : i32
        %cond3A_96 = arith.cmpi ne, %convert_element_type3A_94, %cond3A_95 : i32
        scf.if %cond3A_96 {
          %dma_start3A = arith.constant 0 : i32
          %dma_start3A_102 = tpu.memref_slice %arg2[%mul3A_91, %dma_start3A] : memref<50000x64xf32, #tpu.memory_space<hbm>> -> memref<128x64xf32, #tpu.memory_space<hbm>>
          %dma_start3A_103 = arith.constant 0 : i32
          %dma_start3A_104 = tpu.memref_slice %arg2[%mul3A_91, %dma_start3A_103] : memref<50000x64xf32, #tpu.memory_space<hbm>> -> memref<128x64xf32, #tpu.memory_space<hbm>>
          tpu.enqueue_dma source(%dma_start3A_104 : memref<128x64xf32, #tpu.memory_space<hbm>>) target(%arg7 : memref<128x64xf32, #tpu.memory_space<vmem>>) target_semaphore(%arg11 : memref<!tpu.dma_semaphore, #tpu.memory_space<semaphore_mem>>)
        } else {
        }
        %eq3A_97 = arith.constant 1 : i32
        %eq3A_98 = arith.cmpi eq, %arg0, %eq3A_97 : i32
        %convert_element_type3A_99 = arith.extui %eq3A_98 : i1 to i32
        %cond3A_100 = arith.constant 0 : i32
        %cond3A_101 = arith.cmpi ne, %convert_element_type3A_99, %cond3A_100 : i32
        scf.if %cond3A_101 {
          %dma_start3A = arith.constant 0 : i32
          %dma_start3A_102 = tpu.memref_slice %arg3[%mul3A_91, %dma_start3A] : memref<50000x64xf32, #tpu.memory_space<hbm>> -> memref<128x64xf32, #tpu.memory_space<hbm>>
          %dma_start3A_103 = arith.constant 0 : i32
          %dma_start3A_104 = tpu.memref_slice %arg3[%mul3A_91, %dma_start3A_103] : memref<50000x64xf32, #tpu.memory_space<hbm>> -> memref<128x64xf32, #tpu.memory_space<hbm>>
          tpu.enqueue_dma source(%dma_start3A_104 : memref<128x64xf32, #tpu.memory_space<hbm>>) target(%arg7 : memref<128x64xf32, #tpu.memory_space<vmem>>) target_semaphore(%arg11 : memref<!tpu.dma_semaphore, #tpu.memory_space<semaphore_mem>>)
        } else {
        }
      } else {
      }
      %mul3A_77 = arith.constant 2 : i32
      %mul3A_78 = arith.muli %mul3A_77, %scan3A_41 : i32
      %add3A_79 = arith.constant 1 : i32
      %add3A_80 = arith.addi %mul3A_78, %add3A_79 : i32
      %mul3A_81 = arith.constant 16 : i32
      %mul3A_82 = arith.muli %add3A_80, %mul3A_81 : i32
      %add3A_83 = arith.addi %mul3A_82, %arg1 : i32
      %lt3A_84 = arith.constant 390 : i32
      %lt3A_85 = arith.cmpi slt, %add3A_83, %lt3A_84 : i32
      %convert_element_type3A_86 = arith.extui %lt3A_85 : i1 to i32
      %cond3A_87 = arith.constant 0 : i32
      %cond3A_88 = arith.cmpi ne, %convert_element_type3A_86, %cond3A_87 : i32
      scf.if %cond3A_88 {
        %dma_wait3A = arith.constant 0 : i32
        %dma_wait3A_90 = arith.constant 0 : i32
        %dma_wait3A_91 = tpu.memref_slice %arg2[%dma_wait3A, %dma_wait3A_90] : memref<50000x64xf32, #tpu.memory_space<hbm>> -> memref<128x64xf32, #tpu.memory_space<hbm>>
        %dma_wait3A_92 = arith.constant 0 : i32
        %dma_wait3A_93 = arith.constant 0 : i32
        %dma_wait3A_94 = tpu.memref_slice %arg2[%dma_wait3A_92, %dma_wait3A_93] : memref<50000x64xf32, #tpu.memory_space<hbm>> -> memref<128x64xf32, #tpu.memory_space<hbm>>
        tpu.wait_dma2 semaphore(%arg12 : memref<!tpu.dma_semaphore, #tpu.memory_space<semaphore_mem>>) src(%dma_wait3A_94 : memref<128x64xf32, #tpu.memory_space<hbm>>) dst(%arg8 : memref<128x64xf32, #tpu.memory_space<vmem>>)
        "tpu.region"() ({
          %run_scoped3A = tpu.sem_alloc : memref<!tpu.dma_semaphore, #tpu.memory_space<semaphore_mem>>
          %dma_start3A = arith.constant 0 : i32
          %dma_start3A_95 = arith.constant 0 : i32
          %dma_start3A_96 = tpu.memref_slice %arg13[%dma_start3A, %dma_start3A_95] : memref<5008x64xf32, #tpu.memory_space<vmem_shared>> -> memref<5008x64xf32, #tpu.memory_space<vmem_shared>>
          tpu.enqueue_indirect_dma source(%arg8 : memref<128x64xf32, #tpu.memory_space<vmem>>) target(%dma_start3A_96 : memref<5008x64xf32, #tpu.memory_space<vmem_shared>>) offsets(%arg10 : memref<128xi32, #tpu.memory_space<vmem>>) semaphore(%run_scoped3A : memref<!tpu.dma_semaphore, #tpu.memory_space<semaphore_mem>>) {add = true}
          %dma_wait3A_97 = arith.constant 0 : i32
          %dma_wait3A_98 = arith.constant 0 : i32
          %dma_wait3A_99 = tpu.memref_slice %arg13[%dma_wait3A_97, %dma_wait3A_98] : memref<5008x64xf32, #tpu.memory_space<vmem_shared>> -> memref<5008x64xf32, #tpu.memory_space<vmem_shared>>
          tpu.wait_indirect_dma semaphore(%run_scoped3A : memref<!tpu.dma_semaphore, #tpu.memory_space<semaphore_mem>>) src(%arg8 : memref<128x64xf32, #tpu.memory_space<vmem>>) dst(%dma_wait3A_99 : memref<5008x64xf32, #tpu.memory_space<vmem_shared>>)
          tpu.yield
        }) : () -> ()
      } else {
      }
      %scan3A_89 = arith.constant 0 : i32
      scf.yield %scan3A_89 : i32
    }
    %scan3A_19 = arith.constant 13 : i32
    %eq3A_20 = arith.constant 0 : i32
    %eq3A_21 = arith.cmpi eq, %add3A, %eq3A_20 : i32
    %convert_element_type3A_22 = arith.extui %eq3A_21 : i1 to i32
    %cond3A_23 = arith.constant 0 : i32
    %cond3A_24 = arith.cmpi ne, %convert_element_type3A_22, %cond3A_23 : i32
    scf.if %cond3A_24 {
      %eq3A_41 = arith.constant 0 : i32
      %eq3A_42 = arith.cmpi eq, %arg0, %eq3A_41 : i32
      %convert_element_type3A_43 = arith.extui %eq3A_42 : i1 to i32
      %cond3A_44 = arith.constant 0 : i32
      %cond3A_45 = arith.cmpi ne, %convert_element_type3A_43, %cond3A_44 : i32
      scf.if %cond3A_45 {
        "tpu.region"() ({
          %run_scoped3A = tpu.sem_alloc : memref<!tpu.dma_semaphore, #tpu.memory_space<semaphore_mem>>
          %dma_start3A = arith.constant 0 : i32
          %dma_start3A_46 = arith.constant 0 : i32
          %dma_start3A_47 = tpu.memref_slice %arg7[%dma_start3A, %dma_start3A_46] : memref<128x64xf32, #tpu.memory_space<vmem>> -> memref<80x64xf32, #tpu.memory_space<vmem>>
          %dma_start3A_48 = arith.constant 49920 : i32
          %dma_start3A_49 = arith.constant 0 : i32
          %dma_start3A_50 = tpu.memref_slice %arg2[%dma_start3A_48, %dma_start3A_49] : memref<50000x64xf32, #tpu.memory_space<hbm>> -> memref<80x64xf32, #tpu.memory_space<hbm>>
          %dma_start3A_51 = arith.constant 0 : i32
          %dma_start3A_52 = arith.constant 0 : i32
          %dma_start3A_53 = tpu.memref_slice %arg7[%dma_start3A_51, %dma_start3A_52] : memref<128x64xf32, #tpu.memory_space<vmem>> -> memref<80x64xf32, #tpu.memory_space<vmem>>
          %dma_start3A_54 = arith.constant 49920 : i32
          %dma_start3A_55 = arith.constant 0 : i32
          %dma_start3A_56 = tpu.memref_slice %arg2[%dma_start3A_54, %dma_start3A_55] : memref<50000x64xf32, #tpu.memory_space<hbm>> -> memref<80x64xf32, #tpu.memory_space<hbm>>
          tpu.enqueue_dma source(%dma_start3A_56 : memref<80x64xf32, #tpu.memory_space<hbm>>) target(%dma_start3A_53 : memref<80x64xf32, #tpu.memory_space<vmem>>) target_semaphore(%run_scoped3A : memref<!tpu.dma_semaphore, #tpu.memory_space<semaphore_mem>>)
          %dma_wait3A = arith.constant 0 : i32
          %dma_wait3A_57 = arith.constant 0 : i32
          %dma_wait3A_58 = tpu.memref_slice %arg7[%dma_wait3A, %dma_wait3A_57] : memref<128x64xf32, #tpu.memory_space<vmem>> -> memref<80x64xf32, #tpu.memory_space<vmem>>
          %dma_wait3A_59 = arith.constant 49920 : i32
          %dma_wait3A_60 = arith.constant 0 : i32
          %dma_wait3A_61 = tpu.memref_slice %arg2[%dma_wait3A_59, %dma_wait3A_60] : memref<50000x64xf32, #tpu.memory_space<hbm>> -> memref<80x64xf32, #tpu.memory_space<hbm>>
          %dma_wait3A_62 = arith.constant 0 : i32
          %dma_wait3A_63 = arith.constant 0 : i32
          %dma_wait3A_64 = tpu.memref_slice %arg7[%dma_wait3A_62, %dma_wait3A_63] : memref<128x64xf32, #tpu.memory_space<vmem>> -> memref<80x64xf32, #tpu.memory_space<vmem>>
          %dma_wait3A_65 = arith.constant 49920 : i32
          %dma_wait3A_66 = arith.constant 0 : i32
          %dma_wait3A_67 = tpu.memref_slice %arg2[%dma_wait3A_65, %dma_wait3A_66] : memref<50000x64xf32, #tpu.memory_space<hbm>> -> memref<80x64xf32, #tpu.memory_space<hbm>>
          tpu.wait_dma2 semaphore(%run_scoped3A : memref<!tpu.dma_semaphore, #tpu.memory_space<semaphore_mem>>) src(%dma_wait3A_67 : memref<80x64xf32, #tpu.memory_space<hbm>>) dst(%dma_wait3A_64 : memref<80x64xf32, #tpu.memory_space<vmem>>)
          tpu.yield
        }) : () -> ()
      } else {
      }
      "tpu.region"() ({
        %run_scoped3A = tpu.sem_alloc : memref<!tpu.dma_semaphore, #tpu.memory_space<semaphore_mem>>
        %dma_start3A = arith.constant 0 : i32
        %dma_start3A_46 = tpu.memref_slice %arg9[%dma_start3A] : memref<128xi32, #tpu.memory_space<vmem>> -> memref<80xi32, #tpu.memory_space<vmem>>
        %dma_start3A_47 = arith.constant 49920 : i32
        %dma_start3A_48 = tpu.memref_slice %arg4[%dma_start3A_47] : memref<50000xi32, #tpu.memory_space<hbm>> -> memref<80xi32, #tpu.memory_space<hbm>>
        %dma_start3A_49 = arith.constant 0 : i32
        %dma_start3A_50 = tpu.memref_slice %arg9[%dma_start3A_49] : memref<128xi32, #tpu.memory_space<vmem>> -> memref<80xi32, #tpu.memory_space<vmem>>
        %dma_start3A_51 = arith.constant 49920 : i32
        %dma_start3A_52 = tpu.memref_slice %arg4[%dma_start3A_51] : memref<50000xi32, #tpu.memory_space<hbm>> -> memref<80xi32, #tpu.memory_space<hbm>>
        tpu.enqueue_dma source(%dma_start3A_52 : memref<80xi32, #tpu.memory_space<hbm>>) target(%dma_start3A_50 : memref<80xi32, #tpu.memory_space<vmem>>) target_semaphore(%run_scoped3A : memref<!tpu.dma_semaphore, #tpu.memory_space<semaphore_mem>>)
        %dma_wait3A = arith.constant 0 : i32
        %dma_wait3A_53 = tpu.memref_slice %arg9[%dma_wait3A] : memref<128xi32, #tpu.memory_space<vmem>> -> memref<80xi32, #tpu.memory_space<vmem>>
        %dma_wait3A_54 = arith.constant 49920 : i32
        %dma_wait3A_55 = tpu.memref_slice %arg4[%dma_wait3A_54] : memref<50000xi32, #tpu.memory_space<hbm>> -> memref<80xi32, #tpu.memory_space<hbm>>
        %dma_wait3A_56 = arith.constant 0 : i32
        %dma_wait3A_57 = tpu.memref_slice %arg9[%dma_wait3A_56] : memref<128xi32, #tpu.memory_space<vmem>> -> memref<80xi32, #tpu.memory_space<vmem>>
        %dma_wait3A_58 = arith.constant 49920 : i32
        %dma_wait3A_59 = tpu.memref_slice %arg4[%dma_wait3A_58] : memref<50000xi32, #tpu.memory_space<hbm>> -> memref<80xi32, #tpu.memory_space<hbm>>
        tpu.wait_dma2 semaphore(%run_scoped3A : memref<!tpu.dma_semaphore, #tpu.memory_space<semaphore_mem>>) src(%dma_wait3A_59 : memref<80xi32, #tpu.memory_space<hbm>>) dst(%dma_wait3A_57 : memref<80xi32, #tpu.memory_space<vmem>>)
        tpu.yield
      }) : () -> ()
      "tpu.region"() ({
        %run_scoped3A = tpu.sem_alloc : memref<!tpu.dma_semaphore, #tpu.memory_space<semaphore_mem>>
        %dma_start3A = arith.constant 0 : i32
        %dma_start3A_46 = arith.constant 0 : i32
        %dma_start3A_47 = tpu.memref_slice %arg7[%dma_start3A, %dma_start3A_46] : memref<128x64xf32, #tpu.memory_space<vmem>> -> memref<80x64xf32, #tpu.memory_space<vmem>>
        %dma_start3A_48 = arith.constant 0 : i32
        %dma_start3A_49 = tpu.memref_slice %arg9[%dma_start3A_48] : memref<128xi32, #tpu.memory_space<vmem>> -> memref<80xi32, #tpu.memory_space<vmem>>
        %dma_start3A_50 = arith.constant 0 : i32
        %dma_start3A_51 = arith.constant 0 : i32
        %dma_start3A_52 = tpu.memref_slice %arg13[%dma_start3A_50, %dma_start3A_51] : memref<5008x64xf32, #tpu.memory_space<vmem_shared>> -> memref<5008x64xf32, #tpu.memory_space<vmem_shared>>
        tpu.enqueue_indirect_dma source(%dma_start3A_47 : memref<80x64xf32, #tpu.memory_space<vmem>>) target(%dma_start3A_52 : memref<5008x64xf32, #tpu.memory_space<vmem_shared>>) offsets(%dma_start3A_49 : memref<80xi32, #tpu.memory_space<vmem>>) semaphore(%run_scoped3A : memref<!tpu.dma_semaphore, #tpu.memory_space<semaphore_mem>>) {add = true}
        %dma_wait3A = arith.constant 0 : i32
        %dma_wait3A_53 = arith.constant 0 : i32
        %dma_wait3A_54 = tpu.memref_slice %arg7[%dma_wait3A, %dma_wait3A_53] : memref<128x64xf32, #tpu.memory_space<vmem>> -> memref<80x64xf32, #tpu.memory_space<vmem>>
        %dma_wait3A_55 = arith.constant 0 : i32
        %dma_wait3A_56 = tpu.memref_slice %arg9[%dma_wait3A_55] : memref<128xi32, #tpu.memory_space<vmem>> -> memref<80xi32, #tpu.memory_space<vmem>>
        %dma_wait3A_57 = arith.constant 0 : i32
        %dma_wait3A_58 = arith.constant 0 : i32
        %dma_wait3A_59 = tpu.memref_slice %arg13[%dma_wait3A_57, %dma_wait3A_58] : memref<5008x64xf32, #tpu.memory_space<vmem_shared>> -> memref<5008x64xf32, #tpu.memory_space<vmem_shared>>
        tpu.wait_indirect_dma semaphore(%run_scoped3A : memref<!tpu.dma_semaphore, #tpu.memory_space<semaphore_mem>>) src(%dma_wait3A_54 : memref<80x64xf32, #tpu.memory_space<vmem>>) dst(%dma_wait3A_59 : memref<5008x64xf32, #tpu.memory_space<vmem_shared>>)
        tpu.yield
      }) : () -> ()
    } else {
    }
    %eq3A_25 = arith.constant 1 : i32
    %eq3A_26 = arith.cmpi eq, %add3A, %eq3A_25 : i32
    %convert_element_type3A_27 = arith.extui %eq3A_26 : i1 to i32
    %cond3A_28 = arith.constant 0 : i32
    %cond3A_29 = arith.cmpi ne, %convert_element_type3A_27, %cond3A_28 : i32
    scf.if %cond3A_29 {
      "tpu.region"() ({
        %run_scoped3A = tpu.sem_alloc : memref<!tpu.dma_semaphore, #tpu.memory_space<semaphore_mem>>
        %dma_start3A = arith.constant 0 : i32
        %dma_start3A_41 = arith.constant 0 : i32
        %dma_start3A_42 = tpu.memref_slice %arg7[%dma_start3A, %dma_start3A_41] : memref<128x64xf32, #tpu.memory_space<vmem>> -> memref<80x64xf32, #tpu.memory_space<vmem>>
        %dma_start3A_43 = arith.constant 49920 : i32
        %dma_start3A_44 = arith.constant 0 : i32
        %dma_start3A_45 = tpu.memref_slice %arg3[%dma_start3A_43, %dma_start3A_44] : memref<50000x64xf32, #tpu.memory_space<hbm>> -> memref<80x64xf32, #tpu.memory_space<hbm>>
        %dma_start3A_46 = arith.constant 0 : i32
        %dma_start3A_47 = arith.constant 0 : i32
        %dma_start3A_48 = tpu.memref_slice %arg7[%dma_start3A_46, %dma_start3A_47] : memref<128x64xf32, #tpu.memory_space<vmem>> -> memref<80x64xf32, #tpu.memory_space<vmem>>
        %dma_start3A_49 = arith.constant 49920 : i32
        %dma_start3A_50 = arith.constant 0 : i32
        %dma_start3A_51 = tpu.memref_slice %arg3[%dma_start3A_49, %dma_start3A_50] : memref<50000x64xf32, #tpu.memory_space<hbm>> -> memref<80x64xf32, #tpu.memory_space<hbm>>
        tpu.enqueue_dma source(%dma_start3A_51 : memref<80x64xf32, #tpu.memory_space<hbm>>) target(%dma_start3A_48 : memref<80x64xf32, #tpu.memory_space<vmem>>) target_semaphore(%run_scoped3A : memref<!tpu.dma_semaphore, #tpu.memory_space<semaphore_mem>>)
        %dma_wait3A = arith.constant 0 : i32
        %dma_wait3A_52 = arith.constant 0 : i32
        %dma_wait3A_53 = tpu.memref_slice %arg7[%dma_wait3A, %dma_wait3A_52] : memref<128x64xf32, #tpu.memory_space<vmem>> -> memref<80x64xf32, #tpu.memory_space<vmem>>
        %dma_wait3A_54 = arith.constant 49920 : i32
        %dma_wait3A_55 = arith.constant 0 : i32
        %dma_wait3A_56 = tpu.memref_slice %arg3[%dma_wait3A_54, %dma_wait3A_55] : memref<50000x64xf32, #tpu.memory_space<hbm>> -> memref<80x64xf32, #tpu.memory_space<hbm>>
        %dma_wait3A_57 = arith.constant 0 : i32
        %dma_wait3A_58 = arith.constant 0 : i32
        %dma_wait3A_59 = tpu.memref_slice %arg7[%dma_wait3A_57, %dma_wait3A_58] : memref<128x64xf32, #tpu.memory_space<vmem>> -> memref<80x64xf32, #tpu.memory_space<vmem>>
        %dma_wait3A_60 = arith.constant 49920 : i32
        %dma_wait3A_61 = arith.constant 0 : i32
        %dma_wait3A_62 = tpu.memref_slice %arg3[%dma_wait3A_60, %dma_wait3A_61] : memref<50000x64xf32, #tpu.memory_space<hbm>> -> memref<80x64xf32, #tpu.memory_space<hbm>>
        tpu.wait_dma2 semaphore(%run_scoped3A : memref<!tpu.dma_semaphore, #tpu.memory_space<semaphore_mem>>) src(%dma_wait3A_62 : memref<80x64xf32, #tpu.memory_space<hbm>>) dst(%dma_wait3A_59 : memref<80x64xf32, #tpu.memory_space<vmem>>)
        tpu.yield
      }) : () -> ()
      "tpu.region"() ({
        %run_scoped3A = tpu.sem_alloc : memref<!tpu.dma_semaphore, #tpu.memory_space<semaphore_mem>>
        %dma_start3A = arith.constant 0 : i32
        %dma_start3A_41 = tpu.memref_slice %arg9[%dma_start3A] : memref<128xi32, #tpu.memory_space<vmem>> -> memref<80xi32, #tpu.memory_space<vmem>>
        %dma_start3A_42 = arith.constant 49920 : i32
        %dma_start3A_43 = tpu.memref_slice %arg4[%dma_start3A_42] : memref<50000xi32, #tpu.memory_space<hbm>> -> memref<80xi32, #tpu.memory_space<hbm>>
        %dma_start3A_44 = arith.constant 0 : i32
        %dma_start3A_45 = tpu.memref_slice %arg9[%dma_start3A_44] : memref<128xi32, #tpu.memory_space<vmem>> -> memref<80xi32, #tpu.memory_space<vmem>>
        %dma_start3A_46 = arith.constant 49920 : i32
        %dma_start3A_47 = tpu.memref_slice %arg4[%dma_start3A_46] : memref<50000xi32, #tpu.memory_space<hbm>> -> memref<80xi32, #tpu.memory_space<hbm>>
        tpu.enqueue_dma source(%dma_start3A_47 : memref<80xi32, #tpu.memory_space<hbm>>) target(%dma_start3A_45 : memref<80xi32, #tpu.memory_space<vmem>>) target_semaphore(%run_scoped3A : memref<!tpu.dma_semaphore, #tpu.memory_space<semaphore_mem>>)
        %dma_wait3A = arith.constant 0 : i32
        %dma_wait3A_48 = tpu.memref_slice %arg9[%dma_wait3A] : memref<128xi32, #tpu.memory_space<vmem>> -> memref<80xi32, #tpu.memory_space<vmem>>
        %dma_wait3A_49 = arith.constant 49920 : i32
        %dma_wait3A_50 = tpu.memref_slice %arg4[%dma_wait3A_49] : memref<50000xi32, #tpu.memory_space<hbm>> -> memref<80xi32, #tpu.memory_space<hbm>>
        %dma_wait3A_51 = arith.constant 0 : i32
        %dma_wait3A_52 = tpu.memref_slice %arg9[%dma_wait3A_51] : memref<128xi32, #tpu.memory_space<vmem>> -> memref<80xi32, #tpu.memory_space<vmem>>
        %dma_wait3A_53 = arith.constant 49920 : i32
        %dma_wait3A_54 = tpu.memref_slice %arg4[%dma_wait3A_53] : memref<50000xi32, #tpu.memory_space<hbm>> -> memref<80xi32, #tpu.memory_space<hbm>>
        tpu.wait_dma2 semaphore(%run_scoped3A : memref<!tpu.dma_semaphore, #tpu.memory_space<semaphore_mem>>) src(%dma_wait3A_54 : memref<80xi32, #tpu.memory_space<hbm>>) dst(%dma_wait3A_52 : memref<80xi32, #tpu.memory_space<vmem>>)
        tpu.yield
      }) : () -> ()
      "tpu.region"() ({
        %run_scoped3A = tpu.sem_alloc : memref<!tpu.dma_semaphore, #tpu.memory_space<semaphore_mem>>
        %dma_start3A = arith.constant 0 : i32
        %dma_start3A_41 = arith.constant 0 : i32
        %dma_start3A_42 = tpu.memref_slice %arg7[%dma_start3A, %dma_start3A_41] : memref<128x64xf32, #tpu.memory_space<vmem>> -> memref<80x64xf32, #tpu.memory_space<vmem>>
        %dma_start3A_43 = arith.constant 0 : i32
        %dma_start3A_44 = tpu.memref_slice %arg9[%dma_start3A_43] : memref<128xi32, #tpu.memory_space<vmem>> -> memref<80xi32, #tpu.memory_space<vmem>>
        %dma_start3A_45 = arith.constant 0 : i32
        %dma_start3A_46 = arith.constant 0 : i32
        %dma_start3A_47 = tpu.memref_slice %arg13[%dma_start3A_45, %dma_start3A_46] : memref<5008x64xf32, #tpu.memory_space<vmem_shared>> -> memref<5008x64xf32, #tpu.memory_space<vmem_shared>>
        tpu.enqueue_indirect_dma source(%dma_start3A_42 : memref<80x64xf32, #tpu.memory_space<vmem>>) target(%dma_start3A_47 : memref<5008x64xf32, #tpu.memory_space<vmem_shared>>) offsets(%dma_start3A_44 : memref<80xi32, #tpu.memory_space<vmem>>) semaphore(%run_scoped3A : memref<!tpu.dma_semaphore, #tpu.memory_space<semaphore_mem>>) {add = true}
        %dma_wait3A = arith.constant 0 : i32
        %dma_wait3A_48 = arith.constant 0 : i32
        %dma_wait3A_49 = tpu.memref_slice %arg7[%dma_wait3A, %dma_wait3A_48] : memref<128x64xf32, #tpu.memory_space<vmem>> -> memref<80x64xf32, #tpu.memory_space<vmem>>
        %dma_wait3A_50 = arith.constant 0 : i32
        %dma_wait3A_51 = tpu.memref_slice %arg9[%dma_wait3A_50] : memref<128xi32, #tpu.memory_space<vmem>> -> memref<80xi32, #tpu.memory_space<vmem>>
        %dma_wait3A_52 = arith.constant 0 : i32
        %dma_wait3A_53 = arith.constant 0 : i32
        %dma_wait3A_54 = tpu.memref_slice %arg13[%dma_wait3A_52, %dma_wait3A_53] : memref<5008x64xf32, #tpu.memory_space<vmem_shared>> -> memref<5008x64xf32, #tpu.memory_space<vmem_shared>>
        tpu.wait_indirect_dma semaphore(%run_scoped3A : memref<!tpu.dma_semaphore, #tpu.memory_space<semaphore_mem>>) src(%dma_wait3A_49 : memref<80x64xf32, #tpu.memory_space<vmem>>) dst(%dma_wait3A_54 : memref<5008x64xf32, #tpu.memory_space<vmem_shared>>)
        tpu.yield
      }) : () -> ()
    } else {
    }
    %barrier3A_30 = arith.constant 0 : index
    tpu.barrier barrier_id(%barrier3A_30)
    %lt3A_31 = arith.constant 15 : i32
    %lt3A_32 = arith.cmpi slt, %arg1, %lt3A_31 : i32
    %convert_element_type3A_33 = arith.extui %lt3A_32 : i1 to i32
    %cond3A_34 = arith.constant 0 : i32
    %cond3A_35 = arith.cmpi ne, %convert_element_type3A_33, %cond3A_34 : i32
    scf.if %cond3A_35 {
      %mul3A_41 = arith.constant 320 : i32
      %mul3A_42 = arith.muli %arg1, %mul3A_41 : i32
      %mul3A_43 = arith.constant 5008 : i32
      %mul3A_44 = arith.muli %arg0, %mul3A_43 : i32
      %mul3A_45 = arith.constant 320 : i32
      %mul3A_46 = arith.muli %arg1, %mul3A_45 : i32
      %add3A_47 = arith.addi %mul3A_44, %mul3A_46 : i32
      "tpu.region"() ({
        %run_scoped3A = tpu.sem_alloc : memref<!tpu.dma_semaphore, #tpu.memory_space<semaphore_mem>>
        %dma_start3A = arith.constant 0 : i32
        %dma_start3A_48 = tpu.memref_slice %arg6[%add3A_47, %dma_start3A] : memref<10016x64xf32, #tpu.memory_space<hbm>> -> memref<320x64xf32, #tpu.memory_space<hbm>>
        %dma_start3A_49 = arith.constant 0 : i32
        %dma_start3A_50 = tpu.memref_slice %arg13[%mul3A_42, %dma_start3A_49] : memref<5008x64xf32, #tpu.memory_space<vmem_shared>> -> memref<320x64xf32, #tpu.memory_space<vmem_shared>>
        tpu.enqueue_dma source(%dma_start3A_50 : memref<320x64xf32, #tpu.memory_space<vmem_shared>>) target(%dma_start3A_48 : memref<320x64xf32, #tpu.memory_space<hbm>>) target_semaphore(%run_scoped3A : memref<!tpu.dma_semaphore, #tpu.memory_space<semaphore_mem>>)
        %dma_wait3A = arith.constant 0 : i32
        %dma_wait3A_51 = tpu.memref_slice %arg6[%add3A_47, %dma_wait3A] : memref<10016x64xf32, #tpu.memory_space<hbm>> -> memref<320x64xf32, #tpu.memory_space<hbm>>
        %dma_wait3A_52 = arith.constant 0 : i32
        %dma_wait3A_53 = tpu.memref_slice %arg13[%mul3A_42, %dma_wait3A_52] : memref<5008x64xf32, #tpu.memory_space<vmem_shared>> -> memref<320x64xf32, #tpu.memory_space<vmem_shared>>
        tpu.wait_dma2 semaphore(%run_scoped3A : memref<!tpu.dma_semaphore, #tpu.memory_space<semaphore_mem>>) src(%dma_wait3A_53 : memref<320x64xf32, #tpu.memory_space<vmem_shared>>) dst(%dma_wait3A_51 : memref<320x64xf32, #tpu.memory_space<hbm>>)
        tpu.yield
      }) : () -> ()
    } else {
    }
    %eq3A_36 = arith.constant 15 : i32
    %eq3A_37 = arith.cmpi eq, %arg1, %eq3A_36 : i32
    %convert_element_type3A_38 = arith.extui %eq3A_37 : i1 to i32
    %cond3A_39 = arith.constant 0 : i32
    %cond3A_40 = arith.cmpi ne, %convert_element_type3A_38, %cond3A_39 : i32
    scf.if %cond3A_40 {
      %mul3A_41 = arith.constant 5008 : i32
      %mul3A_42 = arith.muli %arg0, %mul3A_41 : i32
      %add3A_43 = arith.constant 4800 : i32
      %add3A_44 = arith.addi %mul3A_42, %add3A_43 : i32
      "tpu.region"() ({
        %run_scoped3A = tpu.sem_alloc : memref<!tpu.dma_semaphore, #tpu.memory_space<semaphore_mem>>
        %dma_start3A = arith.constant 0 : i32
        %dma_start3A_45 = tpu.memref_slice %arg6[%add3A_44, %dma_start3A] : memref<10016x64xf32, #tpu.memory_space<hbm>> -> memref<208x64xf32, #tpu.memory_space<hbm>>
        %dma_start3A_46 = arith.constant 4800 : i32
        %dma_start3A_47 = arith.constant 0 : i32
        %dma_start3A_48 = tpu.memref_slice %arg13[%dma_start3A_46, %dma_start3A_47] : memref<5008x64xf32, #tpu.memory_space<vmem_shared>> -> memref<208x64xf32, #tpu.memory_space<vmem_shared>>
        tpu.enqueue_dma source(%dma_start3A_48 : memref<208x64xf32, #tpu.memory_space<vmem_shared>>) target(%dma_start3A_45 : memref<208x64xf32, #tpu.memory_space<hbm>>) target_semaphore(%run_scoped3A : memref<!tpu.dma_semaphore, #tpu.memory_space<semaphore_mem>>)
        %dma_wait3A = arith.constant 0 : i32
        %dma_wait3A_49 = tpu.memref_slice %arg6[%add3A_44, %dma_wait3A] : memref<10016x64xf32, #tpu.memory_space<hbm>> -> memref<208x64xf32, #tpu.memory_space<hbm>>
        %dma_wait3A_50 = arith.constant 4800 : i32
        %dma_wait3A_51 = arith.constant 0 : i32
        %dma_wait3A_52 = tpu.memref_slice %arg13[%dma_wait3A_50, %dma_wait3A_51] : memref<5008x64xf32, #tpu.memory_space<vmem_shared>> -> memref<208x64xf32, #tpu.memory_space<vmem_shared>>
        tpu.wait_dma2 semaphore(%run_scoped3A : memref<!tpu.dma_semaphore, #tpu.memory_space<semaphore_mem>>) src(%dma_wait3A_52 : memref<208x64xf32, #tpu.memory_space<vmem_shared>>) dst(%dma_wait3A_49 : memref<208x64xf32, #tpu.memory_space<hbm>>)
        tpu.yield
      }) : () -> ()
    } else {
    }
    return
  }
}

#map = affine_map<(d0, d1) -> (0, 0)>
#map1 = affine_map<(d0, d1) -> (0)>
module attributes {stable_mosaic.version = 14 : i64} {
  func.func @_sc_dense(%arg0: i32, %arg1: i32, %arg2: memref<10016x64xf32, #tpu.memory_space<hbm>>, %arg3: memref<10016x64xf32, #tpu.memory_space<hbm>>, %arg4: memref<16384xi32, #tpu.memory_space<hbm>>, %arg5: memref<16384xf32, #tpu.memory_space<hbm>>, %arg6: memref<32768x64xf32, #tpu.memory_space<hbm>>, %arg7: memref<16384xf32, #tpu.memory_space<hbm>>, %arg8: memref<128x64xf32, #tpu.memory_space<vmem>>, %arg9: memref<128x64xf32, #tpu.memory_space<vmem>>, %arg10: memref<128xi32, #tpu.memory_space<vmem>>, %arg11: memref<128xi32, #tpu.memory_space<vmem>>, %arg12: memref<1024xf32, #tpu.memory_space<vmem>>, %arg13: memref<!tpu.dma_semaphore, #tpu.memory_space<semaphore_mem>>, %arg14: memref<!tpu.dma_semaphore, #tpu.memory_space<semaphore_mem>>) attributes {dimension_semantics = [#tpu.dimension_semantics<core_parallel>, #tpu.dimension_semantics<subcore_parallel>], iteration_bounds = array<i64: 2, 16>, scalar_prefetch = 0 : i64, scratch_operands = 7 : i64, tpu.core_type = #tpu.core_type<sc_vector_subcore>, window_params = [{transform_indices = #map}, {transform_indices = #map}, {transform_indices = #map1}, {transform_indices = #map1}, {transform_indices = #map}, {transform_indices = #map1}]} {
    %mul3A = arith.constant 1024 : i32
    %mul3A_0 = arith.muli %arg1, %mul3A : i32
    %add3A = arith.constant 0 : i32
    %add3A_1 = arith.addi %mul3A_0, %add3A : i32
    "tpu.region"() ({
      %run_scoped3A = tpu.sem_alloc : memref<!tpu.dma_semaphore, #tpu.memory_space<semaphore_mem>>
      %dma_start3A_237 = tpu.memref_slice %arg4[%add3A_1] : memref<16384xi32, #tpu.memory_space<hbm>> -> memref<128xi32, #tpu.memory_space<hbm>>
      %dma_start3A_238 = tpu.memref_slice %arg4[%add3A_1] : memref<16384xi32, #tpu.memory_space<hbm>> -> memref<128xi32, #tpu.memory_space<hbm>>
      tpu.enqueue_dma source(%dma_start3A_238 : memref<128xi32, #tpu.memory_space<hbm>>) target(%arg10 : memref<128xi32, #tpu.memory_space<vmem>>) target_semaphore(%run_scoped3A : memref<!tpu.dma_semaphore, #tpu.memory_space<semaphore_mem>>)
      %dma_wait3A_239 = tpu.memref_slice %arg4[%add3A_1] : memref<16384xi32, #tpu.memory_space<hbm>> -> memref<128xi32, #tpu.memory_space<hbm>>
      %dma_wait3A_240 = tpu.memref_slice %arg4[%add3A_1] : memref<16384xi32, #tpu.memory_space<hbm>> -> memref<128xi32, #tpu.memory_space<hbm>>
      tpu.wait_dma2 semaphore(%run_scoped3A : memref<!tpu.dma_semaphore, #tpu.memory_space<semaphore_mem>>) src(%dma_wait3A_240 : memref<128xi32, #tpu.memory_space<hbm>>) dst(%arg10 : memref<128xi32, #tpu.memory_space<vmem>>)
      tpu.yield
    }) : () -> ()
    %scan3A = arith.constant 0 : i32
    %scan3A_2 = arith.constant 0 : i32
    %scan3A_3 = arith.constant 8 : i32
    %scan3A_4 = arith.addi %scan3A_2, %scan3A_3 : i32
    %scan3A_5 = arith.constant 1 : i32
    %scan3A_6 = scf.for %scan3A_237 = %scan3A_2 to %scan3A_4 step %scan3A_5 iter_args(%scan3A_238 = %scan3A) -> (i32)  : i32 {
      %mul3A_239 = arith.constant 16 : i32
      %mul3A_240 = arith.muli %scan3A_237, %mul3A_239 : i32
      %get3A = arith.index_cast %mul3A_240 : i32 to index
      %get3A_241 = tpu.vector_load %arg10[%get3A] {strides = array<i32>} : memref<128xi32, #tpu.memory_space<vmem>>, vector<16xi32>,
      %get3A_242 = vector.shape_cast %get3A_241 : vector<16xi32> to vector<16xi32>
      %mul3A_243 = arith.constant 5008 : i32
      %mul3A_244 = arith.muli %arg0, %mul3A_243 : i32
      %add3A_245 = vector.broadcast %mul3A_244 : i32 to vector<16xi32>
      %add3A_246 = arith.addi %get3A_242, %add3A_245 : vector<16xi32>
      %mul3A_247 = arith.constant 16 : i32
      %mul3A_248 = arith.muli %scan3A_237, %mul3A_247 : i32
      %swap3A = arith.index_cast %mul3A_248 : i32 to index
      %swap3A_249 = tpu.vector_load %arg10[%swap3A] {strides = array<i32>} : memref<128xi32, #tpu.memory_space<vmem>>, vector<16xi32>,
      %swap3A_250 = vector.shape_cast %swap3A_249 : vector<16xi32> to vector<16xi32>
      %swap3A_251 = vector.shape_cast %add3A_246 : vector<16xi32> to vector<16xi32>
      tpu.vector_store %arg10[%swap3A], %swap3A_251 {strides = array<i32>} : memref<128xi32, #tpu.memory_space<vmem>>, vector<16xi32>,
      %scan3A_252 = arith.constant 0 : i32
      scf.yield %scan3A_252 : i32
    }
    %scan3A_7 = arith.constant 8 : i32
    %dma_start3A = arith.constant 0 : i32
    %dma_start3A_8 = arith.constant 0 : i32
    %dma_start3A_9 = tpu.memref_slice %arg2[%dma_start3A, %dma_start3A_8] : memref<10016x64xf32, #tpu.memory_space<hbm>> -> memref<10016x64xf32, #tpu.memory_space<hbm>>
    tpu.enqueue_indirect_dma source(%dma_start3A_9 : memref<10016x64xf32, #tpu.memory_space<hbm>>) target(%arg8 : memref<128x64xf32, #tpu.memory_space<vmem>>) offsets(%arg10 : memref<128xi32, #tpu.memory_space<vmem>>) semaphore(%arg13 : memref<!tpu.dma_semaphore, #tpu.memory_space<semaphore_mem>>)
    %mul3A_10 = arith.constant 1024 : i32
    %mul3A_11 = arith.muli %arg1, %mul3A_10 : i32
    %add3A_12 = arith.constant 128 : i32
    %add3A_13 = arith.addi %mul3A_11, %add3A_12 : i32
    "tpu.region"() ({
      %run_scoped3A = tpu.sem_alloc : memref<!tpu.dma_semaphore, #tpu.memory_space<semaphore_mem>>
      %dma_start3A_237 = tpu.memref_slice %arg4[%add3A_13] : memref<16384xi32, #tpu.memory_space<hbm>> -> memref<128xi32, #tpu.memory_space<hbm>>
      %dma_start3A_238 = tpu.memref_slice %arg4[%add3A_13] : memref<16384xi32, #tpu.memory_space<hbm>> -> memref<128xi32, #tpu.memory_space<hbm>>
      tpu.enqueue_dma source(%dma_start3A_238 : memref<128xi32, #tpu.memory_space<hbm>>) target(%arg11 : memref<128xi32, #tpu.memory_space<vmem>>) target_semaphore(%run_scoped3A : memref<!tpu.dma_semaphore, #tpu.memory_space<semaphore_mem>>)
      %dma_wait3A_239 = tpu.memref_slice %arg4[%add3A_13] : memref<16384xi32, #tpu.memory_space<hbm>> -> memref<128xi32, #tpu.memory_space<hbm>>
      %dma_wait3A_240 = tpu.memref_slice %arg4[%add3A_13] : memref<16384xi32, #tpu.memory_space<hbm>> -> memref<128xi32, #tpu.memory_space<hbm>>
      tpu.wait_dma2 semaphore(%run_scoped3A : memref<!tpu.dma_semaphore, #tpu.memory_space<semaphore_mem>>) src(%dma_wait3A_240 : memref<128xi32, #tpu.memory_space<hbm>>) dst(%arg11 : memref<128xi32, #tpu.memory_space<vmem>>)
      tpu.yield
    }) : () -> ()
    %scan3A_14 = arith.constant 0 : i32
    %scan3A_15 = arith.constant 0 : i32
    %scan3A_16 = arith.constant 8 : i32
    %scan3A_17 = arith.addi %scan3A_15, %scan3A_16 : i32
    %scan3A_18 = arith.constant 1 : i32
    %scan3A_19 = scf.for %scan3A_237 = %scan3A_15 to %scan3A_17 step %scan3A_18 iter_args(%scan3A_238 = %scan3A_14) -> (i32)  : i32 {
      %mul3A_239 = arith.constant 16 : i32
      %mul3A_240 = arith.muli %scan3A_237, %mul3A_239 : i32
      %get3A = arith.index_cast %mul3A_240 : i32 to index
      %get3A_241 = tpu.vector_load %arg11[%get3A] {strides = array<i32>} : memref<128xi32, #tpu.memory_space<vmem>>, vector<16xi32>,
      %get3A_242 = vector.shape_cast %get3A_241 : vector<16xi32> to vector<16xi32>
      %mul3A_243 = arith.constant 5008 : i32
      %mul3A_244 = arith.muli %arg0, %mul3A_243 : i32
      %add3A_245 = vector.broadcast %mul3A_244 : i32 to vector<16xi32>
      %add3A_246 = arith.addi %get3A_242, %add3A_245 : vector<16xi32>
      %mul3A_247 = arith.constant 16 : i32
      %mul3A_248 = arith.muli %scan3A_237, %mul3A_247 : i32
      %swap3A = arith.index_cast %mul3A_248 : i32 to index
      %swap3A_249 = tpu.vector_load %arg11[%swap3A] {strides = array<i32>} : memref<128xi32, #tpu.memory_space<vmem>>, vector<16xi32>,
      %swap3A_250 = vector.shape_cast %swap3A_249 : vector<16xi32> to vector<16xi32>
      %swap3A_251 = vector.shape_cast %add3A_246 : vector<16xi32> to vector<16xi32>
      tpu.vector_store %arg11[%swap3A], %swap3A_251 {strides = array<i32>} : memref<128xi32, #tpu.memory_space<vmem>>, vector<16xi32>,
      %scan3A_252 = arith.constant 0 : i32
      scf.yield %scan3A_252 : i32
    }
    %scan3A_20 = arith.constant 8 : i32
    %dma_start3A_21 = arith.constant 0 : i32
    %dma_start3A_22 = arith.constant 0 : i32
    %dma_start3A_23 = tpu.memref_slice %arg2[%dma_start3A_21, %dma_start3A_22] : memref<10016x64xf32, #tpu.memory_space<hbm>> -> memref<10016x64xf32, #tpu.memory_space<hbm>>
    tpu.enqueue_indirect_dma source(%dma_start3A_23 : memref<10016x64xf32, #tpu.memory_space<hbm>>) target(%arg9 : memref<128x64xf32, #tpu.memory_space<vmem>>) offsets(%arg11 : memref<128xi32, #tpu.memory_space<vmem>>) semaphore(%arg14 : memref<!tpu.dma_semaphore, #tpu.memory_space<semaphore_mem>>)
    %mul3A_24 = arith.constant 1024 : i32
    %mul3A_25 = arith.muli %arg1, %mul3A_24 : i32
    %add3A_26 = arith.constant 0 : i32
    %add3A_27 = arith.addi %mul3A_25, %add3A_26 : i32
    %dma_wait3A = arith.constant 0 : i32
    %dma_wait3A_28 = arith.constant 0 : i32
    %dma_wait3A_29 = tpu.memref_slice %arg2[%dma_wait3A, %dma_wait3A_28] : memref<10016x64xf32, #tpu.memory_space<hbm>> -> memref<10016x64xf32, #tpu.memory_space<hbm>>
    tpu.wait_indirect_dma semaphore(%arg13 : memref<!tpu.dma_semaphore, #tpu.memory_space<semaphore_mem>>) src(%dma_wait3A_29 : memref<10016x64xf32, #tpu.memory_space<hbm>>) dst(%arg8 : memref<128x64xf32, #tpu.memory_space<vmem>>)
    %dma_start3A_30 = arith.constant 0 : i32
    %dma_start3A_31 = arith.constant 0 : i32
    %dma_start3A_32 = tpu.memref_slice %arg3[%dma_start3A_30, %dma_start3A_31] : memref<10016x64xf32, #tpu.memory_space<hbm>> -> memref<10016x64xf32, #tpu.memory_space<hbm>>
    tpu.enqueue_indirect_dma source(%dma_start3A_32 : memref<10016x64xf32, #tpu.memory_space<hbm>>) target(%arg8 : memref<128x64xf32, #tpu.memory_space<vmem>>) offsets(%arg10 : memref<128xi32, #tpu.memory_space<vmem>>) semaphore(%arg13 : memref<!tpu.dma_semaphore, #tpu.memory_space<semaphore_mem>>) {add = true}
    %dma_wait3A_33 = arith.constant 0 : i32
    %dma_wait3A_34 = arith.constant 0 : i32
    %dma_wait3A_35 = tpu.memref_slice %arg3[%dma_wait3A_33, %dma_wait3A_34] : memref<10016x64xf32, #tpu.memory_space<hbm>> -> memref<10016x64xf32, #tpu.memory_space<hbm>>
    tpu.wait_indirect_dma semaphore(%arg13 : memref<!tpu.dma_semaphore, #tpu.memory_space<semaphore_mem>>) src(%dma_wait3A_35 : memref<10016x64xf32, #tpu.memory_space<hbm>>) dst(%arg8 : memref<128x64xf32, #tpu.memory_space<vmem>>)
    %mul3A_36 = arith.constant 16384 : i32
    %mul3A_37 = arith.muli %arg0, %mul3A_36 : i32
    %add3A_38 = arith.addi %mul3A_37, %add3A_27 : i32
    "tpu.region"() ({
      %run_scoped3A = tpu.sem_alloc : memref<!tpu.dma_semaphore, #tpu.memory_space<semaphore_mem>>
      %dma_start3A_237 = arith.constant 0 : i32
      %dma_start3A_238 = tpu.memref_slice %arg6[%add3A_38, %dma_start3A_237] : memref<32768x64xf32, #tpu.memory_space<hbm>> -> memref<128x64xf32, #tpu.memory_space<hbm>>
      %dma_start3A_239 = arith.constant 0 : i32
      %dma_start3A_240 = tpu.memref_slice %arg6[%add3A_38, %dma_start3A_239] : memref<32768x64xf32, #tpu.memory_space<hbm>> -> memref<128x64xf32, #tpu.memory_space<hbm>>
      tpu.enqueue_dma source(%arg8 : memref<128x64xf32, #tpu.memory_space<vmem>>) target(%dma_start3A_240 : memref<128x64xf32, #tpu.memory_space<hbm>>) target_semaphore(%run_scoped3A : memref<!tpu.dma_semaphore, #tpu.memory_space<semaphore_mem>>)
      %dma_wait3A_241 = arith.constant 0 : i32
      %dma_wait3A_242 = tpu.memref_slice %arg6[%add3A_38, %dma_wait3A_241] : memref<32768x64xf32, #tpu.memory_space<hbm>> -> memref<128x64xf32, #tpu.memory_space<hbm>>
      %dma_wait3A_243 = arith.constant 0 : i32
      %dma_wait3A_244 = tpu.memref_slice %arg6[%add3A_38, %dma_wait3A_243] : memref<32768x64xf32, #tpu.memory_space<hbm>> -> memref<128x64xf32, #tpu.memory_space<hbm>>
      tpu.wait_dma2 semaphore(%run_scoped3A : memref<!tpu.dma_semaphore, #tpu.memory_space<semaphore_mem>>) src(%arg8 : memref<128x64xf32, #tpu.memory_space<vmem>>) dst(%dma_wait3A_244 : memref<128x64xf32, #tpu.memory_space<hbm>>)
      tpu.yield
    }) : () -> ()
    %mul3A_39 = arith.constant 1024 : i32
    %mul3A_40 = arith.muli %arg1, %mul3A_39 : i32
    %add3A_41 = arith.constant 256 : i32
    %add3A_42 = arith.addi %mul3A_40, %add3A_41 : i32
    "tpu.region"() ({
      %run_scoped3A = tpu.sem_alloc : memref<!tpu.dma_semaphore, #tpu.memory_space<semaphore_mem>>
      %dma_start3A_237 = tpu.memref_slice %arg4[%add3A_42] : memref<16384xi32, #tpu.memory_space<hbm>> -> memref<128xi32, #tpu.memory_space<hbm>>
      %dma_start3A_238 = tpu.memref_slice %arg4[%add3A_42] : memref<16384xi32, #tpu.memory_space<hbm>> -> memref<128xi32, #tpu.memory_space<hbm>>
      tpu.enqueue_dma source(%dma_start3A_238 : memref<128xi32, #tpu.memory_space<hbm>>) target(%arg10 : memref<128xi32, #tpu.memory_space<vmem>>) target_semaphore(%run_scoped3A : memref<!tpu.dma_semaphore, #tpu.memory_space<semaphore_mem>>)
      %dma_wait3A_239 = tpu.memref_slice %arg4[%add3A_42] : memref<16384xi32, #tpu.memory_space<hbm>> -> memref<128xi32, #tpu.memory_space<hbm>>
      %dma_wait3A_240 = tpu.memref_slice %arg4[%add3A_42] : memref<16384xi32, #tpu.memory_space<hbm>> -> memref<128xi32, #tpu.memory_space<hbm>>
      tpu.wait_dma2 semaphore(%run_scoped3A : memref<!tpu.dma_semaphore, #tpu.memory_space<semaphore_mem>>) src(%dma_wait3A_240 : memref<128xi32, #tpu.memory_space<hbm>>) dst(%arg10 : memref<128xi32, #tpu.memory_space<vmem>>)
      tpu.yield
    }) : () -> ()
    %scan3A_43 = arith.constant 0 : i32
    %scan3A_44 = arith.constant 0 : i32
    %scan3A_45 = arith.constant 8 : i32
    %scan3A_46 = arith.addi %scan3A_44, %scan3A_45 : i32
    %scan3A_47 = arith.constant 1 : i32
    %scan3A_48 = scf.for %scan3A_237 = %scan3A_44 to %scan3A_46 step %scan3A_47 iter_args(%scan3A_238 = %scan3A_43) -> (i32)  : i32 {
      %mul3A_239 = arith.constant 16 : i32
      %mul3A_240 = arith.muli %scan3A_237, %mul3A_239 : i32
      %get3A = arith.index_cast %mul3A_240 : i32 to index
      %get3A_241 = tpu.vector_load %arg10[%get3A] {strides = array<i32>} : memref<128xi32, #tpu.memory_space<vmem>>, vector<16xi32>,
      %get3A_242 = vector.shape_cast %get3A_241 : vector<16xi32> to vector<16xi32>
      %mul3A_243 = arith.constant 5008 : i32
      %mul3A_244 = arith.muli %arg0, %mul3A_243 : i32
      %add3A_245 = vector.broadcast %mul3A_244 : i32 to vector<16xi32>
      %add3A_246 = arith.addi %get3A_242, %add3A_245 : vector<16xi32>
      %mul3A_247 = arith.constant 16 : i32
      %mul3A_248 = arith.muli %scan3A_237, %mul3A_247 : i32
      %swap3A = arith.index_cast %mul3A_248 : i32 to index
      %swap3A_249 = tpu.vector_load %arg10[%swap3A] {strides = array<i32>} : memref<128xi32, #tpu.memory_space<vmem>>, vector<16xi32>,
      %swap3A_250 = vector.shape_cast %swap3A_249 : vector<16xi32> to vector<16xi32>
      %swap3A_251 = vector.shape_cast %add3A_246 : vector<16xi32> to vector<16xi32>
      tpu.vector_store %arg10[%swap3A], %swap3A_251 {strides = array<i32>} : memref<128xi32, #tpu.memory_space<vmem>>, vector<16xi32>,
      %scan3A_252 = arith.constant 0 : i32
      scf.yield %scan3A_252 : i32
    }
    %scan3A_49 = arith.constant 8 : i32
    %dma_start3A_50 = arith.constant 0 : i32
    %dma_start3A_51 = arith.constant 0 : i32
    %dma_start3A_52 = tpu.memref_slice %arg2[%dma_start3A_50, %dma_start3A_51] : memref<10016x64xf32, #tpu.memory_space<hbm>> -> memref<10016x64xf32, #tpu.memory_space<hbm>>
    tpu.enqueue_indirect_dma source(%dma_start3A_52 : memref<10016x64xf32, #tpu.memory_space<hbm>>) target(%arg8 : memref<128x64xf32, #tpu.memory_space<vmem>>) offsets(%arg10 : memref<128xi32, #tpu.memory_space<vmem>>) semaphore(%arg13 : memref<!tpu.dma_semaphore, #tpu.memory_space<semaphore_mem>>)
    %mul3A_53 = arith.constant 1024 : i32
    %mul3A_54 = arith.muli %arg1, %mul3A_53 : i32
    %add3A_55 = arith.constant 128 : i32
    %add3A_56 = arith.addi %mul3A_54, %add3A_55 : i32
    %dma_wait3A_57 = arith.constant 0 : i32
    %dma_wait3A_58 = arith.constant 0 : i32
    %dma_wait3A_59 = tpu.memref_slice %arg2[%dma_wait3A_57, %dma_wait3A_58] : memref<10016x64xf32, #tpu.memory_space<hbm>> -> memref<10016x64xf32, #tpu.memory_space<hbm>>
    tpu.wait_indirect_dma semaphore(%arg14 : memref<!tpu.dma_semaphore, #tpu.memory_space<semaphore_mem>>) src(%dma_wait3A_59 : memref<10016x64xf32, #tpu.memory_space<hbm>>) dst(%arg9 : memref<128x64xf32, #tpu.memory_space<vmem>>)
    %dma_start3A_60 = arith.constant 0 : i32
    %dma_start3A_61 = arith.constant 0 : i32
    %dma_start3A_62 = tpu.memref_slice %arg3[%dma_start3A_60, %dma_start3A_61] : memref<10016x64xf32, #tpu.memory_space<hbm>> -> memref<10016x64xf32, #tpu.memory_space<hbm>>
    tpu.enqueue_indirect_dma source(%dma_start3A_62 : memref<10016x64xf32, #tpu.memory_space<hbm>>) target(%arg9 : memref<128x64xf32, #tpu.memory_space<vmem>>) offsets(%arg11 : memref<128xi32, #tpu.memory_space<vmem>>) semaphore(%arg14 : memref<!tpu.dma_semaphore, #tpu.memory_space<semaphore_mem>>) {add = true}
    %dma_wait3A_63 = arith.constant 0 : i32
    %dma_wait3A_64 = arith.constant 0 : i32
    %dma_wait3A_65 = tpu.memref_slice %arg3[%dma_wait3A_63, %dma_wait3A_64] : memref<10016x64xf32, #tpu.memory_space<hbm>> -> memref<10016x64xf32, #tpu.memory_space<hbm>>
    tpu.wait_indirect_dma semaphore(%arg14 : memref<!tpu.dma_semaphore, #tpu.memory_space<semaphore_mem>>) src(%dma_wait3A_65 : memref<10016x64xf32, #tpu.memory_space<hbm>>) dst(%arg9 : memref<128x64xf32, #tpu.memory_space<vmem>>)
    %mul3A_66 = arith.constant 16384 : i32
    %mul3A_67 = arith.muli %arg0, %mul3A_66 : i32
    %add3A_68 = arith.addi %mul3A_67, %add3A_56 : i32
    "tpu.region"() ({
      %run_scoped3A = tpu.sem_alloc : memref<!tpu.dma_semaphore, #tpu.memory_space<semaphore_mem>>
      %dma_start3A_237 = arith.constant 0 : i32
      %dma_start3A_238 = tpu.memref_slice %arg6[%add3A_68, %dma_start3A_237] : memref<32768x64xf32, #tpu.memory_space<hbm>> -> memref<128x64xf32, #tpu.memory_space<hbm>>
      %dma_start3A_239 = arith.constant 0 : i32
      %dma_start3A_240 = tpu.memref_slice %arg6[%add3A_68, %dma_start3A_239] : memref<32768x64xf32, #tpu.memory_space<hbm>> -> memref<128x64xf32, #tpu.memory_space<hbm>>
      tpu.enqueue_dma source(%arg9 : memref<128x64xf32, #tpu.memory_space<vmem>>) target(%dma_start3A_240 : memref<128x64xf32, #tpu.memory_space<hbm>>) target_semaphore(%run_scoped3A : memref<!tpu.dma_semaphore, #tpu.memory_space<semaphore_mem>>)
      %dma_wait3A_241 = arith.constant 0 : i32
      %dma_wait3A_242 = tpu.memref_slice %arg6[%add3A_68, %dma_wait3A_241] : memref<32768x64xf32, #tpu.memory_space<hbm>> -> memref<128x64xf32, #tpu.memory_space<hbm>>
      %dma_wait3A_243 = arith.constant 0 : i32
      %dma_wait3A_244 = tpu.memref_slice %arg6[%add3A_68, %dma_wait3A_243] : memref<32768x64xf32, #tpu.memory_space<hbm>> -> memref<128x64xf32, #tpu.memory_space<hbm>>
      tpu.wait_dma2 semaphore(%run_scoped3A : memref<!tpu.dma_semaphore, #tpu.memory_space<semaphore_mem>>) src(%arg9 : memref<128x64xf32, #tpu.memory_space<vmem>>) dst(%dma_wait3A_244 : memref<128x64xf32, #tpu.memory_space<hbm>>)
      tpu.yield
    }) : () -> ()
    %mul3A_69 = arith.constant 1024 : i32
    %mul3A_70 = arith.muli %arg1, %mul3A_69 : i32
    %add3A_71 = arith.constant 384 : i32
    %add3A_72 = arith.addi %mul3A_70, %add3A_71 : i32
    "tpu.region"() ({
      %run_scoped3A = tpu.sem_alloc : memref<!tpu.dma_semaphore, #tpu.memory_space<semaphore_mem>>
      %dma_start3A_237 = tpu.memref_slice %arg4[%add3A_72] : memref<16384xi32, #tpu.memory_space<hbm>> -> memref<128xi32, #tpu.memory_space<hbm>>
      %dma_start3A_238 = tpu.memref_slice %arg4[%add3A_72] : memref<16384xi32, #tpu.memory_space<hbm>> -> memref<128xi32, #tpu.memory_space<hbm>>
      tpu.enqueue_dma source(%dma_start3A_238 : memref<128xi32, #tpu.memory_space<hbm>>) target(%arg11 : memref<128xi32, #tpu.memory_space<vmem>>) target_semaphore(%run_scoped3A : memref<!tpu.dma_semaphore, #tpu.memory_space<semaphore_mem>>)
      %dma_wait3A_239 = tpu.memref_slice %arg4[%add3A_72] : memref<16384xi32, #tpu.memory_space<hbm>> -> memref<128xi32, #tpu.memory_space<hbm>>
      %dma_wait3A_240 = tpu.memref_slice %arg4[%add3A_72] : memref<16384xi32, #tpu.memory_space<hbm>> -> memref<128xi32, #tpu.memory_space<hbm>>
      tpu.wait_dma2 semaphore(%run_scoped3A : memref<!tpu.dma_semaphore, #tpu.memory_space<semaphore_mem>>) src(%dma_wait3A_240 : memref<128xi32, #tpu.memory_space<hbm>>) dst(%arg11 : memref<128xi32, #tpu.memory_space<vmem>>)
      tpu.yield
    }) : () -> ()
    %scan3A_73 = arith.constant 0 : i32
    %scan3A_74 = arith.constant 0 : i32
    %scan3A_75 = arith.constant 8 : i32
    %scan3A_76 = arith.addi %scan3A_74, %scan3A_75 : i32
    %scan3A_77 = arith.constant 1 : i32
    %scan3A_78 = scf.for %scan3A_237 = %scan3A_74 to %scan3A_76 step %scan3A_77 iter_args(%scan3A_238 = %scan3A_73) -> (i32)  : i32 {
      %mul3A_239 = arith.constant 16 : i32
      %mul3A_240 = arith.muli %scan3A_237, %mul3A_239 : i32
      %get3A = arith.index_cast %mul3A_240 : i32 to index
      %get3A_241 = tpu.vector_load %arg11[%get3A] {strides = array<i32>} : memref<128xi32, #tpu.memory_space<vmem>>, vector<16xi32>,
      %get3A_242 = vector.shape_cast %get3A_241 : vector<16xi32> to vector<16xi32>
      %mul3A_243 = arith.constant 5008 : i32
      %mul3A_244 = arith.muli %arg0, %mul3A_243 : i32
      %add3A_245 = vector.broadcast %mul3A_244 : i32 to vector<16xi32>
      %add3A_246 = arith.addi %get3A_242, %add3A_245 : vector<16xi32>
      %mul3A_247 = arith.constant 16 : i32
      %mul3A_248 = arith.muli %scan3A_237, %mul3A_247 : i32
      %swap3A = arith.index_cast %mul3A_248 : i32 to index
      %swap3A_249 = tpu.vector_load %arg11[%swap3A] {strides = array<i32>} : memref<128xi32, #tpu.memory_space<vmem>>, vector<16xi32>,
      %swap3A_250 = vector.shape_cast %swap3A_249 : vector<16xi32> to vector<16xi32>
      %swap3A_251 = vector.shape_cast %add3A_246 : vector<16xi32> to vector<16xi32>
      tpu.vector_store %arg11[%swap3A], %swap3A_251 {strides = array<i32>} : memref<128xi32, #tpu.memory_space<vmem>>, vector<16xi32>,
      %scan3A_252 = arith.constant 0 : i32
      scf.yield %scan3A_252 : i32
    }
    %scan3A_79 = arith.constant 8 : i32
    %dma_start3A_80 = arith.constant 0 : i32
    %dma_start3A_81 = arith.constant 0 : i32
    %dma_start3A_82 = tpu.memref_slice %arg2[%dma_start3A_80, %dma_start3A_81] : memref<10016x64xf32, #tpu.memory_space<hbm>> -> memref<10016x64xf32, #tpu.memory_space<hbm>>
    tpu.enqueue_indirect_dma source(%dma_start3A_82 : memref<10016x64xf32, #tpu.memory_space<hbm>>) target(%arg9 : memref<128x64xf32, #tpu.memory_space<vmem>>) offsets(%arg11 : memref<128xi32, #tpu.memory_space<vmem>>) semaphore(%arg14 : memref<!tpu.dma_semaphore, #tpu.memory_space<semaphore_mem>>)
    %mul3A_83 = arith.constant 1024 : i32
    %mul3A_84 = arith.muli %arg1, %mul3A_83 : i32
    %add3A_85 = arith.constant 256 : i32
    %add3A_86 = arith.addi %mul3A_84, %add3A_85 : i32
    %dma_wait3A_87 = arith.constant 0 : i32
    %dma_wait3A_88 = arith.constant 0 : i32
    %dma_wait3A_89 = tpu.memref_slice %arg2[%dma_wait3A_87, %dma_wait3A_88] : memref<10016x64xf32, #tpu.memory_space<hbm>> -> memref<10016x64xf32, #tpu.memory_space<hbm>>
    tpu.wait_indirect_dma semaphore(%arg13 : memref<!tpu.dma_semaphore, #tpu.memory_space<semaphore_mem>>) src(%dma_wait3A_89 : memref<10016x64xf32, #tpu.memory_space<hbm>>) dst(%arg8 : memref<128x64xf32, #tpu.memory_space<vmem>>)
    %dma_start3A_90 = arith.constant 0 : i32
    %dma_start3A_91 = arith.constant 0 : i32
    %dma_start3A_92 = tpu.memref_slice %arg3[%dma_start3A_90, %dma_start3A_91] : memref<10016x64xf32, #tpu.memory_space<hbm>> -> memref<10016x64xf32, #tpu.memory_space<hbm>>
    tpu.enqueue_indirect_dma source(%dma_start3A_92 : memref<10016x64xf32, #tpu.memory_space<hbm>>) target(%arg8 : memref<128x64xf32, #tpu.memory_space<vmem>>) offsets(%arg10 : memref<128xi32, #tpu.memory_space<vmem>>) semaphore(%arg13 : memref<!tpu.dma_semaphore, #tpu.memory_space<semaphore_mem>>) {add = true}
    %dma_wait3A_93 = arith.constant 0 : i32
    %dma_wait3A_94 = arith.constant 0 : i32
    %dma_wait3A_95 = tpu.memref_slice %arg3[%dma_wait3A_93, %dma_wait3A_94] : memref<10016x64xf32, #tpu.memory_space<hbm>> -> memref<10016x64xf32, #tpu.memory_space<hbm>>
    tpu.wait_indirect_dma semaphore(%arg13 : memref<!tpu.dma_semaphore, #tpu.memory_space<semaphore_mem>>) src(%dma_wait3A_95 : memref<10016x64xf32, #tpu.memory_space<hbm>>) dst(%arg8 : memref<128x64xf32, #tpu.memory_space<vmem>>)
    %mul3A_96 = arith.constant 16384 : i32
    %mul3A_97 = arith.muli %arg0, %mul3A_96 : i32
    %add3A_98 = arith.addi %mul3A_97, %add3A_86 : i32
    "tpu.region"() ({
      %run_scoped3A = tpu.sem_alloc : memref<!tpu.dma_semaphore, #tpu.memory_space<semaphore_mem>>
      %dma_start3A_237 = arith.constant 0 : i32
      %dma_start3A_238 = tpu.memref_slice %arg6[%add3A_98, %dma_start3A_237] : memref<32768x64xf32, #tpu.memory_space<hbm>> -> memref<128x64xf32, #tpu.memory_space<hbm>>
      %dma_start3A_239 = arith.constant 0 : i32
      %dma_start3A_240 = tpu.memref_slice %arg6[%add3A_98, %dma_start3A_239] : memref<32768x64xf32, #tpu.memory_space<hbm>> -> memref<128x64xf32, #tpu.memory_space<hbm>>
      tpu.enqueue_dma source(%arg8 : memref<128x64xf32, #tpu.memory_space<vmem>>) target(%dma_start3A_240 : memref<128x64xf32, #tpu.memory_space<hbm>>) target_semaphore(%run_scoped3A : memref<!tpu.dma_semaphore, #tpu.memory_space<semaphore_mem>>)
      %dma_wait3A_241 = arith.constant 0 : i32
      %dma_wait3A_242 = tpu.memref_slice %arg6[%add3A_98, %dma_wait3A_241] : memref<32768x64xf32, #tpu.memory_space<hbm>> -> memref<128x64xf32, #tpu.memory_space<hbm>>
      %dma_wait3A_243 = arith.constant 0 : i32
      %dma_wait3A_244 = tpu.memref_slice %arg6[%add3A_98, %dma_wait3A_243] : memref<32768x64xf32, #tpu.memory_space<hbm>> -> memref<128x64xf32, #tpu.memory_space<hbm>>
      tpu.wait_dma2 semaphore(%run_scoped3A : memref<!tpu.dma_semaphore, #tpu.memory_space<semaphore_mem>>) src(%arg8 : memref<128x64xf32, #tpu.memory_space<vmem>>) dst(%dma_wait3A_244 : memref<128x64xf32, #tpu.memory_space<hbm>>)
      tpu.yield
    }) : () -> ()
    %mul3A_99 = arith.constant 1024 : i32
    %mul3A_100 = arith.muli %arg1, %mul3A_99 : i32
    %add3A_101 = arith.constant 512 : i32
    %add3A_102 = arith.addi %mul3A_100, %add3A_101 : i32
    "tpu.region"() ({
      %run_scoped3A = tpu.sem_alloc : memref<!tpu.dma_semaphore, #tpu.memory_space<semaphore_mem>>
      %dma_start3A_237 = tpu.memref_slice %arg4[%add3A_102] : memref<16384xi32, #tpu.memory_space<hbm>> -> memref<128xi32, #tpu.memory_space<hbm>>
      %dma_start3A_238 = tpu.memref_slice %arg4[%add3A_102] : memref<16384xi32, #tpu.memory_space<hbm>> -> memref<128xi32, #tpu.memory_space<hbm>>
      tpu.enqueue_dma source(%dma_start3A_238 : memref<128xi32, #tpu.memory_space<hbm>>) target(%arg10 : memref<128xi32, #tpu.memory_space<vmem>>) target_semaphore(%run_scoped3A : memref<!tpu.dma_semaphore, #tpu.memory_space<semaphore_mem>>)
      %dma_wait3A_239 = tpu.memref_slice %arg4[%add3A_102] : memref<16384xi32, #tpu.memory_space<hbm>> -> memref<128xi32, #tpu.memory_space<hbm>>
      %dma_wait3A_240 = tpu.memref_slice %arg4[%add3A_102] : memref<16384xi32, #tpu.memory_space<hbm>> -> memref<128xi32, #tpu.memory_space<hbm>>
      tpu.wait_dma2 semaphore(%run_scoped3A : memref<!tpu.dma_semaphore, #tpu.memory_space<semaphore_mem>>) src(%dma_wait3A_240 : memref<128xi32, #tpu.memory_space<hbm>>) dst(%arg10 : memref<128xi32, #tpu.memory_space<vmem>>)
      tpu.yield
    }) : () -> ()
    %scan3A_103 = arith.constant 0 : i32
    %scan3A_104 = arith.constant 0 : i32
    %scan3A_105 = arith.constant 8 : i32
    %scan3A_106 = arith.addi %scan3A_104, %scan3A_105 : i32
    %scan3A_107 = arith.constant 1 : i32
    %scan3A_108 = scf.for %scan3A_237 = %scan3A_104 to %scan3A_106 step %scan3A_107 iter_args(%scan3A_238 = %scan3A_103) -> (i32)  : i32 {
      %mul3A_239 = arith.constant 16 : i32
      %mul3A_240 = arith.muli %scan3A_237, %mul3A_239 : i32
      %get3A = arith.index_cast %mul3A_240 : i32 to index
      %get3A_241 = tpu.vector_load %arg10[%get3A] {strides = array<i32>} : memref<128xi32, #tpu.memory_space<vmem>>, vector<16xi32>,
      %get3A_242 = vector.shape_cast %get3A_241 : vector<16xi32> to vector<16xi32>
      %mul3A_243 = arith.constant 5008 : i32
      %mul3A_244 = arith.muli %arg0, %mul3A_243 : i32
      %add3A_245 = vector.broadcast %mul3A_244 : i32 to vector<16xi32>
      %add3A_246 = arith.addi %get3A_242, %add3A_245 : vector<16xi32>
      %mul3A_247 = arith.constant 16 : i32
      %mul3A_248 = arith.muli %scan3A_237, %mul3A_247 : i32
      %swap3A = arith.index_cast %mul3A_248 : i32 to index
      %swap3A_249 = tpu.vector_load %arg10[%swap3A] {strides = array<i32>} : memref<128xi32, #tpu.memory_space<vmem>>, vector<16xi32>,
      %swap3A_250 = vector.shape_cast %swap3A_249 : vector<16xi32> to vector<16xi32>
      %swap3A_251 = vector.shape_cast %add3A_246 : vector<16xi32> to vector<16xi32>
      tpu.vector_store %arg10[%swap3A], %swap3A_251 {strides = array<i32>} : memref<128xi32, #tpu.memory_space<vmem>>, vector<16xi32>,
      %scan3A_252 = arith.constant 0 : i32
      scf.yield %scan3A_252 : i32
    }
    %scan3A_109 = arith.constant 8 : i32
    %dma_start3A_110 = arith.constant 0 : i32
    %dma_start3A_111 = arith.constant 0 : i32
    %dma_start3A_112 = tpu.memref_slice %arg2[%dma_start3A_110, %dma_start3A_111] : memref<10016x64xf32, #tpu.memory_space<hbm>> -> memref<10016x64xf32, #tpu.memory_space<hbm>>
    tpu.enqueue_indirect_dma source(%dma_start3A_112 : memref<10016x64xf32, #tpu.memory_space<hbm>>) target(%arg8 : memref<128x64xf32, #tpu.memory_space<vmem>>) offsets(%arg10 : memref<128xi32, #tpu.memory_space<vmem>>) semaphore(%arg13 : memref<!tpu.dma_semaphore, #tpu.memory_space<semaphore_mem>>)
    %mul3A_113 = arith.constant 1024 : i32
    %mul3A_114 = arith.muli %arg1, %mul3A_113 : i32
    %add3A_115 = arith.constant 384 : i32
    %add3A_116 = arith.addi %mul3A_114, %add3A_115 : i32
    %dma_wait3A_117 = arith.constant 0 : i32
    %dma_wait3A_118 = arith.constant 0 : i32
    %dma_wait3A_119 = tpu.memref_slice %arg2[%dma_wait3A_117, %dma_wait3A_118] : memref<10016x64xf32, #tpu.memory_space<hbm>> -> memref<10016x64xf32, #tpu.memory_space<hbm>>
    tpu.wait_indirect_dma semaphore(%arg14 : memref<!tpu.dma_semaphore, #tpu.memory_space<semaphore_mem>>) src(%dma_wait3A_119 : memref<10016x64xf32, #tpu.memory_space<hbm>>) dst(%arg9 : memref<128x64xf32, #tpu.memory_space<vmem>>)
    %dma_start3A_120 = arith.constant 0 : i32
    %dma_start3A_121 = arith.constant 0 : i32
    %dma_start3A_122 = tpu.memref_slice %arg3[%dma_start3A_120, %dma_start3A_121] : memref<10016x64xf32, #tpu.memory_space<hbm>> -> memref<10016x64xf32, #tpu.memory_space<hbm>>
    tpu.enqueue_indirect_dma source(%dma_start3A_122 : memref<10016x64xf32, #tpu.memory_space<hbm>>) target(%arg9 : memref<128x64xf32, #tpu.memory_space<vmem>>) offsets(%arg11 : memref<128xi32, #tpu.memory_space<vmem>>) semaphore(%arg14 : memref<!tpu.dma_semaphore, #tpu.memory_space<semaphore_mem>>) {add = true}
    %dma_wait3A_123 = arith.constant 0 : i32
    %dma_wait3A_124 = arith.constant 0 : i32
    %dma_wait3A_125 = tpu.memref_slice %arg3[%dma_wait3A_123, %dma_wait3A_124] : memref<10016x64xf32, #tpu.memory_space<hbm>> -> memref<10016x64xf32, #tpu.memory_space<hbm>>
    tpu.wait_indirect_dma semaphore(%arg14 : memref<!tpu.dma_semaphore, #tpu.memory_space<semaphore_mem>>) src(%dma_wait3A_125 : memref<10016x64xf32, #tpu.memory_space<hbm>>) dst(%arg9 : memref<128x64xf32, #tpu.memory_space<vmem>>)
    %mul3A_126 = arith.constant 16384 : i32
    %mul3A_127 = arith.muli %arg0, %mul3A_126 : i32
    %add3A_128 = arith.addi %mul3A_127, %add3A_116 : i32
    "tpu.region"() ({
      %run_scoped3A = tpu.sem_alloc : memref<!tpu.dma_semaphore, #tpu.memory_space<semaphore_mem>>
      %dma_start3A_237 = arith.constant 0 : i32
      %dma_start3A_238 = tpu.memref_slice %arg6[%add3A_128, %dma_start3A_237] : memref<32768x64xf32, #tpu.memory_space<hbm>> -> memref<128x64xf32, #tpu.memory_space<hbm>>
      %dma_start3A_239 = arith.constant 0 : i32
      %dma_start3A_240 = tpu.memref_slice %arg6[%add3A_128, %dma_start3A_239] : memref<32768x64xf32, #tpu.memory_space<hbm>> -> memref<128x64xf32, #tpu.memory_space<hbm>>
      tpu.enqueue_dma source(%arg9 : memref<128x64xf32, #tpu.memory_space<vmem>>) target(%dma_start3A_240 : memref<128x64xf32, #tpu.memory_space<hbm>>) target_semaphore(%run_scoped3A : memref<!tpu.dma_semaphore, #tpu.memory_space<semaphore_mem>>)
      %dma_wait3A_241 = arith.constant 0 : i32
      %dma_wait3A_242 = tpu.memref_slice %arg6[%add3A_128, %dma_wait3A_241] : memref<32768x64xf32, #tpu.memory_space<hbm>> -> memref<128x64xf32, #tpu.memory_space<hbm>>
      %dma_wait3A_243 = arith.constant 0 : i32
      %dma_wait3A_244 = tpu.memref_slice %arg6[%add3A_128, %dma_wait3A_243] : memref<32768x64xf32, #tpu.memory_space<hbm>> -> memref<128x64xf32, #tpu.memory_space<hbm>>
      tpu.wait_dma2 semaphore(%run_scoped3A : memref<!tpu.dma_semaphore, #tpu.memory_space<semaphore_mem>>) src(%arg9 : memref<128x64xf32, #tpu.memory_space<vmem>>) dst(%dma_wait3A_244 : memref<128x64xf32, #tpu.memory_space<hbm>>)
      tpu.yield
    }) : () -> ()
    %mul3A_129 = arith.constant 1024 : i32
    %mul3A_130 = arith.muli %arg1, %mul3A_129 : i32
    %add3A_131 = arith.constant 640 : i32
    %add3A_132 = arith.addi %mul3A_130, %add3A_131 : i32
    "tpu.region"() ({
      %run_scoped3A = tpu.sem_alloc : memref<!tpu.dma_semaphore, #tpu.memory_space<semaphore_mem>>
      %dma_start3A_237 = tpu.memref_slice %arg4[%add3A_132] : memref<16384xi32, #tpu.memory_space<hbm>> -> memref<128xi32, #tpu.memory_space<hbm>>
      %dma_start3A_238 = tpu.memref_slice %arg4[%add3A_132] : memref<16384xi32, #tpu.memory_space<hbm>> -> memref<128xi32, #tpu.memory_space<hbm>>
      tpu.enqueue_dma source(%dma_start3A_238 : memref<128xi32, #tpu.memory_space<hbm>>) target(%arg11 : memref<128xi32, #tpu.memory_space<vmem>>) target_semaphore(%run_scoped3A : memref<!tpu.dma_semaphore, #tpu.memory_space<semaphore_mem>>)
      %dma_wait3A_239 = tpu.memref_slice %arg4[%add3A_132] : memref<16384xi32, #tpu.memory_space<hbm>> -> memref<128xi32, #tpu.memory_space<hbm>>
      %dma_wait3A_240 = tpu.memref_slice %arg4[%add3A_132] : memref<16384xi32, #tpu.memory_space<hbm>> -> memref<128xi32, #tpu.memory_space<hbm>>
      tpu.wait_dma2 semaphore(%run_scoped3A : memref<!tpu.dma_semaphore, #tpu.memory_space<semaphore_mem>>) src(%dma_wait3A_240 : memref<128xi32, #tpu.memory_space<hbm>>) dst(%arg11 : memref<128xi32, #tpu.memory_space<vmem>>)
      tpu.yield
    }) : () -> ()
    %scan3A_133 = arith.constant 0 : i32
    %scan3A_134 = arith.constant 0 : i32
    %scan3A_135 = arith.constant 8 : i32
    %scan3A_136 = arith.addi %scan3A_134, %scan3A_135 : i32
    %scan3A_137 = arith.constant 1 : i32
    %scan3A_138 = scf.for %scan3A_237 = %scan3A_134 to %scan3A_136 step %scan3A_137 iter_args(%scan3A_238 = %scan3A_133) -> (i32)  : i32 {
      %mul3A_239 = arith.constant 16 : i32
      %mul3A_240 = arith.muli %scan3A_237, %mul3A_239 : i32
      %get3A = arith.index_cast %mul3A_240 : i32 to index
      %get3A_241 = tpu.vector_load %arg11[%get3A] {strides = array<i32>} : memref<128xi32, #tpu.memory_space<vmem>>, vector<16xi32>,
      %get3A_242 = vector.shape_cast %get3A_241 : vector<16xi32> to vector<16xi32>
      %mul3A_243 = arith.constant 5008 : i32
      %mul3A_244 = arith.muli %arg0, %mul3A_243 : i32
      %add3A_245 = vector.broadcast %mul3A_244 : i32 to vector<16xi32>
      %add3A_246 = arith.addi %get3A_242, %add3A_245 : vector<16xi32>
      %mul3A_247 = arith.constant 16 : i32
      %mul3A_248 = arith.muli %scan3A_237, %mul3A_247 : i32
      %swap3A = arith.index_cast %mul3A_248 : i32 to index
      %swap3A_249 = tpu.vector_load %arg11[%swap3A] {strides = array<i32>} : memref<128xi32, #tpu.memory_space<vmem>>, vector<16xi32>,
      %swap3A_250 = vector.shape_cast %swap3A_249 : vector<16xi32> to vector<16xi32>
      %swap3A_251 = vector.shape_cast %add3A_246 : vector<16xi32> to vector<16xi32>
      tpu.vector_store %arg11[%swap3A], %swap3A_251 {strides = array<i32>} : memref<128xi32, #tpu.memory_space<vmem>>, vector<16xi32>,
      %scan3A_252 = arith.constant 0 : i32
      scf.yield %scan3A_252 : i32
    }
    %scan3A_139 = arith.constant 8 : i32
    %dma_start3A_140 = arith.constant 0 : i32
    %dma_start3A_141 = arith.constant 0 : i32
    %dma_start3A_142 = tpu.memref_slice %arg2[%dma_start3A_140, %dma_start3A_141] : memref<10016x64xf32, #tpu.memory_space<hbm>> -> memref<10016x64xf32, #tpu.memory_space<hbm>>
    tpu.enqueue_indirect_dma source(%dma_start3A_142 : memref<10016x64xf32, #tpu.memory_space<hbm>>) target(%arg9 : memref<128x64xf32, #tpu.memory_space<vmem>>) offsets(%arg11 : memref<128xi32, #tpu.memory_space<vmem>>) semaphore(%arg14 : memref<!tpu.dma_semaphore, #tpu.memory_space<semaphore_mem>>)
    %mul3A_143 = arith.constant 1024 : i32
    %mul3A_144 = arith.muli %arg1, %mul3A_143 : i32
    %add3A_145 = arith.constant 512 : i32
    %add3A_146 = arith.addi %mul3A_144, %add3A_145 : i32
    %dma_wait3A_147 = arith.constant 0 : i32
    %dma_wait3A_148 = arith.constant 0 : i32
    %dma_wait3A_149 = tpu.memref_slice %arg2[%dma_wait3A_147, %dma_wait3A_148] : memref<10016x64xf32, #tpu.memory_space<hbm>> -> memref<10016x64xf32, #tpu.memory_space<hbm>>
    tpu.wait_indirect_dma semaphore(%arg13 : memref<!tpu.dma_semaphore, #tpu.memory_space<semaphore_mem>>) src(%dma_wait3A_149 : memref<10016x64xf32, #tpu.memory_space<hbm>>) dst(%arg8 : memref<128x64xf32, #tpu.memory_space<vmem>>)
    %dma_start3A_150 = arith.constant 0 : i32
    %dma_start3A_151 = arith.constant 0 : i32
    %dma_start3A_152 = tpu.memref_slice %arg3[%dma_start3A_150, %dma_start3A_151] : memref<10016x64xf32, #tpu.memory_space<hbm>> -> memref<10016x64xf32, #tpu.memory_space<hbm>>
    tpu.enqueue_indirect_dma source(%dma_start3A_152 : memref<10016x64xf32, #tpu.memory_space<hbm>>) target(%arg8 : memref<128x64xf32, #tpu.memory_space<vmem>>) offsets(%arg10 : memref<128xi32, #tpu.memory_space<vmem>>) semaphore(%arg13 : memref<!tpu.dma_semaphore, #tpu.memory_space<semaphore_mem>>) {add = true}
    %dma_wait3A_153 = arith.constant 0 : i32
    %dma_wait3A_154 = arith.constant 0 : i32
    %dma_wait3A_155 = tpu.memref_slice %arg3[%dma_wait3A_153, %dma_wait3A_154] : memref<10016x64xf32, #tpu.memory_space<hbm>> -> memref<10016x64xf32, #tpu.memory_space<hbm>>
    tpu.wait_indirect_dma semaphore(%arg13 : memref<!tpu.dma_semaphore, #tpu.memory_space<semaphore_mem>>) src(%dma_wait3A_155 : memref<10016x64xf32, #tpu.memory_space<hbm>>) dst(%arg8 : memref<128x64xf32, #tpu.memory_space<vmem>>)
    %mul3A_156 = arith.constant 16384 : i32
    %mul3A_157 = arith.muli %arg0, %mul3A_156 : i32
    %add3A_158 = arith.addi %mul3A_157, %add3A_146 : i32
    "tpu.region"() ({
      %run_scoped3A = tpu.sem_alloc : memref<!tpu.dma_semaphore, #tpu.memory_space<semaphore_mem>>
      %dma_start3A_237 = arith.constant 0 : i32
      %dma_start3A_238 = tpu.memref_slice %arg6[%add3A_158, %dma_start3A_237] : memref<32768x64xf32, #tpu.memory_space<hbm>> -> memref<128x64xf32, #tpu.memory_space<hbm>>
      %dma_start3A_239 = arith.constant 0 : i32
      %dma_start3A_240 = tpu.memref_slice %arg6[%add3A_158, %dma_start3A_239] : memref<32768x64xf32, #tpu.memory_space<hbm>> -> memref<128x64xf32, #tpu.memory_space<hbm>>
      tpu.enqueue_dma source(%arg8 : memref<128x64xf32, #tpu.memory_space<vmem>>) target(%dma_start3A_240 : memref<128x64xf32, #tpu.memory_space<hbm>>) target_semaphore(%run_scoped3A : memref<!tpu.dma_semaphore, #tpu.memory_space<semaphore_mem>>)
      %dma_wait3A_241 = arith.constant 0 : i32
      %dma_wait3A_242 = tpu.memref_slice %arg6[%add3A_158, %dma_wait3A_241] : memref<32768x64xf32, #tpu.memory_space<hbm>> -> memref<128x64xf32, #tpu.memory_space<hbm>>
      %dma_wait3A_243 = arith.constant 0 : i32
      %dma_wait3A_244 = tpu.memref_slice %arg6[%add3A_158, %dma_wait3A_243] : memref<32768x64xf32, #tpu.memory_space<hbm>> -> memref<128x64xf32, #tpu.memory_space<hbm>>
      tpu.wait_dma2 semaphore(%run_scoped3A : memref<!tpu.dma_semaphore, #tpu.memory_space<semaphore_mem>>) src(%arg8 : memref<128x64xf32, #tpu.memory_space<vmem>>) dst(%dma_wait3A_244 : memref<128x64xf32, #tpu.memory_space<hbm>>)
      tpu.yield
    }) : () -> ()
    %mul3A_159 = arith.constant 1024 : i32
    %mul3A_160 = arith.muli %arg1, %mul3A_159 : i32
    %add3A_161 = arith.constant 768 : i32
    %add3A_162 = arith.addi %mul3A_160, %add3A_161 : i32
    "tpu.region"() ({
      %run_scoped3A = tpu.sem_alloc : memref<!tpu.dma_semaphore, #tpu.memory_space<semaphore_mem>>
      %dma_start3A_237 = tpu.memref_slice %arg4[%add3A_162] : memref<16384xi32, #tpu.memory_space<hbm>> -> memref<128xi32, #tpu.memory_space<hbm>>
      %dma_start3A_238 = tpu.memref_slice %arg4[%add3A_162] : memref<16384xi32, #tpu.memory_space<hbm>> -> memref<128xi32, #tpu.memory_space<hbm>>
      tpu.enqueue_dma source(%dma_start3A_238 : memref<128xi32, #tpu.memory_space<hbm>>) target(%arg10 : memref<128xi32, #tpu.memory_space<vmem>>) target_semaphore(%run_scoped3A : memref<!tpu.dma_semaphore, #tpu.memory_space<semaphore_mem>>)
      %dma_wait3A_239 = tpu.memref_slice %arg4[%add3A_162] : memref<16384xi32, #tpu.memory_space<hbm>> -> memref<128xi32, #tpu.memory_space<hbm>>
      %dma_wait3A_240 = tpu.memref_slice %arg4[%add3A_162] : memref<16384xi32, #tpu.memory_space<hbm>> -> memref<128xi32, #tpu.memory_space<hbm>>
      tpu.wait_dma2 semaphore(%run_scoped3A : memref<!tpu.dma_semaphore, #tpu.memory_space<semaphore_mem>>) src(%dma_wait3A_240 : memref<128xi32, #tpu.memory_space<hbm>>) dst(%arg10 : memref<128xi32, #tpu.memory_space<vmem>>)
      tpu.yield
    }) : () -> ()
    %scan3A_163 = arith.constant 0 : i32
    %scan3A_164 = arith.constant 0 : i32
    %scan3A_165 = arith.constant 8 : i32
    %scan3A_166 = arith.addi %scan3A_164, %scan3A_165 : i32
    %scan3A_167 = arith.constant 1 : i32
    %scan3A_168 = scf.for %scan3A_237 = %scan3A_164 to %scan3A_166 step %scan3A_167 iter_args(%scan3A_238 = %scan3A_163) -> (i32)  : i32 {
      %mul3A_239 = arith.constant 16 : i32
      %mul3A_240 = arith.muli %scan3A_237, %mul3A_239 : i32
      %get3A = arith.index_cast %mul3A_240 : i32 to index
      %get3A_241 = tpu.vector_load %arg10[%get3A] {strides = array<i32>} : memref<128xi32, #tpu.memory_space<vmem>>, vector<16xi32>,
      %get3A_242 = vector.shape_cast %get3A_241 : vector<16xi32> to vector<16xi32>
      %mul3A_243 = arith.constant 5008 : i32
      %mul3A_244 = arith.muli %arg0, %mul3A_243 : i32
      %add3A_245 = vector.broadcast %mul3A_244 : i32 to vector<16xi32>
      %add3A_246 = arith.addi %get3A_242, %add3A_245 : vector<16xi32>
      %mul3A_247 = arith.constant 16 : i32
      %mul3A_248 = arith.muli %scan3A_237, %mul3A_247 : i32
      %swap3A = arith.index_cast %mul3A_248 : i32 to index
      %swap3A_249 = tpu.vector_load %arg10[%swap3A] {strides = array<i32>} : memref<128xi32, #tpu.memory_space<vmem>>, vector<16xi32>,
      %swap3A_250 = vector.shape_cast %swap3A_249 : vector<16xi32> to vector<16xi32>
      %swap3A_251 = vector.shape_cast %add3A_246 : vector<16xi32> to vector<16xi32>
      tpu.vector_store %arg10[%swap3A], %swap3A_251 {strides = array<i32>} : memref<128xi32, #tpu.memory_space<vmem>>, vector<16xi32>,
      %scan3A_252 = arith.constant 0 : i32
      scf.yield %scan3A_252 : i32
    }
    %scan3A_169 = arith.constant 8 : i32
    %dma_start3A_170 = arith.constant 0 : i32
    %dma_start3A_171 = arith.constant 0 : i32
    %dma_start3A_172 = tpu.memref_slice %arg2[%dma_start3A_170, %dma_start3A_171] : memref<10016x64xf32, #tpu.memory_space<hbm>> -> memref<10016x64xf32, #tpu.memory_space<hbm>>
    tpu.enqueue_indirect_dma source(%dma_start3A_172 : memref<10016x64xf32, #tpu.memory_space<hbm>>) target(%arg8 : memref<128x64xf32, #tpu.memory_space<vmem>>) offsets(%arg10 : memref<128xi32, #tpu.memory_space<vmem>>) semaphore(%arg13 : memref<!tpu.dma_semaphore, #tpu.memory_space<semaphore_mem>>)
    %mul3A_173 = arith.constant 1024 : i32
    %mul3A_174 = arith.muli %arg1, %mul3A_173 : i32
    %add3A_175 = arith.constant 640 : i32
    %add3A_176 = arith.addi %mul3A_174, %add3A_175 : i32
    %dma_wait3A_177 = arith.constant 0 : i32
    %dma_wait3A_178 = arith.constant 0 : i32
    %dma_wait3A_179 = tpu.memref_slice %arg2[%dma_wait3A_177, %dma_wait3A_178] : memref<10016x64xf32, #tpu.memory_space<hbm>> -> memref<10016x64xf32, #tpu.memory_space<hbm>>
    tpu.wait_indirect_dma semaphore(%arg14 : memref<!tpu.dma_semaphore, #tpu.memory_space<semaphore_mem>>) src(%dma_wait3A_179 : memref<10016x64xf32, #tpu.memory_space<hbm>>) dst(%arg9 : memref<128x64xf32, #tpu.memory_space<vmem>>)
    %dma_start3A_180 = arith.constant 0 : i32
    %dma_start3A_181 = arith.constant 0 : i32
    %dma_start3A_182 = tpu.memref_slice %arg3[%dma_start3A_180, %dma_start3A_181] : memref<10016x64xf32, #tpu.memory_space<hbm>> -> memref<10016x64xf32, #tpu.memory_space<hbm>>
    tpu.enqueue_indirect_dma source(%dma_start3A_182 : memref<10016x64xf32, #tpu.memory_space<hbm>>) target(%arg9 : memref<128x64xf32, #tpu.memory_space<vmem>>) offsets(%arg11 : memref<128xi32, #tpu.memory_space<vmem>>) semaphore(%arg14 : memref<!tpu.dma_semaphore, #tpu.memory_space<semaphore_mem>>) {add = true}
    %dma_wait3A_183 = arith.constant 0 : i32
    %dma_wait3A_184 = arith.constant 0 : i32
    %dma_wait3A_185 = tpu.memref_slice %arg3[%dma_wait3A_183, %dma_wait3A_184] : memref<10016x64xf32, #tpu.memory_space<hbm>> -> memref<10016x64xf32, #tpu.memory_space<hbm>>
    tpu.wait_indirect_dma semaphore(%arg14 : memref<!tpu.dma_semaphore, #tpu.memory_space<semaphore_mem>>) src(%dma_wait3A_185 : memref<10016x64xf32, #tpu.memory_space<hbm>>) dst(%arg9 : memref<128x64xf32, #tpu.memory_space<vmem>>)
    %mul3A_186 = arith.constant 16384 : i32
    %mul3A_187 = arith.muli %arg0, %mul3A_186 : i32
    %add3A_188 = arith.addi %mul3A_187, %add3A_176 : i32
    "tpu.region"() ({
      %run_scoped3A = tpu.sem_alloc : memref<!tpu.dma_semaphore, #tpu.memory_space<semaphore_mem>>
      %dma_start3A_237 = arith.constant 0 : i32
      %dma_start3A_238 = tpu.memref_slice %arg6[%add3A_188, %dma_start3A_237] : memref<32768x64xf32, #tpu.memory_space<hbm>> -> memref<128x64xf32, #tpu.memory_space<hbm>>
      %dma_start3A_239 = arith.constant 0 : i32
      %dma_start3A_240 = tpu.memref_slice %arg6[%add3A_188, %dma_start3A_239] : memref<32768x64xf32, #tpu.memory_space<hbm>> -> memref<128x64xf32, #tpu.memory_space<hbm>>
      tpu.enqueue_dma source(%arg9 : memref<128x64xf32, #tpu.memory_space<vmem>>) target(%dma_start3A_240 : memref<128x64xf32, #tpu.memory_space<hbm>>) target_semaphore(%run_scoped3A : memref<!tpu.dma_semaphore, #tpu.memory_space<semaphore_mem>>)
      %dma_wait3A_241 = arith.constant 0 : i32
      %dma_wait3A_242 = tpu.memref_slice %arg6[%add3A_188, %dma_wait3A_241] : memref<32768x64xf32, #tpu.memory_space<hbm>> -> memref<128x64xf32, #tpu.memory_space<hbm>>
      %dma_wait3A_243 = arith.constant 0 : i32
      %dma_wait3A_244 = tpu.memref_slice %arg6[%add3A_188, %dma_wait3A_243] : memref<32768x64xf32, #tpu.memory_space<hbm>> -> memref<128x64xf32, #tpu.memory_space<hbm>>
      tpu.wait_dma2 semaphore(%run_scoped3A : memref<!tpu.dma_semaphore, #tpu.memory_space<semaphore_mem>>) src(%arg9 : memref<128x64xf32, #tpu.memory_space<vmem>>) dst(%dma_wait3A_244 : memref<128x64xf32, #tpu.memory_space<hbm>>)
      tpu.yield
    }) : () -> ()
    %mul3A_189 = arith.constant 1024 : i32
    %mul3A_190 = arith.muli %arg1, %mul3A_189 : i32
    %add3A_191 = arith.constant 896 : i32
    %add3A_192 = arith.addi %mul3A_190, %add3A_191 : i32
    "tpu.region"() ({
      %run_scoped3A = tpu.sem_alloc : memref<!tpu.dma_semaphore, #tpu.memory_space<semaphore_mem>>
      %dma_start3A_237 = tpu.memref_slice %arg4[%add3A_192] : memref<16384xi32, #tpu.memory_space<hbm>> -> memref<128xi32, #tpu.memory_space<hbm>>
      %dma_start3A_238 = tpu.memref_slice %arg4[%add3A_192] : memref<16384xi32, #tpu.memory_space<hbm>> -> memref<128xi32, #tpu.memory_space<hbm>>
      tpu.enqueue_dma source(%dma_start3A_238 : memref<128xi32, #tpu.memory_space<hbm>>) target(%arg11 : memref<128xi32, #tpu.memory_space<vmem>>) target_semaphore(%run_scoped3A : memref<!tpu.dma_semaphore, #tpu.memory_space<semaphore_mem>>)
      %dma_wait3A_239 = tpu.memref_slice %arg4[%add3A_192] : memref<16384xi32, #tpu.memory_space<hbm>> -> memref<128xi32, #tpu.memory_space<hbm>>
      %dma_wait3A_240 = tpu.memref_slice %arg4[%add3A_192] : memref<16384xi32, #tpu.memory_space<hbm>> -> memref<128xi32, #tpu.memory_space<hbm>>
      tpu.wait_dma2 semaphore(%run_scoped3A : memref<!tpu.dma_semaphore, #tpu.memory_space<semaphore_mem>>) src(%dma_wait3A_240 : memref<128xi32, #tpu.memory_space<hbm>>) dst(%arg11 : memref<128xi32, #tpu.memory_space<vmem>>)
      tpu.yield
    }) : () -> ()
    %scan3A_193 = arith.constant 0 : i32
    %scan3A_194 = arith.constant 0 : i32
    %scan3A_195 = arith.constant 8 : i32
    %scan3A_196 = arith.addi %scan3A_194, %scan3A_195 : i32
    %scan3A_197 = arith.constant 1 : i32
    %scan3A_198 = scf.for %scan3A_237 = %scan3A_194 to %scan3A_196 step %scan3A_197 iter_args(%scan3A_238 = %scan3A_193) -> (i32)  : i32 {
      %mul3A_239 = arith.constant 16 : i32
      %mul3A_240 = arith.muli %scan3A_237, %mul3A_239 : i32
      %get3A = arith.index_cast %mul3A_240 : i32 to index
      %get3A_241 = tpu.vector_load %arg11[%get3A] {strides = array<i32>} : memref<128xi32, #tpu.memory_space<vmem>>, vector<16xi32>,
      %get3A_242 = vector.shape_cast %get3A_241 : vector<16xi32> to vector<16xi32>
      %mul3A_243 = arith.constant 5008 : i32
      %mul3A_244 = arith.muli %arg0, %mul3A_243 : i32
      %add3A_245 = vector.broadcast %mul3A_244 : i32 to vector<16xi32>
      %add3A_246 = arith.addi %get3A_242, %add3A_245 : vector<16xi32>
      %mul3A_247 = arith.constant 16 : i32
      %mul3A_248 = arith.muli %scan3A_237, %mul3A_247 : i32
      %swap3A = arith.index_cast %mul3A_248 : i32 to index
      %swap3A_249 = tpu.vector_load %arg11[%swap3A] {strides = array<i32>} : memref<128xi32, #tpu.memory_space<vmem>>, vector<16xi32>,
      %swap3A_250 = vector.shape_cast %swap3A_249 : vector<16xi32> to vector<16xi32>
      %swap3A_251 = vector.shape_cast %add3A_246 : vector<16xi32> to vector<16xi32>
      tpu.vector_store %arg11[%swap3A], %swap3A_251 {strides = array<i32>} : memref<128xi32, #tpu.memory_space<vmem>>, vector<16xi32>,
      %scan3A_252 = arith.constant 0 : i32
      scf.yield %scan3A_252 : i32
    }
    %scan3A_199 = arith.constant 8 : i32
    %dma_start3A_200 = arith.constant 0 : i32
    %dma_start3A_201 = arith.constant 0 : i32
    %dma_start3A_202 = tpu.memref_slice %arg2[%dma_start3A_200, %dma_start3A_201] : memref<10016x64xf32, #tpu.memory_space<hbm>> -> memref<10016x64xf32, #tpu.memory_space<hbm>>
    tpu.enqueue_indirect_dma source(%dma_start3A_202 : memref<10016x64xf32, #tpu.memory_space<hbm>>) target(%arg9 : memref<128x64xf32, #tpu.memory_space<vmem>>) offsets(%arg11 : memref<128xi32, #tpu.memory_space<vmem>>) semaphore(%arg14 : memref<!tpu.dma_semaphore, #tpu.memory_space<semaphore_mem>>)
    %mul3A_203 = arith.constant 1024 : i32
    %mul3A_204 = arith.muli %arg1, %mul3A_203 : i32
    %add3A_205 = arith.constant 768 : i32
    %add3A_206 = arith.addi %mul3A_204, %add3A_205 : i32
    %dma_wait3A_207 = arith.constant 0 : i32
    %dma_wait3A_208 = arith.constant 0 : i32
    %dma_wait3A_209 = tpu.memref_slice %arg2[%dma_wait3A_207, %dma_wait3A_208] : memref<10016x64xf32, #tpu.memory_space<hbm>> -> memref<10016x64xf32, #tpu.memory_space<hbm>>
    tpu.wait_indirect_dma semaphore(%arg13 : memref<!tpu.dma_semaphore, #tpu.memory_space<semaphore_mem>>) src(%dma_wait3A_209 : memref<10016x64xf32, #tpu.memory_space<hbm>>) dst(%arg8 : memref<128x64xf32, #tpu.memory_space<vmem>>)
    %dma_start3A_210 = arith.constant 0 : i32
    %dma_start3A_211 = arith.constant 0 : i32
    %dma_start3A_212 = tpu.memref_slice %arg3[%dma_start3A_210, %dma_start3A_211] : memref<10016x64xf32, #tpu.memory_space<hbm>> -> memref<10016x64xf32, #tpu.memory_space<hbm>>
    tpu.enqueue_indirect_dma source(%dma_start3A_212 : memref<10016x64xf32, #tpu.memory_space<hbm>>) target(%arg8 : memref<128x64xf32, #tpu.memory_space<vmem>>) offsets(%arg10 : memref<128xi32, #tpu.memory_space<vmem>>) semaphore(%arg13 : memref<!tpu.dma_semaphore, #tpu.memory_space<semaphore_mem>>) {add = true}
    %dma_wait3A_213 = arith.constant 0 : i32
    %dma_wait3A_214 = arith.constant 0 : i32
    %dma_wait3A_215 = tpu.memref_slice %arg3[%dma_wait3A_213, %dma_wait3A_214] : memref<10016x64xf32, #tpu.memory_space<hbm>> -> memref<10016x64xf32, #tpu.memory_space<hbm>>
    tpu.wait_indirect_dma semaphore(%arg13 : memref<!tpu.dma_semaphore, #tpu.memory_space<semaphore_mem>>) src(%dma_wait3A_215 : memref<10016x64xf32, #tpu.memory_space<hbm>>) dst(%arg8 : memref<128x64xf32, #tpu.memory_space<vmem>>)
    %mul3A_216 = arith.constant 16384 : i32
    %mul3A_217 = arith.muli %arg0, %mul3A_216 : i32
    %add3A_218 = arith.addi %mul3A_217, %add3A_206 : i32
    "tpu.region"() ({
      %run_scoped3A = tpu.sem_alloc : memref<!tpu.dma_semaphore, #tpu.memory_space<semaphore_mem>>
      %dma_start3A_237 = arith.constant 0 : i32
      %dma_start3A_238 = tpu.memref_slice %arg6[%add3A_218, %dma_start3A_237] : memref<32768x64xf32, #tpu.memory_space<hbm>> -> memref<128x64xf32, #tpu.memory_space<hbm>>
      %dma_start3A_239 = arith.constant 0 : i32
      %dma_start3A_240 = tpu.memref_slice %arg6[%add3A_218, %dma_start3A_239] : memref<32768x64xf32, #tpu.memory_space<hbm>> -> memref<128x64xf32, #tpu.memory_space<hbm>>
      tpu.enqueue_dma source(%arg8 : memref<128x64xf32, #tpu.memory_space<vmem>>) target(%dma_start3A_240 : memref<128x64xf32, #tpu.memory_space<hbm>>) target_semaphore(%run_scoped3A : memref<!tpu.dma_semaphore, #tpu.memory_space<semaphore_mem>>)
      %dma_wait3A_241 = arith.constant 0 : i32
      %dma_wait3A_242 = tpu.memref_slice %arg6[%add3A_218, %dma_wait3A_241] : memref<32768x64xf32, #tpu.memory_space<hbm>> -> memref<128x64xf32, #tpu.memory_space<hbm>>
      %dma_wait3A_243 = arith.constant 0 : i32
      %dma_wait3A_244 = tpu.memref_slice %arg6[%add3A_218, %dma_wait3A_243] : memref<32768x64xf32, #tpu.memory_space<hbm>> -> memref<128x64xf32, #tpu.memory_space<hbm>>
      tpu.wait_dma2 semaphore(%run_scoped3A : memref<!tpu.dma_semaphore, #tpu.memory_space<semaphore_mem>>) src(%arg8 : memref<128x64xf32, #tpu.memory_space<vmem>>) dst(%dma_wait3A_244 : memref<128x64xf32, #tpu.memory_space<hbm>>)
      tpu.yield
    }) : () -> ()
    %mul3A_219 = arith.constant 1024 : i32
    %mul3A_220 = arith.muli %arg1, %mul3A_219 : i32
    %add3A_221 = arith.constant 896 : i32
    %add3A_222 = arith.addi %mul3A_220, %add3A_221 : i32
    %dma_wait3A_223 = arith.constant 0 : i32
    %dma_wait3A_224 = arith.constant 0 : i32
    %dma_wait3A_225 = tpu.memref_slice %arg2[%dma_wait3A_223, %dma_wait3A_224] : memref<10016x64xf32, #tpu.memory_space<hbm>> -> memref<10016x64xf32, #tpu.memory_space<hbm>>
    tpu.wait_indirect_dma semaphore(%arg14 : memref<!tpu.dma_semaphore, #tpu.memory_space<semaphore_mem>>) src(%dma_wait3A_225 : memref<10016x64xf32, #tpu.memory_space<hbm>>) dst(%arg9 : memref<128x64xf32, #tpu.memory_space<vmem>>)
    %dma_start3A_226 = arith.constant 0 : i32
    %dma_start3A_227 = arith.constant 0 : i32
    %dma_start3A_228 = tpu.memref_slice %arg3[%dma_start3A_226, %dma_start3A_227] : memref<10016x64xf32, #tpu.memory_space<hbm>> -> memref<10016x64xf32, #tpu.memory_space<hbm>>
    tpu.enqueue_indirect_dma source(%dma_start3A_228 : memref<10016x64xf32, #tpu.memory_space<hbm>>) target(%arg9 : memref<128x64xf32, #tpu.memory_space<vmem>>) offsets(%arg11 : memref<128xi32, #tpu.memory_space<vmem>>) semaphore(%arg14 : memref<!tpu.dma_semaphore, #tpu.memory_space<semaphore_mem>>) {add = true}
    %dma_wait3A_229 = arith.constant 0 : i32
    %dma_wait3A_230 = arith.constant 0 : i32
    %dma_wait3A_231 = tpu.memref_slice %arg3[%dma_wait3A_229, %dma_wait3A_230] : memref<10016x64xf32, #tpu.memory_space<hbm>> -> memref<10016x64xf32, #tpu.memory_space<hbm>>
    tpu.wait_indirect_dma semaphore(%arg14 : memref<!tpu.dma_semaphore, #tpu.memory_space<semaphore_mem>>) src(%dma_wait3A_231 : memref<10016x64xf32, #tpu.memory_space<hbm>>) dst(%arg9 : memref<128x64xf32, #tpu.memory_space<vmem>>)
    %mul3A_232 = arith.constant 16384 : i32
    %mul3A_233 = arith.muli %arg0, %mul3A_232 : i32
    %add3A_234 = arith.addi %mul3A_233, %add3A_222 : i32
    "tpu.region"() ({
      %run_scoped3A = tpu.sem_alloc : memref<!tpu.dma_semaphore, #tpu.memory_space<semaphore_mem>>
      %dma_start3A_237 = arith.constant 0 : i32
      %dma_start3A_238 = tpu.memref_slice %arg6[%add3A_234, %dma_start3A_237] : memref<32768x64xf32, #tpu.memory_space<hbm>> -> memref<128x64xf32, #tpu.memory_space<hbm>>
      %dma_start3A_239 = arith.constant 0 : i32
      %dma_start3A_240 = tpu.memref_slice %arg6[%add3A_234, %dma_start3A_239] : memref<32768x64xf32, #tpu.memory_space<hbm>> -> memref<128x64xf32, #tpu.memory_space<hbm>>
      tpu.enqueue_dma source(%arg9 : memref<128x64xf32, #tpu.memory_space<vmem>>) target(%dma_start3A_240 : memref<128x64xf32, #tpu.memory_space<hbm>>) target_semaphore(%run_scoped3A : memref<!tpu.dma_semaphore, #tpu.memory_space<semaphore_mem>>)
      %dma_wait3A_241 = arith.constant 0 : i32
      %dma_wait3A_242 = tpu.memref_slice %arg6[%add3A_234, %dma_wait3A_241] : memref<32768x64xf32, #tpu.memory_space<hbm>> -> memref<128x64xf32, #tpu.memory_space<hbm>>
      %dma_wait3A_243 = arith.constant 0 : i32
      %dma_wait3A_244 = tpu.memref_slice %arg6[%add3A_234, %dma_wait3A_243] : memref<32768x64xf32, #tpu.memory_space<hbm>> -> memref<128x64xf32, #tpu.memory_space<hbm>>
      tpu.wait_dma2 semaphore(%run_scoped3A : memref<!tpu.dma_semaphore, #tpu.memory_space<semaphore_mem>>) src(%arg9 : memref<128x64xf32, #tpu.memory_space<vmem>>) dst(%dma_wait3A_244 : memref<128x64xf32, #tpu.memory_space<hbm>>)
      tpu.yield
    }) : () -> ()
    %eq3A = arith.constant 0 : i32
    %eq3A_235 = arith.cmpi eq, %arg0, %eq3A : i32
    %convert_element_type3A = arith.extui %eq3A_235 : i1 to i32
    %cond3A = arith.constant 0 : i32
    %cond3A_236 = arith.cmpi ne, %convert_element_type3A, %cond3A : i32
    scf.if %cond3A_236 {
      %mul3A_237 = arith.constant 1024 : i32
      %mul3A_238 = arith.muli %arg1, %mul3A_237 : i32
      "tpu.region"() ({
        %run_scoped3A = tpu.sem_alloc : memref<!tpu.dma_semaphore, #tpu.memory_space<semaphore_mem>>
        %dma_start3A_241 = tpu.memref_slice %arg5[%mul3A_238] : memref<16384xf32, #tpu.memory_space<hbm>> -> memref<1024xf32, #tpu.memory_space<hbm>>
        %dma_start3A_242 = tpu.memref_slice %arg5[%mul3A_238] : memref<16384xf32, #tpu.memory_space<hbm>> -> memref<1024xf32, #tpu.memory_space<hbm>>
        tpu.enqueue_dma source(%dma_start3A_242 : memref<1024xf32, #tpu.memory_space<hbm>>) target(%arg12 : memref<1024xf32, #tpu.memory_space<vmem>>) target_semaphore(%run_scoped3A : memref<!tpu.dma_semaphore, #tpu.memory_space<semaphore_mem>>)
        %dma_wait3A_243 = tpu.memref_slice %arg5[%mul3A_238] : memref<16384xf32, #tpu.memory_space<hbm>> -> memref<1024xf32, #tpu.memory_space<hbm>>
        %dma_wait3A_244 = tpu.memref_slice %arg5[%mul3A_238] : memref<16384xf32, #tpu.memory_space<hbm>> -> memref<1024xf32, #tpu.memory_space<hbm>>
        tpu.wait_dma2 semaphore(%run_scoped3A : memref<!tpu.dma_semaphore, #tpu.memory_space<semaphore_mem>>) src(%dma_wait3A_244 : memref<1024xf32, #tpu.memory_space<hbm>>) dst(%arg12 : memref<1024xf32, #tpu.memory_space<vmem>>)
        tpu.yield
      }) : () -> ()
      %mul3A_239 = arith.constant 1024 : i32
      %mul3A_240 = arith.muli %arg1, %mul3A_239 : i32
      "tpu.region"() ({
        %run_scoped3A = tpu.sem_alloc : memref<!tpu.dma_semaphore, #tpu.memory_space<semaphore_mem>>
        %dma_start3A_241 = tpu.memref_slice %arg7[%mul3A_240] : memref<16384xf32, #tpu.memory_space<hbm>> -> memref<1024xf32, #tpu.memory_space<hbm>>
        %dma_start3A_242 = tpu.memref_slice %arg7[%mul3A_240] : memref<16384xf32, #tpu.memory_space<hbm>> -> memref<1024xf32, #tpu.memory_space<hbm>>
        tpu.enqueue_dma source(%arg12 : memref<1024xf32, #tpu.memory_space<vmem>>) target(%dma_start3A_242 : memref<1024xf32, #tpu.memory_space<hbm>>) target_semaphore(%run_scoped3A : memref<!tpu.dma_semaphore, #tpu.memory_space<semaphore_mem>>)
        %dma_wait3A_243 = tpu.memref_slice %arg7[%mul3A_240] : memref<16384xf32, #tpu.memory_space<hbm>> -> memref<1024xf32, #tpu.memory_space<hbm>>
        %dma_wait3A_244 = tpu.memref_slice %arg7[%mul3A_240] : memref<16384xf32, #tpu.memory_space<hbm>> -> memref<1024xf32, #tpu.memory_space<hbm>>
        tpu.wait_dma2 semaphore(%run_scoped3A : memref<!tpu.dma_semaphore, #tpu.memory_space<semaphore_mem>>) src(%arg12 : memref<1024xf32, #tpu.memory_space<vmem>>) dst(%dma_wait3A_244 : memref<1024xf32, #tpu.memory_space<hbm>>)
        tpu.yield
      }) : () -> ()
    } else {
    }
    return
  }
}

module attributes {stable_mosaic.version = 14 : i64} {
  func.func @_tc_dense(%arg0: i32, %arg1: memref<2000x64xf32, #tpu.memory_space<vmem>>, %arg2: memref<2000x32xf32, #tpu.memory_space<vmem>>, %arg3: memref<2000x32xf32, #tpu.memory_space<vmem>>, %arg4: memref<2000x8xf32, #tpu.memory_space<vmem>>, %arg5: memref<2000x8xf32, #tpu.memory_space<vmem>>, %arg6: memref<136x384xf32, #tpu.memory_space<vmem>>, %arg7: memref<1x64xf32, #tpu.memory_space<vmem>>, %arg8: memref<64x128xf32, #tpu.memory_space<vmem>>, %arg9: memref<2000x64xf32, #tpu.memory_space<vmem>>, %arg10: memref<2000x64xf32, #tpu.memory_space<vmem>>, %arg11: memref<2000x64xf32, #tpu.memory_space<vmem>>) attributes {dimension_semantics = [#tpu.dimension_semantics<arbitrary>], iteration_bounds = array<i64: 25>, scalar_prefetch = 0 : i64, scratch_operands = 0 : i64, tpu.core_type = #tpu.core_type<tc>, window_params = [{transform_indices = @transform_0, window_bounds = array<i64: 2000, 64>}, {transform_indices = @transform_1, window_bounds = array<i64: 2000, 32>}, {transform_indices = @transform_2, window_bounds = array<i64: 2000, 32>}, {transform_indices = @transform_3, window_bounds = array<i64: 2000, 8>}, {transform_indices = @transform_4, window_bounds = array<i64: 2000, 8>}, {pipeline_mode = #tpu.pipeline_mode<synchronous>, transform_indices = @transform_5, window_bounds = array<i64: 136, 384>}, {pipeline_mode = #tpu.pipeline_mode<synchronous>, transform_indices = @transform_6, window_bounds = array<i64: 1, 64>}, {pipeline_mode = #tpu.pipeline_mode<synchronous>, transform_indices = @transform_7, window_bounds = array<i64: 64, 128>}, {transform_indices = @transform_8, window_bounds = array<i64: 2000, 64>}, {transform_indices = @transform_9, window_bounds = array<i64: 2000, 64>}, {transform_indices = @transform_10, window_bounds = array<i64: 2000, 64>}]} {
    %get3A = arith.constant 0 : index
    %get3A_0 = arith.constant 0 : index
    %get3A_1 = vector.load %arg1[%get3A, %get3A_0] : memref<2000x64xf32, #tpu.memory_space<vmem>>, vector<2000x64xf32>
    %get3A_2 = arith.constant 0 : index
    %get3A_3 = arith.constant 0 : index
    %get3A_4 = vector.load %arg4[%get3A_2, %get3A_3] : memref<2000x8xf32, #tpu.memory_space<vmem>>, vector<2000x8xf32>
    %get3A_5 = arith.constant 0 : index
    %get3A_6 = arith.constant 0 : index
    %get3A_7 = vector.load %arg5[%get3A_5, %get3A_6] : memref<2000x8xf32, #tpu.memory_space<vmem>>, vector<2000x8xf32>
    %add3A = arith.addf %get3A_4, %get3A_7 : vector<2000x8xf32>
    %slice3A = vector.extract_strided_slice %add3A {offsets = [0, 6], sizes = [2000, 1], strides = [1, 1]} : vector<2000x8xf32> to vector<2000x1xf32>
    %min3A = arith.constant 5.000000e+00 : f32
    %min3A_8 = vector.broadcast %min3A : f32 to vector<2000x1xf32>
    %min3A_9 = arith.minimumf %slice3A, %min3A_8 : vector<2000x1xf32>
    %get3A_10 = arith.constant 0 : index
    %get3A_11 = arith.constant 0 : index
    %get3A_12 = vector.load %arg2[%get3A_10, %get3A_11] : memref<2000x32xf32, #tpu.memory_space<vmem>>, vector<2000x32xf32>
    %get3A_13 = arith.constant 0 : index
    %get3A_14 = arith.constant 0 : index
    %get3A_15 = vector.load %arg3[%get3A_13, %get3A_14] : memref<2000x32xf32, #tpu.memory_space<vmem>>, vector<2000x32xf32>
    %concatenate3A = tpu.concatenate %get3A_1, %get3A_12, %get3A_15, %add3A in 1 : vector<2000x64xf32>, vector<2000x32xf32>, vector<2000x32xf32>, vector<2000x8xf32> -> vector<2000x136xf32>
    %get3A_16 = arith.constant 0 : index
    %get3A_17 = arith.constant 0 : index
    %get3A_18 = vector.load %arg6[%get3A_16, %get3A_17] : memref<136x384xf32, #tpu.memory_space<vmem>>, vector<136x384xf32>
    %dot_general3A = arith.constant dense<0.000000e+00> : vector<2000x384xf32>
    %dot_general3A_19 = tpu.matmul %concatenate3A, %get3A_18, %dot_general3A {dimension_numbers = #tpu.dot_dimension_numbers<[1], [0], [0], [1], [0, 0, 1, 1], [], []>, transpose_lhs_hint = false} : vector<2000x136xf32>, vector<136x384xf32>, vector<2000x384xf32> -> vector<2000x384xf32>
    %broadcast_in_dim3A = arith.constant 0.000000e+00 : f32
    %broadcast_in_dim3A_20 = vector.broadcast %broadcast_in_dim3A : f32 to vector<2000x64xf32>
    %eq3A = arith.constant 0.000000e+00 : f32
    %eq3A_21 = vector.broadcast %eq3A : f32 to vector<2000x1xf32>
    %eq3A_22 = arith.cmpf oeq, %min3A_9, %eq3A_21 : vector<2000x1xf32>
    %slice3A_23 = vector.extract_strided_slice %dot_general3A_19 {offsets = [0, 0], sizes = [2000, 64], strides = [1, 1]} : vector<2000x384xf32> to vector<2000x64xf32>
    %jit3A = arith.constant 0.000000e+00 : f32
    %broadcast_in_dim3A_24 = vector.shape_cast %eq3A_22 : vector<2000x1xi1> to vector<2000x1xi1>
    %broadcast_in_dim3A_25 = vector.broadcast %broadcast_in_dim3A_24 : vector<2000x1xi1> to vector<2000x64xi1>
    %broadcast_in_dim3A_26 = vector.broadcast %jit3A : f32 to vector<2000x64xf32>
    %select_n3A = arith.select %broadcast_in_dim3A_25, %slice3A_23, %broadcast_in_dim3A_26 : vector<2000x64xi1>, vector<2000x64xf32>
    %add3A_27 = arith.addf %broadcast_in_dim3A_20, %select_n3A : vector<2000x64xf32>
    %eq3A_28 = arith.constant 1.000000e+00 : f32
    %eq3A_29 = vector.broadcast %eq3A_28 : f32 to vector<2000x1xf32>
    %eq3A_30 = arith.cmpf oeq, %min3A_9, %eq3A_29 : vector<2000x1xf32>
    %slice3A_31 = vector.extract_strided_slice %dot_general3A_19 {offsets = [0, 64], sizes = [2000, 64], strides = [1, 1]} : vector<2000x384xf32> to vector<2000x64xf32>
    %jit3A_32 = arith.constant 0.000000e+00 : f32
    %broadcast_in_dim3A_33 = vector.shape_cast %eq3A_30 : vector<2000x1xi1> to vector<2000x1xi1>
    %broadcast_in_dim3A_34 = vector.broadcast %broadcast_in_dim3A_33 : vector<2000x1xi1> to vector<2000x64xi1>
    %broadcast_in_dim3A_35 = vector.broadcast %jit3A_32 : f32 to vector<2000x64xf32>
    %select_n3A_36 = arith.select %broadcast_in_dim3A_34, %slice3A_31, %broadcast_in_dim3A_35 : vector<2000x64xi1>, vector<2000x64xf32>
    %add3A_37 = arith.addf %add3A_27, %select_n3A_36 : vector<2000x64xf32>
    %eq3A_38 = arith.constant 2.000000e+00 : f32
    %eq3A_39 = vector.broadcast %eq3A_38 : f32 to vector<2000x1xf32>
    %eq3A_40 = arith.cmpf oeq, %min3A_9, %eq3A_39 : vector<2000x1xf32>
    %slice3A_41 = vector.extract_strided_slice %dot_general3A_19 {offsets = [0, 128], sizes = [2000, 64], strides = [1, 1]} : vector<2000x384xf32> to vector<2000x64xf32>
    %jit3A_42 = arith.constant 0.000000e+00 : f32
    %broadcast_in_dim3A_43 = vector.shape_cast %eq3A_40 : vector<2000x1xi1> to vector<2000x1xi1>
    %broadcast_in_dim3A_44 = vector.broadcast %broadcast_in_dim3A_43 : vector<2000x1xi1> to vector<2000x64xi1>
    %broadcast_in_dim3A_45 = vector.broadcast %jit3A_42 : f32 to vector<2000x64xf32>
    %select_n3A_46 = arith.select %broadcast_in_dim3A_44, %slice3A_41, %broadcast_in_dim3A_45 : vector<2000x64xi1>, vector<2000x64xf32>
    %add3A_47 = arith.addf %add3A_37, %select_n3A_46 : vector<2000x64xf32>
    %eq3A_48 = arith.constant 3.000000e+00 : f32
    %eq3A_49 = vector.broadcast %eq3A_48 : f32 to vector<2000x1xf32>
    %eq3A_50 = arith.cmpf oeq, %min3A_9, %eq3A_49 : vector<2000x1xf32>
    %slice3A_51 = vector.extract_strided_slice %dot_general3A_19 {offsets = [0, 192], sizes = [2000, 64], strides = [1, 1]} : vector<2000x384xf32> to vector<2000x64xf32>
    %jit3A_52 = arith.constant 0.000000e+00 : f32
    %broadcast_in_dim3A_53 = vector.shape_cast %eq3A_50 : vector<2000x1xi1> to vector<2000x1xi1>
    %broadcast_in_dim3A_54 = vector.broadcast %broadcast_in_dim3A_53 : vector<2000x1xi1> to vector<2000x64xi1>
    %broadcast_in_dim3A_55 = vector.broadcast %jit3A_52 : f32 to vector<2000x64xf32>
    %select_n3A_56 = arith.select %broadcast_in_dim3A_54, %slice3A_51, %broadcast_in_dim3A_55 : vector<2000x64xi1>, vector<2000x64xf32>
    %add3A_57 = arith.addf %add3A_47, %select_n3A_56 : vector<2000x64xf32>
    %eq3A_58 = arith.constant 4.000000e+00 : f32
    %eq3A_59 = vector.broadcast %eq3A_58 : f32 to vector<2000x1xf32>
    %eq3A_60 = arith.cmpf oeq, %min3A_9, %eq3A_59 : vector<2000x1xf32>
    %slice3A_61 = vector.extract_strided_slice %dot_general3A_19 {offsets = [0, 256], sizes = [2000, 64], strides = [1, 1]} : vector<2000x384xf32> to vector<2000x64xf32>
    %jit3A_62 = arith.constant 0.000000e+00 : f32
    %broadcast_in_dim3A_63 = vector.shape_cast %eq3A_60 : vector<2000x1xi1> to vector<2000x1xi1>
    %broadcast_in_dim3A_64 = vector.broadcast %broadcast_in_dim3A_63 : vector<2000x1xi1> to vector<2000x64xi1>
    %broadcast_in_dim3A_65 = vector.broadcast %jit3A_62 : f32 to vector<2000x64xf32>
    %select_n3A_66 = arith.select %broadcast_in_dim3A_64, %slice3A_61, %broadcast_in_dim3A_65 : vector<2000x64xi1>, vector<2000x64xf32>
    %add3A_67 = arith.addf %add3A_57, %select_n3A_66 : vector<2000x64xf32>
    %eq3A_68 = arith.constant 5.000000e+00 : f32
    %eq3A_69 = vector.broadcast %eq3A_68 : f32 to vector<2000x1xf32>
    %eq3A_70 = arith.cmpf oeq, %min3A_9, %eq3A_69 : vector<2000x1xf32>
    %slice3A_71 = vector.extract_strided_slice %dot_general3A_19 {offsets = [0, 320], sizes = [2000, 64], strides = [1, 1]} : vector<2000x384xf32> to vector<2000x64xf32>
    %jit3A_72 = arith.constant 0.000000e+00 : f32
    %broadcast_in_dim3A_73 = vector.shape_cast %eq3A_70 : vector<2000x1xi1> to vector<2000x1xi1>
    %broadcast_in_dim3A_74 = vector.broadcast %broadcast_in_dim3A_73 : vector<2000x1xi1> to vector<2000x64xi1>
    %broadcast_in_dim3A_75 = vector.broadcast %jit3A_72 : f32 to vector<2000x64xf32>
    %select_n3A_76 = arith.select %broadcast_in_dim3A_74, %slice3A_71, %broadcast_in_dim3A_75 : vector<2000x64xi1>, vector<2000x64xf32>
    %add3A_77 = arith.addf %add3A_67, %select_n3A_76 : vector<2000x64xf32>
    %get3A_78 = arith.constant 0 : index
    %get3A_79 = arith.constant 0 : index
    %get3A_80 = vector.load %arg7[%get3A_78, %get3A_79] : memref<1x64xf32, #tpu.memory_space<vmem>>, vector<1x64xf32>
    %add3A_81 = vector.broadcast %get3A_80 : vector<1x64xf32> to vector<2000x64xf32>
    %add3A_82 = arith.addf %add3A_77, %add3A_81 : vector<2000x64xf32>
    %max3A = arith.constant 0.000000e+00 : f32
    %max3A_83 = vector.broadcast %max3A : f32 to vector<2000x64xf32>
    %max3A_84 = arith.maximumf %add3A_82, %max3A_83 : vector<2000x64xf32>
    %swap3A = arith.constant 0 : index
    %swap3A_85 = arith.constant 0 : index
    %swap3A_86 = vector.load %arg9[%swap3A, %swap3A_85] : memref<2000x64xf32, #tpu.memory_space<vmem>>, vector<2000x64xf32>
    tpu.vector_store %arg9[%swap3A, %swap3A_85], %max3A_84 {strides = array<i32>} : memref<2000x64xf32, #tpu.memory_space<vmem>>, vector<2000x64xf32>,
    %get3A_87 = arith.constant 0 : index
    %get3A_88 = arith.constant 0 : index
    %get3A_89 = vector.load %arg8[%get3A_87, %get3A_88] : memref<64x128xf32, #tpu.memory_space<vmem>>, vector<64x128xf32>
    %dot_general3A_90 = arith.constant dense<0.000000e+00> : vector<2000x128xf32>
    %dot_general3A_91 = tpu.matmul %max3A_84, %get3A_89, %dot_general3A_90 {dimension_numbers = #tpu.dot_dimension_numbers<[1], [0], [0], [1], [0, 0, 1, 1], [], []>, transpose_lhs_hint = false} : vector<2000x64xf32>, vector<64x128xf32>, vector<2000x128xf32> -> vector<2000x128xf32>
    %reduce_max3A = arith.constant dense<0xFF800000> : vector<2000xf32>
    %reduce_max3A_92 = vector.multi_reduction <maximumf>, %dot_general3A_91, %reduce_max3A [1] : vector<2000x128xf32> to vector<2000xf32>
    %broadcast_in_dim3A_93 = vector.shape_cast %reduce_max3A_92 : vector<2000xf32> to vector<2000x1xf32>
    %sub3A = vector.broadcast %broadcast_in_dim3A_93 : vector<2000x1xf32> to vector<2000x128xf32>
    %sub3A_94 = arith.subf %dot_general3A_91, %sub3A : vector<2000x128xf32>
    %exp3A = math.exp %sub3A_94 : vector<2000x128xf32>
    %reduce_sum3A = arith.constant dense<0.000000e+00> : vector<2000xf32>
    %reduce_sum3A_95 = vector.multi_reduction <add>, %exp3A, %reduce_sum3A [1] : vector<2000x128xf32> to vector<2000xf32>
    %broadcast_in_dim3A_96 = vector.shape_cast %reduce_sum3A_95 : vector<2000xf32> to vector<2000x1xf32>
    %div3A = vector.broadcast %broadcast_in_dim3A_96 : vector<2000x1xf32> to vector<2000x128xf32>
    %div3A_97 = arith.divf %exp3A, %div3A : vector<2000x128xf32>
    %slice3A_98 = vector.extract_strided_slice %div3A_97 {offsets = [0, 0], sizes = [2000, 64], strides = [1, 1]} : vector<2000x128xf32> to vector<2000x64xf32>
    %swap3A_99 = arith.constant 0 : index
    %swap3A_100 = arith.constant 0 : index
    %swap3A_101 = vector.load %arg10[%swap3A_99, %swap3A_100] : memref<2000x64xf32, #tpu.memory_space<vmem>>, vector<2000x64xf32>
    tpu.vector_store %arg10[%swap3A_99, %swap3A_100], %slice3A_98 {strides = array<i32>} : memref<2000x64xf32, #tpu.memory_space<vmem>>, vector<2000x64xf32>,
    %slice3A_102 = vector.extract_strided_slice %div3A_97 {offsets = [0, 64], sizes = [2000, 64], strides = [1, 1]} : vector<2000x128xf32> to vector<2000x64xf32>
    %swap3A_103 = arith.constant 0 : index
    %swap3A_104 = arith.constant 0 : index
    %swap3A_105 = vector.load %arg11[%swap3A_103, %swap3A_104] : memref<2000x64xf32, #tpu.memory_space<vmem>>, vector<2000x64xf32>
    tpu.vector_store %arg11[%swap3A_103, %swap3A_104], %slice3A_102 {strides = array<i32>} : memref<2000x64xf32, #tpu.memory_space<vmem>>, vector<2000x64xf32>,
    return
  }
  func.func @transform_0(%arg0: i32) -> (i32, i32) {
    %c0_i32 = arith.constant 0 : i32
    %c0_i32_0 = arith.constant 0 : i32
    return %arg0, %c0_i32 : i32, i32
  }
  func.func @transform_1(%arg0: i32) -> (i32, i32) {
    %c0_i32 = arith.constant 0 : i32
    %c0_i32_0 = arith.constant 0 : i32
    return %arg0, %c0_i32 : i32, i32
  }
  func.func @transform_2(%arg0: i32) -> (i32, i32) {
    %add3A = arith.constant 25 : i32
    %add3A_0 = arith.addi %arg0, %add3A : i32
    %c0_i32 = arith.constant 0 : i32
    %c0_i32_1 = arith.constant 0 : i32
    return %add3A_0, %c0_i32 : i32, i32
  }
  func.func @transform_3(%arg0: i32) -> (i32, i32) {
    %c0_i32 = arith.constant 0 : i32
    %c0_i32_0 = arith.constant 0 : i32
    return %arg0, %c0_i32 : i32, i32
  }
  func.func @transform_4(%arg0: i32) -> (i32, i32) {
    %add3A = arith.constant 25 : i32
    %add3A_0 = arith.addi %arg0, %add3A : i32
    %c0_i32 = arith.constant 0 : i32
    %c0_i32_1 = arith.constant 0 : i32
    return %add3A_0, %c0_i32 : i32, i32
  }
  func.func @transform_5(%arg0: i32) -> (i32, i32) {
    %c0_i32 = arith.constant 0 : i32
    %c0_i32_0 = arith.constant 0 : i32
    %c0_i32_1 = arith.constant 0 : i32
    return %c0_i32, %c0_i32_0 : i32, i32
  }
  func.func @transform_6(%arg0: i32) -> (i32, i32) {
    %c0_i32 = arith.constant 0 : i32
    %c0_i32_0 = arith.constant 0 : i32
    %c0_i32_1 = arith.constant 0 : i32
    return %c0_i32, %c0_i32_0 : i32, i32
  }
  func.func @transform_7(%arg0: i32) -> (i32, i32) {
    %c0_i32 = arith.constant 0 : i32
    %c0_i32_0 = arith.constant 0 : i32
    %c0_i32_1 = arith.constant 0 : i32
    return %c0_i32, %c0_i32_0 : i32, i32
  }
  func.func @transform_8(%arg0: i32) -> (i32, i32) {
    %c0_i32 = arith.constant 0 : i32
    %c0_i32_0 = arith.constant 0 : i32
    return %arg0, %c0_i32 : i32, i32
  }
  func.func @transform_9(%arg0: i32) -> (i32, i32) {
    %c0_i32 = arith.constant 0 : i32
    %c0_i32_0 = arith.constant 0 : i32
    return %arg0, %c0_i32 : i32, i32
  }
  func.func @transform_10(%arg0: i32) -> (i32, i32) {
    %c0_i32 = arith.constant 0 : i32
    %c0_i32_0 = arith.constant 0 : i32
    return %arg0, %c0_i32 : i32, i32
  }
}

</mosaic_0001>

<sc_bundles>
// kernel: kernel.10.cloned.1.call-start
scs
__scs_entry_jumppad:
0x0: {  	(pc) =	sbr.rel $0x88, $3  }
0x1: {  	(tag) =	ssettag $0x0;
	lr =	simm.s32 $0x1  }
0x2: {  	[smem:$0x3F96] =	sst lr;
	_ =	strace $0xD0000000  }
0x3: {  	_ = 	snop  }
0x4: {  	_ = 	snop  }
0x5: {  	_ = 	snop  }
0x6: {  	_ = 	snop  }
0x7: {  	_ = 	snop  }
__scs_overlays_trampoline_lowered:
0x8: {  	[smem:$0x3FA5] =	sst s0  }
0x9: {  	[smem:$0x3FA6] =	sst s1  }
0xa: {  	[smem:$0x3FA7] =	sst s2  }
0xb: {  	[smem:$0x3FA8] =	sst s3  }
0xc: {  	[smem:$0x3FA9] =	sst s4  }
0xd: {  	[smem:$0x3FAA] =	sst s5  }
0xe: {  	[smem:$0x3FAB] =	sst s6  }
0xf: {  	[smem:$0x3FAC] =	sst s7  }
0x10: {  	[smem:$0x3FAD] =	sst s8  }
0x11: {  	[smem:$0x3FAE] =	sst s9;
	s0 =	simm.s32 @!p0 $0x0  }
0x12: {  	s1 =	sld [smem:$0x3F94];
	s0 =	simm.s32 @p0 $0x1  }
0x13: {  	[smem:$0x3FAF] =	sst s0;
	s0 =	simm.s32 @!p1 $0x0  }
0x14: {  	s2 =	sld [smem:$0x3F93];
	s0 =	simm.s32 @p1 $0x1  }
0x15: {  	[smem:$0x3FB0] =	sst s0;
	s0 =	simm.s32 @!p2 $0x0  }
0x16: {  	s3 =	sld [smem:$0x3FDB];
	s0 =	simm.s32 @p2 $0x1  }
0x17: {  	s4 =	simm.s32 $0x1BF5;
	[smem:$0x3FB2] =	sst s0  }
0x18: {  	s0 =	sld [smem:$0x3F95];
	_ =	swait.ge [sflag:s4], $0x0  }
0x19: {  	s7 =	sld [smem:$0x3F96]  }
0x1a: {  	s8 =	sadd.s32 $0xFFFFE003, lr  }
0x1b: {  	s9 =	sadd.s32 $0xFFFFFEF7, lr;
	s5 =	simm.s32 $0xFFFFFFFF;
	p2 =	slt.u32 s8, $0xFFFFF086  }
0x1c: {  	p1 =	slt.u32 s9, $0xF7A;
	s5 =	simm.s32 @!p2 $0x0  }
0x1d: {  	s5 =	simm.s32 @p1 $0x1;
	p0 =	seq.s32 s7, s2  }
0x1e: {  	s7 =	smul.u32 @!p0 $0xF7A, s2;
	p2 =	seq.s32 @!p0 s5, $0x0  }
0x1f: {  	s9 =	smul.u32 $0xF7A, s1;
	s8 =	simm.s32 @!p0 $0x1BF5;
	p2 =	por !p2, p0  }
0x20: {  	[sflag:s8] =	ssyncset.s32 @!p0 $0xFFFFF086;
	s6 =	sadd.s32 @!p0 s3, s7;
	s7 =	simm.s32 @!p0 $0x108  }
0x21: {  	s3 =	sadd.s32 s3, s9;
	s6 =	sadd.s32 @!p0 $0x88, s6;
	s7 =	simm.s32 @p2 $0x1082  }
0x22: {  	[simem:s7], [sflag:s8] =	dma.local @!p0 [hbm:s6], $0xF7A  }
0x23: {  	s9 =	sor.u32 $0xD0000000, s2;
	s6 =	simm.s32 $0x108;
	_ =	swait.ge @!p0 [sflag:s8], $0x0  }
0x24: {  	s3 =	sadd.s32 $0x88, s3;
	s6 =	simm.s32 @!p1 $0x1082;
	[sflag:s4] =	ssyncset.s32 $0xFFFFF086  }
0x25: {  	[simem:s6], [sflag:s4] =	dma.local [hbm:s3], $0xF7A  }
0x26: {  	[smem:$0x3F96] =	sst s1;
	(tag) =	ssettag s2;
	_ =	strace s9  }
0x27: {  	s1 =	sld [smem:$0x3FA6]  }
0x28: {  	s2 =	sld [smem:$0x3FA7]  }
0x29: {  	s4 =	sld [smem:$0x3FA9]  }
0x2a: {  	p0 =	seq.s32 s5, $0x0;
	s5 =	sld [smem:$0x3FAA]  }
0x2b: {  	s6 =	sld [smem:$0x3FAB]  }
0x2c: {  	s7 =	sld [smem:$0x3FAC]  }
0x2d: {  	s3 =	simm.s32 $0x108;
	s8 =	sld [smem:$0x3FAD]  }
0x2e: {  	s3 =	simm.s32 @!p0 $0x1082;
	s9 =	sld [smem:$0x3FAE]  }
0x2f: {  	lr =	sadd.s32 s0, s3;
	s0 =	sld [smem:$0x3FA5]  }
0x30: {  	s3 =	sld [smem:$0x3FA8]  }
0x31: {  	[smem:$0x3FB1] =	sst s10  }
0x32: {  	s10 =	sld [smem:$0x3FAF];
	_ =	sdelay $0x3  }
0x33: {  	p0 =	seq.s32 s10, $0x1;
	s10 =	sld [smem:$0x3FB1];
	_ =	sdelay $0x3  }
0x34: {  	[smem:$0x3FB1] =	sst s10  }
0x35: {  	s10 =	sld [smem:$0x3FB0];
	_ =	sdelay $0x3  }
0x36: {  	p1 =	seq.s32 s10, $0x1;
	s10 =	sld [smem:$0x3FB1];
	_ =	sdelay $0x3  }
0x37: {  	[smem:$0x3FB1] =	sst s10  }
0x38: {  	s10 =	sld [smem:$0x3FB2]  }
0x39: {  	_ = 	snop;
	(pc) =	sbr.ind lr, $3  }
0x3a: {  	_ = 	snop  }
0x3b: {  	_ = 	snop  }
0x3c: {  	p2 =	seq.s32 s10, $0x1;
	s10 =	sld [smem:$0x3FB1]  }
0x3d: {  	_ =	shalt  }
0x3e: {  	_ =	shalt  }
0x3f: {  	_ =	shalt  }
0x40: {  	_ =	shalt  }
0x41: {  	_ =	shalt  }
0x42: {  	_ =	shalt  }
0x43: {  	_ =	shalt  }
0x44: {  	_ =	shalt  }
0x45: {  	_ =	shalt  }
0x46: {  	_ =	shalt  }
0x47: {  	_ =	shalt  }
0x48: {  	_ =	shalt  }
0x49: {  	_ =	shalt  }
0x4a: {  	_ =	shalt  }
0x4b: {  	_ =	shalt  }
0x4c: {  	_ =	shalt  }
0x4d: {  	_ =	shalt  }
0x4e: {  	_ =	shalt  }
0x4f: {  	_ =	shalt  }
0x50: {  	_ =	shalt  }
0x51: {  	_ =	shalt  }
0x52: {  	_ =	shalt  }
0x53: {  	_ =	shalt  }
0x54: {  	_ =	shalt  }
0x55: {  	_ =	shalt  }
0x56: {  	_ =	shalt  }
0x57: {  	_ =	shalt  }
0x58: {  	_ =	shalt  }
0x59: {  	_ =	shalt  }
0x5a: {  	_ =	shalt  }
0x5b: {  	_ =	shalt  }
0x5c: {  	_ =	shalt  }
0x5d: {  	_ =	shalt  }
0x5e: {  	_ =	shalt  }
0x5f: {  	_ =	shalt  }
0x60: {  	_ =	shalt  }
0x61: {  	_ =	shalt  }
0x62: {  	_ =	shalt  }
0x63: {  	_ =	shalt  }
0x64: {  	_ =	shalt  }
0x65: {  	_ =	shalt  }
0x66: {  	_ =	shalt  }
0x67: {  	_ =	shalt  }
0x68: {  	_ =	shalt  }
0x69: {  	_ =	shalt  }
0x6a: {  	_ =	shalt  }
0x6b: {  	_ =	shalt  }
0x6c: {  	_ =	shalt  }
0x6d: {  	_ =	shalt  }
0x6e: {  	_ =	shalt  }
0x6f: {  	_ =	shalt  }
0x70: {  	_ =	shalt  }
0x71: {  	_ =	shalt  }
0x72: {  	_ =	shalt  }
0x73: {  	_ =	shalt  }
0x74: {  	_ =	shalt  }
0x75: {  	_ =	shalt  }
0x76: {  	_ =	shalt  }
0x77: {  	_ =	shalt  }
0x78: {  	_ =	shalt  }
0x79: {  	_ =	shalt  }
0x7a: {  	_ =	shalt  }
0x7b: {  	_ =	shalt  }
0x7c: {  	_ =	shalt  }
0x7d: {  	_ =	shalt  }
0x7e: {  	_ =	shalt  }
0x7f: {  	_ =	shalt  }
0x80: {  	_ =	shalt  }
0x81: {  	_ =	shalt  }
0x82: {  	_ =	shalt  }
0x83: {  	_ =	shalt  }
0x84: {  	_ =	shalt  }
0x85: {  	_ =	shalt  }
0x86: {  	_ =	shalt  }
0x87: {  	_ =	shalt  }
.Lfunc_end0:
.L_simem_size_0:
called_computation_lowered:
.L_overlay_start_0:
0x88: {  	s2 =	sld [smem:$0x3FD9]  }
0x89: {  	s3 =	sld [smem:$0x3FFE];
	_ =	sdelay $0x1  }
0x8a: {  	s1 =	srdreg.scid  }
0x8b: {  	s0 =	sand.u32 $0x1, s1  }
0x8c: {  	s15 =	sshll.u32 s0, $0xA;
	s2 =	sadd.s32 s3, s2  }
0x8d: {  	s2 =	sadd.s32 s2, s15  }
0x8e: {  	[smem:$0x3FBD] =	sst s2  }
0x8f: {  	_ = 	snop  }
0x90: {  	s2 =	sld [smem:$0x3FD0];
	_ =	sdelay $0x2  }
0x91: {  	s16 =	simm.s32 $0xB;
	s4 =	simm.s32 $0x10  }
0x92: {  	[smem:s4], [sflag:s16] =	dma.local [hbm:s2], $0x1  }
0x93: {  	_ =	swait.eq [sflag:s16], $0x1  }
0x94: {  	[sflag:s16] =	ssyncset.done $0x0  }
0x95: {  	[sflag:s16] =	ssyncadd.s32 $0xFFFFFFFF  }
0x96: {  	s17 =	sld [smem:$0x10];
	(tm) =	ssettm $0x1  }
0x97: {  	s18 =	sld [smem:$0x3FFB];
	_ =	sdelay $0x3  }
0x98: {  	_ =	strace s18  }
0x99: {  	s2 =	sld [smem:$0x3FFC];
	_ =	sdelay $0x3  }
0x9a: {  	_ =	strace s2  }
0x9b: {  	s2 =	sld [smem:$0x3FFD];
	_ =	sdelay $0x3  }
0x9c: {  	_ =	strace s2  }
0x9d: {  	_ =	strace $0x8FFFFFFF  }
0x9e: {  	s19 =	sld [smem:$0x3FDB];
	_ =	sdelay $0x1  }
0x9f: {  	s20 =	simm.s32 $_scs_section_size  }
0xa0: {  	s5 =	simm.s32 $_size__tile_overlayer_lowered;
	s6 =	simm.s32 $_tile_overlayer_lowered  }
0xa1: {  	s7 =	simm.s32 $0x1BFF;
	s21 =	sshll.u32 s6, $0x1;
	s4 =	sadd.s32 s20, s19  }
0xa2: {  	s22 =	simm.s32 $0x0;
	s5 =	sshll.u32 s5, $0x1;
	s6 =	sadd.s32 s21, s4  }
0xa3: {  	[timem:s22], [sflag:s7] =	dma.local [hbm:s6], s5  }
0xa4: {  	_ =	swait.ge [sflag:s7], s5  }
0xa5: {  	s5 =	ssub.s32 $0x0, s5;
	[sflag:s7] =	ssyncset.done $0x0  }
0xa6: {  	[sflag:s7] =	ssyncadd.s32 s5;
	_ =	sdelay $0x1  }
0xa7: {  	s23 =	simm.s32 $0x1B8B  }
0xa8: {  	_ =	swait.ge [sflag:s23], $0x1  }
0xa9: {  	[sflag:s23] =	ssyncset.done $0x0  }
0xaa: {  	[sflag:s23] =	ssyncadd.s32 $0xFFFFFFFF  }
0xab: {  	s5 =	sld [smem:$0x0]  }
0xac: {  	s6 =	sand.u32 $0xFFFFFFFE, s1  }
0xad: {  	p0 =	sne.s32 s1, s6  }
0xae: {  	s6 =	sshll.u32 @p0 s6, $0xE  }
0xaf: {  	s6 =	sadd.s32 @p0 $0x11B8D, s6;
	s7 =	sshll.u32 @p0 s5, $0x11  }
0xb0: {  	s6 =	sor.u32 @p0 s7, s6  }
0xb1: {  	[sflag:s6] =	ssyncadd.remote.s32 @p0 $0x1;
	_ =	sdelay $0x1  }
0xb2: {  	s6 =	simm.s32 @p0 $0x1B8D  }
0xb3: {  	_ =	swait.eq @p0 [sflag:s6], $0x1  }
0xb4: {  	[sflag:s6] =	ssyncadd.s32 @p0 $0xFFFFFFFF  }
0xb5: {  	s7 =	sshll.u32 @!p0 s1, $0xE  }
0xb6: {  	s7 =	sor.u32 @!p0 $0x4000, s7;
	s6 =	simm.s32 @!p0 $0x1B8D  }
0xb7: {  	s5 =	sshll.u32 @!p0 s5, $0x11;
	s7 =	sadd.s32 @!p0 $0x11B8D, s7;
	_ =	swait.eq @!p0 [sflag:s6], $0x1  }
0xb8: {  	s5 =	sor.u32 @!p0 s5, s7;
	[sflag:s6] =	ssyncadd.s32 @!p0 $0xFFFFFFFF  }
0xb9: {  	s25 =	simm.s32 $0x1B8E;
	s24 =	sld [smem:$0x3FFE];
	[sflag:s5] =	ssyncadd.remote.s32 @!p0 $0x1  }
0xba: {  	s26 =	simm.s32 $execute0_lowered;
	[smem:$0x3FD2] =	sst s25  }
0xbb: {  	s6 =	sshll.u32 s26, $0x1;
	_ =	strace $0x80000049;
	[dreg:$0x1] =	wrdreg $0xFFFFFFFF  }
0xbc: {  	s28 =	simm.s32 $_size_execute0_lowered;
	s4 =	sadd.s32 s4, s6;
	[dreg:$0x0] =	wrdreg $0x0  }
0xbd: {  	s6 =	sshll.u32 s28, $0x1;
	[dreg:$0x2] =	wrdreg s4  }
0xbe: {  	[dreg:$0x3] =	wrdreg s6  }
0xbf: {  	[dreg:$0x4] =	wrdreg $0xC0  }
0xc0: {  	_ =	task [dreg:s22], $0x5FFFF  }
0xc1: {  	[dreg:$0x1] =	wrdreg $0xFFFFFFFF  }
0xc2: {  	[dreg:$0x0] =	wrdreg $0x60  }
0xc3: {  	[dreg:$0x2] =	wrdreg s24  }
0xc4: {  	[dreg:$0x3] =	wrdreg s17  }
0xc5: {  	[dreg:$0x4] =	wrdreg $0x9000  }
0xc6: {  	[dreg:$0x5] =	wrdreg $0x9  }
0xc7: {  	_ =	task.clear_ibuf [dreg:s22], $0x6FFFF;
	_ =	strace $0x90000049  }
0xc8: {  	s29 =	simm.s32 $0x9;
	_ =	strace $0x8000004B  }
0xc9: {  	_ =	swait.ge [sflag:s29], $0x1  }
0xca: {  	[sflag:s29] =	ssyncadd.s32 $0xFFFFFFFF  }
0xcb: {  	_ =	strace $0x9000004B  }
0xcc: {  	_ =	sfence  }
0xcd: {  	s30 =	sld [smem:$0x0];
	_ =	sdelay $0x2  }
0xce: {  	s31 =	sshll.u32 s1, $0xD;
	s1 =	sshrl.u32 s1, $0x2  }
0xcf: {  	s4 =	sand.u32 $0x4000, s31;
	s1 =	sadd.s32 s1, s30  }
0xd0: {  	s0 =	sor.u32 s4, s0;
	s1 =	sshll.u32 s1, $0x11  }
0xd1: {  	s0 =	sor.u32 s1, s0  }
0xd2: {  	s0 =	sadd.s32 $0x8F2B, s0  }
0xd3: {  	[sflag:s0] =	ssyncadd.remote.s32 $0x1  }
0xd4: {  	_ =	sfence.sel $0xFFFF  }
0xd5: {  	[dreg:$0x0] =	wrdreg $0xFFFFFFFF;
	(pc) =	sbr.abs _section_cstart, $3  }
0xd6: {  	[dreg:$0x1] =	wrdreg $0xFFFFFFFF  }
0xd7: {  	_ =	task.clear_ibuf [dreg:s22], $0x2FFFF;
	_ =	strace $0x9FFFFFFF  }
0xd8: {  	(tm) =	ssettm $0x7FFFFFFF  }
0xd9: {  	_ =	shalt  }
tec
execute0_lowered:
.L_overlay_start_1:
0x0: {  	(tag) =	ssettag $0x1  }
0x1: {  	s5 =	rddreg [dreg:$0x0]  }
0x2: {  	s10 =	rddreg [dreg:$0x1]  }
0x3: {  	s1 =	rddreg [dreg:$0x2];
	s2 =	simm.s32 $0x0  }
0x4: {  	s4 =	srdreg.scid;
	s0 =	stileid.u32;
	s20 =	simm.s32 $0x3  }
0x5: {  	s21 =	simm.s32 $0x880;
	s22 =	simm.s32 $0x400;
	s23 =	simm.s32 $0x1  }
0x6: {  	s24 =	simm.s32 $0x80;
	s25 =	simm.s32 $0x2;
	s26 =	simm.s32 $0x28  }
0x7: {  	s28 =	simm.s32 $0x0;
	[smem:$0x7FF] =	sst s2;
	s14 =	sadd.s32 $0xE84800, s5  }
0x8: {  	s11 =	sand.u32 $0x1, s4;
	s4 =	sadd.s32 $0x5000, s5;
	s6 =	smul.u32 $0x18700, s0  }
0x9: {  	s5 =	sadd.s32 $0x20A00, s5;
	s16 =	sadd.s32 $0x5BA40, s1;
	s12 =	smul.u32 $0xC38, s0  }
0xa: {  	s17 =	smul.u32 $0x61A8, s0;
	p0 =	seq.s32 s0, $0xF;
	_ =	strace $0x8000004A  }
0xb: {  	s7 =	sshll.u32 s11, $0x4;
	s8 =	ssub.s32 $0x2, s11;
	s15 =	smul.u32 $0x61A80, s11  }
0xc: {  	s11 =	smul.u32 $0xC350, s11;
	s16 =	sshrl.u32 @p0 s16, $0x3;
	s7 =	sor.u32 s0, s7  }
0xd: {  	s9 =	sshrl.u32 s8, $0x1;
	s6 =	sshrl.u32 s6, $0x2;
	s12 =	sadd.s32 s10, s12  }
0xe: {  	s7 =	smul.u32 $0x61A8, s7;
	s13 =	ssub.s32 s8, s9;
	s19 =	sshrl.u32 s15, $0x3  }
0xf: {  	s18 =	sadd.s32 s6, s1;
	s11 =	sadd.s32 s11, s12;
	s19 =	sadd.s32 s10, s19  }
0x10: {  	s10 =	sadd.s32 s17, s15;
	s13 =	smax.u32 s13, $0x1;
	s17 =	sshll.u32 @!p0 s0, $0x6  }
0x11: {  	s18 =	sshrl.u32 @!p0 s18, $0x3;
	s29 =	sshrl.u32 s7, $0x3;
	s30 =	sadd.s32 $0x6180, s7  }
0x12: {  	s7 =	sadd.s32 s14, s7;
	s12 =	sadd.s32 $0xB748, s19;
	s15 =	sadd.s32 $0x80, s10  }
0x13: {  	s17 =	sor.u32 @!p0 $0x1C03, s17;
	s19 =	simm.s32 $0x800;
	s6 =	sadd.s32 s4, s29  }
0x14: {  	s31 =	sshrl.u32 s30, $0x3;
	s9 =	sadd.s32 s14, s30;
	s15 =	sshrl.u32 s15, $0x3  }
0x15: {  	s14 =	sadd.s32 s14, s10;
	s8 =	sadd.s32 s4, s31;
	s15 =	sadd.s32 s15, s4  }
.LBB2_1:
0x16: {  	s29 =	simm.s32 @p0 $0x1FC3  }
0x17: {  	[spmem:s16], [sflag:s29] =	dma.local @p0 [hbm:s5], $0xC08  }
0x18: {  	s29 =	simm.s32 @p0 $0x3  }
0x19: {  	_ =	swait.ge @p0 [sflag:s29], $0xC08  }
0x1a: {  	[sflag:s29] =	ssyncset.done @p0 $0x0  }
0x1b: {  	[sflag:s29] =	ssyncadd.s32 @p0 $0xFFFFF3F8;
	s29 =	simm.s32 @!p0 $0x3  }
0x1c: {  	[spmem:s18], [sflag:s17] =	dma.local @!p0 [hbm:s5], $0xC38  }
0x1d: {  	_ =	swait.ge @!p0 [sflag:s29], $0xC38  }
0x1e: {  	[sflag:s29] =	ssyncset.done @!p0 $0x0  }
0x1f: {  	[sflag:s29] =	ssyncadd.s32 @!p0 $0xFFFFF3C8  }
0x20: {  	[bflag:$0x0] =	sbarrier.arrive $0xFFFF  }
0x21: {  	[tilespmem:s19], [sflag:$0x3] =	stream.linear.gather [hbm4b:s6+s2], $0x80, $0x38;
	[tilespmem:$0x6AA8] =	vst v63  }
0x22: {  	_ =	swait.ge [sflag:s20], $0x80  }
0x23: {  	[sflag:s20] =	ssyncset.done $0x0  }
0x24: {  	[sflag:s20] =	ssyncadd.s32 $0xFFFFFF80  }
0x25: {  	[tilespmem:s2], [sflag:$0x1] =	stream.linear.gather [hbm4b:s7+s2], $0x400, $0x38;
	[tilespmem:$0x6AA8] =	vst v63  }
0x26: {  	_ = 	snop  }
0x27: {  	[tilespmem:s21], [sflag:$0x3] =	stream.linear.gather [hbm4b:s15+s2], $0x80, $0x38;
	[tilespmem:$0x6AA8] =	vst v63  }
0x28: {  	_ =	swait.ge [sflag:s20], $0x80  }
0x29: {  	s29 =	sadd.s32 $0xFFFF9F00, s14;
	[sflag:s20] =	ssyncset.done $0x0  }
0x2a: {  	s30 =	sadd.s32 $0x6180, s29;
	[sflag:s20] =	ssyncadd.s32 $0xFFFFFF80  }
0x2b: {  	[tilespmem:s22], [sflag:$0x2] =	stream.linear.gather [hbm4b:s30+s2], $0x400, $0x38;
	[tilespmem:$0x6AA8] =	vst v63  }
0x2c: {  	_ =	swait.ge [sflag:s23], $0x400  }
0x2d: {  	[sflag:s23] =	ssyncset.done $0x0  }
0x2e: {  	s30 =	sadd.s32 $0xFFFF9F00, s10;
	[sflag:s23] =	ssyncadd.s32 $0xFFFFFC00  }
0x2f: {  	[spmem:s1] =	stream.indirect.scatter.add.f32 [tilespmem:s2], [sflag:$0x3], $0x8, s19, s24, $0xb8;
	[tilespmem:$0x6AA8] =	vst v63  }
0x30: {  	s30 =	sadd.s32 $0x6200, s30;
	_ =	swait.ge [sflag:s20], $0x400  }
0x31: {  	s30 =	sshrl.u32 s30, $0x3;
	[sflag:s20] =	ssyncset.done $0x0  }
0x32: {  	s30 =	sadd.s32 s4, s30;
	[sflag:s20] =	ssyncadd.s32 $0xFFFFFC00  }
0x33: {  	[tilespmem:s19], [sflag:$0x3] =	stream.linear.gather [hbm4b:s30+s2], $0x80, $0x38;
	[tilespmem:$0x6AA8] =	vst v63  }
0x34: {  	_ =	swait.ge [sflag:s20], $0x80  }
0x35: {  	[sflag:s20] =	ssyncset.done $0x0  }
0x36: {  	s29 =	sadd.s32 $0x6200, s29;
	[sflag:s20] =	ssyncadd.s32 $0xFFFFFF80  }
0x37: {  	[tilespmem:s2], [sflag:$0x1] =	stream.linear.gather [hbm4b:s29+s2], $0x400, $0x38;
	[tilespmem:$0x6AA8] =	vst v63  }
0x38: {  	_ =	swait.ge [sflag:s25], $0x400  }
0x39: {  	[sflag:s25] =	ssyncset.done $0x0  }
0x3a: {  	[sflag:s25] =	ssyncadd.s32 $0xFFFFFC00  }
0x3b: {  	[spmem:s1] =	stream.indirect.scatter.add.f32 [tilespmem:s22], [sflag:$0x3], $0x8, s21, s24, $0xb8;
	[tilespmem:$0x6AA8] =	vst v63  }
0x3c: {  	_ =	swait.ge [sflag:s20], $0x400  }
0x3d: {  	s30 =	smov.u32 s15;
	s29 =	simm.s32 $0xFFFFA000;
	[sflag:s20] =	ssyncset.done $0x0  }
.LBB2_2:
0x3e: {  	p1 =	sne.s32 s29, $0xFFFFFF00;
	[sflag:s20] =	ssyncadd.s32 $0xFFFFFC00;
	s30 =	sadd.s32 $0x20, s30  }
0x3f: {  	[tilespmem:s21], [sflag:$0x3] =	stream.linear.gather [hbm4b:s30+s2], $0x80, $0x38;
	[tilespmem:$0x6AA8] =	vst v63  }
0x40: {  	s31 =	smov.u32 s29;
	s29 =	sadd.s32 $0x100, s29;
	_ =	swait.ge [sflag:s20], $0x80  }
0x41: {  	s0 =	sadd.s32 s31, s14;
	[sflag:s20] =	ssyncset.done $0x0  }
0x42: {  	s3 =	sadd.s32 $0x6180, s0;
	[sflag:s20] =	ssyncadd.s32 $0xFFFFFF80  }
0x43: {  	[tilespmem:s22], [sflag:$0x2] =	stream.linear.gather [hbm4b:s3+s2], $0x400, $0x38;
	[tilespmem:$0x6AA8] =	vst v63  }
0x44: {  	_ =	swait.ge [sflag:s23], $0x400  }
0x45: {  	[sflag:s23] =	ssyncset.done $0x0  }
0x46: {  	s3 =	sadd.s32 s31, s10;
	[sflag:s23] =	ssyncadd.s32 $0xFFFFFC00  }
0x47: {  	[spmem:s1] =	stream.indirect.scatter.add.f32 [tilespmem:s2], [sflag:$0x3], $0x8, s19, s24, $0xb8;
	[tilespmem:$0x6AA8] =	vst v63  }
0x48: {  	s3 =	sadd.s32 $0x6200, s3;
	_ =	swait.ge [sflag:s20], $0x400  }
0x49: {  	s3 =	sshrl.u32 s3, $0x3;
	[sflag:s20] =	ssyncset.done $0x0  }
0x4a: {  	s3 =	sadd.s32 s4, s3;
	[sflag:s20] =	ssyncadd.s32 $0xFFFFFC00  }
0x4b: {  	[tilespmem:s19], [sflag:$0x3] =	stream.linear.gather [hbm4b:s3+s2], $0x80, $0x38;
	[tilespmem:$0x6AA8] =	vst v63  }
0x4c: {  	_ =	swait.ge [sflag:s20], $0x80  }
0x4d: {  	[sflag:s20] =	ssyncset.done $0x0  }
0x4e: {  	s0 =	sadd.s32 $0x6200, s0;
	[sflag:s20] =	ssyncadd.s32 $0xFFFFFF80  }
0x4f: {  	[tilespmem:s2], [sflag:$0x1] =	stream.linear.gather [hbm4b:s0+s2], $0x400, $0x38;
	[tilespmem:$0x6AA8] =	vst v63  }
0x50: {  	_ =	swait.ge [sflag:s25], $0x400  }
.Ltmp0:
0x51: {  	[sflag:s25] =	ssyncset.done $0x0;
	(pc) =	sbr.rel @p1 .LBB2_2-.Ltmp0, $4  }
0x52: {  	[sflag:s25] =	ssyncadd.s32 $0xFFFFFC00  }
0x53: {  	[spmem:s1] =	stream.indirect.scatter.add.f32 [tilespmem:s22], [sflag:$0x3], $0x8, s21, s24, $0xb8;
	[tilespmem:$0x6AA8] =	vst v63  }
0x54: {  	_ =	swait.ge [sflag:s20], $0x400  }
0x55: {  	[sflag:s20] =	ssyncset.done $0x0  }
0x56: {  	[sflag:s20] =	ssyncadd.s32 $0xFFFFFC00  }
0x57: {  	_ =	swait.ge [sflag:s23], $0x400  }
0x58: {  	[sflag:s23] =	ssyncset.done $0x0  }
0x59: {  	[sflag:s23] =	ssyncadd.s32 $0xFFFFFC00  }
0x5a: {  	[spmem:s1] =	stream.indirect.scatter.add.f32 [tilespmem:s2], [sflag:$0x3], $0x8, s19, s24, $0xb8;
	[tilespmem:$0x6AA8] =	vst v63  }
0x5b: {  	_ =	swait.ge [sflag:s20], $0x400  }
0x5c: {  	[sflag:s20] =	ssyncset.done $0x0  }
0x5d: {  	[sflag:s20] =	ssyncadd.s32 $0xFFFFFC00  }
0x5e: {  	[tilespmem:s19], [sflag:$0x3] =	stream.linear.gather [hbm4b:s8+s2], $0x28, $0x38;
	[tilespmem:$0x6AA8] =	vst v63  }
0x5f: {  	_ =	swait.ge [sflag:s20], $0x28  }
0x60: {  	[sflag:s20] =	ssyncset.done $0x0  }
0x61: {  	[sflag:s20] =	ssyncadd.s32 $0xFFFFFFD8  }
0x62: {  	[tilespmem:s2], [sflag:$0x3] =	stream.linear.gather [hbm4b:s9+s2], $0x140, $0x38;
	[tilespmem:$0x6AA8] =	vst v63  }
0x63: {  	_ =	swait.ge [sflag:s20], $0x140  }
0x64: {  	[sflag:s20] =	ssyncset.done $0x0  }
0x65: {  	[sflag:s20] =	ssyncadd.s32 $0xFFFFFEC0  }
0x66: {  	[spmem:s1] =	stream.indirect.scatter.add.f32 [tilespmem:s2], [sflag:$0x3], $0x8, s19, s26, $0xb8;
	[tilespmem:$0x6AA8] =	vst v63  }
0x67: {  	_ =	swait.ge [sflag:s20], $0x140  }
0x68: {  	[sflag:s20] =	ssyncset.done $0x0  }
0x69: {  	[sflag:s20] =	ssyncadd.s32 $0xFFFFFEC0  }
0x6a: {  	s0 =	simm.s32 @p0 $0x1FC3;
	[bflag:$0x0] =	sbarrier.arrive $0xFFFF  }
0x6b: {  	[hbm:s12], [sflag:s0] =	dma.local @p0 [spmem:s16], $0xC08  }
0x6c: {  	s0 =	simm.s32 @p0 $0x3  }
0x6d: {  	s28 =	sadd.s32 $0x1, s28;
	_ =	swait.ge @p0 [sflag:s0], $0xC08  }
0x6e: {  	p1 =	sne.s32 s28, s13;
	[sflag:s0] =	ssyncset.done @p0 $0x0  }
.Ltmp1:
0x6f: {  	[sflag:s0] =	ssyncadd.s32 @p0 $0xFFFFF3F8;
	s0 =	simm.s32 @!p0 $0x3;
	(pc) =	sbr.rel @p1 .LBB2_1-.Ltmp1, $4  }
0x70: {  	[hbm:s11], [sflag:s17] =	dma.local @!p0 [spmem:s18], $0xC38  }
0x71: {  	_ =	swait.ge @!p0 [sflag:s0], $0xC38  }
0x72: {  	[sflag:s0] =	ssyncset.done @!p0 $0x0  }
0x73: {  	[sflag:s0] =	ssyncadd.s32 @!p0 $0xFFFFF3C8  }
0x74: {  	_ =	sfence.sel $0x180000  }
0x75: {  	[bflag:$0x0] =	sbarrier.arrive $0xFFFF  }
0x76: {  	_ =	strace $0x9000004A  }
0x77: {  	s0 =	stileid.u32;
	[bflag:$0x2] =	sbarrier.arrive $0xFFFF  }
0x78: {  	p0 =	sne.s32 s0, $0x0;
	s0 =	rddreg [dreg:$0x3]  }
0x79: {  	s0 =	sadd.s32 @!p0 $0x100000, s0  }
0x7a: {  	[sflag:s0] =	ssyncadd.tile.s32 @!p0 $0x1;
	_ =	shalt  }
.Lfunc_end2:
_tile_overlayer_lowered:
.L_overlay_start_2:
0x7b: {  	(tag) =	ssettag $0x2  }
0x7c: {  	s0 =	rddreg [dreg:$0x0];
	s2 =	stileid.u32  }
0x7d: {  	s1 =	rddreg [dreg:$0x1];
	p0 =	sne.s32 s2, $0x0  }
0x7e: {  	s3 =	rddreg [dreg:$0x2];
	[bflag:$0x3] =	sbarrier.arrive $0xFFFF;
	s2 =	simm.s32 @!p0 $0x1C03  }
0x7f: {  	[timem:s3], [sflag:s2] =	dma.local @!p0 [hbm:s0], s1  }
0x80: {  	s0 =	simm.s32 @!p0 $0x3  }
0x81: {  	_ =	swait.ge @!p0 [sflag:s0], s1  }
0x82: {  	s1 =	ssub.s32 @!p0 $0x0, s1;
	[sflag:s0] =	ssyncset.done @!p0 $0x0  }
0x83: {  	[sflag:s0] =	ssyncadd.s32 @!p0 s1  }
0x84: {  	[bflag:$0x3] =	sbarrier.arrive $0xFFFF  }
0x85: {  	_ =	shalt  }

// kernel: kernel.13.cloned.1.call-start
scs
__scs_entry_jumppad:
0x0: {  	(pc) =	sbr.rel $0x88, $3  }
0x1: {  	(tag) =	ssettag $0x0;
	lr =	simm.s32 $0x1  }
0x2: {  	[smem:$0x3F96] =	sst lr;
	_ =	strace $0xD0000000  }
0x3: {  	_ = 	snop  }
0x4: {  	_ = 	snop  }
0x5: {  	_ = 	snop  }
0x6: {  	_ = 	snop  }
0x7: {  	_ = 	snop  }
__scs_overlays_trampoline_lowered:
0x8: {  	[smem:$0x3FA5] =	sst s0  }
0x9: {  	[smem:$0x3FA6] =	sst s1  }
0xa: {  	[smem:$0x3FA7] =	sst s2  }
0xb: {  	[smem:$0x3FA8] =	sst s3  }
0xc: {  	[smem:$0x3FA9] =	sst s4  }
0xd: {  	[smem:$0x3FAA] =	sst s5  }
0xe: {  	[smem:$0x3FAB] =	sst s6  }
0xf: {  	[smem:$0x3FAC] =	sst s7  }
0x10: {  	[smem:$0x3FAD] =	sst s8  }
0x11: {  	[smem:$0x3FAE] =	sst s9;
	s0 =	simm.s32 @!p0 $0x0  }
0x12: {  	s1 =	sld [smem:$0x3F94];
	s0 =	simm.s32 @p0 $0x1  }
0x13: {  	[smem:$0x3FAF] =	sst s0;
	s0 =	simm.s32 @!p1 $0x0  }
0x14: {  	s2 =	sld [smem:$0x3F93];
	s0 =	simm.s32 @p1 $0x1  }
0x15: {  	[smem:$0x3FB0] =	sst s0;
	s0 =	simm.s32 @!p2 $0x0  }
0x16: {  	s3 =	sld [smem:$0x3FDB];
	s0 =	simm.s32 @p2 $0x1  }
0x17: {  	s4 =	simm.s32 $0x1BF5;
	[smem:$0x3FB2] =	sst s0  }
0x18: {  	s0 =	sld [smem:$0x3F95];
	_ =	swait.ge [sflag:s4], $0x0  }
0x19: {  	s7 =	sld [smem:$0x3F96]  }
0x1a: {  	s8 =	sadd.s32 $0xFFFFE003, lr  }
0x1b: {  	s9 =	sadd.s32 $0xFFFFFEF7, lr;
	s5 =	simm.s32 $0xFFFFFFFF;
	p2 =	slt.u32 s8, $0xFFFFF086  }
0x1c: {  	p1 =	slt.u32 s9, $0xF7A;
	s5 =	simm.s32 @!p2 $0x0  }
0x1d: {  	s5 =	simm.s32 @p1 $0x1;
	p0 =	seq.s32 s7, s2  }
0x1e: {  	s7 =	smul.u32 @!p0 $0xF7A, s2;
	p2 =	seq.s32 @!p0 s5, $0x0  }
0x1f: {  	s9 =	smul.u32 $0xF7A, s1;
	s8 =	simm.s32 @!p0 $0x1BF5;
	p2 =	por !p2, p0  }
0x20: {  	[sflag:s8] =	ssyncset.s32 @!p0 $0xFFFFF086;
	s6 =	sadd.s32 @!p0 s3, s7;
	s7 =	simm.s32 @!p0 $0x108  }
0x21: {  	s3 =	sadd.s32 s3, s9;
	s6 =	sadd.s32 @!p0 $0x88, s6;
	s7 =	simm.s32 @p2 $0x1082  }
0x22: {  	[simem:s7], [sflag:s8] =	dma.local @!p0 [hbm:s6], $0xF7A  }
0x23: {  	s9 =	sor.u32 $0xD0000000, s2;
	s6 =	simm.s32 $0x108;
	_ =	swait.ge @!p0 [sflag:s8], $0x0  }
0x24: {  	s3 =	sadd.s32 $0x88, s3;
	s6 =	simm.s32 @!p1 $0x1082;
	[sflag:s4] =	ssyncset.s32 $0xFFFFF086  }
0x25: {  	[simem:s6], [sflag:s4] =	dma.local [hbm:s3], $0xF7A  }
0x26: {  	[smem:$0x3F96] =	sst s1;
	(tag) =	ssettag s2;
	_ =	strace s9  }
0x27: {  	s1 =	sld [smem:$0x3FA6]  }
0x28: {  	s2 =	sld [smem:$0x3FA7]  }
0x29: {  	s4 =	sld [smem:$0x3FA9]  }
0x2a: {  	p0 =	seq.s32 s5, $0x0;
	s5 =	sld [smem:$0x3FAA]  }
0x2b: {  	s6 =	sld [smem:$0x3FAB]  }
0x2c: {  	s7 =	sld [smem:$0x3FAC]  }
0x2d: {  	s3 =	simm.s32 $0x108;
	s8 =	sld [smem:$0x3FAD]  }
0x2e: {  	s3 =	simm.s32 @!p0 $0x1082;
	s9 =	sld [smem:$0x3FAE]  }
0x2f: {  	lr =	sadd.s32 s0, s3;
	s0 =	sld [smem:$0x3FA5]  }
0x30: {  	s3 =	sld [smem:$0x3FA8]  }
0x31: {  	[smem:$0x3FB1] =	sst s10  }
0x32: {  	s10 =	sld [smem:$0x3FAF];
	_ =	sdelay $0x3  }
0x33: {  	p0 =	seq.s32 s10, $0x1;
	s10 =	sld [smem:$0x3FB1];
	_ =	sdelay $0x3  }
0x34: {  	[smem:$0x3FB1] =	sst s10  }
0x35: {  	s10 =	sld [smem:$0x3FB0];
	_ =	sdelay $0x3  }
0x36: {  	p1 =	seq.s32 s10, $0x1;
	s10 =	sld [smem:$0x3FB1];
	_ =	sdelay $0x3  }
0x37: {  	[smem:$0x3FB1] =	sst s10  }
0x38: {  	s10 =	sld [smem:$0x3FB2]  }
0x39: {  	_ = 	snop;
	(pc) =	sbr.ind lr, $3  }
0x3a: {  	_ = 	snop  }
0x3b: {  	_ = 	snop  }
0x3c: {  	p2 =	seq.s32 s10, $0x1;
	s10 =	sld [smem:$0x3FB1]  }
0x3d: {  	_ =	shalt  }
0x3e: {  	_ =	shalt  }
0x3f: {  	_ =	shalt  }
0x40: {  	_ =	shalt  }
0x41: {  	_ =	shalt  }
0x42: {  	_ =	shalt  }
0x43: {  	_ =	shalt  }
0x44: {  	_ =	shalt  }
0x45: {  	_ =	shalt  }
0x46: {  	_ =	shalt  }
0x47: {  	_ =	shalt  }
0x48: {  	_ =	shalt  }
0x49: {  	_ =	shalt  }
0x4a: {  	_ =	shalt  }
0x4b: {  	_ =	shalt  }
0x4c: {  	_ =	shalt  }
0x4d: {  	_ =	shalt  }
0x4e: {  	_ =	shalt  }
0x4f: {  	_ =	shalt  }
0x50: {  	_ =	shalt  }
0x51: {  	_ =	shalt  }
0x52: {  	_ =	shalt  }
0x53: {  	_ =	shalt  }
0x54: {  	_ =	shalt  }
0x55: {  	_ =	shalt  }
0x56: {  	_ =	shalt  }
0x57: {  	_ =	shalt  }
0x58: {  	_ =	shalt  }
0x59: {  	_ =	shalt  }
0x5a: {  	_ =	shalt  }
0x5b: {  	_ =	shalt  }
0x5c: {  	_ =	shalt  }
0x5d: {  	_ =	shalt  }
0x5e: {  	_ =	shalt  }
0x5f: {  	_ =	shalt  }
0x60: {  	_ =	shalt  }
0x61: {  	_ =	shalt  }
0x62: {  	_ =	shalt  }
0x63: {  	_ =	shalt  }
0x64: {  	_ =	shalt  }
0x65: {  	_ =	shalt  }
0x66: {  	_ =	shalt  }
0x67: {  	_ =	shalt  }
0x68: {  	_ =	shalt  }
0x69: {  	_ =	shalt  }
0x6a: {  	_ =	shalt  }
0x6b: {  	_ =	shalt  }
0x6c: {  	_ =	shalt  }
0x6d: {  	_ =	shalt  }
0x6e: {  	_ =	shalt  }
0x6f: {  	_ =	shalt  }
0x70: {  	_ =	shalt  }
0x71: {  	_ =	shalt  }
0x72: {  	_ =	shalt  }
0x73: {  	_ =	shalt  }
0x74: {  	_ =	shalt  }
0x75: {  	_ =	shalt  }
0x76: {  	_ =	shalt  }
0x77: {  	_ =	shalt  }
0x78: {  	_ =	shalt  }
0x79: {  	_ =	shalt  }
0x7a: {  	_ =	shalt  }
0x7b: {  	_ =	shalt  }
0x7c: {  	_ =	shalt  }
0x7d: {  	_ =	shalt  }
0x7e: {  	_ =	shalt  }
0x7f: {  	_ =	shalt  }
0x80: {  	_ =	shalt  }
0x81: {  	_ =	shalt  }
0x82: {  	_ =	shalt  }
0x83: {  	_ =	shalt  }
0x84: {  	_ =	shalt  }
0x85: {  	_ =	shalt  }
0x86: {  	_ =	shalt  }
0x87: {  	_ =	shalt  }
.Lfunc_end0:
.L_simem_size_0:
called_computation.1_lowered:
.L_overlay_start_0:
0x88: {  	s2 =	sld [smem:$0x3FD9]  }
0x89: {  	s3 =	sld [smem:$0x3FFE];
	_ =	sdelay $0x1  }
0x8a: {  	s1 =	srdreg.scid  }
0x8b: {  	s0 =	sand.u32 $0x1, s1  }
0x8c: {  	s16 =	sshll.u32 s0, $0xA;
	s2 =	sadd.s32 s3, s2  }
0x8d: {  	s2 =	sadd.s32 s2, s16  }
0x8e: {  	[smem:$0x3FBD] =	sst s2  }
0x8f: {  	_ = 	snop  }
0x90: {  	(tm) =	ssettm $0x1  }
0x91: {  	s17 =	sld [smem:$0x3FFB];
	_ =	sdelay $0x3  }
0x92: {  	_ =	strace s17  }
0x93: {  	s2 =	sld [smem:$0x3FFC];
	_ =	sdelay $0x3  }
0x94: {  	_ =	strace s2  }
0x95: {  	s2 =	sld [smem:$0x3FFD];
	_ =	sdelay $0x3  }
0x96: {  	_ =	strace s2  }
0x97: {  	_ =	strace $0x8FFFFFFF  }
0x98: {  	s18 =	sld [smem:$0x3FDB];
	_ =	sdelay $0x1  }
0x99: {  	s19 =	simm.s32 $_scs_section_size  }
0x9a: {  	s4 =	simm.s32 $_size__tile_overlayer_lowered;
	s5 =	simm.s32 $_tile_overlayer_lowered  }
0x9b: {  	s22 =	simm.s32 $0x1BFF;
	s21 =	sshll.u32 s5, $0x1;
	s2 =	sadd.s32 s19, s18  }
0x9c: {  	s6 =	simm.s32 $0x0;
	s20 =	sshll.u32 s4, $0x1;
	s4 =	sadd.s32 s21, s2  }
0x9d: {  	[timem:s6], [sflag:s22] =	dma.local [hbm:s4], s20  }
0x9e: {  	_ =	swait.ge [sflag:s22], s20  }
0x9f: {  	s3 =	ssub.s32 $0x0, s20;
	[sflag:s22] =	ssyncset.done $0x0  }
0xa0: {  	[sflag:s22] =	ssyncadd.s32 s3;
	_ =	sdelay $0x1  }
0xa1: {  	s23 =	simm.s32 $0x1B8B  }
0xa2: {  	_ =	swait.ge [sflag:s23], $0x1  }
0xa3: {  	[sflag:s23] =	ssyncset.done $0x0  }
0xa4: {  	s25 =	simm.s32 $0x1B8E;
	s24 =	sld [smem:$0x3FFE];
	[sflag:s23] =	ssyncadd.s32 $0xFFFFFFFF  }
0xa5: {  	s26 =	simm.s32 $execute0_lowered;
	[smem:$0x3FD2] =	sst s25  }
0xa6: {  	s4 =	sshll.u32 s26, $0x1;
	_ =	strace $0x80000046;
	[dreg:$0x1] =	wrdreg $0xFFFFFFFF  }
0xa7: {  	s28 =	simm.s32 $_size_execute0_lowered;
	s2 =	sadd.s32 s2, s4;
	[dreg:$0x0] =	wrdreg $0x0  }
0xa8: {  	s4 =	sshll.u32 s28, $0x1;
	[dreg:$0x2] =	wrdreg s2  }
0xa9: {  	[dreg:$0x3] =	wrdreg s4  }
0xaa: {  	[dreg:$0x4] =	wrdreg $0xC0  }
0xab: {  	_ =	task [dreg:s6], $0x5FFFF  }
0xac: {  	[dreg:$0x1] =	wrdreg $0xFFFFFFFF  }
0xad: {  	[dreg:$0x0] =	wrdreg $0x60  }
0xae: {  	[dreg:$0x2] =	wrdreg s24  }
0xaf: {  	[dreg:$0x3] =	wrdreg $0x44000  }
0xb0: {  	[dreg:$0x4] =	wrdreg $0xA  }
0xb1: {  	_ =	task.clear_ibuf [dreg:s6], $0x5FFFF;
	_ =	strace $0x90000046  }
0xb2: {  	s29 =	simm.s32 $0xA;
	_ =	strace $0x80000048  }
0xb3: {  	_ =	swait.ge [sflag:s29], $0x1  }
0xb4: {  	[sflag:s29] =	ssyncadd.s32 $0xFFFFFFFF  }
0xb5: {  	_ =	strace $0x90000048  }
0xb6: {  	_ =	sfence  }
0xb7: {  	s30 =	sld [smem:$0x0];
	_ =	sdelay $0x2  }
0xb8: {  	s31 =	sshll.u32 s1, $0xD;
	s1 =	sshrl.u32 s1, $0x2  }
0xb9: {  	s3 =	sand.u32 $0x4000, s31;
	s1 =	sadd.s32 s1, s30  }
0xba: {  	s0 =	sor.u32 s3, s0;
	s1 =	sshll.u32 s1, $0x11  }
0xbb: {  	s0 =	sor.u32 s1, s0  }
0xbc: {  	s0 =	sadd.s32 $0x8F2B, s0  }
0xbd: {  	[sflag:s0] =	ssyncadd.remote.s32 $0x1  }
0xbe: {  	_ =	sfence.sel $0xFFFF  }
0xbf: {  	[dreg:$0x0] =	wrdreg $0xFFFFFFFF;
	(pc) =	sbr.abs _section_cstart, $3  }
0xc0: {  	[dreg:$0x1] =	wrdreg $0xFFFFFFFF  }
0xc1: {  	_ =	task.clear_ibuf [dreg:s6], $0x2FFFF;
	_ =	strace $0x9FFFFFFF  }
0xc2: {  	(tm) =	ssettm $0x7FFFFFFF  }
0xc3: {  	_ =	shalt  }
tec
execute0_lowered:
.L_overlay_start_1:
0x0: {  	(tag) =	ssettag $0x1  }
0x1: {  	s0 =	rddreg [dreg:$0x0]  }
0x2: {  	s1 =	rddreg [dreg:$0x1];
	s2 =	simm.s32 $0x0  }
0x3: {  	s3 =	srdreg.scid;
	s15 =	stileid.u32;
	s17 =	simm.s32 $0x4000  }
0x4: {  	s28 =	simm.s32 $0x3000;
	s29 =	simm.s32 $0x2;
	s30 =	simm.s32 $0x4180  }
0x5: {  	s31 =	simm.s32 $0x5;
	[smem:$0x7FF] =	sst s2;
	s3 =	sand.u32 $0x1, s3  }
0x6: {  	s4 =	sadd.s32 $0xF9600, s0;
	s6 =	smul.u32 $0x61C00, s15;
	s7 =	sadd.s32 $0x18C000, s0  }
0x7: {  	s8 =	sadd.s32 $0x1D800, s0;
	s0 =	sadd.s32 $0x1EDC00, s0;
	s12 =	smul.u32 $0x187, s15  }
0x8: {  	s14 =	sadd.s32 $0x16E900, s1;
	s21 =	smul.u32 $0x30E0, s15;
	p0 =	seq.s32 s15, $0xF  }
0x9: {  	_ =	strace $0x80000047;
	s5 =	sshll.u32 s3, $0x4;
	s11 =	smul.u32 $0x30D40, s3  }
0xa: {  	[dreg:$0x5] =	wrdreg s8;
	s9 =	ssub.s32 $0x2, s3;
	s19 =	smul.u32 $0x1870, s3  }
0xb: {  	s3 =	smul.u32 $0x186A00, s3;
	s14 =	sshrl.u32 @p0 s14, $0x3;
	s5 =	sor.u32 s15, s5  }
0xc: {  	s10 =	sshrl.u32 s9, $0x1;
	s6 =	sshrl.u32 s6, $0x2;
	s18 =	smul.u32 $0x30E0, s5  }
0xd: {  	[dreg:$0xe] =	wrdreg s14;
	s5 =	smul.u32 $0x18700, s5;
	s9 =	ssub.s32 s9, s10  }
0xe: {  	s6 =	sadd.s32 s6, s1;
	s10 =	sadd.s32 s12, s19;
	s3 =	sshrl.u32 s3, $0x3  }
0xf: {  	s19 =	simm.s32 $0x80;
	s22 =	sshll.u32 s10, $0x5;
	s3 =	sadd.s32 s0, s3  }
0x10: {  	s25 =	smax.u32 s9, $0x1;
	s16 =	sshrl.u32 @!p0 s6, $0x3;
	s6 =	simm.s32 $0x6  }
0x11: {  	s9 =	simm.s32 $0x7;
	s5 =	sshrl.u32 s5, $0x3;
	s8 =	sadd.s32 s7, s18  }
0x12: {  	s23 =	sadd.s32 $0x2DD20, s3;
	[dreg:$0xb] =	wrdreg s25;
	s18 =	simm.s32 $0x9  }
0x13: {  	s25 =	simm.s32 $0x4080;
	s3 =	simm.s32 $0x4280;
	[dreg:$0xd] =	wrdreg s16  }
0x14: {  	[dreg:$0x6] =	wrdreg s8;
	s5 =	sadd.s32 s7, s5;
	s8 =	sadd.s32 s21, s11  }
0x15: {  	[dreg:$0xa] =	wrdreg s23;
	s21 =	simm.s32 $0x1000;
	s20 =	sadd.s32 $0x20, s5  }
0x16: {  	s23 =	simm.s32 $0x2000;
	s5 =	sadd.s32 $0x40, s5;
	[dreg:$0x7] =	wrdreg s20  }
0x17: {  	s11 =	simm.s32 $0x0;
	s0 =	sadd.s32 s0, s8;
	[dreg:$0x8] =	wrdreg s5  }
0x18: {  	s8 =	simm.s32 $0x4380;
	s5 =	sadd.s32 s22, s7;
	[dreg:$0x9] =	wrdreg s0  }
0x19: {  	s0 =	sshll.u32 @!p0 s15, $0x6;
	s20 =	simm.s32 $0x4100;
	s22 =	simm.s32 $0x4200  }
0x1a: {  	s7 =	simm.s32 $0x4;
	s24 =	sadd.s32 $0xC0, s5;
	s26 =	sadd.s32 $0xA0, s5  }
0x1b: {  	s12 =	sadd.s32 $0x80, s5;
	s13 =	sadd.s32 $0x60, s5;
	[dreg:$0x3] =	wrdreg s24  }
0x1c: {  	s15 =	sor.u32 @!p0 $0x1C09, s0;
	s0 =	simm.s32 $0x3;
	[dreg:$0x4] =	wrdreg s26  }
0x1d: {  	s24 =	simm.s32 $0x1;
	s26 =	simm.s32 $0x4300;
	[dreg:$0xc] =	wrdreg s15  }
.LBB2_1:
0x1e: {  	s5 =	simm.s32 @p0 $0x1FC9;
	s10 =	rddreg [dreg:$0x5]  }
0x1f: {  	[spmem:s14], [sflag:s5] =	dma.local @p0 [hbm:s10], $0x3020  }
0x20: {  	s5 =	simm.s32 @p0 $0x9  }
0x21: {  	_ =	swait.ge @p0 [sflag:s5], $0x3020  }
0x22: {  	[sflag:s5] =	ssyncset.done @p0 $0x0  }
0x23: {  	[sflag:s5] =	ssyncadd.s32 @p0 $0xFFFFCFE0;
	s5 =	simm.s32 @!p0 $0x9  }
0x24: {  	[spmem:s16], [sflag:s15] =	dma.local @!p0 [hbm:s10], $0x30E0  }
0x25: {  	_ =	swait.ge @!p0 [sflag:s5], $0x30E0  }
0x26: {  	[sflag:s5] =	ssyncset.done @!p0 $0x0  }
0x27: {  	[sflag:s5] =	ssyncadd.s32 @!p0 $0xFFFFCF20  }
0x28: {  	[bflag:$0x0] =	sbarrier.arrive $0xFFFF  }
0x29: {  	s14 =	rddreg [dreg:$0x6]  }
0x2a: {  	[tilespmem:s17], [sflag:$0x9] =	stream.linear.gather [hbm4b:s14+s2], $0x100, $0x38;
	[tilespmem:$0x1CAB0] =	vst v63  }
0x2b: {  	_ =	swait.ge [sflag:s18], $0x100  }
0x2c: {  	[sflag:s18] =	ssyncset.done $0x0  }
0x2d: {  	[sflag:s18] =	ssyncadd.s32 $0xFFFFFF00  }
0x2e: {  	[tilespmem:s2], [sflag:$0x1] =	stream.indirect.gather [hbm4b:s4+s19], $0x20, s17, s19, $0xb8;
	[tilespmem:$0x1CAB0] =	vst v63  }
0x2f: {  	s15 =	rddreg [dreg:$0x7]  }
0x30: {  	[tilespmem:s20], [sflag:$0x9] =	stream.linear.gather [hbm4b:s15+s2], $0x100, $0x38;
	[tilespmem:$0x1CAB0] =	vst v63  }
0x31: {  	_ =	swait.ge [sflag:s18], $0x100  }
0x32: {  	[sflag:s18] =	ssyncset.done $0x0  }
0x33: {  	[sflag:s18] =	ssyncadd.s32 $0xFFFFFF00  }
0x34: {  	[tilespmem:s21], [sflag:$0x2] =	stream.indirect.gather [hbm4b:s4+s19], $0x20, s20, s19, $0xb8;
	[tilespmem:$0x1CAB0] =	vst v63  }
0x35: {  	s16 =	rddreg [dreg:$0x8]  }
0x36: {  	[tilespmem:s22], [sflag:$0x9] =	stream.linear.gather [hbm4b:s16+s2], $0x100, $0x38;
	[tilespmem:$0x1CAB0] =	vst v63  }
0x37: {  	_ =	swait.ge [sflag:s18], $0x100  }
0x38: {  	[sflag:s18] =	ssyncset.done $0x0  }
0x39: {  	[sflag:s18] =	ssyncadd.s32 $0xFFFFFF00  }
0x3a: {  	[tilespmem:s23], [sflag:$0x3] =	stream.indirect.gather [hbm4b:s4+s19], $0x20, s22, s19, $0xb8;
	[tilespmem:$0x1CAB0] =	vst v63  }
0x3b: {  	_ =	swait.ge [sflag:s24], $0x1000  }
0x3c: {  	p1 =	por $0x1, $0x1;
	[sflag:s24] =	ssyncset.done $0x0  }
0x3d: {  	s5 =	simm.s32 @!p1 $0x8;
	[sflag:s24] =	ssyncadd.s32 $0xFFFFF000  }
0x3e: {  	[spmem:s1] =	stream.indirect.scatter.add.f32 [tilespmem:s2], [sflag:$0x5], $0x20, s25, s19, $0xb8;
	[tilespmem:$0x1CAB0] =	vst v63  }
0x3f: {  	_ =	swait.ge @!p1 [sflag:s5], $0x1000  }
0x40: {  	[sflag:s5] =	ssyncset.done @!p1 $0x0  }
0x41: {  	s10 =	sadd.s32 $0x0, s13;
	[sflag:s5] =	ssyncadd.s32 @!p1 $0xFFFFF000  }
0x42: {  	[tilespmem:s26], [sflag:$0x9] =	stream.linear.gather [hbm4b:s10+s2], $0x100, $0x38;
	[tilespmem:$0x1CAB0] =	vst v63  }
0x43: {  	_ =	swait.ge [sflag:s18], $0x100  }
0x44: {  	[sflag:s18] =	ssyncset.done $0x0  }
0x45: {  	[sflag:s18] =	ssyncadd.s32 $0xFFFFFF00  }
0x46: {  	[tilespmem:s28], [sflag:$0x4] =	stream.indirect.gather [hbm4b:s4+s19], $0x20, s26, s19, $0xb8;
	[tilespmem:$0x1CAB0] =	vst v63  }
0x47: {  	_ =	swait.ge [sflag:s29], $0x1000  }
0x48: {  	[sflag:s29] =	ssyncset.done $0x0  }
0x49: {  	[sflag:s29] =	ssyncadd.s32 $0xFFFFF000  }
0x4a: {  	[spmem:s1] =	stream.indirect.scatter.add.f32 [tilespmem:s21], [sflag:$0x6], $0x20, s30, s19, $0xb8;
	[tilespmem:$0x1CAB0] =	vst v63  }
0x4b: {  	_ =	swait.ge [sflag:s31], $0x1000  }
0x4c: {  	[sflag:s31] =	ssyncset.done $0x0  }
0x4d: {  	s14 =	sadd.s32 $0x0, s12;
	[sflag:s31] =	ssyncadd.s32 $0xFFFFF000  }
0x4e: {  	[tilespmem:s17], [sflag:$0x9] =	stream.linear.gather [hbm4b:s14+s2], $0x100, $0x38;
	[tilespmem:$0x1CAB0] =	vst v63  }
0x4f: {  	_ =	swait.ge [sflag:s18], $0x100  }
0x50: {  	[sflag:s18] =	ssyncset.done $0x0  }
0x51: {  	[sflag:s18] =	ssyncadd.s32 $0xFFFFFF00  }
0x52: {  	[tilespmem:s2], [sflag:$0x1] =	stream.indirect.gather [hbm4b:s4+s19], $0x20, s17, s19, $0xb8;
	[tilespmem:$0x1CAB0] =	vst v63  }
0x53: {  	_ =	swait.ge [sflag:s0], $0x1000  }
0x54: {  	[sflag:s0] =	ssyncset.done $0x0  }
0x55: {  	[sflag:s0] =	ssyncadd.s32 $0xFFFFF000  }
0x56: {  	[spmem:s1] =	stream.indirect.scatter.add.f32 [tilespmem:s23], [sflag:$0x7], $0x20, s3, s19, $0xb8;
	[tilespmem:$0x1CAB0] =	vst v63  }
0x57: {  	_ =	swait.ge [sflag:s6], $0x1000  }
0x58: {  	s15 =	rddreg [dreg:$0x4];
	[sflag:s6] =	ssyncset.done $0x0  }
0x59: {  	[sflag:s6] =	ssyncadd.s32 $0xFFFFF000;
	s5 =	sadd.s32 $0x0, s15  }
0x5a: {  	[tilespmem:s20], [sflag:$0x9] =	stream.linear.gather [hbm4b:s5+s2], $0x100, $0x38;
	[tilespmem:$0x1CAB0] =	vst v63  }
0x5b: {  	_ =	swait.ge [sflag:s18], $0x100  }
0x5c: {  	[sflag:s18] =	ssyncset.done $0x0  }
0x5d: {  	[sflag:s18] =	ssyncadd.s32 $0xFFFFFF00  }
0x5e: {  	[tilespmem:s21], [sflag:$0x2] =	stream.indirect.gather [hbm4b:s4+s19], $0x20, s20, s19, $0xb8;
	[tilespmem:$0x1CAB0] =	vst v63  }
0x5f: {  	_ =	swait.ge [sflag:s7], $0x1000  }
0x60: {  	[sflag:s7] =	ssyncset.done $0x0  }
0x61: {  	[sflag:s7] =	ssyncadd.s32 $0xFFFFF000  }
0x62: {  	[spmem:s1] =	stream.indirect.scatter.add.f32 [tilespmem:s28], [sflag:$0x8], $0x20, s8, s19, $0xb8;
	[tilespmem:$0x1CAB0] =	vst v63  }
0x63: {  	_ =	swait.ge [sflag:s9], $0x1000  }
0x64: {  	s16 =	rddreg [dreg:$0x3];
	[sflag:s9] =	ssyncset.done $0x0  }
0x65: {  	[sflag:s9] =	ssyncadd.s32 $0xFFFFF000;
	s5 =	sadd.s32 $0x0, s16  }
0x66: {  	[tilespmem:s22], [sflag:$0x9] =	stream.linear.gather [hbm4b:s5+s2], $0x100, $0x38;
	[tilespmem:$0x1CAB0] =	vst v63  }
0x67: {  	_ =	swait.ge [sflag:s18], $0x100  }
0x68: {  	s10 =	simm.s32 $0x80;
	[sflag:s18] =	ssyncset.done $0x0  }
.LBB2_2:
0x69: {  	[sflag:s18] =	ssyncadd.s32 $0xFFFFFF00  }
0x6a: {  	[tilespmem:s23], [sflag:$0x3] =	stream.indirect.gather [hbm4b:s4+s19], $0x20, s22, s19, $0xb8;
	[tilespmem:$0x1CAB0] =	vst v63  }
0x6b: {  	s5 =	smov.u32 s10;
	_ =	swait.ge [sflag:s24], $0x1000  }
0x6c: {  	p2 =	seq.s32 s5, $0x0;
	[sflag:s24] =	ssyncset.done $0x0  }
0x6d: {  	s14 =	simm.s32 @!p2 $0x8;
	[sflag:s24] =	ssyncadd.s32 $0xFFFFF000  }
0x6e: {  	[spmem:s1] =	stream.indirect.scatter.add.f32 [tilespmem:s2], [sflag:$0x5], $0x20, s25, s19, $0xb8;
	[tilespmem:$0x1CAB0] =	vst v63  }
0x6f: {  	_ =	swait.ge @!p2 [sflag:s14], $0x1000  }
0x70: {  	[sflag:s14] =	ssyncset.done @!p2 $0x0  }
0x71: {  	s15 =	sadd.s32 s5, s13;
	[sflag:s14] =	ssyncadd.s32 @!p2 $0xFFFFF000  }
0x72: {  	[tilespmem:s26], [sflag:$0x9] =	stream.linear.gather [hbm4b:s15+s2], $0x100, $0x38;
	[tilespmem:$0x1CAB0] =	vst v63  }
0x73: {  	_ =	swait.ge [sflag:s18], $0x100  }
0x74: {  	[sflag:s18] =	ssyncset.done $0x0  }
0x75: {  	[sflag:s18] =	ssyncadd.s32 $0xFFFFFF00  }
0x76: {  	[tilespmem:s28], [sflag:$0x4] =	stream.indirect.gather [hbm4b:s4+s19], $0x20, s26, s19, $0xb8;
	[tilespmem:$0x1CAB0] =	vst v63  }
0x77: {  	_ =	swait.ge [sflag:s29], $0x1000  }
0x78: {  	[sflag:s29] =	ssyncset.done $0x0  }
0x79: {  	[sflag:s29] =	ssyncadd.s32 $0xFFFFF000  }
0x7a: {  	[spmem:s1] =	stream.indirect.scatter.add.f32 [tilespmem:s21], [sflag:$0x6], $0x20, s30, s19, $0xb8;
	[tilespmem:$0x1CAB0] =	vst v63  }
0x7b: {  	_ =	swait.ge [sflag:s31], $0x1000  }
0x7c: {  	[sflag:s31] =	ssyncset.done $0x0  }
0x7d: {  	s16 =	sadd.s32 s5, s12;
	[sflag:s31] =	ssyncadd.s32 $0xFFFFF000  }
0x7e: {  	[tilespmem:s17], [sflag:$0x9] =	stream.linear.gather [hbm4b:s16+s2], $0x100, $0x38;
	[tilespmem:$0x1CAB0] =	vst v63  }
0x7f: {  	_ =	swait.ge [sflag:s18], $0x100  }
0x80: {  	[sflag:s18] =	ssyncset.done $0x0  }
0x81: {  	[sflag:s18] =	ssyncadd.s32 $0xFFFFFF00  }
0x82: {  	[tilespmem:s2], [sflag:$0x1] =	stream.indirect.gather [hbm4b:s4+s19], $0x20, s17, s19, $0xb8;
	[tilespmem:$0x1CAB0] =	vst v63  }
0x83: {  	_ =	swait.ge [sflag:s0], $0x1000  }
0x84: {  	[sflag:s0] =	ssyncset.done $0x0  }
0x85: {  	[sflag:s0] =	ssyncadd.s32 $0xFFFFF000  }
0x86: {  	[spmem:s1] =	stream.indirect.scatter.add.f32 [tilespmem:s23], [sflag:$0x7], $0x20, s3, s19, $0xb8;
	[tilespmem:$0x1CAB0] =	vst v63  }
0x87: {  	_ =	swait.ge [sflag:s6], $0x1000  }
0x88: {  	[sflag:s6] =	ssyncset.done $0x0;
	s15 =	rddreg [dreg:$0x4]  }
0x89: {  	[sflag:s6] =	ssyncadd.s32 $0xFFFFF000;
	s14 =	sadd.s32 s5, s15  }
0x8a: {  	[tilespmem:s20], [sflag:$0x9] =	stream.linear.gather [hbm4b:s14+s2], $0x100, $0x38;
	[tilespmem:$0x1CAB0] =	vst v63  }
0x8b: {  	_ =	swait.ge [sflag:s18], $0x100  }
0x8c: {  	[sflag:s18] =	ssyncset.done $0x0  }
0x8d: {  	[sflag:s18] =	ssyncadd.s32 $0xFFFFFF00  }
0x8e: {  	[tilespmem:s21], [sflag:$0x2] =	stream.indirect.gather [hbm4b:s4+s19], $0x20, s20, s19, $0xb8;
	[tilespmem:$0x1CAB0] =	vst v63  }
0x8f: {  	_ =	swait.ge [sflag:s7], $0x1000  }
0x90: {  	[sflag:s7] =	ssyncset.done $0x0  }
0x91: {  	s10 =	sadd.s32 $0x80, s10;
	[sflag:s7] =	ssyncadd.s32 $0xFFFFF000  }
0x92: {  	[spmem:s1] =	stream.indirect.scatter.add.f32 [tilespmem:s28], [sflag:$0x8], $0x20, s8, s19, $0xb8;
	[tilespmem:$0x1CAB0] =	vst v63  }
0x93: {  	p1 =	sne.s32 s10, $0x3080;
	_ =	swait.ge [sflag:s9], $0x1000  }
.Ltmp0:
0x94: {  	[sflag:s9] =	ssyncset.done $0x0;
	s16 =	rddreg [dreg:$0x3];
	(pc) =	sbr.rel @p1 .LBB2_2-.Ltmp0, $4  }
0x95: {  	[sflag:s9] =	ssyncadd.s32 $0xFFFFF000;
	s5 =	sadd.s32 s5, s16  }
0x96: {  	[tilespmem:s22], [sflag:$0x9] =	stream.linear.gather [hbm4b:s5+s2], $0x100, $0x38;
	[tilespmem:$0x1CAB0] =	vst v63  }
0x97: {  	_ =	swait.ge [sflag:s18], $0x100  }
0x98: {  	[sflag:s18] =	ssyncset.done $0x0  }
0x99: {  	[sflag:s18] =	ssyncadd.s32 $0xFFFFFF00  }
0x9a: {  	[tilespmem:s23], [sflag:$0x3] =	stream.indirect.gather [hbm4b:s4+s19], $0x20, s22, s19, $0xb8;
	[tilespmem:$0x1CAB0] =	vst v63  }
0x9b: {  	_ =	swait.ge [sflag:s24], $0x1000  }
0x9c: {  	[sflag:s24] =	ssyncset.done $0x0  }
0x9d: {  	[sflag:s24] =	ssyncadd.s32 $0xFFFFF000  }
0x9e: {  	[spmem:s1] =	stream.indirect.scatter.add.f32 [tilespmem:s2], [sflag:$0x5], $0x20, s25, s19, $0xb8;
	[tilespmem:$0x1CAB0] =	vst v63  }
0x9f: {  	_ =	swait.ge [sflag:s29], $0x1000  }
0xa0: {  	[sflag:s29] =	ssyncset.done $0x0  }
0xa1: {  	[sflag:s29] =	ssyncadd.s32 $0xFFFFF000  }
0xa2: {  	[spmem:s1] =	stream.indirect.scatter.add.f32 [tilespmem:s21], [sflag:$0x6], $0x20, s30, s19, $0xb8;
	[tilespmem:$0x1CAB0] =	vst v63  }
0xa3: {  	_ =	swait.ge [sflag:s0], $0x1000  }
0xa4: {  	[sflag:s0] =	ssyncset.done $0x0  }
0xa5: {  	[sflag:s0] =	ssyncadd.s32 $0xFFFFF000  }
0xa6: {  	[spmem:s1] =	stream.indirect.scatter.add.f32 [tilespmem:s23], [sflag:$0x7], $0x20, s3, s19, $0xb8;
	[tilespmem:$0x1CAB0] =	vst v63  }
0xa7: {  	_ =	swait.ge [sflag:s31], $0x1000  }
0xa8: {  	[sflag:s31] =	ssyncset.done $0x0  }
0xa9: {  	[sflag:s31] =	ssyncadd.s32 $0xFFFFF000  }
0xaa: {  	_ =	swait.ge [sflag:s6], $0x1000  }
0xab: {  	[sflag:s6] =	ssyncset.done $0x0  }
0xac: {  	[sflag:s6] =	ssyncadd.s32 $0xFFFFF000  }
0xad: {  	_ =	swait.ge [sflag:s9], $0x1000  }
0xae: {  	[sflag:s9] =	ssyncset.done $0x0  }
0xaf: {  	s5 =	simm.s32 $0x8;
	[sflag:s9] =	ssyncadd.s32 $0xFFFFF000  }
0xb0: {  	_ =	swait.ge [sflag:s5], $0x1000  }
0xb1: {  	[sflag:s5] =	ssyncset.done $0x0  }
0xb2: {  	[sflag:s5] =	ssyncadd.s32 $0xFFFFF000  }
0xb3: {  	[bflag:$0x0] =	sbarrier.arrive $0xFFFF  }
0xb4: {  	s10 =	rddreg [dreg:$0xa]  }
0xb5: {  	s5 =	simm.s32 @p0 $0x1FC9;
	s14 =	rddreg [dreg:$0xe]  }
0xb6: {  	[hbm:s10], [sflag:s5] =	dma.local @p0 [spmem:s14], $0x3020  }
0xb7: {  	s5 =	simm.s32 @p0 $0x9  }
0xb8: {  	_ =	swait.ge @p0 [sflag:s5], $0x3020  }
0xb9: {  	s15 =	rddreg [dreg:$0xc]  }
0xba: {  	[sflag:s5] =	ssyncset.done @p0 $0x0;
	s16 =	rddreg [dreg:$0xd]  }
0xbb: {  	[sflag:s5] =	ssyncadd.s32 @p0 $0xFFFFCFE0;
	s5 =	rddreg [dreg:$0x9]  }
0xbc: {  	[hbm:s5], [sflag:s15] =	dma.local @!p0 [spmem:s16], $0x30E0  }
0xbd: {  	s5 =	simm.s32 @!p0 $0x9  }
0xbe: {  	_ =	swait.ge @!p0 [sflag:s5], $0x30E0  }
0xbf: {  	s11 =	sadd.s32 $0x1, s11;
	s10 =	rddreg [dreg:$0xb]  }
0xc0: {  	p1 =	sne.s32 s11, s10  }
.Ltmp1:
0xc1: {  	_ = 	snop;
	(pc) =	sbr.rel @p1 .LBB2_1-.Ltmp1, $3  }
0xc2: {  	_ =	sdelay $0x1  }
0xc3: {  	[sflag:s5] =	ssyncset.done @!p0 $0x0  }
0xc4: {  	[sflag:s5] =	ssyncadd.s32 @!p0 $0xFFFFCF20  }
0xc5: {  	_ =	sfence.sel $0x180000  }
0xc6: {  	[bflag:$0x0] =	sbarrier.arrive $0xFFFF  }
0xc7: {  	_ =	strace $0x90000047  }
0xc8: {  	s0 =	stileid.u32;
	[bflag:$0x2] =	sbarrier.arrive $0xFFFF  }
0xc9: {  	p0 =	sne.s32 s0, $0x0;
	s0 =	rddreg [dreg:$0x2]  }
0xca: {  	s0 =	sadd.s32 @!p0 $0x100000, s0  }
0xcb: {  	[sflag:s0] =	ssyncadd.tile.s32 @!p0 $0x1;
	_ =	shalt  }
.Lfunc_end2:
_tile_overlayer_lowered:
.L_overlay_start_2:
0xcc: {  	(tag) =	ssettag $0x2  }
0xcd: {  	s0 =	rddreg [dreg:$0x0];
	s2 =	stileid.u32  }
0xce: {  	s1 =	rddreg [dreg:$0x1];
	p0 =	sne.s32 s2, $0x0  }
0xcf: {  	s3 =	rddreg [dreg:$0x2];
	[bflag:$0x3] =	sbarrier.arrive $0xFFFF;
	s2 =	simm.s32 @!p0 $0x1C09  }
0xd0: {  	[timem:s3], [sflag:s2] =	dma.local @!p0 [hbm:s0], s1  }
0xd1: {  	s0 =	simm.s32 @!p0 $0x9  }
0xd2: {  	_ =	swait.ge @!p0 [sflag:s0], s1  }
0xd3: {  	s1 =	ssub.s32 @!p0 $0x0, s1;
	[sflag:s0] =	ssyncset.done @!p0 $0x0  }
0xd4: {  	[sflag:s0] =	ssyncadd.s32 @!p0 s1  }
0xd5: {  	[bflag:$0x3] =	sbarrier.arrive $0xFFFF  }
0xd6: {  	_ =	shalt  }

// kernel: kernel.16.cloned.1.call-start
scs
__scs_entry_jumppad:
0x0: {  	(pc) =	sbr.rel $0x88, $3  }
0x1: {  	(tag) =	ssettag $0x0;
	lr =	simm.s32 $0x1  }
0x2: {  	[smem:$0x3F96] =	sst lr;
	_ =	strace $0xD0000000  }
0x3: {  	_ = 	snop  }
0x4: {  	_ = 	snop  }
0x5: {  	_ = 	snop  }
0x6: {  	_ = 	snop  }
0x7: {  	_ = 	snop  }
__scs_overlays_trampoline_lowered:
0x8: {  	[smem:$0x3FA5] =	sst s0  }
0x9: {  	[smem:$0x3FA6] =	sst s1  }
0xa: {  	[smem:$0x3FA7] =	sst s2  }
0xb: {  	[smem:$0x3FA8] =	sst s3  }
0xc: {  	[smem:$0x3FA9] =	sst s4  }
0xd: {  	[smem:$0x3FAA] =	sst s5  }
0xe: {  	[smem:$0x3FAB] =	sst s6  }
0xf: {  	[smem:$0x3FAC] =	sst s7  }
0x10: {  	[smem:$0x3FAD] =	sst s8  }
0x11: {  	[smem:$0x3FAE] =	sst s9;
	s0 =	simm.s32 @!p0 $0x0  }
0x12: {  	s1 =	sld [smem:$0x3F94];
	s0 =	simm.s32 @p0 $0x1  }
0x13: {  	[smem:$0x3FAF] =	sst s0;
	s0 =	simm.s32 @!p1 $0x0  }
0x14: {  	s2 =	sld [smem:$0x3F93];
	s0 =	simm.s32 @p1 $0x1  }
0x15: {  	[smem:$0x3FB0] =	sst s0;
	s0 =	simm.s32 @!p2 $0x0  }
0x16: {  	s3 =	sld [smem:$0x3FDB];
	s0 =	simm.s32 @p2 $0x1  }
0x17: {  	s4 =	simm.s32 $0x1BF5;
	[smem:$0x3FB2] =	sst s0  }
0x18: {  	s0 =	sld [smem:$0x3F95];
	_ =	swait.ge [sflag:s4], $0x0  }
0x19: {  	s7 =	sld [smem:$0x3F96]  }
0x1a: {  	s8 =	sadd.s32 $0xFFFFE003, lr  }
0x1b: {  	s9 =	sadd.s32 $0xFFFFFEF7, lr;
	s5 =	simm.s32 $0xFFFFFFFF;
	p2 =	slt.u32 s8, $0xFFFFF086  }
0x1c: {  	p1 =	slt.u32 s9, $0xF7A;
	s5 =	simm.s32 @!p2 $0x0  }
0x1d: {  	s5 =	simm.s32 @p1 $0x1;
	p0 =	seq.s32 s7, s2  }
0x1e: {  	s7 =	smul.u32 @!p0 $0xF7A, s2;
	p2 =	seq.s32 @!p0 s5, $0x0  }
0x1f: {  	s9 =	smul.u32 $0xF7A, s1;
	s8 =	simm.s32 @!p0 $0x1BF5;
	p2 =	por !p2, p0  }
0x20: {  	[sflag:s8] =	ssyncset.s32 @!p0 $0xFFFFF086;
	s6 =	sadd.s32 @!p0 s3, s7;
	s7 =	simm.s32 @!p0 $0x108  }
0x21: {  	s3 =	sadd.s32 s3, s9;
	s6 =	sadd.s32 @!p0 $0x88, s6;
	s7 =	simm.s32 @p2 $0x1082  }
0x22: {  	[simem:s7], [sflag:s8] =	dma.local @!p0 [hbm:s6], $0xF7A  }
0x23: {  	s9 =	sor.u32 $0xD0000000, s2;
	s6 =	simm.s32 $0x108;
	_ =	swait.ge @!p0 [sflag:s8], $0x0  }
0x24: {  	s3 =	sadd.s32 $0x88, s3;
	s6 =	simm.s32 @!p1 $0x1082;
	[sflag:s4] =	ssyncset.s32 $0xFFFFF086  }
0x25: {  	[simem:s6], [sflag:s4] =	dma.local [hbm:s3], $0xF7A  }
0x26: {  	[smem:$0x3F96] =	sst s1;
	(tag) =	ssettag s2;
	_ =	strace s9  }
0x27: {  	s1 =	sld [smem:$0x3FA6]  }
0x28: {  	s2 =	sld [smem:$0x3FA7]  }
0x29: {  	s4 =	sld [smem:$0x3FA9]  }
0x2a: {  	p0 =	seq.s32 s5, $0x0;
	s5 =	sld [smem:$0x3FAA]  }
0x2b: {  	s6 =	sld [smem:$0x3FAB]  }
0x2c: {  	s7 =	sld [smem:$0x3FAC]  }
0x2d: {  	s3 =	simm.s32 $0x108;
	s8 =	sld [smem:$0x3FAD]  }
0x2e: {  	s3 =	simm.s32 @!p0 $0x1082;
	s9 =	sld [smem:$0x3FAE]  }
0x2f: {  	lr =	sadd.s32 s0, s3;
	s0 =	sld [smem:$0x3FA5]  }
0x30: {  	s3 =	sld [smem:$0x3FA8]  }
0x31: {  	[smem:$0x3FB1] =	sst s10  }
0x32: {  	s10 =	sld [smem:$0x3FAF];
	_ =	sdelay $0x3  }
0x33: {  	p0 =	seq.s32 s10, $0x1;
	s10 =	sld [smem:$0x3FB1];
	_ =	sdelay $0x3  }
0x34: {  	[smem:$0x3FB1] =	sst s10  }
0x35: {  	s10 =	sld [smem:$0x3FB0];
	_ =	sdelay $0x3  }
0x36: {  	p1 =	seq.s32 s10, $0x1;
	s10 =	sld [smem:$0x3FB1];
	_ =	sdelay $0x3  }
0x37: {  	[smem:$0x3FB1] =	sst s10  }
0x38: {  	s10 =	sld [smem:$0x3FB2]  }
0x39: {  	_ = 	snop;
	(pc) =	sbr.ind lr, $3  }
0x3a: {  	_ = 	snop  }
0x3b: {  	_ = 	snop  }
0x3c: {  	p2 =	seq.s32 s10, $0x1;
	s10 =	sld [smem:$0x3FB1]  }
0x3d: {  	_ =	shalt  }
0x3e: {  	_ =	shalt  }
0x3f: {  	_ =	shalt  }
0x40: {  	_ =	shalt  }
0x41: {  	_ =	shalt  }
0x42: {  	_ =	shalt  }
0x43: {  	_ =	shalt  }
0x44: {  	_ =	shalt  }
0x45: {  	_ =	shalt  }
0x46: {  	_ =	shalt  }
0x47: {  	_ =	shalt  }
0x48: {  	_ =	shalt  }
0x49: {  	_ =	shalt  }
0x4a: {  	_ =	shalt  }
0x4b: {  	_ =	shalt  }
0x4c: {  	_ =	shalt  }
0x4d: {  	_ =	shalt  }
0x4e: {  	_ =	shalt  }
0x4f: {  	_ =	shalt  }
0x50: {  	_ =	shalt  }
0x51: {  	_ =	shalt  }
0x52: {  	_ =	shalt  }
0x53: {  	_ =	shalt  }
0x54: {  	_ =	shalt  }
0x55: {  	_ =	shalt  }
0x56: {  	_ =	shalt  }
0x57: {  	_ =	shalt  }
0x58: {  	_ =	shalt  }
0x59: {  	_ =	shalt  }
0x5a: {  	_ =	shalt  }
0x5b: {  	_ =	shalt  }
0x5c: {  	_ =	shalt  }
0x5d: {  	_ =	shalt  }
0x5e: {  	_ =	shalt  }
0x5f: {  	_ =	shalt  }
0x60: {  	_ =	shalt  }
0x61: {  	_ =	shalt  }
0x62: {  	_ =	shalt  }
0x63: {  	_ =	shalt  }
0x64: {  	_ =	shalt  }
0x65: {  	_ =	shalt  }
0x66: {  	_ =	shalt  }
0x67: {  	_ =	shalt  }
0x68: {  	_ =	shalt  }
0x69: {  	_ =	shalt  }
0x6a: {  	_ =	shalt  }
0x6b: {  	_ =	shalt  }
0x6c: {  	_ =	shalt  }
0x6d: {  	_ =	shalt  }
0x6e: {  	_ =	shalt  }
0x6f: {  	_ =	shalt  }
0x70: {  	_ =	shalt  }
0x71: {  	_ =	shalt  }
0x72: {  	_ =	shalt  }
0x73: {  	_ =	shalt  }
0x74: {  	_ =	shalt  }
0x75: {  	_ =	shalt  }
0x76: {  	_ =	shalt  }
0x77: {  	_ =	shalt  }
0x78: {  	_ =	shalt  }
0x79: {  	_ =	shalt  }
0x7a: {  	_ =	shalt  }
0x7b: {  	_ =	shalt  }
0x7c: {  	_ =	shalt  }
0x7d: {  	_ =	shalt  }
0x7e: {  	_ =	shalt  }
0x7f: {  	_ =	shalt  }
0x80: {  	_ =	shalt  }
0x81: {  	_ =	shalt  }
0x82: {  	_ =	shalt  }
0x83: {  	_ =	shalt  }
0x84: {  	_ =	shalt  }
0x85: {  	_ =	shalt  }
0x86: {  	_ =	shalt  }
0x87: {  	_ =	shalt  }
.Lfunc_end0:
.L_simem_size_0:
called_computation.2_lowered:
.L_overlay_start_0:
0x88: {  	s2 =	sld [smem:$0x3FD9]  }
0x89: {  	s3 =	sld [smem:$0x3FFE];
	_ =	sdelay $0x1  }
0x8a: {  	s1 =	srdreg.scid  }
0x8b: {  	s0 =	sand.u32 $0x1, s1  }
0x8c: {  	s15 =	sshll.u32 s0, $0xA;
	s2 =	sadd.s32 s3, s2  }
0x8d: {  	s2 =	sadd.s32 s2, s15  }
0x8e: {  	[smem:$0x3FBD] =	sst s2  }
0x8f: {  	_ = 	snop  }
0x90: {  	s16 =	sld [smem:$0x3FD0];
	_ =	sdelay $0x2  }
0x91: {  	s4 =	simm.s32 $0xB;
	s5 =	simm.s32 $0x10;
	s2 =	sld [smem:$0x3FC0]  }
0x92: {  	[smem:s5], [sflag:s4] =	dma.local [hbm:s16], $0x1  }
0x93: {  	_ =	swait.eq [sflag:s4], $0x1  }
0x94: {  	[sflag:s4] =	ssyncset.done $0x0  }
0x95: {  	[sflag:s4] =	ssyncadd.s32 $0xFFFFFFFF  }
0x96: {  	s17 =	sld [smem:$0x10];
	(tm) =	ssettm $0x1  }
0x97: {  	s18 =	sld [smem:$0x3FFB];
	_ =	sdelay $0x3  }
0x98: {  	_ =	strace s18  }
0x99: {  	s3 =	sld [smem:$0x3FFC];
	_ =	sdelay $0x3  }
0x9a: {  	_ =	strace s3  }
0x9b: {  	s3 =	sld [smem:$0x3FFD];
	_ =	sdelay $0x3  }
0x9c: {  	_ =	strace s3  }
0x9d: {  	_ =	strace $0x8FFFFFFF  }
0x9e: {  	s19 =	sld [smem:$0x3FDB];
	_ =	sdelay $0x1  }
0x9f: {  	s20 =	simm.s32 $_scs_section_size  }
0xa0: {  	s6 =	simm.s32 $_size__tile_overlayer_lowered;
	s7 =	simm.s32 $_tile_overlayer_lowered  }
0xa1: {  	s8 =	simm.s32 $0x1BFF;
	s21 =	sshll.u32 s7, $0x1;
	s5 =	sadd.s32 s20, s19  }
0xa2: {  	s22 =	simm.s32 $0x0;
	s6 =	sshll.u32 s6, $0x1;
	s7 =	sadd.s32 s21, s5  }
0xa3: {  	[timem:s22], [sflag:s8] =	dma.local [hbm:s7], s6  }
0xa4: {  	_ =	swait.ge [sflag:s8], s6  }
0xa5: {  	s6 =	ssub.s32 $0x0, s6;
	[sflag:s8] =	ssyncset.done $0x0  }
0xa6: {  	[sflag:s8] =	ssyncadd.s32 s6;
	_ =	sdelay $0x1  }
0xa7: {  	s23 =	simm.s32 $0x1B8B  }
0xa8: {  	_ =	swait.ge [sflag:s23], $0x1  }
0xa9: {  	[sflag:s23] =	ssyncset.done $0x0  }
0xaa: {  	[sflag:s23] =	ssyncadd.s32 $0xFFFFFFFF  }
0xab: {  	s6 =	sld [smem:$0x0]  }
0xac: {  	s7 =	sand.u32 $0xFFFFFFFE, s1  }
0xad: {  	p0 =	sne.s32 s1, s7  }
0xae: {  	s7 =	sshll.u32 @p0 s7, $0xE  }
0xaf: {  	s7 =	sadd.s32 @p0 $0x11B8D, s7;
	s8 =	sshll.u32 @p0 s6, $0x11  }
0xb0: {  	s7 =	sor.u32 @p0 s8, s7  }
0xb1: {  	[sflag:s7] =	ssyncadd.remote.s32 @p0 $0x1;
	_ =	sdelay $0x1  }
0xb2: {  	s7 =	simm.s32 @p0 $0x1B8D  }
0xb3: {  	_ =	swait.eq @p0 [sflag:s7], $0x1  }
0xb4: {  	[sflag:s7] =	ssyncadd.s32 @p0 $0xFFFFFFFF  }
0xb5: {  	s8 =	sshll.u32 @!p0 s1, $0xE  }
0xb6: {  	s8 =	sor.u32 @!p0 $0x4000, s8;
	s7 =	simm.s32 @!p0 $0x1B8D  }
0xb7: {  	s6 =	sshll.u32 @!p0 s6, $0x11;
	s8 =	sadd.s32 @!p0 $0x11B8D, s8;
	_ =	swait.eq @!p0 [sflag:s7], $0x1  }
0xb8: {  	s6 =	sor.u32 @!p0 s6, s8;
	[sflag:s7] =	ssyncadd.s32 @!p0 $0xFFFFFFFF  }
0xb9: {  	s25 =	simm.s32 $0x1B8E;
	s24 =	sld [smem:$0x3FFE];
	[sflag:s6] =	ssyncadd.remote.s32 @!p0 $0x1  }
0xba: {  	s26 =	simm.s32 $execute0_lowered;
	[smem:$0x3FD2] =	sst s25  }
0xbb: {  	s7 =	sshll.u32 s26, $0x1;
	_ =	strace $0x8000004F;
	[dreg:$0x1] =	wrdreg $0xFFFFFFFF  }
0xbc: {  	s28 =	simm.s32 $_size_execute0_lowered;
	s5 =	sadd.s32 s5, s7;
	[dreg:$0x0] =	wrdreg $0x0  }
0xbd: {  	s7 =	sshll.u32 s28, $0x1;
	[dreg:$0x2] =	wrdreg s5  }
0xbe: {  	[dreg:$0x3] =	wrdreg s7  }
0xbf: {  	[dreg:$0x4] =	wrdreg $0xC0  }
0xc0: {  	_ =	task [dreg:s22], $0x5FFFF  }
0xc1: {  	[dreg:$0x1] =	wrdreg $0xFFFFFFFF  }
0xc2: {  	[dreg:$0x0] =	wrdreg $0x60  }
0xc3: {  	[dreg:$0x2] =	wrdreg s24  }
0xc4: {  	[dreg:$0x3] =	wrdreg s2  }
0xc5: {  	[dreg:$0x4] =	wrdreg s17  }
0xc6: {  	[dreg:$0x5] =	wrdreg $0x41000  }
0xc7: {  	[dreg:$0x6] =	wrdreg $0x9  }
0xc8: {  	_ =	task.clear_ibuf [dreg:s22], $0x7FFFF;
	_ =	strace $0x9000004F  }
0xc9: {  	s29 =	simm.s32 $0x9;
	_ =	strace $0x80000051  }
0xca: {  	_ =	swait.ge [sflag:s29], $0x1  }
0xcb: {  	[sflag:s29] =	ssyncadd.s32 $0xFFFFFFFF  }
0xcc: {  	_ =	strace $0x90000051  }
0xcd: {  	_ =	sfence  }
0xce: {  	s30 =	sld [smem:$0x0];
	_ =	sdelay $0x2  }
0xcf: {  	s31 =	sshll.u32 s1, $0xD;
	s1 =	sshrl.u32 s1, $0x2  }
0xd0: {  	s4 =	sand.u32 $0x4000, s31;
	s1 =	sadd.s32 s1, s30  }
0xd1: {  	s0 =	sor.u32 s4, s0;
	s1 =	sshll.u32 s1, $0x11  }
0xd2: {  	s0 =	sor.u32 s1, s0  }
0xd3: {  	s0 =	sadd.s32 $0x8F2B, s0  }
0xd4: {  	[sflag:s0] =	ssyncadd.remote.s32 $0x1  }
0xd5: {  	_ =	sfence.sel $0xFFFF  }
0xd6: {  	[dreg:$0x0] =	wrdreg $0xFFFFFFFF;
	(pc) =	sbr.abs _section_cstart, $3  }
0xd7: {  	[dreg:$0x1] =	wrdreg $0xFFFFFFFF  }
0xd8: {  	_ =	task.clear_ibuf [dreg:s22], $0x2FFFF;
	_ =	strace $0x9FFFFFFF  }
0xd9: {  	(tm) =	ssettm $0x7FFFFFFF  }
tec
execute0_lowered:
.L_overlay_start_1:
0x0: {  	(tag) =	ssettag $0x1  }
0x1: {  	s7 =	rddreg [dreg:$0x0]  }
0x2: {  	s8 =	rddreg [dreg:$0x1]  }
0x3: {  	s1 =	rddreg [dreg:$0x2]  }
0x4: {  	s2 =	rddreg [dreg:$0x3];
	s3 =	simm.s32 $0x0  }
0x5: {  	s4 =	srdreg.scid;
	s0 =	stileid.u32;
	s18 =	simm.s32 $0x4000  }
0x6: {  	s19 =	simm.s32 $0x3;
	s20 =	simm.s32 $0x4080;
	s21 =	simm.s32 $0x4  }
0x7: {  	s28 =	simm.s32 $0x0;
	[smem:$0x7FF] =	sst s3;
	s9 =	sand.u32 $0x1, s4  }
0x8: {  	s5 =	sadd.s32 $0x55CC00, s7;
	s12 =	smul.u32 $0x14000, s0;
	s4 =	sadd.s32 $0xE4200, s7  }
0x9: {  	s13 =	sadd.s32 $0x5000, s7;
	s22 =	sshll.u32 s0, $0x1;
	s26 =	smul.u32 $0xA00, s0  }
0xa: {  	s15 =	sadd.s32 $0x4B000, s2;
	s29 =	sshll.u32 s0, $0x4;
	s16 =	sshll.u32 s0, $0xA  }
0xb: {  	s6 =	sadd.s32 $0x1860, s8;
	_ =	strace $0x80000050;
	s24 =	smul.u32 $0x9C80, s9  }
0xc: {  	s10 =	ssub.s32 $0x2, s9;
	s25 =	sor.u32 s9, s22;
	s14 =	smul.u32 $0x4E400, s9  }
0xd: {  	s7 =	sadd.s32 s8, s29;
	p0 =	seq.s32 s9, $0x1;
	[dreg:$0x6] =	wrdreg s6  }
0xe: {  	[dreg:$0x5] =	wrdreg s4;
	s22 =	simm.s32 $0x2000;
	s11 =	sshrl.u32 s10, $0x1  }
0xf: {  	s23 =	sshrl.u32 s12, $0x2;
	s12 =	smov.u32 s5;
	p2 =	seq.s32 s25, $0x0  }
0x10: {  	p3 =	sne.s32 s25, $0x1;
	s25 =	simm.s32 $0x2;
	s11 =	ssub.s32 s10, s11  }
0x11: {  	s17 =	sadd.s32 s23, s2;
	s30 =	sadd.s32 s26, s24;
	s31 =	sshrl.u32 s14, $0x3  }
0x12: {  	s12 =	smov.u32 @p0 s4;
	s24 =	sor.u32 $0x180, s0;
	p0 =	seq.s32 s0, $0xF  }
.Ltmp0:
0x13: {  	s14 =	sor.u32 $0x20, s0;
	s23 =	simm.s32 $0x1;
	(pc) =	sbr.rel .LBB2_1-.Ltmp0, $4  }
0x14: {  	s9 =	sadd.s32 s13, s30;
	s10 =	sadd.s32 s13, s31;
	s11 =	smax.u32 s11, $0x1  }
0x15: {  	s12 =	sadd.s32 s12, s16;
	s13 =	sadd.s32 $0x100, s7;
	s15 =	sshrl.u32 @p0 s15, $0x3  }
0x16: {  	s16 =	sshll.u32 @!p0 s0, $0x6;
	s17 =	sshrl.u32 @!p0 s17, $0x3;
	p1 =	sgt.u32 s24, $0x185  }
0x17: {  	s24 =	simm.s32 $0x80;
	s10 =	sadd.s32 $0x9600, s10;
	s16 =	sor.u32 @!p0 $0x1C03, s16  }
.LBB2_5:
0x18: {  	s29 =	rddreg [dreg:$0x5]  }
.LBB2_6:
0x19: {  	s0 =	sadd.s32 $0x61800, s29  }
0x1a: {  	[tilespmem:s3], [sflag:$0x3] =	stream.linear.gather [hbm4b:s0+s3], $0x1400, $0x38;
	[tilespmem:$0x8F40] =	vst v63  }
0x1b: {  	_ =	swait.ge [sflag:s19], $0x1400  }
0x1c: {  	[sflag:s19] =	ssyncset.done $0x0  }
0x1d: {  	s30 =	rddreg [dreg:$0x6];
	[sflag:s19] =	ssyncadd.s32 $0xFFFFEC00  }
0x1e: {  	[tilespmem:s18], [sflag:$0x3] =	stream.linear.gather [hbm4b:s30+s3], $0x50, $0x38;
	[tilespmem:$0x8F40] =	vst v63  }
0x1f: {  	_ =	swait.ge [sflag:s19], $0x50  }
0x20: {  	[sflag:s19] =	ssyncset.done $0x0  }
0x21: {  	s31 =	simm.s32 $0x50;
	[sflag:s19] =	ssyncadd.s32 $0xFFFFFFB0  }
0x22: {  	[spmem:s2] =	stream.indirect.scatter.add.f32 [tilespmem:s3], [sflag:$0x3], $0x40, s18, s31, $0xb8;
	[tilespmem:$0x8F40] =	vst v63  }
0x23: {  	_ =	swait.ge [sflag:s19], $0x1400  }
0x24: {  	[sflag:s19] =	ssyncset.done $0x0  }
0x25: {  	[sflag:s19] =	ssyncadd.s32 $0xFFFFEC00  }
.LBB2_7:
0x26: {  	[bflag:$0x0] =	sbarrier.arrive $0xFFFF;
	s0 =	simm.s32 @p0 $0x1FC3  }
0x27: {  	[hbm:s10], [sflag:s0] =	dma.local @p0 [spmem:s15], $0x680  }
0x28: {  	s0 =	simm.s32 @p0 $0x3  }
0x29: {  	s28 =	sadd.s32 $0x1, s28;
	_ =	swait.ge @p0 [sflag:s0], $0x680  }
0x2a: {  	p4 =	sne.s32 s28, s11;
	[sflag:s0] =	ssyncset.done @p0 $0x0  }
.Ltmp1:
0x2b: {  	[sflag:s0] =	ssyncadd.s32 @p0 $0xFFFFF980;
	s0 =	simm.s32 @!p0 $0x3;
	(pc) =	sbr.rel @!p4 .LBB2_8-.Ltmp1, $4  }
0x2c: {  	[hbm:s9], [sflag:s16] =	dma.local @!p0 [spmem:s17], $0xA00  }
0x2d: {  	_ =	swait.ge @!p0 [sflag:s0], $0xA00  }
0x2e: {  	[sflag:s0] =	ssyncset.done @!p0 $0x0  }
0x2f: {  	[sflag:s0] =	ssyncadd.s32 @!p0 $0xFFFFF600  }
.LBB2_1:
0x30: {  	s29 =	simm.s32 @p0 $0x1FC3  }
0x31: {  	[spmem:s15], [sflag:s29] =	dma.local @p0 [hbm:s1], $0x680  }
0x32: {  	s29 =	simm.s32 @p0 $0x3  }
0x33: {  	_ =	swait.ge @p0 [sflag:s29], $0x680  }
0x34: {  	[sflag:s29] =	ssyncset.done @p0 $0x0  }
0x35: {  	[sflag:s29] =	ssyncadd.s32 @p0 $0xFFFFF980;
	s29 =	simm.s32 @!p0 $0x3  }
0x36: {  	[spmem:s17], [sflag:s16] =	dma.local @!p0 [hbm:s1], $0xA00  }
0x37: {  	_ =	swait.ge @!p0 [sflag:s29], $0xA00  }
0x38: {  	[sflag:s29] =	ssyncset.done @!p0 $0x0  }
0x39: {  	[sflag:s29] =	ssyncadd.s32 @!p0 $0xFFFFF600  }
0x3a: {  	[bflag:$0x0] =	sbarrier.arrive $0xFFFF  }
0x3b: {  	[tilespmem:s18], [sflag:$0x3] =	stream.linear.gather [hbm4b:s7+s3], $0x80, $0x38;
	[tilespmem:$0x8F40] =	vst v63  }
0x3c: {  	_ =	swait.ge [sflag:s19], $0x80  }
0x3d: {  	[sflag:s19] =	ssyncset.done $0x0  }
0x3e: {  	[sflag:s19] =	ssyncadd.s32 $0xFFFFFF80  }
0x3f: {  	[tilespmem:s3], [sflag:$0x1] =	stream.linear.gather [hbm4b:s12+s3], $0x2000, $0x38;
	[tilespmem:$0x8F40] =	vst v63  }
0x40: {  	_ = 	snop  }
0x41: {  	[tilespmem:s20], [sflag:$0x4] =	stream.linear.gather [hbm4b:s13+s3], $0x80, $0x38;
	[tilespmem:$0x8F40] =	vst v63  }
0x42: {  	_ =	swait.ge [sflag:s21], $0x80  }
0x43: {  	s29 =	sadd.s32 $0x0, s12;
	[sflag:s21] =	ssyncset.done $0x0  }
0x44: {  	s29 =	sadd.s32 $0x4000, s29;
	[sflag:s21] =	ssyncadd.s32 $0xFFFFFF80  }
0x45: {  	[tilespmem:s22], [sflag:$0x2] =	stream.linear.gather [hbm4b:s29+s3], $0x2000, $0x38;
	[tilespmem:$0x8F40] =	vst v63  }
0x46: {  	_ =	swait.ge [sflag:s23], $0x2000  }
0x47: {  	[sflag:s23] =	ssyncset.done $0x0  }
0x48: {  	[sflag:s23] =	ssyncadd.s32 $0xFFFFE000  }
0x49: {  	[spmem:s2] =	stream.indirect.scatter.add.f32 [tilespmem:s3], [sflag:$0x4], $0x40, s18, s24, $0xb8;
	[tilespmem:$0x8F40] =	vst v63  }
0x4a: {  	p4 =	sgt.u32 s14, $0x185;
	_ =	swait.ge [sflag:s21], $0x2000  }
0x4b: {  	s30 =	simm.s32 @!p4 $0x0;
	s31 =	simm.s32 @!p4 $0x4000;
	[sflag:s21] =	ssyncset.done $0x0  }
0x4c: {  	s0 =	simm.s32 @!p4 $0x4;
	s29 =	sadd.s32 @!p4 $0x100, s13;
	[sflag:s21] =	ssyncadd.s32 $0xFFFFE000  }
0x4d: {  	[tilespmem:s31], [sflag:$0x4] =	stream.linear.gather @!p4 [hbm4b:s29+s30], $0x80, $0x38;
	[tilespmem:$0x8F40] =	vst v63  }
0x4e: {  	_ =	swait.ge @!p4 [sflag:s0], $0x80  }
0x4f: {  	s29 =	sadd.s32 @!p4 $0x0, s12;
	[sflag:s0] =	ssyncset.done @!p4 $0x0  }
0x50: {  	s29 =	sadd.s32 @!p4 $0x8000, s29;
	[sflag:s0] =	ssyncadd.s32 @!p4 $0xFFFFFF80  }
0x51: {  	[tilespmem:s30], [sflag:$0x1] =	stream.linear.gather @!p4 [hbm4b:s29+s30], $0x2000, $0x38;
	[tilespmem:$0x8F40] =	vst v63  }
0x52: {  	_ =	swait.ge [sflag:s25], $0x2000  }
0x53: {  	[sflag:s25] =	ssyncset.done $0x0  }
0x54: {  	s31 =	smov.u32 s13;
	[sflag:s25] =	ssyncadd.s32 $0xFFFFE000  }
0x55: {  	[spmem:s2] =	stream.indirect.scatter.add.f32 [tilespmem:s22], [sflag:$0x3], $0x40, s20, s24, $0xb8;
	[tilespmem:$0x8F40] =	vst v63  }
0x56: {  	s29 =	simm.s32 $0x8000;
	s30 =	sadd.s32 $0x20, s14;
	_ =	swait.ge [sflag:s19], $0x2000  }
.LBB2_2:
0x57: {  	[sflag:s19] =	ssyncset.done $0x0  }
0x58: {  	s31 =	sadd.s32 $0x200, s31;
	s0 =	smov.u32 s29;
	s29 =	sadd.s32 $0x8000, s29  }
0x59: {  	p4 =	sne.s32 s29, $0x60000;
	[sflag:s19] =	ssyncadd.s32 $0xFFFFE000  }
0x5a: {  	[tilespmem:s20], [sflag:$0x4] =	stream.linear.gather [hbm4b:s31+s3], $0x80, $0x38;
	[tilespmem:$0x8F40] =	vst v63  }
0x5b: {  	s4 =	sadd.s32 s0, s12;
	_ =	swait.ge [sflag:s21], $0x80  }
0x5c: {  	s4 =	sadd.s32 $0x4000, s4;
	[sflag:s21] =	ssyncset.done $0x0  }
0x5d: {  	[sflag:s21] =	ssyncadd.s32 $0xFFFFFF80  }
0x5e: {  	[tilespmem:s22], [sflag:$0x2] =	stream.linear.gather [hbm4b:s4+s3], $0x2000, $0x38;
	[tilespmem:$0x8F40] =	vst v63  }
0x5f: {  	_ =	swait.ge [sflag:s23], $0x2000  }
0x60: {  	[sflag:s23] =	ssyncset.done $0x0  }
0x61: {  	[sflag:s23] =	ssyncadd.s32 $0xFFFFE000  }
0x62: {  	[spmem:s2] =	stream.indirect.scatter.add.f32 [tilespmem:s3], [sflag:$0x4], $0x40, s18, s24, $0xb8;
	[tilespmem:$0x8F40] =	vst v63  }
0x63: {  	p5 =	sgt.u32 s30, $0x185;
	_ =	swait.ge [sflag:s21], $0x2000  }
0x64: {  	s6 =	simm.s32 @!p5 $0x0;
	s4 =	sadd.s32 @!p5 $0x100, s31;
	[sflag:s21] =	ssyncset.done $0x0  }
0x65: {  	s26 =	simm.s32 @!p5 $0x4000;
	s8 =	simm.s32 @!p5 $0x4;
	[sflag:s21] =	ssyncadd.s32 $0xFFFFE000  }
0x66: {  	[tilespmem:s26], [sflag:$0x4] =	stream.linear.gather @!p5 [hbm4b:s4+s6], $0x80, $0x38;
	[tilespmem:$0x8F40] =	vst v63  }
0x67: {  	s0 =	sadd.s32 @!p5 s0, s12;
	_ =	swait.ge @!p5 [sflag:s8], $0x80  }
0x68: {  	s0 =	sadd.s32 @!p5 $0x8000, s0;
	[sflag:s8] =	ssyncset.done @!p5 $0x0  }
0x69: {  	[sflag:s8] =	ssyncadd.s32 @!p5 $0xFFFFFF80  }
0x6a: {  	[tilespmem:s6], [sflag:$0x1] =	stream.linear.gather @!p5 [hbm4b:s0+s6], $0x2000, $0x38;
	[tilespmem:$0x8F40] =	vst v63  }
.Ltmp2:
0x6b: {  	_ =	swait.ge [sflag:s25], $0x2000;
	(pc) =	sbr.rel @p4 .LBB2_2-.Ltmp2, $4  }
0x6c: {  	[sflag:s25] =	ssyncset.done $0x0  }
0x6d: {  	[sflag:s25] =	ssyncadd.s32 $0xFFFFE000  }
0x6e: {  	[spmem:s2] =	stream.indirect.scatter.add.f32 [tilespmem:s22], [sflag:$0x3], $0x40, s20, s24, $0xb8;
	[tilespmem:$0x8F40] =	vst v63  }
0x6f: {  	s30 =	sadd.s32 $0x20, s30;
	_ =	swait.ge [sflag:s19], $0x2000  }
0x70: {  	[sflag:s19] =	ssyncset.done $0x0  }
0x71: {  	s0 =	simm.s32 @!p1 $0x1;
	[sflag:s19] =	ssyncadd.s32 $0xFFFFE000  }
0x72: {  	_ =	swait.ge @!p1 [sflag:s0], $0x2000  }
0x73: {  	s4 =	simm.s32 @!p1 $0x4000;
	[sflag:s0] =	ssyncset.done @!p1 $0x0  }
0x74: {  	s6 =	simm.s32 @!p1 $0x0;
	[sflag:s0] =	ssyncadd.s32 @!p1 $0xFFFFE000;
	s0 =	simm.s32 @!p1 $0x80  }
0x75: {  	[spmem:s2] =	stream.indirect.scatter.add.f32 @!p1 [tilespmem:s6], [sflag:$0x4], $0x40, s4, s0, $0xb8;
	[tilespmem:$0x8F40] =	vst v63  }
.Ltmp3:
0x76: {  	_ = 	snop;
	(pc) =	sbr.rel @p2 .LBB2_6-.Ltmp3, $4  }
0x77: {  	s0 =	simm.s32 @!p1 $0x4  }
0x78: {  	_ =	swait.ge @!p1 [sflag:s0], $0x2000  }
0x79: {  	[sflag:s0] =	ssyncset.done @!p1 $0x0  }
0x7a: {  	s29 =	smov.u32 s5;
	[sflag:s0] =	ssyncadd.s32 @!p1 $0xFFFFE000  }
.Ltmp4:
0x7b: {  	(pc) =	sbr.rel @!p3 .LBB2_5-.Ltmp4, $4  }
.Ltmp5:
0x7c: {  	(pc) =	sbr.rel @p3 .LBB2_7-.Ltmp5, $4  }
0x7d: {  	_ = 	snop  }
0x7e: {  	_ = 	snop  }
0x7f: {  	_ = 	snop  }
0x80: {  	_ = 	snop  }
.LBB2_8:
0x81: {  	_ =	sfence.sel $0x180000  }
0x82: {  	[bflag:$0x0] =	sbarrier.arrive $0xFFFF  }
0x83: {  	_ =	strace $0x90000050  }
0x84: {  	s0 =	stileid.u32;
	[bflag:$0x2] =	sbarrier.arrive $0xFFFF  }
0x85: {  	p0 =	sne.s32 s0, $0x0;
	s0 =	rddreg [dreg:$0x4]  }
0x86: {  	s0 =	sadd.s32 @!p0 $0x100000, s0  }
0x87: {  	[sflag:s0] =	ssyncadd.tile.s32 @!p0 $0x1;
	_ =	shalt  }
.Lfunc_end2:
_tile_overlayer_lowered:
.L_overlay_start_2:
0x88: {  	(tag) =	ssettag $0x2  }
0x89: {  	s0 =	rddreg [dreg:$0x0];
	s2 =	stileid.u32  }
0x8a: {  	s1 =	rddreg [dreg:$0x1];
	p0 =	sne.s32 s2, $0x0  }
0x8b: {  	s3 =	rddreg [dreg:$0x2];
	[bflag:$0x3] =	sbarrier.arrive $0xFFFF;
	s2 =	simm.s32 @!p0 $0x1C03  }
0x8c: {  	[timem:s3], [sflag:s2] =	dma.local @!p0 [hbm:s0], s1  }
0x8d: {  	s0 =	simm.s32 @!p0 $0x3  }
0x8e: {  	_ =	swait.ge @!p0 [sflag:s0], s1  }
0x8f: {  	s1 =	ssub.s32 @!p0 $0x0, s1;
	[sflag:s0] =	ssyncset.done @!p0 $0x0  }
0x90: {  	[sflag:s0] =	ssyncadd.s32 @!p0 s1  }
0x91: {  	[bflag:$0x3] =	sbarrier.arrive $0xFFFF  }
0x92: {  	_ =	shalt  }

// kernel: kernel.19.cloned.1.call-start
scs
__scs_entry_jumppad:
0x0: {  	(pc) =	sbr.rel $0x88, $3  }
0x1: {  	(tag) =	ssettag $0x0;
	lr =	simm.s32 $0x1  }
0x2: {  	[smem:$0x3F96] =	sst lr;
	_ =	strace $0xD0000000  }
0x3: {  	_ = 	snop  }
0x4: {  	_ = 	snop  }
0x5: {  	_ = 	snop  }
0x6: {  	_ = 	snop  }
0x7: {  	_ = 	snop  }
__scs_overlays_trampoline_lowered:
0x8: {  	[smem:$0x3FA5] =	sst s0  }
0x9: {  	[smem:$0x3FA6] =	sst s1  }
0xa: {  	[smem:$0x3FA7] =	sst s2  }
0xb: {  	[smem:$0x3FA8] =	sst s3  }
0xc: {  	[smem:$0x3FA9] =	sst s4  }
0xd: {  	[smem:$0x3FAA] =	sst s5  }
0xe: {  	[smem:$0x3FAB] =	sst s6  }
0xf: {  	[smem:$0x3FAC] =	sst s7  }
0x10: {  	[smem:$0x3FAD] =	sst s8  }
0x11: {  	[smem:$0x3FAE] =	sst s9;
	s0 =	simm.s32 @!p0 $0x0  }
0x12: {  	s1 =	sld [smem:$0x3F94];
	s0 =	simm.s32 @p0 $0x1  }
0x13: {  	[smem:$0x3FAF] =	sst s0;
	s0 =	simm.s32 @!p1 $0x0  }
0x14: {  	s2 =	sld [smem:$0x3F93];
	s0 =	simm.s32 @p1 $0x1  }
0x15: {  	[smem:$0x3FB0] =	sst s0;
	s0 =	simm.s32 @!p2 $0x0  }
0x16: {  	s3 =	sld [smem:$0x3FDB];
	s0 =	simm.s32 @p2 $0x1  }
0x17: {  	s4 =	simm.s32 $0x1BF5;
	[smem:$0x3FB2] =	sst s0  }
0x18: {  	s0 =	sld [smem:$0x3F95];
	_ =	swait.ge [sflag:s4], $0x0  }
0x19: {  	s7 =	sld [smem:$0x3F96]  }
0x1a: {  	s8 =	sadd.s32 $0xFFFFE003, lr  }
0x1b: {  	s9 =	sadd.s32 $0xFFFFFEF7, lr;
	s5 =	simm.s32 $0xFFFFFFFF;
	p2 =	slt.u32 s8, $0xFFFFF086  }
0x1c: {  	p1 =	slt.u32 s9, $0xF7A;
	s5 =	simm.s32 @!p2 $0x0  }
0x1d: {  	s5 =	simm.s32 @p1 $0x1;
	p0 =	seq.s32 s7, s2  }
0x1e: {  	s7 =	smul.u32 @!p0 $0xF7A, s2;
	p2 =	seq.s32 @!p0 s5, $0x0  }
0x1f: {  	s9 =	smul.u32 $0xF7A, s1;
	s8 =	simm.s32 @!p0 $0x1BF5;
	p2 =	por !p2, p0  }
0x20: {  	[sflag:s8] =	ssyncset.s32 @!p0 $0xFFFFF086;
	s6 =	sadd.s32 @!p0 s3, s7;
	s7 =	simm.s32 @!p0 $0x108  }
0x21: {  	s3 =	sadd.s32 s3, s9;
	s6 =	sadd.s32 @!p0 $0x88, s6;
	s7 =	simm.s32 @p2 $0x1082  }
0x22: {  	[simem:s7], [sflag:s8] =	dma.local @!p0 [hbm:s6], $0xF7A  }
0x23: {  	s9 =	sor.u32 $0xD0000000, s2;
	s6 =	simm.s32 $0x108;
	_ =	swait.ge @!p0 [sflag:s8], $0x0  }
0x24: {  	s3 =	sadd.s32 $0x88, s3;
	s6 =	simm.s32 @!p1 $0x1082;
	[sflag:s4] =	ssyncset.s32 $0xFFFFF086  }
0x25: {  	[simem:s6], [sflag:s4] =	dma.local [hbm:s3], $0xF7A  }
0x26: {  	[smem:$0x3F96] =	sst s1;
	(tag) =	ssettag s2;
	_ =	strace s9  }
0x27: {  	s1 =	sld [smem:$0x3FA6]  }
0x28: {  	s2 =	sld [smem:$0x3FA7]  }
0x29: {  	s4 =	sld [smem:$0x3FA9]  }
0x2a: {  	p0 =	seq.s32 s5, $0x0;
	s5 =	sld [smem:$0x3FAA]  }
0x2b: {  	s6 =	sld [smem:$0x3FAB]  }
0x2c: {  	s7 =	sld [smem:$0x3FAC]  }
0x2d: {  	s3 =	simm.s32 $0x108;
	s8 =	sld [smem:$0x3FAD]  }
0x2e: {  	s3 =	simm.s32 @!p0 $0x1082;
	s9 =	sld [smem:$0x3FAE]  }
0x2f: {  	lr =	sadd.s32 s0, s3;
	s0 =	sld [smem:$0x3FA5]  }
0x30: {  	s3 =	sld [smem:$0x3FA8]  }
0x31: {  	[smem:$0x3FB1] =	sst s10  }
0x32: {  	s10 =	sld [smem:$0x3FAF];
	_ =	sdelay $0x3  }
0x33: {  	p0 =	seq.s32 s10, $0x1;
	s10 =	sld [smem:$0x3FB1];
	_ =	sdelay $0x3  }
0x34: {  	[smem:$0x3FB1] =	sst s10  }
0x35: {  	s10 =	sld [smem:$0x3FB0];
	_ =	sdelay $0x3  }
0x36: {  	p1 =	seq.s32 s10, $0x1;
	s10 =	sld [smem:$0x3FB1];
	_ =	sdelay $0x3  }
0x37: {  	[smem:$0x3FB1] =	sst s10  }
0x38: {  	s10 =	sld [smem:$0x3FB2]  }
0x39: {  	_ = 	snop;
	(pc) =	sbr.ind lr, $3  }
0x3a: {  	_ = 	snop  }
0x3b: {  	_ = 	snop  }
0x3c: {  	p2 =	seq.s32 s10, $0x1;
	s10 =	sld [smem:$0x3FB1]  }
0x3d: {  	_ =	shalt  }
0x3e: {  	_ =	shalt  }
0x3f: {  	_ =	shalt  }
0x40: {  	_ =	shalt  }
0x41: {  	_ =	shalt  }
0x42: {  	_ =	shalt  }
0x43: {  	_ =	shalt  }
0x44: {  	_ =	shalt  }
0x45: {  	_ =	shalt  }
0x46: {  	_ =	shalt  }
0x47: {  	_ =	shalt  }
0x48: {  	_ =	shalt  }
0x49: {  	_ =	shalt  }
0x4a: {  	_ =	shalt  }
0x4b: {  	_ =	shalt  }
0x4c: {  	_ =	shalt  }
0x4d: {  	_ =	shalt  }
0x4e: {  	_ =	shalt  }
0x4f: {  	_ =	shalt  }
0x50: {  	_ =	shalt  }
0x51: {  	_ =	shalt  }
0x52: {  	_ =	shalt  }
0x53: {  	_ =	shalt  }
0x54: {  	_ =	shalt  }
0x55: {  	_ =	shalt  }
0x56: {  	_ =	shalt  }
0x57: {  	_ =	shalt  }
0x58: {  	_ =	shalt  }
0x59: {  	_ =	shalt  }
0x5a: {  	_ =	shalt  }
0x5b: {  	_ =	shalt  }
0x5c: {  	_ =	shalt  }
0x5d: {  	_ =	shalt  }
0x5e: {  	_ =	shalt  }
0x5f: {  	_ =	shalt  }
0x60: {  	_ =	shalt  }
0x61: {  	_ =	shalt  }
0x62: {  	_ =	shalt  }
0x63: {  	_ =	shalt  }
0x64: {  	_ =	shalt  }
0x65: {  	_ =	shalt  }
0x66: {  	_ =	shalt  }
0x67: {  	_ =	shalt  }
0x68: {  	_ =	shalt  }
0x69: {  	_ =	shalt  }
0x6a: {  	_ =	shalt  }
0x6b: {  	_ =	shalt  }
0x6c: {  	_ =	shalt  }
0x6d: {  	_ =	shalt  }
0x6e: {  	_ =	shalt  }
0x6f: {  	_ =	shalt  }
0x70: {  	_ =	shalt  }
0x71: {  	_ =	shalt  }
0x72: {  	_ =	shalt  }
0x73: {  	_ =	shalt  }
0x74: {  	_ =	shalt  }
0x75: {  	_ =	shalt  }
0x76: {  	_ =	shalt  }
0x77: {  	_ =	shalt  }
0x78: {  	_ =	shalt  }
0x79: {  	_ =	shalt  }
0x7a: {  	_ =	shalt  }
0x7b: {  	_ =	shalt  }
0x7c: {  	_ =	shalt  }
0x7d: {  	_ =	shalt  }
0x7e: {  	_ =	shalt  }
0x7f: {  	_ =	shalt  }
0x80: {  	_ =	shalt  }
0x81: {  	_ =	shalt  }
0x82: {  	_ =	shalt  }
0x83: {  	_ =	shalt  }
0x84: {  	_ =	shalt  }
0x85: {  	_ =	shalt  }
0x86: {  	_ =	shalt  }
0x87: {  	_ =	shalt  }
.Lfunc_end0:
.L_simem_size_0:
called_computation.3_lowered:
.L_overlay_start_0:
0x88: {  	s2 =	sld [smem:$0x3FD9]  }
0x89: {  	s3 =	sld [smem:$0x3FFE];
	_ =	sdelay $0x1  }
0x8a: {  	s1 =	srdreg.scid  }
0x8b: {  	s0 =	sand.u32 $0x1, s1  }
0x8c: {  	s16 =	sshll.u32 s0, $0xA;
	s2 =	sadd.s32 s3, s2  }
0x8d: {  	s2 =	sadd.s32 s2, s16  }
0x8e: {  	[smem:$0x3FBD] =	sst s2  }
0x8f: {  	_ = 	snop  }
0x90: {  	(tm) =	ssettm $0x1  }
0x91: {  	s17 =	sld [smem:$0x3FFB];
	_ =	sdelay $0x3  }
0x92: {  	_ =	strace s17  }
0x93: {  	s2 =	sld [smem:$0x3FFC];
	_ =	sdelay $0x3  }
0x94: {  	_ =	strace s2  }
0x95: {  	s2 =	sld [smem:$0x3FFD];
	_ =	sdelay $0x3  }
0x96: {  	_ =	strace s2  }
0x97: {  	_ =	strace $0x8FFFFFFF  }
0x98: {  	s18 =	sld [smem:$0x3FDB];
	_ =	sdelay $0x1  }
0x99: {  	s19 =	simm.s32 $_scs_section_size  }
0x9a: {  	s4 =	simm.s32 $_size__tile_overlayer_lowered;
	s5 =	simm.s32 $_tile_overlayer_lowered  }
0x9b: {  	s22 =	simm.s32 $0x1BFF;
	s21 =	sshll.u32 s5, $0x1;
	s2 =	sadd.s32 s19, s18  }
0x9c: {  	s6 =	simm.s32 $0x0;
	s20 =	sshll.u32 s4, $0x1;
	s4 =	sadd.s32 s21, s2  }
0x9d: {  	[timem:s6], [sflag:s22] =	dma.local [hbm:s4], s20  }
0x9e: {  	_ =	swait.ge [sflag:s22], s20  }
0x9f: {  	s3 =	ssub.s32 $0x0, s20;
	[sflag:s22] =	ssyncset.done $0x0  }
0xa0: {  	[sflag:s22] =	ssyncadd.s32 s3;
	_ =	sdelay $0x1  }
0xa1: {  	s23 =	simm.s32 $0x1B8B  }
0xa2: {  	_ =	swait.ge [sflag:s23], $0x1  }
0xa3: {  	[sflag:s23] =	ssyncset.done $0x0  }
0xa4: {  	s25 =	simm.s32 $0x1B8E;
	s24 =	sld [smem:$0x3FFE];
	[sflag:s23] =	ssyncadd.s32 $0xFFFFFFFF  }
0xa5: {  	s26 =	simm.s32 $execute0_lowered;
	[smem:$0x3FD2] =	sst s25  }
0xa6: {  	s4 =	sshll.u32 s26, $0x1;
	_ =	strace $0x8000004C;
	[dreg:$0x1] =	wrdreg $0xFFFFFFFF  }
0xa7: {  	s28 =	simm.s32 $_size_execute0_lowered;
	s2 =	sadd.s32 s2, s4;
	[dreg:$0x0] =	wrdreg $0x0  }
0xa8: {  	s4 =	sshll.u32 s28, $0x1;
	[dreg:$0x2] =	wrdreg s2  }
0xa9: {  	[dreg:$0x3] =	wrdreg s4  }
0xaa: {  	[dreg:$0x4] =	wrdreg $0xC0  }
0xab: {  	_ =	task [dreg:s6], $0x5FFFF  }
0xac: {  	[dreg:$0x1] =	wrdreg $0xFFFFFFFF  }
0xad: {  	[dreg:$0x0] =	wrdreg $0x60  }
0xae: {  	[dreg:$0x2] =	wrdreg s24  }
0xaf: {  	[dreg:$0x3] =	wrdreg $0x44000  }
0xb0: {  	[dreg:$0x4] =	wrdreg $0xA  }
0xb1: {  	_ =	task.clear_ibuf [dreg:s6], $0x5FFFF;
	_ =	strace $0x9000004C  }
0xb2: {  	s29 =	simm.s32 $0xA;
	_ =	strace $0x8000004E  }
0xb3: {  	_ =	swait.ge [sflag:s29], $0x1  }
0xb4: {  	[sflag:s29] =	ssyncadd.s32 $0xFFFFFFFF  }
0xb5: {  	_ =	strace $0x9000004E  }
0xb6: {  	_ =	sfence  }
0xb7: {  	s30 =	sld [smem:$0x0];
	_ =	sdelay $0x2  }
0xb8: {  	s31 =	sshll.u32 s1, $0xD;
	s1 =	sshrl.u32 s1, $0x2  }
0xb9: {  	s3 =	sand.u32 $0x4000, s31;
	s1 =	sadd.s32 s1, s30  }
0xba: {  	s0 =	sor.u32 s3, s0;
	s1 =	sshll.u32 s1, $0x11  }
0xbb: {  	s0 =	sor.u32 s1, s0  }
0xbc: {  	s0 =	sadd.s32 $0x8F2B, s0  }
0xbd: {  	[sflag:s0] =	ssyncadd.remote.s32 $0x1  }
0xbe: {  	_ =	sfence.sel $0xFFFF  }
0xbf: {  	[dreg:$0x0] =	wrdreg $0xFFFFFFFF;
	(pc) =	sbr.abs _section_cstart, $3  }
0xc0: {  	[dreg:$0x1] =	wrdreg $0xFFFFFFFF  }
0xc1: {  	_ =	task.clear_ibuf [dreg:s6], $0x2FFFF;
	_ =	strace $0x9FFFFFFF  }
0xc2: {  	(tm) =	ssettm $0x7FFFFFFF  }
0xc3: {  	_ =	shalt  }
tec
execute0_lowered:
.L_overlay_start_1:
0x0: {  	(tag) =	ssettag $0x1  }
0x1: {  	s0 =	rddreg [dreg:$0x0]  }
0x2: {  	s1 =	rddreg [dreg:$0x1];
	s2 =	simm.s32 $0x0  }
0x3: {  	s3 =	srdreg.scid;
	s15 =	stileid.u32;
	s17 =	simm.s32 $0x4000  }
0x4: {  	s28 =	simm.s32 $0x3000;
	s29 =	simm.s32 $0x2;
	s30 =	simm.s32 $0x4180  }
0x5: {  	s31 =	simm.s32 $0x5;
	[smem:$0x7FF] =	sst s2;
	s3 =	sand.u32 $0x1, s3  }
0x6: {  	s4 =	sadd.s32 $0x20A00, s0;
	s6 =	smul.u32 $0x61C00, s15;
	s7 =	sadd.s32 $0x18C000, s0  }
0x7: {  	s8 =	sadd.s32 $0x1D800, s0;
	s0 =	sadd.s32 $0x82600, s0;
	s12 =	smul.u32 $0x187, s15  }
0x8: {  	s14 =	sadd.s32 $0x16E900, s1;
	s21 =	smul.u32 $0x30E0, s15;
	p0 =	seq.s32 s15, $0xF  }
0x9: {  	_ =	strace $0x8000004D;
	s5 =	sshll.u32 s3, $0x4;
	s11 =	smul.u32 $0x30D40, s3  }
0xa: {  	[dreg:$0x5] =	wrdreg s8;
	s9 =	ssub.s32 $0x2, s3;
	s19 =	smul.u32 $0x1870, s3  }
0xb: {  	s3 =	smul.u32 $0x186A00, s3;
	s14 =	sshrl.u32 @p0 s14, $0x3;
	s5 =	sor.u32 s15, s5  }
0xc: {  	s10 =	sshrl.u32 s9, $0x1;
	s6 =	sshrl.u32 s6, $0x2;
	s18 =	smul.u32 $0x30E0, s5  }
0xd: {  	[dreg:$0xe] =	wrdreg s14;
	s5 =	smul.u32 $0x18700, s5;
	s9 =	ssub.s32 s9, s10  }
0xe: {  	s6 =	sadd.s32 s6, s1;
	s10 =	sadd.s32 s12, s19;
	s3 =	sshrl.u32 s3, $0x3  }
0xf: {  	s19 =	simm.s32 $0x80;
	s22 =	sshll.u32 s10, $0x5;
	s3 =	sadd.s32 s0, s3  }
0x10: {  	s25 =	smax.u32 s9, $0x1;
	s16 =	sshrl.u32 @!p0 s6, $0x3;
	s6 =	simm.s32 $0x6  }
0x11: {  	s9 =	simm.s32 $0x7;
	s5 =	sshrl.u32 s5, $0x3;
	s8 =	sadd.s32 s7, s18  }
0x12: {  	s23 =	sadd.s32 $0x2DD20, s3;
	[dreg:$0xb] =	wrdreg s25;
	s18 =	simm.s32 $0x9  }
0x13: {  	s25 =	simm.s32 $0x4080;
	s3 =	simm.s32 $0x4280;
	[dreg:$0xd] =	wrdreg s16  }
0x14: {  	[dreg:$0x6] =	wrdreg s8;
	s5 =	sadd.s32 s7, s5;
	s8 =	sadd.s32 s21, s11  }
0x15: {  	[dreg:$0xa] =	wrdreg s23;
	s21 =	simm.s32 $0x1000;
	s20 =	sadd.s32 $0x20, s5  }
0x16: {  	s23 =	simm.s32 $0x2000;
	s5 =	sadd.s32 $0x40, s5;
	[dreg:$0x7] =	wrdreg s20  }
0x17: {  	s11 =	simm.s32 $0x0;
	s0 =	sadd.s32 s0, s8;
	[dreg:$0x8] =	wrdreg s5  }
0x18: {  	s8 =	simm.s32 $0x4380;
	s5 =	sadd.s32 s22, s7;
	[dreg:$0x9] =	wrdreg s0  }
0x19: {  	s0 =	sshll.u32 @!p0 s15, $0x6;
	s20 =	simm.s32 $0x4100;
	s22 =	simm.s32 $0x4200  }
0x1a: {  	s7 =	simm.s32 $0x4;
	s24 =	sadd.s32 $0xC0, s5;
	s26 =	sadd.s32 $0xA0, s5  }
0x1b: {  	s12 =	sadd.s32 $0x80, s5;
	s13 =	sadd.s32 $0x60, s5;
	[dreg:$0x3] =	wrdreg s24  }
0x1c: {  	s15 =	sor.u32 @!p0 $0x1C09, s0;
	s0 =	simm.s32 $0x3;
	[dreg:$0x4] =	wrdreg s26  }
0x1d: {  	s24 =	simm.s32 $0x1;
	s26 =	simm.s32 $0x4300;
	[dreg:$0xc] =	wrdreg s15  }
.LBB2_1:
0x1e: {  	s5 =	simm.s32 @p0 $0x1FC9;
	s10 =	rddreg [dreg:$0x5]  }
0x1f: {  	[spmem:s14], [sflag:s5] =	dma.local @p0 [hbm:s10], $0x3020  }
0x20: {  	s5 =	simm.s32 @p0 $0x9  }
0x21: {  	_ =	swait.ge @p0 [sflag:s5], $0x3020  }
0x22: {  	[sflag:s5] =	ssyncset.done @p0 $0x0  }
0x23: {  	[sflag:s5] =	ssyncadd.s32 @p0 $0xFFFFCFE0;
	s5 =	simm.s32 @!p0 $0x9  }
0x24: {  	[spmem:s16], [sflag:s15] =	dma.local @!p0 [hbm:s10], $0x30E0  }
0x25: {  	_ =	swait.ge @!p0 [sflag:s5], $0x30E0  }
0x26: {  	[sflag:s5] =	ssyncset.done @!p0 $0x0  }
0x27: {  	[sflag:s5] =	ssyncadd.s32 @!p0 $0xFFFFCF20  }
0x28: {  	[bflag:$0x0] =	sbarrier.arrive $0xFFFF  }
0x29: {  	s14 =	rddreg [dreg:$0x6]  }
0x2a: {  	[tilespmem:s17], [sflag:$0x9] =	stream.linear.gather [hbm4b:s14+s2], $0x100, $0x38;
	[tilespmem:$0x1CAB0] =	vst v63  }
0x2b: {  	_ =	swait.ge [sflag:s18], $0x100  }
0x2c: {  	[sflag:s18] =	ssyncset.done $0x0  }
0x2d: {  	[sflag:s18] =	ssyncadd.s32 $0xFFFFFF00  }
0x2e: {  	[tilespmem:s2], [sflag:$0x1] =	stream.indirect.gather [hbm4b:s4+s19], $0x20, s17, s19, $0xb8;
	[tilespmem:$0x1CAB0] =	vst v63  }
0x2f: {  	s15 =	rddreg [dreg:$0x7]  }
0x30: {  	[tilespmem:s20], [sflag:$0x9] =	stream.linear.gather [hbm4b:s15+s2], $0x100, $0x38;
	[tilespmem:$0x1CAB0] =	vst v63  }
0x31: {  	_ =	swait.ge [sflag:s18], $0x100  }
0x32: {  	[sflag:s18] =	ssyncset.done $0x0  }
0x33: {  	[sflag:s18] =	ssyncadd.s32 $0xFFFFFF00  }
0x34: {  	[tilespmem:s21], [sflag:$0x2] =	stream.indirect.gather [hbm4b:s4+s19], $0x20, s20, s19, $0xb8;
	[tilespmem:$0x1CAB0] =	vst v63  }
0x35: {  	s16 =	rddreg [dreg:$0x8]  }
0x36: {  	[tilespmem:s22], [sflag:$0x9] =	stream.linear.gather [hbm4b:s16+s2], $0x100, $0x38;
	[tilespmem:$0x1CAB0] =	vst v63  }
0x37: {  	_ =	swait.ge [sflag:s18], $0x100  }
0x38: {  	[sflag:s18] =	ssyncset.done $0x0  }
0x39: {  	[sflag:s18] =	ssyncadd.s32 $0xFFFFFF00  }
0x3a: {  	[tilespmem:s23], [sflag:$0x3] =	stream.indirect.gather [hbm4b:s4+s19], $0x20, s22, s19, $0xb8;
	[tilespmem:$0x1CAB0] =	vst v63  }
0x3b: {  	_ =	swait.ge [sflag:s24], $0x1000  }
0x3c: {  	p1 =	por $0x1, $0x1;
	[sflag:s24] =	ssyncset.done $0x0  }
0x3d: {  	s5 =	simm.s32 @!p1 $0x8;
	[sflag:s24] =	ssyncadd.s32 $0xFFFFF000  }
0x3e: {  	[spmem:s1] =	stream.indirect.scatter.add.f32 [tilespmem:s2], [sflag:$0x5], $0x20, s25, s19, $0xb8;
	[tilespmem:$0x1CAB0] =	vst v63  }
0x3f: {  	_ =	swait.ge @!p1 [sflag:s5], $0x1000  }
0x40: {  	[sflag:s5] =	ssyncset.done @!p1 $0x0  }
0x41: {  	s10 =	sadd.s32 $0x0, s13;
	[sflag:s5] =	ssyncadd.s32 @!p1 $0xFFFFF000  }
0x42: {  	[tilespmem:s26], [sflag:$0x9] =	stream.linear.gather [hbm4b:s10+s2], $0x100, $0x38;
	[tilespmem:$0x1CAB0] =	vst v63  }
0x43: {  	_ =	swait.ge [sflag:s18], $0x100  }
0x44: {  	[sflag:s18] =	ssyncset.done $0x0  }
0x45: {  	[sflag:s18] =	ssyncadd.s32 $0xFFFFFF00  }
0x46: {  	[tilespmem:s28], [sflag:$0x4] =	stream.indirect.gather [hbm4b:s4+s19], $0x20, s26, s19, $0xb8;
	[tilespmem:$0x1CAB0] =	vst v63  }
0x47: {  	_ =	swait.ge [sflag:s29], $0x1000  }
0x48: {  	[sflag:s29] =	ssyncset.done $0x0  }
0x49: {  	[sflag:s29] =	ssyncadd.s32 $0xFFFFF000  }
0x4a: {  	[spmem:s1] =	stream.indirect.scatter.add.f32 [tilespmem:s21], [sflag:$0x6], $0x20, s30, s19, $0xb8;
	[tilespmem:$0x1CAB0] =	vst v63  }
0x4b: {  	_ =	swait.ge [sflag:s31], $0x1000  }
0x4c: {  	[sflag:s31] =	ssyncset.done $0x0  }
0x4d: {  	s14 =	sadd.s32 $0x0, s12;
	[sflag:s31] =	ssyncadd.s32 $0xFFFFF000  }
0x4e: {  	[tilespmem:s17], [sflag:$0x9] =	stream.linear.gather [hbm4b:s14+s2], $0x100, $0x38;
	[tilespmem:$0x1CAB0] =	vst v63  }
0x4f: {  	_ =	swait.ge [sflag:s18], $0x100  }
0x50: {  	[sflag:s18] =	ssyncset.done $0x0  }
0x51: {  	[sflag:s18] =	ssyncadd.s32 $0xFFFFFF00  }
0x52: {  	[tilespmem:s2], [sflag:$0x1] =	stream.indirect.gather [hbm4b:s4+s19], $0x20, s17, s19, $0xb8;
	[tilespmem:$0x1CAB0] =	vst v63  }
0x53: {  	_ =	swait.ge [sflag:s0], $0x1000  }
0x54: {  	[sflag:s0] =	ssyncset.done $0x0  }
0x55: {  	[sflag:s0] =	ssyncadd.s32 $0xFFFFF000  }
0x56: {  	[spmem:s1] =	stream.indirect.scatter.add.f32 [tilespmem:s23], [sflag:$0x7], $0x20, s3, s19, $0xb8;
	[tilespmem:$0x1CAB0] =	vst v63  }
0x57: {  	_ =	swait.ge [sflag:s6], $0x1000  }
0x58: {  	s15 =	rddreg [dreg:$0x4];
	[sflag:s6] =	ssyncset.done $0x0  }
0x59: {  	[sflag:s6] =	ssyncadd.s32 $0xFFFFF000;
	s5 =	sadd.s32 $0x0, s15  }
0x5a: {  	[tilespmem:s20], [sflag:$0x9] =	stream.linear.gather [hbm4b:s5+s2], $0x100, $0x38;
	[tilespmem:$0x1CAB0] =	vst v63  }
0x5b: {  	_ =	swait.ge [sflag:s18], $0x100  }
0x5c: {  	[sflag:s18] =	ssyncset.done $0x0  }
0x5d: {  	[sflag:s18] =	ssyncadd.s32 $0xFFFFFF00  }
0x5e: {  	[tilespmem:s21], [sflag:$0x2] =	stream.indirect.gather [hbm4b:s4+s19], $0x20, s20, s19, $0xb8;
	[tilespmem:$0x1CAB0] =	vst v63  }
0x5f: {  	_ =	swait.ge [sflag:s7], $0x1000  }
0x60: {  	[sflag:s7] =	ssyncset.done $0x0  }
0x61: {  	[sflag:s7] =	ssyncadd.s32 $0xFFFFF000  }
0x62: {  	[spmem:s1] =	stream.indirect.scatter.add.f32 [tilespmem:s28], [sflag:$0x8], $0x20, s8, s19, $0xb8;
	[tilespmem:$0x1CAB0] =	vst v63  }
0x63: {  	_ =	swait.ge [sflag:s9], $0x1000  }
0x64: {  	s16 =	rddreg [dreg:$0x3];
	[sflag:s9] =	ssyncset.done $0x0  }
0x65: {  	[sflag:s9] =	ssyncadd.s32 $0xFFFFF000;
	s5 =	sadd.s32 $0x0, s16  }
0x66: {  	[tilespmem:s22], [sflag:$0x9] =	stream.linear.gather [hbm4b:s5+s2], $0x100, $0x38;
	[tilespmem:$0x1CAB0] =	vst v63  }
0x67: {  	_ =	swait.ge [sflag:s18], $0x100  }
0x68: {  	s10 =	simm.s32 $0x80;
	[sflag:s18] =	ssyncset.done $0x0  }
.LBB2_2:
0x69: {  	[sflag:s18] =	ssyncadd.s32 $0xFFFFFF00  }
0x6a: {  	[tilespmem:s23], [sflag:$0x3] =	stream.indirect.gather [hbm4b:s4+s19], $0x20, s22, s19, $0xb8;
	[tilespmem:$0x1CAB0] =	vst v63  }
0x6b: {  	s5 =	smov.u32 s10;
	_ =	swait.ge [sflag:s24], $0x1000  }
0x6c: {  	p2 =	seq.s32 s5, $0x0;
	[sflag:s24] =	ssyncset.done $0x0  }
0x6d: {  	s14 =	simm.s32 @!p2 $0x8;
	[sflag:s24] =	ssyncadd.s32 $0xFFFFF000  }
0x6e: {  	[spmem:s1] =	stream.indirect.scatter.add.f32 [tilespmem:s2], [sflag:$0x5], $0x20, s25, s19, $0xb8;
	[tilespmem:$0x1CAB0] =	vst v63  }
0x6f: {  	_ =	swait.ge @!p2 [sflag:s14], $0x1000  }
0x70: {  	[sflag:s14] =	ssyncset.done @!p2 $0x0  }
0x71: {  	s15 =	sadd.s32 s5, s13;
	[sflag:s14] =	ssyncadd.s32 @!p2 $0xFFFFF000  }
0x72: {  	[tilespmem:s26], [sflag:$0x9] =	stream.linear.gather [hbm4b:s15+s2], $0x100, $0x38;
	[tilespmem:$0x1CAB0] =	vst v63  }
0x73: {  	_ =	swait.ge [sflag:s18], $0x100  }
0x74: {  	[sflag:s18] =	ssyncset.done $0x0  }
0x75: {  	[sflag:s18] =	ssyncadd.s32 $0xFFFFFF00  }
0x76: {  	[tilespmem:s28], [sflag:$0x4] =	stream.indirect.gather [hbm4b:s4+s19], $0x20, s26, s19, $0xb8;
	[tilespmem:$0x1CAB0] =	vst v63  }
0x77: {  	_ =	swait.ge [sflag:s29], $0x1000  }
0x78: {  	[sflag:s29] =	ssyncset.done $0x0  }
0x79: {  	[sflag:s29] =	ssyncadd.s32 $0xFFFFF000  }
0x7a: {  	[spmem:s1] =	stream.indirect.scatter.add.f32 [tilespmem:s21], [sflag:$0x6], $0x20, s30, s19, $0xb8;
	[tilespmem:$0x1CAB0] =	vst v63  }
0x7b: {  	_ =	swait.ge [sflag:s31], $0x1000  }
0x7c: {  	[sflag:s31] =	ssyncset.done $0x0  }
0x7d: {  	s16 =	sadd.s32 s5, s12;
	[sflag:s31] =	ssyncadd.s32 $0xFFFFF000  }
0x7e: {  	[tilespmem:s17], [sflag:$0x9] =	stream.linear.gather [hbm4b:s16+s2], $0x100, $0x38;
	[tilespmem:$0x1CAB0] =	vst v63  }
0x7f: {  	_ =	swait.ge [sflag:s18], $0x100  }
0x80: {  	[sflag:s18] =	ssyncset.done $0x0  }
0x81: {  	[sflag:s18] =	ssyncadd.s32 $0xFFFFFF00  }
0x82: {  	[tilespmem:s2], [sflag:$0x1] =	stream.indirect.gather [hbm4b:s4+s19], $0x20, s17, s19, $0xb8;
	[tilespmem:$0x1CAB0] =	vst v63  }
0x83: {  	_ =	swait.ge [sflag:s0], $0x1000  }
0x84: {  	[sflag:s0] =	ssyncset.done $0x0  }
0x85: {  	[sflag:s0] =	ssyncadd.s32 $0xFFFFF000  }
0x86: {  	[spmem:s1] =	stream.indirect.scatter.add.f32 [tilespmem:s23], [sflag:$0x7], $0x20, s3, s19, $0xb8;
	[tilespmem:$0x1CAB0] =	vst v63  }
0x87: {  	_ =	swait.ge [sflag:s6], $0x1000  }
0x88: {  	[sflag:s6] =	ssyncset.done $0x0;
	s15 =	rddreg [dreg:$0x4]  }
0x89: {  	[sflag:s6] =	ssyncadd.s32 $0xFFFFF000;
	s14 =	sadd.s32 s5, s15  }
0x8a: {  	[tilespmem:s20], [sflag:$0x9] =	stream.linear.gather [hbm4b:s14+s2], $0x100, $0x38;
	[tilespmem:$0x1CAB0] =	vst v63  }
0x8b: {  	_ =	swait.ge [sflag:s18], $0x100  }
0x8c: {  	[sflag:s18] =	ssyncset.done $0x0  }
0x8d: {  	[sflag:s18] =	ssyncadd.s32 $0xFFFFFF00  }
0x8e: {  	[tilespmem:s21], [sflag:$0x2] =	stream.indirect.gather [hbm4b:s4+s19], $0x20, s20, s19, $0xb8;
	[tilespmem:$0x1CAB0] =	vst v63  }
0x8f: {  	_ =	swait.ge [sflag:s7], $0x1000  }
0x90: {  	[sflag:s7] =	ssyncset.done $0x0  }
0x91: {  	s10 =	sadd.s32 $0x80, s10;
	[sflag:s7] =	ssyncadd.s32 $0xFFFFF000  }
0x92: {  	[spmem:s1] =	stream.indirect.scatter.add.f32 [tilespmem:s28], [sflag:$0x8], $0x20, s8, s19, $0xb8;
	[tilespmem:$0x1CAB0] =	vst v63  }
0x93: {  	p1 =	sne.s32 s10, $0x3080;
	_ =	swait.ge [sflag:s9], $0x1000  }
.Ltmp0:
0x94: {  	[sflag:s9] =	ssyncset.done $0x0;
	s16 =	rddreg [dreg:$0x3];
	(pc) =	sbr.rel @p1 .LBB2_2-.Ltmp0, $4  }
0x95: {  	[sflag:s9] =	ssyncadd.s32 $0xFFFFF000;
	s5 =	sadd.s32 s5, s16  }
0x96: {  	[tilespmem:s22], [sflag:$0x9] =	stream.linear.gather [hbm4b:s5+s2], $0x100, $0x38;
	[tilespmem:$0x1CAB0] =	vst v63  }
0x97: {  	_ =	swait.ge [sflag:s18], $0x100  }
0x98: {  	[sflag:s18] =	ssyncset.done $0x0  }
0x99: {  	[sflag:s18] =	ssyncadd.s32 $0xFFFFFF00  }
0x9a: {  	[tilespmem:s23], [sflag:$0x3] =	stream.indirect.gather [hbm4b:s4+s19], $0x20, s22, s19, $0xb8;
	[tilespmem:$0x1CAB0] =	vst v63  }
0x9b: {  	_ =	swait.ge [sflag:s24], $0x1000  }
0x9c: {  	[sflag:s24] =	ssyncset.done $0x0  }
0x9d: {  	[sflag:s24] =	ssyncadd.s32 $0xFFFFF000  }
0x9e: {  	[spmem:s1] =	stream.indirect.scatter.add.f32 [tilespmem:s2], [sflag:$0x5], $0x20, s25, s19, $0xb8;
	[tilespmem:$0x1CAB0] =	vst v63  }
0x9f: {  	_ =	swait.ge [sflag:s29], $0x1000  }
0xa0: {  	[sflag:s29] =	ssyncset.done $0x0  }
0xa1: {  	[sflag:s29] =	ssyncadd.s32 $0xFFFFF000  }
0xa2: {  	[spmem:s1] =	stream.indirect.scatter.add.f32 [tilespmem:s21], [sflag:$0x6], $0x20, s30, s19, $0xb8;
	[tilespmem:$0x1CAB0] =	vst v63  }
0xa3: {  	_ =	swait.ge [sflag:s0], $0x1000  }
0xa4: {  	[sflag:s0] =	ssyncset.done $0x0  }
0xa5: {  	[sflag:s0] =	ssyncadd.s32 $0xFFFFF000  }
0xa6: {  	[spmem:s1] =	stream.indirect.scatter.add.f32 [tilespmem:s23], [sflag:$0x7], $0x20, s3, s19, $0xb8;
	[tilespmem:$0x1CAB0] =	vst v63  }
0xa7: {  	_ =	swait.ge [sflag:s31], $0x1000  }
0xa8: {  	[sflag:s31] =	ssyncset.done $0x0  }
0xa9: {  	[sflag:s31] =	ssyncadd.s32 $0xFFFFF000  }
0xaa: {  	_ =	swait.ge [sflag:s6], $0x1000  }
0xab: {  	[sflag:s6] =	ssyncset.done $0x0  }
0xac: {  	[sflag:s6] =	ssyncadd.s32 $0xFFFFF000  }
0xad: {  	_ =	swait.ge [sflag:s9], $0x1000  }
0xae: {  	[sflag:s9] =	ssyncset.done $0x0  }
0xaf: {  	s5 =	simm.s32 $0x8;
	[sflag:s9] =	ssyncadd.s32 $0xFFFFF000  }
0xb0: {  	_ =	swait.ge [sflag:s5], $0x1000  }
0xb1: {  	[sflag:s5] =	ssyncset.done $0x0  }
0xb2: {  	[sflag:s5] =	ssyncadd.s32 $0xFFFFF000  }
0xb3: {  	[bflag:$0x0] =	sbarrier.arrive $0xFFFF  }
0xb4: {  	s10 =	rddreg [dreg:$0xa]  }
0xb5: {  	s5 =	simm.s32 @p0 $0x1FC9;
	s14 =	rddreg [dreg:$0xe]  }
0xb6: {  	[hbm:s10], [sflag:s5] =	dma.local @p0 [spmem:s14], $0x3020  }
0xb7: {  	s5 =	simm.s32 @p0 $0x9  }
0xb8: {  	_ =	swait.ge @p0 [sflag:s5], $0x3020  }
0xb9: {  	s15 =	rddreg [dreg:$0xc]  }
0xba: {  	[sflag:s5] =	ssyncset.done @p0 $0x0;
	s16 =	rddreg [dreg:$0xd]  }
0xbb: {  	[sflag:s5] =	ssyncadd.s32 @p0 $0xFFFFCFE0;
	s5 =	rddreg [dreg:$0x9]  }
0xbc: {  	[hbm:s5], [sflag:s15] =	dma.local @!p0 [spmem:s16], $0x30E0  }
0xbd: {  	s5 =	simm.s32 @!p0 $0x9  }
0xbe: {  	_ =	swait.ge @!p0 [sflag:s5], $0x30E0  }
0xbf: {  	s11 =	sadd.s32 $0x1, s11;
	s10 =	rddreg [dreg:$0xb]  }
0xc0: {  	p1 =	sne.s32 s11, s10  }
.Ltmp1:
0xc1: {  	_ = 	snop;
	(pc) =	sbr.rel @p1 .LBB2_1-.Ltmp1, $3  }
0xc2: {  	_ =	sdelay $0x1  }
0xc3: {  	[sflag:s5] =	ssyncset.done @!p0 $0x0  }
0xc4: {  	[sflag:s5] =	ssyncadd.s32 @!p0 $0xFFFFCF20  }
0xc5: {  	_ =	sfence.sel $0x180000  }
0xc6: {  	[bflag:$0x0] =	sbarrier.arrive $0xFFFF  }
0xc7: {  	_ =	strace $0x9000004D  }
0xc8: {  	s0 =	stileid.u32;
	[bflag:$0x2] =	sbarrier.arrive $0xFFFF  }
0xc9: {  	p0 =	sne.s32 s0, $0x0;
	s0 =	rddreg [dreg:$0x2]  }
0xca: {  	s0 =	sadd.s32 @!p0 $0x100000, s0  }
0xcb: {  	[sflag:s0] =	ssyncadd.tile.s32 @!p0 $0x1;
	_ =	shalt  }
.Lfunc_end2:
_tile_overlayer_lowered:
.L_overlay_start_2:
0xcc: {  	(tag) =	ssettag $0x2  }
0xcd: {  	s0 =	rddreg [dreg:$0x0];
	s2 =	stileid.u32  }
0xce: {  	s1 =	rddreg [dreg:$0x1];
	p0 =	sne.s32 s2, $0x0  }
0xcf: {  	s3 =	rddreg [dreg:$0x2];
	[bflag:$0x3] =	sbarrier.arrive $0xFFFF;
	s2 =	simm.s32 @!p0 $0x1C09  }
0xd0: {  	[timem:s3], [sflag:s2] =	dma.local @!p0 [hbm:s0], s1  }
0xd1: {  	s0 =	simm.s32 @!p0 $0x9  }
0xd2: {  	_ =	swait.ge @!p0 [sflag:s0], s1  }
0xd3: {  	s1 =	ssub.s32 @!p0 $0x0, s1;
	[sflag:s0] =	ssyncset.done @!p0 $0x0  }
0xd4: {  	[sflag:s0] =	ssyncadd.s32 @!p0 s1  }
0xd5: {  	[bflag:$0x3] =	sbarrier.arrive $0xFFFF  }
0xd6: {  	_ =	shalt  }

// kernel: kernel.22.cloned.1.call-start
scs
__scs_entry_jumppad:
0x0: {  	(pc) =	sbr.rel $0x88, $3  }
0x1: {  	(tag) =	ssettag $0x0;
	lr =	simm.s32 $0x1  }
0x2: {  	[smem:$0x3F96] =	sst lr;
	_ =	strace $0xD0000000  }
0x3: {  	_ = 	snop  }
0x4: {  	_ = 	snop  }
0x5: {  	_ = 	snop  }
0x6: {  	_ = 	snop  }
0x7: {  	_ = 	snop  }
__scs_overlays_trampoline_lowered:
0x8: {  	[smem:$0x3FA5] =	sst s0  }
0x9: {  	[smem:$0x3FA6] =	sst s1  }
0xa: {  	[smem:$0x3FA7] =	sst s2  }
0xb: {  	[smem:$0x3FA8] =	sst s3  }
0xc: {  	[smem:$0x3FA9] =	sst s4  }
0xd: {  	[smem:$0x3FAA] =	sst s5  }
0xe: {  	[smem:$0x3FAB] =	sst s6  }
0xf: {  	[smem:$0x3FAC] =	sst s7  }
0x10: {  	[smem:$0x3FAD] =	sst s8  }
0x11: {  	[smem:$0x3FAE] =	sst s9;
	s0 =	simm.s32 @!p0 $0x0  }
0x12: {  	s1 =	sld [smem:$0x3F94];
	s0 =	simm.s32 @p0 $0x1  }
0x13: {  	[smem:$0x3FAF] =	sst s0;
	s0 =	simm.s32 @!p1 $0x0  }
0x14: {  	s2 =	sld [smem:$0x3F93];
	s0 =	simm.s32 @p1 $0x1  }
0x15: {  	[smem:$0x3FB0] =	sst s0;
	s0 =	simm.s32 @!p2 $0x0  }
0x16: {  	s3 =	sld [smem:$0x3FDB];
	s0 =	simm.s32 @p2 $0x1  }
0x17: {  	s4 =	simm.s32 $0x1BF5;
	[smem:$0x3FB2] =	sst s0  }
0x18: {  	s0 =	sld [smem:$0x3F95];
	_ =	swait.ge [sflag:s4], $0x0  }
0x19: {  	s7 =	sld [smem:$0x3F96]  }
0x1a: {  	s8 =	sadd.s32 $0xFFFFE003, lr  }
0x1b: {  	s9 =	sadd.s32 $0xFFFFFEF7, lr;
	s5 =	simm.s32 $0xFFFFFFFF;
	p2 =	slt.u32 s8, $0xFFFFF086  }
0x1c: {  	p1 =	slt.u32 s9, $0xF7A;
	s5 =	simm.s32 @!p2 $0x0  }
0x1d: {  	s5 =	simm.s32 @p1 $0x1;
	p0 =	seq.s32 s7, s2  }
0x1e: {  	s7 =	smul.u32 @!p0 $0xF7A, s2;
	p2 =	seq.s32 @!p0 s5, $0x0  }
0x1f: {  	s9 =	smul.u32 $0xF7A, s1;
	s8 =	simm.s32 @!p0 $0x1BF5;
	p2 =	por !p2, p0  }
0x20: {  	[sflag:s8] =	ssyncset.s32 @!p0 $0xFFFFF086;
	s6 =	sadd.s32 @!p0 s3, s7;
	s7 =	simm.s32 @!p0 $0x108  }
0x21: {  	s3 =	sadd.s32 s3, s9;
	s6 =	sadd.s32 @!p0 $0x88, s6;
	s7 =	simm.s32 @p2 $0x1082  }
0x22: {  	[simem:s7], [sflag:s8] =	dma.local @!p0 [hbm:s6], $0xF7A  }
0x23: {  	s9 =	sor.u32 $0xD0000000, s2;
	s6 =	simm.s32 $0x108;
	_ =	swait.ge @!p0 [sflag:s8], $0x0  }
0x24: {  	s3 =	sadd.s32 $0x88, s3;
	s6 =	simm.s32 @!p1 $0x1082;
	[sflag:s4] =	ssyncset.s32 $0xFFFFF086  }
0x25: {  	[simem:s6], [sflag:s4] =	dma.local [hbm:s3], $0xF7A  }
0x26: {  	[smem:$0x3F96] =	sst s1;
	(tag) =	ssettag s2;
	_ =	strace s9  }
0x27: {  	s1 =	sld [smem:$0x3FA6]  }
0x28: {  	s2 =	sld [smem:$0x3FA7]  }
0x29: {  	s4 =	sld [smem:$0x3FA9]  }
0x2a: {  	p0 =	seq.s32 s5, $0x0;
	s5 =	sld [smem:$0x3FAA]  }
0x2b: {  	s6 =	sld [smem:$0x3FAB]  }
0x2c: {  	s7 =	sld [smem:$0x3FAC]  }
0x2d: {  	s3 =	simm.s32 $0x108;
	s8 =	sld [smem:$0x3FAD]  }
0x2e: {  	s3 =	simm.s32 @!p0 $0x1082;
	s9 =	sld [smem:$0x3FAE]  }
0x2f: {  	lr =	sadd.s32 s0, s3;
	s0 =	sld [smem:$0x3FA5]  }
0x30: {  	s3 =	sld [smem:$0x3FA8]  }
0x31: {  	[smem:$0x3FB1] =	sst s10  }
0x32: {  	s10 =	sld [smem:$0x3FAF];
	_ =	sdelay $0x3  }
0x33: {  	p0 =	seq.s32 s10, $0x1;
	s10 =	sld [smem:$0x3FB1];
	_ =	sdelay $0x3  }
0x34: {  	[smem:$0x3FB1] =	sst s10  }
0x35: {  	s10 =	sld [smem:$0x3FB0];
	_ =	sdelay $0x3  }
0x36: {  	p1 =	seq.s32 s10, $0x1;
	s10 =	sld [smem:$0x3FB1];
	_ =	sdelay $0x3  }
0x37: {  	[smem:$0x3FB1] =	sst s10  }
0x38: {  	s10 =	sld [smem:$0x3FB2]  }
0x39: {  	_ = 	snop;
	(pc) =	sbr.ind lr, $3  }
0x3a: {  	_ = 	snop  }
0x3b: {  	_ = 	snop  }
0x3c: {  	p2 =	seq.s32 s10, $0x1;
	s10 =	sld [smem:$0x3FB1]  }
0x3d: {  	_ =	shalt  }
0x3e: {  	_ =	shalt  }
0x3f: {  	_ =	shalt  }
0x40: {  	_ =	shalt  }
0x41: {  	_ =	shalt  }
0x42: {  	_ =	shalt  }
0x43: {  	_ =	shalt  }
0x44: {  	_ =	shalt  }
0x45: {  	_ =	shalt  }
0x46: {  	_ =	shalt  }
0x47: {  	_ =	shalt  }
0x48: {  	_ =	shalt  }
0x49: {  	_ =	shalt  }
0x4a: {  	_ =	shalt  }
0x4b: {  	_ =	shalt  }
0x4c: {  	_ =	shalt  }
0x4d: {  	_ =	shalt  }
0x4e: {  	_ =	shalt  }
0x4f: {  	_ =	shalt  }
0x50: {  	_ =	shalt  }
0x51: {  	_ =	shalt  }
0x52: {  	_ =	shalt  }
0x53: {  	_ =	shalt  }
0x54: {  	_ =	shalt  }
0x55: {  	_ =	shalt  }
0x56: {  	_ =	shalt  }
0x57: {  	_ =	shalt  }
0x58: {  	_ =	shalt  }
0x59: {  	_ =	shalt  }
0x5a: {  	_ =	shalt  }
0x5b: {  	_ =	shalt  }
0x5c: {  	_ =	shalt  }
0x5d: {  	_ =	shalt  }
0x5e: {  	_ =	shalt  }
0x5f: {  	_ =	shalt  }
0x60: {  	_ =	shalt  }
0x61: {  	_ =	shalt  }
0x62: {  	_ =	shalt  }
0x63: {  	_ =	shalt  }
0x64: {  	_ =	shalt  }
0x65: {  	_ =	shalt  }
0x66: {  	_ =	shalt  }
0x67: {  	_ =	shalt  }
0x68: {  	_ =	shalt  }
0x69: {  	_ =	shalt  }
0x6a: {  	_ =	shalt  }
0x6b: {  	_ =	shalt  }
0x6c: {  	_ =	shalt  }
0x6d: {  	_ =	shalt  }
0x6e: {  	_ =	shalt  }
0x6f: {  	_ =	shalt  }
0x70: {  	_ =	shalt  }
0x71: {  	_ =	shalt  }
0x72: {  	_ =	shalt  }
0x73: {  	_ =	shalt  }
0x74: {  	_ =	shalt  }
0x75: {  	_ =	shalt  }
0x76: {  	_ =	shalt  }
0x77: {  	_ =	shalt  }
0x78: {  	_ =	shalt  }
0x79: {  	_ =	shalt  }
0x7a: {  	_ =	shalt  }
0x7b: {  	_ =	shalt  }
0x7c: {  	_ =	shalt  }
0x7d: {  	_ =	shalt  }
0x7e: {  	_ =	shalt  }
0x7f: {  	_ =	shalt  }
0x80: {  	_ =	shalt  }
0x81: {  	_ =	shalt  }
0x82: {  	_ =	shalt  }
0x83: {  	_ =	shalt  }
0x84: {  	_ =	shalt  }
0x85: {  	_ =	shalt  }
0x86: {  	_ =	shalt  }
0x87: {  	_ =	shalt  }
.Lfunc_end0:
.L_simem_size_0:
called_computation.4_lowered:
.L_overlay_start_0:
0x88: {  	s2 =	sld [smem:$0x3FD9]  }
0x89: {  	s3 =	sld [smem:$0x3FFE];
	_ =	sdelay $0x1  }
0x8a: {  	s1 =	srdreg.scid  }
0x8b: {  	s0 =	sand.u32 $0x1, s1  }
0x8c: {  	s15 =	sshll.u32 s0, $0xA;
	s2 =	sadd.s32 s3, s2  }
0x8d: {  	s2 =	sadd.s32 s2, s15  }
0x8e: {  	[smem:$0x3FBD] =	sst s2  }
0x8f: {  	_ = 	snop  }
0x90: {  	s16 =	sld [smem:$0x3FD0];
	_ =	sdelay $0x2  }
0x91: {  	s4 =	simm.s32 $0xB;
	s5 =	simm.s32 $0x10;
	s2 =	sld [smem:$0x3FC0]  }
0x92: {  	[smem:s5], [sflag:s4] =	dma.local [hbm:s16], $0x1  }
0x93: {  	_ =	swait.eq [sflag:s4], $0x1  }
0x94: {  	[sflag:s4] =	ssyncset.done $0x0  }
0x95: {  	[sflag:s4] =	ssyncadd.s32 $0xFFFFFFFF  }
0x96: {  	s17 =	sld [smem:$0x10];
	(tm) =	ssettm $0x1  }
0x97: {  	s18 =	sld [smem:$0x3FFB];
	_ =	sdelay $0x3  }
0x98: {  	_ =	strace s18  }
0x99: {  	s3 =	sld [smem:$0x3FFC];
	_ =	sdelay $0x3  }
0x9a: {  	_ =	strace s3  }
0x9b: {  	s3 =	sld [smem:$0x3FFD];
	_ =	sdelay $0x3  }
0x9c: {  	_ =	strace s3  }
0x9d: {  	_ =	strace $0x8FFFFFFF  }
0x9e: {  	s19 =	sld [smem:$0x3FDB];
	_ =	sdelay $0x1  }
0x9f: {  	s20 =	simm.s32 $_scs_section_size  }
0xa0: {  	s6 =	simm.s32 $_size__tile_overlayer_lowered;
	s7 =	simm.s32 $_tile_overlayer_lowered  }
0xa1: {  	s8 =	simm.s32 $0x1BFF;
	s21 =	sshll.u32 s7, $0x1;
	s5 =	sadd.s32 s20, s19  }
0xa2: {  	s22 =	simm.s32 $0x0;
	s6 =	sshll.u32 s6, $0x1;
	s7 =	sadd.s32 s21, s5  }
0xa3: {  	[timem:s22], [sflag:s8] =	dma.local [hbm:s7], s6  }
0xa4: {  	_ =	swait.ge [sflag:s8], s6  }
0xa5: {  	s6 =	ssub.s32 $0x0, s6;
	[sflag:s8] =	ssyncset.done $0x0  }
0xa6: {  	[sflag:s8] =	ssyncadd.s32 s6;
	_ =	sdelay $0x1  }
0xa7: {  	s23 =	simm.s32 $0x1B8B  }
0xa8: {  	_ =	swait.ge [sflag:s23], $0x1  }
0xa9: {  	[sflag:s23] =	ssyncset.done $0x0  }
0xaa: {  	[sflag:s23] =	ssyncadd.s32 $0xFFFFFFFF  }
0xab: {  	s6 =	sld [smem:$0x0]  }
0xac: {  	s7 =	sand.u32 $0xFFFFFFFE, s1  }
0xad: {  	p0 =	sne.s32 s1, s7  }
0xae: {  	s7 =	sshll.u32 @p0 s7, $0xE  }
0xaf: {  	s7 =	sadd.s32 @p0 $0x11B8D, s7;
	s8 =	sshll.u32 @p0 s6, $0x11  }
0xb0: {  	s7 =	sor.u32 @p0 s8, s7  }
0xb1: {  	[sflag:s7] =	ssyncadd.remote.s32 @p0 $0x1;
	_ =	sdelay $0x1  }
0xb2: {  	s7 =	simm.s32 @p0 $0x1B8D  }
0xb3: {  	_ =	swait.eq @p0 [sflag:s7], $0x1  }
0xb4: {  	[sflag:s7] =	ssyncadd.s32 @p0 $0xFFFFFFFF  }
0xb5: {  	s8 =	sshll.u32 @!p0 s1, $0xE  }
0xb6: {  	s8 =	sor.u32 @!p0 $0x4000, s8;
	s7 =	simm.s32 @!p0 $0x1B8D  }
0xb7: {  	s6 =	sshll.u32 @!p0 s6, $0x11;
	s8 =	sadd.s32 @!p0 $0x11B8D, s8;
	_ =	swait.eq @!p0 [sflag:s7], $0x1  }
0xb8: {  	s6 =	sor.u32 @!p0 s6, s8;
	[sflag:s7] =	ssyncadd.s32 @!p0 $0xFFFFFFFF  }
0xb9: {  	s25 =	simm.s32 $0x1B8E;
	s24 =	sld [smem:$0x3FFE];
	[sflag:s6] =	ssyncadd.remote.s32 @!p0 $0x1  }
0xba: {  	s26 =	simm.s32 $execute0_lowered;
	[smem:$0x3FD2] =	sst s25  }
0xbb: {  	s7 =	sshll.u32 s26, $0x1;
	_ =	strace $0x80000052;
	[dreg:$0x1] =	wrdreg $0xFFFFFFFF  }
0xbc: {  	s28 =	simm.s32 $_size_execute0_lowered;
	s5 =	sadd.s32 s5, s7;
	[dreg:$0x0] =	wrdreg $0x0  }
0xbd: {  	s7 =	sshll.u32 s28, $0x1;
	[dreg:$0x2] =	wrdreg s5  }
0xbe: {  	[dreg:$0x3] =	wrdreg s7  }
0xbf: {  	[dreg:$0x4] =	wrdreg $0xC0  }
0xc0: {  	_ =	task [dreg:s22], $0x5FFFF  }
0xc1: {  	[dreg:$0x1] =	wrdreg $0xFFFFFFFF  }
0xc2: {  	[dreg:$0x0] =	wrdreg $0x60  }
0xc3: {  	[dreg:$0x2] =	wrdreg s24  }
0xc4: {  	[dreg:$0x3] =	wrdreg s2  }
0xc5: {  	[dreg:$0x4] =	wrdreg s17  }
0xc6: {  	[dreg:$0x5] =	wrdreg $0x41000  }
0xc7: {  	[dreg:$0x6] =	wrdreg $0xA  }
0xc8: {  	_ =	task.clear_ibuf [dreg:s22], $0x7FFFF;
	_ =	strace $0x90000052  }
0xc9: {  	s29 =	simm.s32 $0xA;
	_ =	strace $0x80000054  }
0xca: {  	_ =	swait.ge [sflag:s29], $0x1  }
0xcb: {  	[sflag:s29] =	ssyncadd.s32 $0xFFFFFFFF  }
0xcc: {  	_ =	strace $0x90000054  }
0xcd: {  	_ =	sfence  }
0xce: {  	s30 =	sld [smem:$0x0];
	_ =	sdelay $0x2  }
0xcf: {  	s31 =	sshll.u32 s1, $0xD;
	s1 =	sshrl.u32 s1, $0x2  }
0xd0: {  	s4 =	sand.u32 $0x4000, s31;
	s1 =	sadd.s32 s1, s30  }
0xd1: {  	s0 =	sor.u32 s4, s0;
	s1 =	sshll.u32 s1, $0x11  }
0xd2: {  	s0 =	sor.u32 s1, s0  }
0xd3: {  	s0 =	sadd.s32 $0x8F2B, s0  }
0xd4: {  	[sflag:s0] =	ssyncadd.remote.s32 $0x1  }
0xd5: {  	_ =	sfence.sel $0xFFFF  }
0xd6: {  	[dreg:$0x0] =	wrdreg $0xFFFFFFFF;
	(pc) =	sbr.abs _section_cstart, $3  }
0xd7: {  	[dreg:$0x1] =	wrdreg $0xFFFFFFFF  }
0xd8: {  	_ =	task.clear_ibuf [dreg:s22], $0x2FFFF;
	_ =	strace $0x9FFFFFFF  }
0xd9: {  	(tm) =	ssettm $0x7FFFFFFF  }
tec
execute0_lowered:
.L_overlay_start_1:
0x0: {  	(tag) =	ssettag $0x1  }
0x1: {  	s7 =	rddreg [dreg:$0x0]  }
0x2: {  	s8 =	rddreg [dreg:$0x1]  }
0x3: {  	s1 =	rddreg [dreg:$0x2]  }
0x4: {  	s2 =	rddreg [dreg:$0x3];
	s3 =	simm.s32 $0x0  }
0x5: {  	s4 =	srdreg.scid;
	s0 =	stileid.u32;
	s18 =	simm.s32 $0x4000  }
0x6: {  	s19 =	simm.s32 $0x3;
	s20 =	simm.s32 $0x4080;
	s21 =	simm.s32 $0x4  }
0x7: {  	s28 =	simm.s32 $0x0;
	[smem:$0x7FF] =	sst s3;
	s9 =	sand.u32 $0x1, s4  }
0x8: {  	s5 =	sadd.s32 $0x7A600, s7;
	s12 =	smul.u32 $0x14000, s0;
	s4 =	sadd.s32 $0x18A00, s7  }
0x9: {  	s13 =	sadd.s32 $0x145E00, s7;
	s22 =	sshll.u32 s0, $0x1;
	s26 =	smul.u32 $0xA00, s0  }
0xa: {  	s15 =	sadd.s32 $0x4B000, s2;
	s29 =	sshll.u32 s0, $0x4;
	s16 =	sshll.u32 s0, $0xA  }
0xb: {  	s6 =	sadd.s32 $0x1860, s8;
	_ =	strace $0x80000053;
	s24 =	smul.u32 $0x9C80, s9  }
0xc: {  	s10 =	ssub.s32 $0x2, s9;
	s25 =	sor.u32 s9, s22;
	s14 =	smul.u32 $0x4E400, s9  }
0xd: {  	s7 =	sadd.s32 s8, s29;
	p0 =	seq.s32 s9, $0x1;
	[dreg:$0x6] =	wrdreg s6  }
0xe: {  	[dreg:$0x5] =	wrdreg s4;
	s22 =	simm.s32 $0x2000;
	s11 =	sshrl.u32 s10, $0x1  }
0xf: {  	s23 =	sshrl.u32 s12, $0x2;
	s12 =	smov.u32 s5;
	p2 =	seq.s32 s25, $0x0  }
0x10: {  	p3 =	sne.s32 s25, $0x1;
	s25 =	simm.s32 $0x2;
	s11 =	ssub.s32 s10, s11  }
0x11: {  	s17 =	sadd.s32 s23, s2;
	s30 =	sadd.s32 s26, s24;
	s31 =	sshrl.u32 s14, $0x3  }
0x12: {  	s12 =	smov.u32 @p0 s4;
	s24 =	sor.u32 $0x180, s0;
	p0 =	seq.s32 s0, $0xF  }
.Ltmp0:
0x13: {  	s14 =	sor.u32 $0x20, s0;
	s23 =	simm.s32 $0x1;
	(pc) =	sbr.rel .LBB2_1-.Ltmp0, $4  }
0x14: {  	s9 =	sadd.s32 s13, s30;
	s10 =	sadd.s32 s13, s31;
	s11 =	smax.u32 s11, $0x1  }
0x15: {  	s12 =	sadd.s32 s12, s16;
	s13 =	sadd.s32 $0x100, s7;
	s15 =	sshrl.u32 @p0 s15, $0x3  }
0x16: {  	s16 =	sshll.u32 @!p0 s0, $0x6;
	s17 =	sshrl.u32 @!p0 s17, $0x3;
	p1 =	sgt.u32 s24, $0x185  }
0x17: {  	s24 =	simm.s32 $0x80;
	s10 =	sadd.s32 $0x9600, s10;
	s16 =	sor.u32 @!p0 $0x1C03, s16  }
.LBB2_5:
0x18: {  	s29 =	rddreg [dreg:$0x5]  }
.LBB2_6:
0x19: {  	s0 =	sadd.s32 $0x61800, s29  }
0x1a: {  	[tilespmem:s3], [sflag:$0x3] =	stream.linear.gather [hbm4b:s0+s3], $0x1400, $0x38;
	[tilespmem:$0x8F40] =	vst v63  }
0x1b: {  	_ =	swait.ge [sflag:s19], $0x1400  }
0x1c: {  	[sflag:s19] =	ssyncset.done $0x0  }
0x1d: {  	s30 =	rddreg [dreg:$0x6];
	[sflag:s19] =	ssyncadd.s32 $0xFFFFEC00  }
0x1e: {  	[tilespmem:s18], [sflag:$0x3] =	stream.linear.gather [hbm4b:s30+s3], $0x50, $0x38;
	[tilespmem:$0x8F40] =	vst v63  }
0x1f: {  	_ =	swait.ge [sflag:s19], $0x50  }
0x20: {  	[sflag:s19] =	ssyncset.done $0x0  }
0x21: {  	s31 =	simm.s32 $0x50;
	[sflag:s19] =	ssyncadd.s32 $0xFFFFFFB0  }
0x22: {  	[spmem:s2] =	stream.indirect.scatter.add.f32 [tilespmem:s3], [sflag:$0x3], $0x40, s18, s31, $0xb8;
	[tilespmem:$0x8F40] =	vst v63  }
0x23: {  	_ =	swait.ge [sflag:s19], $0x1400  }
0x24: {  	[sflag:s19] =	ssyncset.done $0x0  }
0x25: {  	[sflag:s19] =	ssyncadd.s32 $0xFFFFEC00  }
.LBB2_7:
0x26: {  	[bflag:$0x0] =	sbarrier.arrive $0xFFFF;
	s0 =	simm.s32 @p0 $0x1FC3  }
0x27: {  	[hbm:s10], [sflag:s0] =	dma.local @p0 [spmem:s15], $0x680  }
0x28: {  	s0 =	simm.s32 @p0 $0x3  }
0x29: {  	s28 =	sadd.s32 $0x1, s28;
	_ =	swait.ge @p0 [sflag:s0], $0x680  }
0x2a: {  	p4 =	sne.s32 s28, s11;
	[sflag:s0] =	ssyncset.done @p0 $0x0  }
.Ltmp1:
0x2b: {  	[sflag:s0] =	ssyncadd.s32 @p0 $0xFFFFF980;
	s0 =	simm.s32 @!p0 $0x3;
	(pc) =	sbr.rel @!p4 .LBB2_8-.Ltmp1, $4  }
0x2c: {  	[hbm:s9], [sflag:s16] =	dma.local @!p0 [spmem:s17], $0xA00  }
0x2d: {  	_ =	swait.ge @!p0 [sflag:s0], $0xA00  }
0x2e: {  	[sflag:s0] =	ssyncset.done @!p0 $0x0  }
0x2f: {  	[sflag:s0] =	ssyncadd.s32 @!p0 $0xFFFFF600  }
.LBB2_1:
0x30: {  	s29 =	simm.s32 @p0 $0x1FC3  }
0x31: {  	[spmem:s15], [sflag:s29] =	dma.local @p0 [hbm:s1], $0x680  }
0x32: {  	s29 =	simm.s32 @p0 $0x3  }
0x33: {  	_ =	swait.ge @p0 [sflag:s29], $0x680  }
0x34: {  	[sflag:s29] =	ssyncset.done @p0 $0x0  }
0x35: {  	[sflag:s29] =	ssyncadd.s32 @p0 $0xFFFFF980;
	s29 =	simm.s32 @!p0 $0x3  }
0x36: {  	[spmem:s17], [sflag:s16] =	dma.local @!p0 [hbm:s1], $0xA00  }
0x37: {  	_ =	swait.ge @!p0 [sflag:s29], $0xA00  }
0x38: {  	[sflag:s29] =	ssyncset.done @!p0 $0x0  }
0x39: {  	[sflag:s29] =	ssyncadd.s32 @!p0 $0xFFFFF600  }
0x3a: {  	[bflag:$0x0] =	sbarrier.arrive $0xFFFF  }
0x3b: {  	[tilespmem:s18], [sflag:$0x3] =	stream.linear.gather [hbm4b:s7+s3], $0x80, $0x38;
	[tilespmem:$0x8F40] =	vst v63  }
0x3c: {  	_ =	swait.ge [sflag:s19], $0x80  }
0x3d: {  	[sflag:s19] =	ssyncset.done $0x0  }
0x3e: {  	[sflag:s19] =	ssyncadd.s32 $0xFFFFFF80  }
0x3f: {  	[tilespmem:s3], [sflag:$0x1] =	stream.linear.gather [hbm4b:s12+s3], $0x2000, $0x38;
	[tilespmem:$0x8F40] =	vst v63  }
0x40: {  	_ = 	snop  }
0x41: {  	[tilespmem:s20], [sflag:$0x4] =	stream.linear.gather [hbm4b:s13+s3], $0x80, $0x38;
	[tilespmem:$0x8F40] =	vst v63  }
0x42: {  	_ =	swait.ge [sflag:s21], $0x80  }
0x43: {  	s29 =	sadd.s32 $0x0, s12;
	[sflag:s21] =	ssyncset.done $0x0  }
0x44: {  	s29 =	sadd.s32 $0x4000, s29;
	[sflag:s21] =	ssyncadd.s32 $0xFFFFFF80  }
0x45: {  	[tilespmem:s22], [sflag:$0x2] =	stream.linear.gather [hbm4b:s29+s3], $0x2000, $0x38;
	[tilespmem:$0x8F40] =	vst v63  }
0x46: {  	_ =	swait.ge [sflag:s23], $0x2000  }
0x47: {  	[sflag:s23] =	ssyncset.done $0x0  }
0x48: {  	[sflag:s23] =	ssyncadd.s32 $0xFFFFE000  }
0x49: {  	[spmem:s2] =	stream.indirect.scatter.add.f32 [tilespmem:s3], [sflag:$0x4], $0x40, s18, s24, $0xb8;
	[tilespmem:$0x8F40] =	vst v63  }
0x4a: {  	p4 =	sgt.u32 s14, $0x185;
	_ =	swait.ge [sflag:s21], $0x2000  }
0x4b: {  	s30 =	simm.s32 @!p4 $0x0;
	s31 =	simm.s32 @!p4 $0x4000;
	[sflag:s21] =	ssyncset.done $0x0  }
0x4c: {  	s0 =	simm.s32 @!p4 $0x4;
	s29 =	sadd.s32 @!p4 $0x100, s13;
	[sflag:s21] =	ssyncadd.s32 $0xFFFFE000  }
0x4d: {  	[tilespmem:s31], [sflag:$0x4] =	stream.linear.gather @!p4 [hbm4b:s29+s30], $0x80, $0x38;
	[tilespmem:$0x8F40] =	vst v63  }
0x4e: {  	_ =	swait.ge @!p4 [sflag:s0], $0x80  }
0x4f: {  	s29 =	sadd.s32 @!p4 $0x0, s12;
	[sflag:s0] =	ssyncset.done @!p4 $0x0  }
0x50: {  	s29 =	sadd.s32 @!p4 $0x8000, s29;
	[sflag:s0] =	ssyncadd.s32 @!p4 $0xFFFFFF80  }
0x51: {  	[tilespmem:s30], [sflag:$0x1] =	stream.linear.gather @!p4 [hbm4b:s29+s30], $0x2000, $0x38;
	[tilespmem:$0x8F40] =	vst v63  }
0x52: {  	_ =	swait.ge [sflag:s25], $0x2000  }
0x53: {  	[sflag:s25] =	ssyncset.done $0x0  }
0x54: {  	s31 =	smov.u32 s13;
	[sflag:s25] =	ssyncadd.s32 $0xFFFFE000  }
0x55: {  	[spmem:s2] =	stream.indirect.scatter.add.f32 [tilespmem:s22], [sflag:$0x3], $0x40, s20, s24, $0xb8;
	[tilespmem:$0x8F40] =	vst v63  }
0x56: {  	s29 =	simm.s32 $0x8000;
	s30 =	sadd.s32 $0x20, s14;
	_ =	swait.ge [sflag:s19], $0x2000  }
.LBB2_2:
0x57: {  	[sflag:s19] =	ssyncset.done $0x0  }
0x58: {  	s31 =	sadd.s32 $0x200, s31;
	s0 =	smov.u32 s29;
	s29 =	sadd.s32 $0x8000, s29  }
0x59: {  	p4 =	sne.s32 s29, $0x60000;
	[sflag:s19] =	ssyncadd.s32 $0xFFFFE000  }
0x5a: {  	[tilespmem:s20], [sflag:$0x4] =	stream.linear.gather [hbm4b:s31+s3], $0x80, $0x38;
	[tilespmem:$0x8F40] =	vst v63  }
0x5b: {  	s4 =	sadd.s32 s0, s12;
	_ =	swait.ge [sflag:s21], $0x80  }
0x5c: {  	s4 =	sadd.s32 $0x4000, s4;
	[sflag:s21] =	ssyncset.done $0x0  }
0x5d: {  	[sflag:s21] =	ssyncadd.s32 $0xFFFFFF80  }
0x5e: {  	[tilespmem:s22], [sflag:$0x2] =	stream.linear.gather [hbm4b:s4+s3], $0x2000, $0x38;
	[tilespmem:$0x8F40] =	vst v63  }
0x5f: {  	_ =	swait.ge [sflag:s23], $0x2000  }
0x60: {  	[sflag:s23] =	ssyncset.done $0x0  }
0x61: {  	[sflag:s23] =	ssyncadd.s32 $0xFFFFE000  }
0x62: {  	[spmem:s2] =	stream.indirect.scatter.add.f32 [tilespmem:s3], [sflag:$0x4], $0x40, s18, s24, $0xb8;
	[tilespmem:$0x8F40] =	vst v63  }
0x63: {  	p5 =	sgt.u32 s30, $0x185;
	_ =	swait.ge [sflag:s21], $0x2000  }
0x64: {  	s6 =	simm.s32 @!p5 $0x0;
	s4 =	sadd.s32 @!p5 $0x100, s31;
	[sflag:s21] =	ssyncset.done $0x0  }
0x65: {  	s26 =	simm.s32 @!p5 $0x4000;
	s8 =	simm.s32 @!p5 $0x4;
	[sflag:s21] =	ssyncadd.s32 $0xFFFFE000  }
0x66: {  	[tilespmem:s26], [sflag:$0x4] =	stream.linear.gather @!p5 [hbm4b:s4+s6], $0x80, $0x38;
	[tilespmem:$0x8F40] =	vst v63  }
0x67: {  	s0 =	sadd.s32 @!p5 s0, s12;
	_ =	swait.ge @!p5 [sflag:s8], $0x80  }
0x68: {  	s0 =	sadd.s32 @!p5 $0x8000, s0;
	[sflag:s8] =	ssyncset.done @!p5 $0x0  }
0x69: {  	[sflag:s8] =	ssyncadd.s32 @!p5 $0xFFFFFF80  }
0x6a: {  	[tilespmem:s6], [sflag:$0x1] =	stream.linear.gather @!p5 [hbm4b:s0+s6], $0x2000, $0x38;
	[tilespmem:$0x8F40] =	vst v63  }
.Ltmp2:
0x6b: {  	_ =	swait.ge [sflag:s25], $0x2000;
	(pc) =	sbr.rel @p4 .LBB2_2-.Ltmp2, $4  }
0x6c: {  	[sflag:s25] =	ssyncset.done $0x0  }
0x6d: {  	[sflag:s25] =	ssyncadd.s32 $0xFFFFE000  }
0x6e: {  	[spmem:s2] =	stream.indirect.scatter.add.f32 [tilespmem:s22], [sflag:$0x3], $0x40, s20, s24, $0xb8;
	[tilespmem:$0x8F40] =	vst v63  }
0x6f: {  	s30 =	sadd.s32 $0x20, s30;
	_ =	swait.ge [sflag:s19], $0x2000  }
0x70: {  	[sflag:s19] =	ssyncset.done $0x0  }
0x71: {  	s0 =	simm.s32 @!p1 $0x1;
	[sflag:s19] =	ssyncadd.s32 $0xFFFFE000  }
0x72: {  	_ =	swait.ge @!p1 [sflag:s0], $0x2000  }
0x73: {  	s4 =	simm.s32 @!p1 $0x4000;
	[sflag:s0] =	ssyncset.done @!p1 $0x0  }
0x74: {  	s6 =	simm.s32 @!p1 $0x0;
	[sflag:s0] =	ssyncadd.s32 @!p1 $0xFFFFE000;
	s0 =	simm.s32 @!p1 $0x80  }
0x75: {  	[spmem:s2] =	stream.indirect.scatter.add.f32 @!p1 [tilespmem:s6], [sflag:$0x4], $0x40, s4, s0, $0xb8;
	[tilespmem:$0x8F40] =	vst v63  }
.Ltmp3:
0x76: {  	_ = 	snop;
	(pc) =	sbr.rel @p2 .LBB2_6-.Ltmp3, $4  }
0x77: {  	s0 =	simm.s32 @!p1 $0x4  }
0x78: {  	_ =	swait.ge @!p1 [sflag:s0], $0x2000  }
0x79: {  	[sflag:s0] =	ssyncset.done @!p1 $0x0  }
0x7a: {  	s29 =	smov.u32 s5;
	[sflag:s0] =	ssyncadd.s32 @!p1 $0xFFFFE000  }
.Ltmp4:
0x7b: {  	(pc) =	sbr.rel @!p3 .LBB2_5-.Ltmp4, $4  }
.Ltmp5:
0x7c: {  	(pc) =	sbr.rel @p3 .LBB2_7-.Ltmp5, $4  }
0x7d: {  	_ = 	snop  }
0x7e: {  	_ = 	snop  }
0x7f: {  	_ = 	snop  }
0x80: {  	_ = 	snop  }
.LBB2_8:
0x81: {  	_ =	sfence.sel $0x180000  }
0x82: {  	[bflag:$0x0] =	sbarrier.arrive $0xFFFF  }
0x83: {  	_ =	strace $0x90000053  }
0x84: {  	s0 =	stileid.u32;
	[bflag:$0x2] =	sbarrier.arrive $0xFFFF  }
0x85: {  	p0 =	sne.s32 s0, $0x0;
	s0 =	rddreg [dreg:$0x4]  }
0x86: {  	s0 =	sadd.s32 @!p0 $0x100000, s0  }
0x87: {  	[sflag:s0] =	ssyncadd.tile.s32 @!p0 $0x1;
	_ =	shalt  }
.Lfunc_end2:
_tile_overlayer_lowered:
.L_overlay_start_2:
0x88: {  	(tag) =	ssettag $0x2  }
0x89: {  	s0 =	rddreg [dreg:$0x0];
	s2 =	stileid.u32  }
0x8a: {  	s1 =	rddreg [dreg:$0x1];
	p0 =	sne.s32 s2, $0x0  }
0x8b: {  	s3 =	rddreg [dreg:$0x2];
	[bflag:$0x3] =	sbarrier.arrive $0xFFFF;
	s2 =	simm.s32 @!p0 $0x1C03  }
0x8c: {  	[timem:s3], [sflag:s2] =	dma.local @!p0 [hbm:s0], s1  }
0x8d: {  	s0 =	simm.s32 @!p0 $0x3  }
0x8e: {  	_ =	swait.ge @!p0 [sflag:s0], s1  }
0x8f: {  	s1 =	ssub.s32 @!p0 $0x0, s1;
	[sflag:s0] =	ssyncset.done @!p0 $0x0  }
0x90: {  	[sflag:s0] =	ssyncadd.s32 @!p0 s1  }
0x91: {  	[bflag:$0x3] =	sbarrier.arrive $0xFFFF  }
0x92: {  	_ =	shalt  }

// kernel: kernel.25.cloned.1.call-start
scs
__scs_entry_jumppad:
0x0: {  	(pc) =	sbr.rel $0x88, $3  }
0x1: {  	(tag) =	ssettag $0x0;
	lr =	simm.s32 $0x1  }
0x2: {  	[smem:$0x3F96] =	sst lr;
	_ =	strace $0xD0000000  }
0x3: {  	_ = 	snop  }
0x4: {  	_ = 	snop  }
0x5: {  	_ = 	snop  }
0x6: {  	_ = 	snop  }
0x7: {  	_ = 	snop  }
__scs_overlays_trampoline_lowered:
0x8: {  	[smem:$0x3FA5] =	sst s0  }
0x9: {  	[smem:$0x3FA6] =	sst s1  }
0xa: {  	[smem:$0x3FA7] =	sst s2  }
0xb: {  	[smem:$0x3FA8] =	sst s3  }
0xc: {  	[smem:$0x3FA9] =	sst s4  }
0xd: {  	[smem:$0x3FAA] =	sst s5  }
0xe: {  	[smem:$0x3FAB] =	sst s6  }
0xf: {  	[smem:$0x3FAC] =	sst s7  }
0x10: {  	[smem:$0x3FAD] =	sst s8  }
0x11: {  	[smem:$0x3FAE] =	sst s9;
	s0 =	simm.s32 @!p0 $0x0  }
0x12: {  	s1 =	sld [smem:$0x3F94];
	s0 =	simm.s32 @p0 $0x1  }
0x13: {  	[smem:$0x3FAF] =	sst s0;
	s0 =	simm.s32 @!p1 $0x0  }
0x14: {  	s2 =	sld [smem:$0x3F93];
	s0 =	simm.s32 @p1 $0x1  }
0x15: {  	[smem:$0x3FB0] =	sst s0;
	s0 =	simm.s32 @!p2 $0x0  }
0x16: {  	s3 =	sld [smem:$0x3FDB];
	s0 =	simm.s32 @p2 $0x1  }
0x17: {  	s4 =	simm.s32 $0x1BF5;
	[smem:$0x3FB2] =	sst s0  }
0x18: {  	s0 =	sld [smem:$0x3F95];
	_ =	swait.ge [sflag:s4], $0x0  }
0x19: {  	s7 =	sld [smem:$0x3F96]  }
0x1a: {  	s8 =	sadd.s32 $0xFFFFE003, lr  }
0x1b: {  	s9 =	sadd.s32 $0xFFFFFEF7, lr;
	s5 =	simm.s32 $0xFFFFFFFF;
	p2 =	slt.u32 s8, $0xFFFFF086  }
0x1c: {  	p1 =	slt.u32 s9, $0xF7A;
	s5 =	simm.s32 @!p2 $0x0  }
0x1d: {  	s5 =	simm.s32 @p1 $0x1;
	p0 =	seq.s32 s7, s2  }
0x1e: {  	s7 =	smul.u32 @!p0 $0xF7A, s2;
	p2 =	seq.s32 @!p0 s5, $0x0  }
0x1f: {  	s9 =	smul.u32 $0xF7A, s1;
	s8 =	simm.s32 @!p0 $0x1BF5;
	p2 =	por !p2, p0  }
0x20: {  	[sflag:s8] =	ssyncset.s32 @!p0 $0xFFFFF086;
	s6 =	sadd.s32 @!p0 s3, s7;
	s7 =	simm.s32 @!p0 $0x108  }
0x21: {  	s3 =	sadd.s32 s3, s9;
	s6 =	sadd.s32 @!p0 $0x88, s6;
	s7 =	simm.s32 @p2 $0x1082  }
0x22: {  	[simem:s7], [sflag:s8] =	dma.local @!p0 [hbm:s6], $0xF7A  }
0x23: {  	s9 =	sor.u32 $0xD0000000, s2;
	s6 =	simm.s32 $0x108;
	_ =	swait.ge @!p0 [sflag:s8], $0x0  }
0x24: {  	s3 =	sadd.s32 $0x88, s3;
	s6 =	simm.s32 @!p1 $0x1082;
	[sflag:s4] =	ssyncset.s32 $0xFFFFF086  }
0x25: {  	[simem:s6], [sflag:s4] =	dma.local [hbm:s3], $0xF7A  }
0x26: {  	[smem:$0x3F96] =	sst s1;
	(tag) =	ssettag s2;
	_ =	strace s9  }
0x27: {  	s1 =	sld [smem:$0x3FA6]  }
0x28: {  	s2 =	sld [smem:$0x3FA7]  }
0x29: {  	s4 =	sld [smem:$0x3FA9]  }
0x2a: {  	p0 =	seq.s32 s5, $0x0;
	s5 =	sld [smem:$0x3FAA]  }
0x2b: {  	s6 =	sld [smem:$0x3FAB]  }
0x2c: {  	s7 =	sld [smem:$0x3FAC]  }
0x2d: {  	s3 =	simm.s32 $0x108;
	s8 =	sld [smem:$0x3FAD]  }
0x2e: {  	s3 =	simm.s32 @!p0 $0x1082;
	s9 =	sld [smem:$0x3FAE]  }
0x2f: {  	lr =	sadd.s32 s0, s3;
	s0 =	sld [smem:$0x3FA5]  }
0x30: {  	s3 =	sld [smem:$0x3FA8]  }
0x31: {  	[smem:$0x3FB1] =	sst s10  }
0x32: {  	s10 =	sld [smem:$0x3FAF];
	_ =	sdelay $0x3  }
0x33: {  	p0 =	seq.s32 s10, $0x1;
	s10 =	sld [smem:$0x3FB1];
	_ =	sdelay $0x3  }
0x34: {  	[smem:$0x3FB1] =	sst s10  }
0x35: {  	s10 =	sld [smem:$0x3FB0];
	_ =	sdelay $0x3  }
0x36: {  	p1 =	seq.s32 s10, $0x1;
	s10 =	sld [smem:$0x3FB1];
	_ =	sdelay $0x3  }
0x37: {  	[smem:$0x3FB1] =	sst s10  }
0x38: {  	s10 =	sld [smem:$0x3FB2]  }
0x39: {  	_ = 	snop;
	(pc) =	sbr.ind lr, $3  }
0x3a: {  	_ = 	snop  }
0x3b: {  	_ = 	snop  }
0x3c: {  	p2 =	seq.s32 s10, $0x1;
	s10 =	sld [smem:$0x3FB1]  }
0x3d: {  	_ =	shalt  }
0x3e: {  	_ =	shalt  }
0x3f: {  	_ =	shalt  }
0x40: {  	_ =	shalt  }
0x41: {  	_ =	shalt  }
0x42: {  	_ =	shalt  }
0x43: {  	_ =	shalt  }
0x44: {  	_ =	shalt  }
0x45: {  	_ =	shalt  }
0x46: {  	_ =	shalt  }
0x47: {  	_ =	shalt  }
0x48: {  	_ =	shalt  }
0x49: {  	_ =	shalt  }
0x4a: {  	_ =	shalt  }
0x4b: {  	_ =	shalt  }
0x4c: {  	_ =	shalt  }
0x4d: {  	_ =	shalt  }
0x4e: {  	_ =	shalt  }
0x4f: {  	_ =	shalt  }
0x50: {  	_ =	shalt  }
0x51: {  	_ =	shalt  }
0x52: {  	_ =	shalt  }
0x53: {  	_ =	shalt  }
0x54: {  	_ =	shalt  }
0x55: {  	_ =	shalt  }
0x56: {  	_ =	shalt  }
0x57: {  	_ =	shalt  }
0x58: {  	_ =	shalt  }
0x59: {  	_ =	shalt  }
0x5a: {  	_ =	shalt  }
0x5b: {  	_ =	shalt  }
0x5c: {  	_ =	shalt  }
0x5d: {  	_ =	shalt  }
0x5e: {  	_ =	shalt  }
0x5f: {  	_ =	shalt  }
0x60: {  	_ =	shalt  }
0x61: {  	_ =	shalt  }
0x62: {  	_ =	shalt  }
0x63: {  	_ =	shalt  }
0x64: {  	_ =	shalt  }
0x65: {  	_ =	shalt  }
0x66: {  	_ =	shalt  }
0x67: {  	_ =	shalt  }
0x68: {  	_ =	shalt  }
0x69: {  	_ =	shalt  }
0x6a: {  	_ =	shalt  }
0x6b: {  	_ =	shalt  }
0x6c: {  	_ =	shalt  }
0x6d: {  	_ =	shalt  }
0x6e: {  	_ =	shalt  }
0x6f: {  	_ =	shalt  }
0x70: {  	_ =	shalt  }
0x71: {  	_ =	shalt  }
0x72: {  	_ =	shalt  }
0x73: {  	_ =	shalt  }
0x74: {  	_ =	shalt  }
0x75: {  	_ =	shalt  }
0x76: {  	_ =	shalt  }
0x77: {  	_ =	shalt  }
0x78: {  	_ =	shalt  }
0x79: {  	_ =	shalt  }
0x7a: {  	_ =	shalt  }
0x7b: {  	_ =	shalt  }
0x7c: {  	_ =	shalt  }
0x7d: {  	_ =	shalt  }
0x7e: {  	_ =	shalt  }
0x7f: {  	_ =	shalt  }
0x80: {  	_ =	shalt  }
0x81: {  	_ =	shalt  }
0x82: {  	_ =	shalt  }
0x83: {  	_ =	shalt  }
0x84: {  	_ =	shalt  }
0x85: {  	_ =	shalt  }
0x86: {  	_ =	shalt  }
0x87: {  	_ =	shalt  }
.Lfunc_end0:
.L_simem_size_0:
called_computation.5_lowered:
.L_overlay_start_0:
0x88: {  	s2 =	sld [smem:$0x3FD9]  }
0x89: {  	s3 =	sld [smem:$0x3FFE];
	_ =	sdelay $0x1  }
0x8a: {  	s1 =	srdreg.scid  }
0x8b: {  	s0 =	sand.u32 $0x1, s1  }
0x8c: {  	s14 =	sshll.u32 s0, $0xA;
	s2 =	sadd.s32 s3, s2  }
0x8d: {  	s2 =	sadd.s32 s2, s14  }
0x8e: {  	[smem:$0x3FBD] =	sst s2  }
0x8f: {  	_ = 	snop  }
0x90: {  	s2 =	sld [smem:$0x3FD0];
	_ =	sdelay $0x2  }
0x91: {  	s15 =	simm.s32 $0xB;
	s4 =	simm.s32 $0x10  }
0x92: {  	[smem:s4], [sflag:s15] =	dma.local [hbm:s2], $0x1  }
0x93: {  	_ =	swait.eq [sflag:s15], $0x1  }
0x94: {  	[sflag:s15] =	ssyncset.done $0x0  }
0x95: {  	s16 =	sld [smem:$0x10];
	[sflag:s15] =	ssyncadd.s32 $0xFFFFFFFF  }
0x96: {  	s17 =	sld [smem:$0x11];
	(tm) =	ssettm $0x1  }
0x97: {  	s18 =	sld [smem:$0x3FFB];
	_ =	sdelay $0x3  }
0x98: {  	_ =	strace s18  }
0x99: {  	s4 =	sld [smem:$0x3FFC];
	_ =	sdelay $0x3  }
0x9a: {  	_ =	strace s4  }
0x9b: {  	s4 =	sld [smem:$0x3FFD];
	_ =	sdelay $0x3  }
0x9c: {  	_ =	strace s4  }
0x9d: {  	_ =	strace $0x8FFFFFFF  }
0x9e: {  	s19 =	sld [smem:$0x3FDB];
	_ =	sdelay $0x1  }
0x9f: {  	s5 =	simm.s32 $_scs_section_size  }
0xa0: {  	s6 =	simm.s32 $_size__tile_overlayer_lowered;
	s7 =	simm.s32 $_tile_overlayer_lowered  }
0xa1: {  	s22 =	simm.s32 $0x1BFF;
	s21 =	sshll.u32 s7, $0x1;
	s4 =	sadd.s32 s5, s19  }
0xa2: {  	s8 =	simm.s32 $0x0;
	s20 =	sshll.u32 s6, $0x1;
	s6 =	sadd.s32 s21, s4  }
0xa3: {  	[timem:s8], [sflag:s22] =	dma.local [hbm:s6], s20  }
0xa4: {  	_ =	swait.ge [sflag:s22], s20  }
0xa5: {  	s5 =	ssub.s32 $0x0, s20;
	[sflag:s22] =	ssyncset.done $0x0  }
0xa6: {  	[sflag:s22] =	ssyncadd.s32 s5;
	_ =	sdelay $0x1  }
0xa7: {  	s23 =	simm.s32 $0x1B8B  }
0xa8: {  	_ =	swait.ge [sflag:s23], $0x1  }
0xa9: {  	[sflag:s23] =	ssyncset.done $0x0  }
0xaa: {  	s25 =	simm.s32 $0x1B8E;
	s24 =	sld [smem:$0x3FFE];
	[sflag:s23] =	ssyncadd.s32 $0xFFFFFFFF  }
0xab: {  	s26 =	simm.s32 $execute0_lowered;
	[smem:$0x3FD2] =	sst s25  }
0xac: {  	s6 =	sshll.u32 s26, $0x1;
	_ =	strace $0x80000055;
	[dreg:$0x1] =	wrdreg $0xFFFFFFFF  }
0xad: {  	s28 =	simm.s32 $_size_execute0_lowered;
	s4 =	sadd.s32 s4, s6;
	[dreg:$0x0] =	wrdreg $0x0  }
0xae: {  	s6 =	sshll.u32 s28, $0x1;
	[dreg:$0x2] =	wrdreg s4  }
0xaf: {  	[dreg:$0x3] =	wrdreg s6  }
0xb0: {  	[dreg:$0x4] =	wrdreg $0xC0  }
0xb1: {  	_ =	task [dreg:s8], $0x5FFFF  }
0xb2: {  	[dreg:$0x1] =	wrdreg $0xFFFFFFFF  }
0xb3: {  	[dreg:$0x0] =	wrdreg $0x60  }
0xb4: {  	[dreg:$0x2] =	wrdreg s24  }
0xb5: {  	[dreg:$0x3] =	wrdreg s17  }
0xb6: {  	[dreg:$0x4] =	wrdreg s16  }
0xb7: {  	[dreg:$0x5] =	wrdreg $0x9  }
0xb8: {  	_ =	task.clear_ibuf [dreg:s8], $0x6FFFF;
	_ =	strace $0x90000055  }
0xb9: {  	s29 =	simm.s32 $0x9;
	_ =	strace $0x80000057  }
0xba: {  	_ =	swait.ge [sflag:s29], $0x1  }
0xbb: {  	[sflag:s29] =	ssyncadd.s32 $0xFFFFFFFF  }
0xbc: {  	_ =	strace $0x90000057  }
0xbd: {  	_ =	sfence  }
0xbe: {  	s30 =	sld [smem:$0x0];
	_ =	sdelay $0x2  }
0xbf: {  	s31 =	sshll.u32 s1, $0xD;
	s1 =	sshrl.u32 s1, $0x2  }
0xc0: {  	s3 =	sand.u32 $0x4000, s31;
	s1 =	sadd.s32 s1, s30  }
0xc1: {  	s0 =	sor.u32 s3, s0;
	s1 =	sshll.u32 s1, $0x11  }
0xc2: {  	s0 =	sor.u32 s1, s0  }
0xc3: {  	s0 =	sadd.s32 $0x8F2B, s0  }
0xc4: {  	[sflag:s0] =	ssyncadd.remote.s32 $0x1  }
0xc5: {  	_ =	sfence.sel $0xFFFF  }
0xc6: {  	[dreg:$0x0] =	wrdreg $0xFFFFFFFF;
	(pc) =	sbr.abs _section_cstart, $3  }
0xc7: {  	[dreg:$0x1] =	wrdreg $0xFFFFFFFF  }
0xc8: {  	_ =	task.clear_ibuf [dreg:s8], $0x2FFFF;
	_ =	strace $0x9FFFFFFF  }
0xc9: {  	(tm) =	ssettm $0x7FFFFFFF  }
tec
execute0_lowered:
.L_overlay_start_1:
0x0: {  	(tag) =	ssettag $0x1  }
0x1: {  	s5 =	rddreg [dreg:$0x0]  }
0x2: {  	s16 =	rddreg [dreg:$0x1]  }
0x3: {  	s18 =	rddreg [dreg:$0x2]  }
0x4: {  	s2 =	simm.s32 $0x0;
	s3 =	srdreg.scid;
	s1 =	stileid.u32  }
0x5: {  	s28 =	simm.s32 $0x1;
	s29 =	simm.s32 $0x2;
	[smem:$0x7FF] =	sst s2  }
0x6: {  	s22 =	sand.u32 $0x1, s3;
	s3 =	sadd.s32 $0x5000, s5;
	s4 =	sadd.s32 $0x145E00, s5  }
0x7: {  	s6 =	sshll.u32 s1, $0x7;
	s17 =	sshll.u32 s1, $0xA;
	_ =	strace $0x80000056  }
0x8: {  	s7 =	ssub.s32 $0x2, s22;
	s20 =	sadd.s32 s6, s5;
	s11 =	sadd.s32 s16, s6  }
0x9: {  	s12 =	sor.u32 $0x80, s17;
	s19 =	sshll.u32 s22, $0xE;
	s26 =	smul.u32 $0x1390, s22  }
0xa: {  	s8 =	sor.u32 $0x100, s17;
	p0 =	sne.s32 s22, $0x0;
	s22 =	simm.s32 $0x4000  }
0xb: {  	s10 =	sshrl.u32 s7, $0x1;
	[dreg:$0x4] =	wrdreg s11;
	s13 =	sshrl.u32 s12, $0x3  }
0xc: {  	s14 =	sor.u32 s17, s19;
	s15 =	sshrl.u32 s8, $0x3;
	s11 =	sor.u32 s19, s8  }
0xd: {  	s21 =	ssub.s32 s7, s10;
	s5 =	sadd.s32 s16, s13;
	s6 =	sshll.u32 s14, $0x3  }
0xe: {  	s7 =	sor.u32 s19, s12;
	s10 =	sor.u32 $0x180, s17;
	s23 =	sshll.u32 s11, $0x3  }
0xf: {  	s13 =	sor.u32 $0x200, s17;
	s14 =	sor.u32 $0x280, s17;
	v0 =	vmov s26;
	s26 =	simm.s32 $0x2000  }
0x10: {  	[dreg:$0x5] =	wrdreg s5;
	s5 =	sadd.s32 s18, s6;
	s6 =	sadd.s32 s16, s15  }
0x11: {  	s7 =	sshll.u32 s7, $0x3;
	s9 =	sshrl.u32 s10, $0x3;
	s10 =	sor.u32 s19, s10  }
0x12: {  	s24 =	sshrl.u32 s13, $0x3;
	s25 =	sshrl.u32 s14, $0x3;
	s13 =	sor.u32 s19, s13  }
0x13: {  	s21 =	smax.u32 s21, $0x1;
	s7 =	sadd.s32 s18, s7;
	s8 =	sadd.s32 s16, s9  }
0x14: {  	s9 =	sadd.s32 s18, s23;
	s12 =	sshll.u32 s10, $0x3;
	s10 =	sadd.s32 s16, s24  }
0x15: {  	s23 =	sor.u32 $0x300, s17;
	s13 =	sshll.u32 s13, $0x3;
	s24 =	sor.u32 s19, s14  }
0x16: {  	s17 =	sor.u32 $0x380, s17;
	s11 =	sadd.s32 s18, s12;
	s12 =	sadd.s32 s16, s25  }
0x17: {  	s15 =	sshrl.u32 s23, $0x3;
	s13 =	sadd.s32 s18, s13;
	s30 =	sshll.u32 s24, $0x3  }
0x18: {  	s23 =	sor.u32 s19, s23;
	s31 =	sshrl.u32 s17, $0x3;
	s19 =	sor.u32 s19, s17  }
0x19: {  	s24 =	simm.s32 $0x80;
	s25 =	simm.s32 $0x4080;
	s14 =	sadd.s32 s16, s15  }
0x1a: {  	s15 =	sadd.s32 s18, s30;
	s23 =	sshll.u32 s23, $0x3;
	s19 =	sshll.u32 s19, $0x3  }
0x1b: {  	s16 =	sadd.s32 s16, s31;
	s17 =	sadd.s32 s18, s23;
	s18 =	sadd.s32 s18, s19  }
0x1c: {  	s19 =	sadd.s32 $0xDC200, s20;
	s20 =	sadd.s32 $0xDCA00, s20;
	s23 =	simm.s32 $0x3  }
.LBB2_1:
0x1d: {  	s30 =	rddreg [dreg:$0x4]  }
0x1e: {  	[tilespmem:s22], [sflag:$0x3] =	stream.linear.gather [hbm4b:s30+s2], $0x80, $0x38;
	[tilespmem:$0x4500] =	vst v63  }
0x1f: {  	_ =	swait.ge [sflag:s23], $0x80  }
0x20: {  	[sflag:s23] =	ssyncset.done $0x0  }
0x21: {  	[sflag:s23] =	ssyncadd.s32 $0xFFFFFF80  }
0x22: {  	v1 =	vld [tilespmem:$0x4000]  }
0x23: {  	v2 =	vld [tilespmem:$0x4010]  }
0x24: {  	v3 =	vld [tilespmem:$0x4020]  }
0x25: {  	v4 =	vld [tilespmem:$0x4030]  }
0x26: {  	v5 =	vld [tilespmem:$0x4040]  }
0x27: {  	v6 =	vld [tilespmem:$0x4050];
	v1 =	vadd.s32 v0, v1  }
0x28: {  	[tilespmem:$0x4000] =	vst v1;
	v1 =	vadd.s32 v0, v2;
	v2 =	vld [tilespmem:$0x4060]  }
0x29: {  	[tilespmem:$0x4010] =	vst v1;
	v1 =	vadd.s32 v0, v3;
	v3 =	vld [tilespmem:$0x4070]  }
0x2a: {  	[tilespmem:$0x4020] =	vst v1;
	v1 =	vadd.s32 v0, v4  }
0x2b: {  	[tilespmem:$0x4030] =	vst v1;
	v1 =	vadd.s32 v0, v5  }
0x2c: {  	[tilespmem:$0x4040] =	vst v1;
	v1 =	vadd.s32 v0, v6  }
0x2d: {  	[tilespmem:$0x4050] =	vst v1;
	v1 =	vadd.s32 v0, v2  }
0x2e: {  	[tilespmem:$0x4060] =	vst v1;
	v1 =	vadd.s32 v0, v3  }
0x2f: {  	[tilespmem:$0x4070] =	vst v1  }
0x30: {  	[tilespmem:s2], [sflag:$0x1] =	stream.indirect.gather [hbm4b:s3+s24], $0x40, s22, s24, $0xb8;
	[tilespmem:$0x4500] =	vst v63  }
0x31: {  	s31 =	rddreg [dreg:$0x5]  }
0x32: {  	[tilespmem:s25], [sflag:$0x3] =	stream.linear.gather [hbm4b:s31+s2], $0x80, $0x38;
	[tilespmem:$0x4500] =	vst v63  }
0x33: {  	_ =	swait.ge [sflag:s23], $0x80  }
0x34: {  	[sflag:s23] =	ssyncset.done $0x0  }
0x35: {  	[sflag:s23] =	ssyncadd.s32 $0xFFFFFF80  }
0x36: {  	v1 =	vld [tilespmem:$0x4080]  }
0x37: {  	v2 =	vld [tilespmem:$0x4090]  }
0x38: {  	v3 =	vld [tilespmem:$0x40A0]  }
0x39: {  	v43 =	vld [tilespmem:$0x40B0]  }
0x3a: {  	v44 =	vld [tilespmem:$0x40C0]  }
0x3b: {  	v45 =	vld [tilespmem:$0x40D0];
	v1 =	vadd.s32 v0, v1  }
0x3c: {  	[tilespmem:$0x4080] =	vst v1;
	v1 =	vadd.s32 v0, v2;
	v2 =	vld [tilespmem:$0x40E0]  }
0x3d: {  	[tilespmem:$0x4090] =	vst v1;
	v1 =	vadd.s32 v0, v3;
	v3 =	vld [tilespmem:$0x40F0]  }
0x3e: {  	[tilespmem:$0x40A0] =	vst v1;
	v1 =	vadd.s32 v0, v43  }
0x3f: {  	[tilespmem:$0x40B0] =	vst v1;
	v1 =	vadd.s32 v0, v44  }
0x40: {  	[tilespmem:$0x40C0] =	vst v1;
	v1 =	vadd.s32 v0, v45  }
0x41: {  	[tilespmem:$0x40D0] =	vst v1;
	v1 =	vadd.s32 v0, v2  }
0x42: {  	[tilespmem:$0x40E0] =	vst v1;
	v1 =	vadd.s32 v0, v3  }
0x43: {  	[tilespmem:$0x40F0] =	vst v1  }
0x44: {  	[tilespmem:s26], [sflag:$0x2] =	stream.indirect.gather [hbm4b:s3+s24], $0x40, s25, s24, $0xb8;
	[tilespmem:$0x4500] =	vst v63  }
0x45: {  	_ =	swait.ge [sflag:s28], $0x2000  }
0x46: {  	[sflag:s28] =	ssyncset.done $0x0  }
0x47: {  	[sflag:s28] =	ssyncadd.s32 $0xFFFFE000  }
0x48: {  	[tilespmem:s2], [sflag:$0x1] =	stream.indirect.gather.add.f32 [hbm:s4], $0x40, s22, s24, $0xb8;
	[tilespmem:$0x4500] =	vst v63  }
0x49: {  	_ =	swait.ge [sflag:s28], $0x2000  }
0x4a: {  	[sflag:s28] =	ssyncset.done $0x0  }
0x4b: {  	[sflag:s28] =	ssyncadd.s32 $0xFFFFE000  }
0x4c: {  	[hbm4b:s5+s2] =	stream.linear.scatter [tilespmem:s2], [sflag:$0x3], $0x2000, $0x38;
	[tilespmem:$0x4500] =	vst v63  }
0x4d: {  	_ =	swait.ge [sflag:s23], $0x2000  }
0x4e: {  	[sflag:s23] =	ssyncset.done $0x0  }
0x4f: {  	[sflag:s23] =	ssyncadd.s32 $0xFFFFE000  }
0x50: {  	[tilespmem:s22], [sflag:$0x3] =	stream.linear.gather [hbm4b:s6+s2], $0x80, $0x38;
	[tilespmem:$0x4500] =	vst v63  }
0x51: {  	_ =	swait.ge [sflag:s23], $0x80  }
0x52: {  	[sflag:s23] =	ssyncset.done $0x0  }
0x53: {  	[sflag:s23] =	ssyncadd.s32 $0xFFFFFF80  }
0x54: {  	v1 =	vld [tilespmem:$0x4000]  }
0x55: {  	v2 =	vld [tilespmem:$0x4010]  }
0x56: {  	v3 =	vld [tilespmem:$0x4020]  }
0x57: {  	v46 =	vld [tilespmem:$0x4030]  }
0x58: {  	v47 =	vld [tilespmem:$0x4040]  }
0x59: {  	v48 =	vld [tilespmem:$0x4050];
	v1 =	vadd.s32 v0, v1  }
0x5a: {  	[tilespmem:$0x4000] =	vst v1;
	v1 =	vadd.s32 v0, v2;
	v2 =	vld [tilespmem:$0x4060]  }
0x5b: {  	[tilespmem:$0x4010] =	vst v1;
	v1 =	vadd.s32 v0, v3;
	v3 =	vld [tilespmem:$0x4070]  }
0x5c: {  	[tilespmem:$0x4020] =	vst v1;
	v1 =	vadd.s32 v0, v46  }
0x5d: {  	[tilespmem:$0x4030] =	vst v1;
	v1 =	vadd.s32 v0, v47  }
0x5e: {  	[tilespmem:$0x4040] =	vst v1;
	v1 =	vadd.s32 v0, v48  }
0x5f: {  	[tilespmem:$0x4050] =	vst v1;
	v1 =	vadd.s32 v0, v2  }
0x60: {  	[tilespmem:$0x4060] =	vst v1;
	v1 =	vadd.s32 v0, v3  }
0x61: {  	[tilespmem:$0x4070] =	vst v1  }
0x62: {  	[tilespmem:s2], [sflag:$0x1] =	stream.indirect.gather [hbm4b:s3+s24], $0x40, s22, s24, $0xb8;
	[tilespmem:$0x4500] =	vst v63  }
0x63: {  	_ =	swait.ge [sflag:s29], $0x2000  }
0x64: {  	[sflag:s29] =	ssyncset.done $0x0  }
0x65: {  	[sflag:s29] =	ssyncadd.s32 $0xFFFFE000  }
0x66: {  	[tilespmem:s26], [sflag:$0x2] =	stream.indirect.gather.add.f32 [hbm:s4], $0x40, s25, s24, $0xb8;
	[tilespmem:$0x4500] =	vst v63  }
0x67: {  	_ =	swait.ge [sflag:s29], $0x2000  }
0x68: {  	[sflag:s29] =	ssyncset.done $0x0  }
0x69: {  	[sflag:s29] =	ssyncadd.s32 $0xFFFFE000  }
0x6a: {  	[hbm4b:s7+s2] =	stream.linear.scatter [tilespmem:s26], [sflag:$0x3], $0x2000, $0x38;
	[tilespmem:$0x4500] =	vst v63  }
0x6b: {  	_ =	swait.ge [sflag:s23], $0x2000  }
0x6c: {  	[sflag:s23] =	ssyncset.done $0x0  }
0x6d: {  	[sflag:s23] =	ssyncadd.s32 $0xFFFFE000  }
0x6e: {  	[tilespmem:s25], [sflag:$0x3] =	stream.linear.gather [hbm4b:s8+s2], $0x80, $0x38;
	[tilespmem:$0x4500] =	vst v63  }
0x6f: {  	_ =	swait.ge [sflag:s23], $0x80  }
0x70: {  	[sflag:s23] =	ssyncset.done $0x0  }
0x71: {  	[sflag:s23] =	ssyncadd.s32 $0xFFFFFF80  }
0x72: {  	v1 =	vld [tilespmem:$0x4080]  }
0x73: {  	v2 =	vld [tilespmem:$0x4090]  }
0x74: {  	v3 =	vld [tilespmem:$0x40A0]  }
0x75: {  	v49 =	vld [tilespmem:$0x40B0]  }
0x76: {  	v50 =	vld [tilespmem:$0x40C0]  }
0x77: {  	v51 =	vld [tilespmem:$0x40D0];
	v1 =	vadd.s32 v0, v1  }
0x78: {  	[tilespmem:$0x4080] =	vst v1;
	v1 =	vadd.s32 v0, v2;
	v2 =	vld [tilespmem:$0x40E0]  }
0x79: {  	[tilespmem:$0x4090] =	vst v1;
	v1 =	vadd.s32 v0, v3;
	v3 =	vld [tilespmem:$0x40F0]  }
0x7a: {  	[tilespmem:$0x40A0] =	vst v1;
	v1 =	vadd.s32 v0, v49  }
0x7b: {  	[tilespmem:$0x40B0] =	vst v1;
	v1 =	vadd.s32 v0, v50  }
0x7c: {  	[tilespmem:$0x40C0] =	vst v1;
	v1 =	vadd.s32 v0, v51  }
0x7d: {  	[tilespmem:$0x40D0] =	vst v1;
	v1 =	vadd.s32 v0, v2  }
0x7e: {  	[tilespmem:$0x40E0] =	vst v1;
	v1 =	vadd.s32 v0, v3  }
0x7f: {  	[tilespmem:$0x40F0] =	vst v1  }
0x80: {  	[tilespmem:s26], [sflag:$0x2] =	stream.indirect.gather [hbm4b:s3+s24], $0x40, s25, s24, $0xb8;
	[tilespmem:$0x4500] =	vst v63  }
0x81: {  	_ =	swait.ge [sflag:s28], $0x2000  }
0x82: {  	[sflag:s28] =	ssyncset.done $0x0  }
0x83: {  	[sflag:s28] =	ssyncadd.s32 $0xFFFFE000  }
0x84: {  	[tilespmem:s2], [sflag:$0x1] =	stream.indirect.gather.add.f32 [hbm:s4], $0x40, s22, s24, $0xb8;
	[tilespmem:$0x4500] =	vst v63  }
0x85: {  	_ =	swait.ge [sflag:s28], $0x2000  }
0x86: {  	[sflag:s28] =	ssyncset.done $0x0  }
0x87: {  	[sflag:s28] =	ssyncadd.s32 $0xFFFFE000  }
0x88: {  	[hbm4b:s9+s2] =	stream.linear.scatter [tilespmem:s2], [sflag:$0x3], $0x2000, $0x38;
	[tilespmem:$0x4500] =	vst v63  }
0x89: {  	_ =	swait.ge [sflag:s23], $0x2000  }
0x8a: {  	[sflag:s23] =	ssyncset.done $0x0  }
0x8b: {  	[sflag:s23] =	ssyncadd.s32 $0xFFFFE000  }
0x8c: {  	[tilespmem:s22], [sflag:$0x3] =	stream.linear.gather [hbm4b:s10+s2], $0x80, $0x38;
	[tilespmem:$0x4500] =	vst v63  }
0x8d: {  	_ =	swait.ge [sflag:s23], $0x80  }
0x8e: {  	[sflag:s23] =	ssyncset.done $0x0  }
0x8f: {  	[sflag:s23] =	ssyncadd.s32 $0xFFFFFF80  }
0x90: {  	v1 =	vld [tilespmem:$0x4000]  }
0x91: {  	v2 =	vld [tilespmem:$0x4010]  }
0x92: {  	v3 =	vld [tilespmem:$0x4020]  }
0x93: {  	v52 =	vld [tilespmem:$0x4030]  }
0x94: {  	v53 =	vld [tilespmem:$0x4040]  }
0x95: {  	v54 =	vld [tilespmem:$0x4050];
	v1 =	vadd.s32 v0, v1  }
0x96: {  	[tilespmem:$0x4000] =	vst v1;
	v1 =	vadd.s32 v0, v2;
	v2 =	vld [tilespmem:$0x4060]  }
0x97: {  	[tilespmem:$0x4010] =	vst v1;
	v1 =	vadd.s32 v0, v3;
	v3 =	vld [tilespmem:$0x4070]  }
0x98: {  	[tilespmem:$0x4020] =	vst v1;
	v1 =	vadd.s32 v0, v52  }
0x99: {  	[tilespmem:$0x4030] =	vst v1;
	v1 =	vadd.s32 v0, v53  }
0x9a: {  	[tilespmem:$0x4040] =	vst v1;
	v1 =	vadd.s32 v0, v54  }
0x9b: {  	[tilespmem:$0x4050] =	vst v1;
	v1 =	vadd.s32 v0, v2  }
0x9c: {  	[tilespmem:$0x4060] =	vst v1;
	v1 =	vadd.s32 v0, v3  }
0x9d: {  	[tilespmem:$0x4070] =	vst v1  }
0x9e: {  	[tilespmem:s2], [sflag:$0x1] =	stream.indirect.gather [hbm4b:s3+s24], $0x40, s22, s24, $0xb8;
	[tilespmem:$0x4500] =	vst v63  }
0x9f: {  	_ =	swait.ge [sflag:s29], $0x2000  }
0xa0: {  	[sflag:s29] =	ssyncset.done $0x0  }
0xa1: {  	[sflag:s29] =	ssyncadd.s32 $0xFFFFE000  }
0xa2: {  	[tilespmem:s26], [sflag:$0x2] =	stream.indirect.gather.add.f32 [hbm:s4], $0x40, s25, s24, $0xb8;
	[tilespmem:$0x4500] =	vst v63  }
0xa3: {  	_ =	swait.ge [sflag:s29], $0x2000  }
0xa4: {  	[sflag:s29] =	ssyncset.done $0x0  }
0xa5: {  	[sflag:s29] =	ssyncadd.s32 $0xFFFFE000  }
0xa6: {  	[hbm4b:s11+s2] =	stream.linear.scatter [tilespmem:s26], [sflag:$0x3], $0x2000, $0x38;
	[tilespmem:$0x4500] =	vst v63  }
0xa7: {  	_ =	swait.ge [sflag:s23], $0x2000  }
0xa8: {  	[sflag:s23] =	ssyncset.done $0x0  }
0xa9: {  	[sflag:s23] =	ssyncadd.s32 $0xFFFFE000  }
0xaa: {  	[tilespmem:s25], [sflag:$0x3] =	stream.linear.gather [hbm4b:s12+s2], $0x80, $0x38;
	[tilespmem:$0x4500] =	vst v63  }
0xab: {  	_ =	swait.ge [sflag:s23], $0x80  }
0xac: {  	[sflag:s23] =	ssyncset.done $0x0  }
0xad: {  	[sflag:s23] =	ssyncadd.s32 $0xFFFFFF80  }
0xae: {  	v1 =	vld [tilespmem:$0x4080]  }
0xaf: {  	v2 =	vld [tilespmem:$0x4090]  }
0xb0: {  	v3 =	vld [tilespmem:$0x40A0]  }
0xb1: {  	v55 =	vld [tilespmem:$0x40B0]  }
0xb2: {  	v56 =	vld [tilespmem:$0x40C0]  }
0xb3: {  	v57 =	vld [tilespmem:$0x40D0];
	v1 =	vadd.s32 v0, v1  }
0xb4: {  	[tilespmem:$0x4080] =	vst v1;
	v1 =	vadd.s32 v0, v2;
	v2 =	vld [tilespmem:$0x40E0]  }
0xb5: {  	[tilespmem:$0x4090] =	vst v1;
	v1 =	vadd.s32 v0, v3;
	v3 =	vld [tilespmem:$0x40F0]  }
0xb6: {  	[tilespmem:$0x40A0] =	vst v1;
	v1 =	vadd.s32 v0, v55  }
0xb7: {  	[tilespmem:$0x40B0] =	vst v1;
	v1 =	vadd.s32 v0, v56  }
0xb8: {  	[tilespmem:$0x40C0] =	vst v1;
	v1 =	vadd.s32 v0, v57  }
0xb9: {  	[tilespmem:$0x40D0] =	vst v1;
	v1 =	vadd.s32 v0, v2  }
0xba: {  	[tilespmem:$0x40E0] =	vst v1;
	v1 =	vadd.s32 v0, v3  }
0xbb: {  	[tilespmem:$0x40F0] =	vst v1  }
0xbc: {  	[tilespmem:s26], [sflag:$0x2] =	stream.indirect.gather [hbm4b:s3+s24], $0x40, s25, s24, $0xb8;
	[tilespmem:$0x4500] =	vst v63  }
0xbd: {  	_ =	swait.ge [sflag:s28], $0x2000  }
0xbe: {  	[sflag:s28] =	ssyncset.done $0x0  }
0xbf: {  	[sflag:s28] =	ssyncadd.s32 $0xFFFFE000  }
0xc0: {  	[tilespmem:s2], [sflag:$0x1] =	stream.indirect.gather.add.f32 [hbm:s4], $0x40, s22, s24, $0xb8;
	[tilespmem:$0x4500] =	vst v63  }
0xc1: {  	_ =	swait.ge [sflag:s28], $0x2000  }
0xc2: {  	[sflag:s28] =	ssyncset.done $0x0  }
0xc3: {  	[sflag:s28] =	ssyncadd.s32 $0xFFFFE000  }
0xc4: {  	[hbm4b:s13+s2] =	stream.linear.scatter [tilespmem:s2], [sflag:$0x3], $0x2000, $0x38;
	[tilespmem:$0x4500] =	vst v63  }
0xc5: {  	_ =	swait.ge [sflag:s23], $0x2000  }
0xc6: {  	[sflag:s23] =	ssyncset.done $0x0  }
0xc7: {  	[sflag:s23] =	ssyncadd.s32 $0xFFFFE000  }
0xc8: {  	[tilespmem:s22], [sflag:$0x3] =	stream.linear.gather [hbm4b:s14+s2], $0x80, $0x38;
	[tilespmem:$0x4500] =	vst v63  }
0xc9: {  	_ =	swait.ge [sflag:s23], $0x80  }
0xca: {  	[sflag:s23] =	ssyncset.done $0x0  }
0xcb: {  	[sflag:s23] =	ssyncadd.s32 $0xFFFFFF80  }
0xcc: {  	v1 =	vld [tilespmem:$0x4000]  }
0xcd: {  	v2 =	vld [tilespmem:$0x4010]  }
0xce: {  	v3 =	vld [tilespmem:$0x4020]  }
0xcf: {  	v58 =	vld [tilespmem:$0x4030]  }
0xd0: {  	v59 =	vld [tilespmem:$0x4040]  }
0xd1: {  	v60 =	vld [tilespmem:$0x4050];
	v1 =	vadd.s32 v0, v1  }
0xd2: {  	[tilespmem:$0x4000] =	vst v1;
	v1 =	vadd.s32 v0, v2;
	v2 =	vld [tilespmem:$0x4060]  }
0xd3: {  	[tilespmem:$0x4010] =	vst v1;
	v1 =	vadd.s32 v0, v3;
	v3 =	vld [tilespmem:$0x4070]  }
0xd4: {  	[tilespmem:$0x4020] =	vst v1;
	v1 =	vadd.s32 v0, v58  }
0xd5: {  	[tilespmem:$0x4030] =	vst v1;
	v1 =	vadd.s32 v0, v59  }
0xd6: {  	[tilespmem:$0x4040] =	vst v1;
	v1 =	vadd.s32 v0, v60  }
0xd7: {  	[tilespmem:$0x4050] =	vst v1;
	v1 =	vadd.s32 v0, v2  }
0xd8: {  	[tilespmem:$0x4060] =	vst v1;
	v1 =	vadd.s32 v0, v3  }
0xd9: {  	[tilespmem:$0x4070] =	vst v1  }
0xda: {  	[tilespmem:s2], [sflag:$0x1] =	stream.indirect.gather [hbm4b:s3+s24], $0x40, s22, s24, $0xb8;
	[tilespmem:$0x4500] =	vst v63  }
0xdb: {  	_ =	swait.ge [sflag:s29], $0x2000  }
0xdc: {  	[sflag:s29] =	ssyncset.done $0x0  }
0xdd: {  	[sflag:s29] =	ssyncadd.s32 $0xFFFFE000  }
0xde: {  	[tilespmem:s26], [sflag:$0x2] =	stream.indirect.gather.add.f32 [hbm:s4], $0x40, s25, s24, $0xb8;
	[tilespmem:$0x4500] =	vst v63  }
0xdf: {  	_ =	swait.ge [sflag:s29], $0x2000  }
0xe0: {  	[sflag:s29] =	ssyncset.done $0x0  }
0xe1: {  	[sflag:s29] =	ssyncadd.s32 $0xFFFFE000  }
0xe2: {  	[hbm4b:s15+s2] =	stream.linear.scatter [tilespmem:s26], [sflag:$0x3], $0x2000, $0x38;
	[tilespmem:$0x4500] =	vst v63  }
0xe3: {  	_ =	swait.ge [sflag:s23], $0x2000  }
0xe4: {  	[sflag:s23] =	ssyncset.done $0x0  }
0xe5: {  	[sflag:s23] =	ssyncadd.s32 $0xFFFFE000  }
0xe6: {  	[tilespmem:s25], [sflag:$0x3] =	stream.linear.gather [hbm4b:s16+s2], $0x80, $0x38;
	[tilespmem:$0x4500] =	vst v63  }
0xe7: {  	_ =	swait.ge [sflag:s23], $0x80  }
0xe8: {  	[sflag:s23] =	ssyncset.done $0x0  }
0xe9: {  	[sflag:s23] =	ssyncadd.s32 $0xFFFFFF80  }
0xea: {  	v1 =	vld [tilespmem:$0x4080]  }
0xeb: {  	v2 =	vld [tilespmem:$0x4090]  }
0xec: {  	v3 =	vld [tilespmem:$0x40A0]  }
0xed: {  	v61 =	vld [tilespmem:$0x40B0]  }
0xee: {  	v62 =	vld [tilespmem:$0x40C0]  }
0xef: {  	v63 =	vld [tilespmem:$0x40D0];
	v1 =	vadd.s32 v0, v1  }
0xf0: {  	[tilespmem:$0x4080] =	vst v1;
	v1 =	vadd.s32 v0, v2;
	v2 =	vld [tilespmem:$0x40E0]  }
0xf1: {  	[tilespmem:$0x4090] =	vst v1;
	v1 =	vadd.s32 v0, v3;
	v3 =	vld [tilespmem:$0x40F0]  }
0xf2: {  	[tilespmem:$0x40A0] =	vst v1;
	v1 =	vadd.s32 v0, v61  }
0xf3: {  	[tilespmem:$0x40B0] =	vst v1;
	v1 =	vadd.s32 v0, v62  }
0xf4: {  	[tilespmem:$0x40C0] =	vst v1;
	v1 =	vadd.s32 v0, v63  }
0xf5: {  	[tilespmem:$0x40D0] =	vst v1;
	v1 =	vadd.s32 v0, v2  }
0xf6: {  	[tilespmem:$0x40E0] =	vst v1;
	v1 =	vadd.s32 v0, v3  }
0xf7: {  	[tilespmem:$0x40F0] =	vst v1  }
0xf8: {  	[tilespmem:s26], [sflag:$0x2] =	stream.indirect.gather [hbm4b:s3+s24], $0x40, s25, s24, $0xb8;
	[tilespmem:$0x4500] =	vst v63  }
0xf9: {  	_ =	swait.ge [sflag:s28], $0x2000  }
0xfa: {  	[sflag:s28] =	ssyncset.done $0x0  }
0xfb: {  	[sflag:s28] =	ssyncadd.s32 $0xFFFFE000  }
0xfc: {  	[tilespmem:s2], [sflag:$0x1] =	stream.indirect.gather.add.f32 [hbm:s4], $0x40, s22, s24, $0xb8;
	[tilespmem:$0x4500] =	vst v63  }
0xfd: {  	_ =	swait.ge [sflag:s28], $0x2000  }
0xfe: {  	[sflag:s28] =	ssyncset.done $0x0  }
0xff: {  	[sflag:s28] =	ssyncadd.s32 $0xFFFFE000  }
0x100: {  	[hbm4b:s17+s2] =	stream.linear.scatter [tilespmem:s2], [sflag:$0x3], $0x2000, $0x38;
	[tilespmem:$0x4500] =	vst v63  }
0x101: {  	_ =	swait.ge [sflag:s23], $0x2000  }
0x102: {  	[sflag:s23] =	ssyncset.done $0x0  }
0x103: {  	[sflag:s23] =	ssyncadd.s32 $0xFFFFE000  }
0x104: {  	_ =	swait.ge [sflag:s29], $0x2000  }
0x105: {  	[sflag:s29] =	ssyncset.done $0x0  }
0x106: {  	[sflag:s29] =	ssyncadd.s32 $0xFFFFE000  }
0x107: {  	[tilespmem:s26], [sflag:$0x2] =	stream.indirect.gather.add.f32 [hbm:s4], $0x40, s25, s24, $0xb8;
	[tilespmem:$0x4500] =	vst v63  }
0x108: {  	_ =	swait.ge [sflag:s29], $0x2000  }
0x109: {  	[sflag:s29] =	ssyncset.done $0x0  }
0x10a: {  	[sflag:s29] =	ssyncadd.s32 $0xFFFFE000  }
0x10b: {  	[hbm4b:s18+s2] =	stream.linear.scatter [tilespmem:s26], [sflag:$0x3], $0x2000, $0x38;
	[tilespmem:$0x4500] =	vst v63  }
0x10c: {  	_ =	swait.ge [sflag:s23], $0x2000  }
0x10d: {  	s0 =	simm.s32 @!p0 $0x3;
	[sflag:s23] =	ssyncset.done $0x0  }
0x10e: {  	s30 =	simm.s32 @!p0 $0x0;
	s31 =	simm.s32 @!p0 $0x4100;
	[sflag:s23] =	ssyncadd.s32 $0xFFFFE000  }
0x10f: {  	[tilespmem:s31], [sflag:$0x3] =	stream.linear.gather @!p0 [hbm4b:s19+s30], $0x400, $0x38;
	[tilespmem:$0x4500] =	vst v63  }
0x110: {  	s21 =	sadd.s32 $0xFFFFFFFF, s21;
	_ =	swait.ge @!p0 [sflag:s0], $0x400  }
0x111: {  	p1 =	sne.s32 s21, $0x0;
	[sflag:s0] =	ssyncset.done @!p0 $0x0  }
.Ltmp0:
0x112: {  	[sflag:s0] =	ssyncadd.s32 @!p0 $0xFFFFFC00;
	(pc) =	sbr.rel @p1 .LBB2_1-.Ltmp0, $4  }
0x113: {  	[hbm4b:s20+s30] =	stream.linear.scatter @!p0 [tilespmem:s31], [sflag:$0x3], $0x400, $0x38;
	[tilespmem:$0x4500] =	vst v63  }
0x114: {  	_ =	swait.ge @!p0 [sflag:s0], $0x400  }
0x115: {  	[sflag:s0] =	ssyncset.done @!p0 $0x0  }
0x116: {  	[sflag:s0] =	ssyncadd.s32 @!p0 $0xFFFFFC00  }
0x117: {  	_ =	sfence.sel $0x180000  }
0x118: {  	[bflag:$0x0] =	sbarrier.arrive $0xFFFF  }
0x119: {  	_ =	strace $0x90000056  }
0x11a: {  	[bflag:$0x2] =	sbarrier.arrive $0xFFFF  }
0x11b: {  	p0 =	sne.s32 s1, $0x0;
	s0 =	rddreg [dreg:$0x3]  }
0x11c: {  	s0 =	sadd.s32 @!p0 $0x100000, s0  }
0x11d: {  	[sflag:s0] =	ssyncadd.tile.s32 @!p0 $0x1;
	_ =	shalt  }
.Lfunc_end2:
_tile_overlayer_lowered:
.L_overlay_start_2:
0x11e: {  	(tag) =	ssettag $0x2  }
0x11f: {  	s0 =	rddreg [dreg:$0x0];
	s2 =	stileid.u32  }
0x120: {  	s1 =	rddreg [dreg:$0x1];
	p0 =	sne.s32 s2, $0x0  }
0x121: {  	s3 =	rddreg [dreg:$0x2];
	[bflag:$0x3] =	sbarrier.arrive $0xFFFF;
	s2 =	simm.s32 @!p0 $0x1C03  }
0x122: {  	[timem:s3], [sflag:s2] =	dma.local @!p0 [hbm:s0], s1  }
0x123: {  	s0 =	simm.s32 @!p0 $0x3  }
0x124: {  	_ =	swait.ge @!p0 [sflag:s0], s1  }
0x125: {  	s1 =	ssub.s32 @!p0 $0x0, s1;
	[sflag:s0] =	ssyncset.done @!p0 $0x0  }
0x126: {  	[sflag:s0] =	ssyncadd.s32 @!p0 s1  }
0x127: {  	[bflag:$0x3] =	sbarrier.arrive $0xFFFF  }
0x128: {  	_ =	shalt  }

</sc_bundles>
